<compile_context>
chip_gen: v7x
topology: tpu7x:2x2x1
jax: 0.10.2.dev20260603
libtpu: 0.0.44.dev20260713+nightly
codegen_flags: <defaults>
</compile_context>

<pallas_src>
import jax
import jax.numpy as jnp
from jax import lax
from jax.experimental import pallas as pl
from jax.experimental.pallas import tpu as pltpu
from jax.experimental.pallas import tpu_sc as plsc

_N = 32
_B = 16
_NP = 64
_ROW = 128
_SENTINEL = -(2 ** 20)


def _snake_body(pk_hbm, out_hbm, pkv, outv):
    b = lax.axis_index("s")
    half = lax.axis_index("c")

    pltpu.sync_copy(pk_hbm.at[b], pkv)

    pxg = [pkv[pl.ds(g * 16, 16)] for g in range(4)]
    pyg = [pkv[pl.ds(64 + g * 16, 16)] for g in range(4)]
    pzg = [pkv[pl.ds(128 + g * 16, 16)] for g in range(4)]
    pvg = [plsc.bitcast(pkv[pl.ds(192 + g * 16, 16)], jnp.float32)
           for g in range(4)]

    q0 = half * 16
    cx = pkv[pl.ds(q0, 16)] - 2
    cy = pkv[pl.ds(64 + q0, 16)] - 2
    cz = pkv[pl.ds(128 + q0, 16)] - 2

    zeros = jnp.zeros((16,), jnp.float32)
    for r in range(16):
        for c8 in range(_ROW // 16):
            outv[r, pl.ds(c8 * 16, 16)] = zeros

    lane = lax.broadcasted_iota(jnp.int32, (16,), 0)
    bound = jnp.full((16,), 4, jnp.uint32)

    for j in range(63):
        g, l = divmod(j, 16)
        dx = jnp.full((16,), pxg[g][l], jnp.int32) - cx
        dy = jnp.full((16,), pyg[g][l], jnp.int32) - cy
        dz = jnp.full((16,), pzg[g][l], jnp.int32) - cz
        ok = ((plsc.bitcast(dx, jnp.uint32) <= bound)
              & (plsc.bitcast(dy, jnp.uint32) <= bound)
              & (plsc.bitcast(dz, jnp.uint32) <= bound))
        lin = (dx * 5 + dy) * 5 + dz
        val = jnp.full((16,), pvg[g][l], jnp.float32)
        plsc.store_scatter(outv, [lane, lin], val, mask=ok)

    pltpu.sync_copy(outv, out_hbm.at[pl.ds(b * _N + q0, 16)])


@jax.jit
def kernel(acids, mask, idx):
    idx = idx.astype(jnp.int32)
    idx_t = 2 * (idx + (_N - 1))
    mid = (idx_t[:, :-1, :] + idx_t[:, 1:, :]) // 2
    inter_vals = acids[:, :-1] + acids[:, 1:] + 1.0
    inter_mask = mask[:, 1:]

    coords = jnp.concatenate([idx_t, mid], axis=1)
    vals = jnp.concatenate([acids, inter_vals], axis=1)
    valid = jnp.concatenate([mask, inter_mask], axis=1)
    coords = jnp.where(valid[:, :, None], coords, _SENTINEL)

    zpad = jnp.full((_B, 1), _SENTINEL, jnp.int32)
    packed = jnp.concatenate(
        [coords[:, :, 0], zpad,
         coords[:, :, 1], zpad,
         coords[:, :, 2], zpad,
         lax.bitcast_convert_type(vals, jnp.int32),
         jnp.zeros((_B, 1), jnp.int32)],
        axis=1)

    snake = pl.kernel(
        _snake_body,
        out_type=jax.ShapeDtypeStruct((_B * _N, _ROW), jnp.float32),
        mesh=plsc.VectorSubcoreMesh(core_axis_name="c", subcore_axis_name="s"),
        compiler_params=pltpu.CompilerParams(needs_layout_passes=False),
        scratch_types=[
            pltpu.VMEM((4 * _NP,), jnp.int32),
            pltpu.VMEM((16, _ROW), jnp.float32),
        ],
    )
    rows = snake(packed)
    out = rows.reshape(_B, _N, _ROW)[:, :, :125]
    return out.reshape(_B, _N, 5, 5, 5, 1)

# --- scband reference (transcript-rebuilt; emitter-appended) ---
"""Pipeline reference for scband-lattice-snake-37933151158341 (READ-ONLY COPY).

The authoritative reference and input builder live on the scoring server;
editing this copy changes nothing except your own understanding.
"""

import jax, jax.numpy as jnp
import numpy as np

N = 32            # protein_length
K = 5             # window_size
DIFF = (K - 1) // 2
LAT = 4 * N - 3 + N      # lattice dim = 5N - 3
PAD = LAT + 2 * DIFF     # padded lattice dim (halo of DIFF on each side)
B = 16


def setup_inputs(seed: int = 0) -> dict:
    key = jax.random.key(seed)
    k1, k2 = jax.random.split(key)
    acids = jax.random.uniform(k1, (B, N), dtype=jnp.float32)
    mask = jnp.ones((B, N), dtype=bool)
    idx = jax.random.randint(k2, (B, N, 3), 0, N).astype(jnp.int32)
    return {"acids": acids, "mask": mask, "idx": idx}


def _extract_snake(acids_i, mask_i, idx_t_i, iv_i, im_i, ii_i, fm_i):
    # scatter acid values + interpolated bond values into a dense 3D lattice
    coords = jnp.concatenate([idx_t_i, ii_i], axis=0) + DIFF          # [2N-1, 3]
    vals = jnp.concatenate([acids_i, iv_i], axis=0)                   # [2N-1]
    m = jnp.concatenate([mask_i, im_i], axis=0)                       # [2N-1]
    # masked-out entries are routed to a dummy cell at index PAD
    coords = jnp.where(m[:, None], coords, PAD)
    lattice = jnp.zeros((PAD + 1, PAD + 1, PAD + 1), dtype=jnp.float32)
    lattice = lattice.at[coords[:, 0], coords[:, 1], coords[:, 2]].set(vals)

    def region(off):
        # window centered at idx_t: start = (idx_t - DIFF) + DIFF = idx_t in padded lattice
        return jax.lax.dynamic_slice(lattice, (off[0], off[1], off[2]), (K, K, K))

    regions = jax.vmap(region)(idx_t_i)                               # [N, K, K, K]
    return regions * fm_i


def reference(acids, mask, idx):
    idx = idx.astype(jnp.int32)
    idx_t = 2 * (idx + (N - 1))                                       # even ints in [2N-2, 4N-4]
    float_mask = mask.astype(jnp.float32).reshape(-1, N, 1, 1, 1)
    # AVG pool window=2 over sequence axis (VALID): exact integer midpoint since idx_t even
    inter_idx = (idx_t[:, :-1, :] + idx_t[:, 1:, :]) // 2             # [B, N-1, 3]
    inter_values = 2.0 * ((acids[:, :-1] + acids[:, 1:]) * 0.5) + 1.0 # [B, N-1]
    inter_mask = mask[:, 1:]
    out = jax.lax.map(
        lambda t: _extract_snake(*t),
        (acids, mask, idx_t, inter_values, inter_mask, inter_idx, float_mask),
    )                                                                 # [B, N, K, K, K]
    return jnp.expand_dims(out, -1)

if __name__ == "__main__":
    import jax
    _d = setup_inputs()
    print(jax.jit(kernel)(*tuple(_d.values())))

</pallas_src>

<mosaic_0001>
#map = affine_map<(d0, d1) -> (0, 0)>
module attributes {stable_mosaic.version = 14 : i64} {
  func.func @_snake_body(%arg0: i32, %arg1: i32, %arg2: memref<16x256xi32, #tpu.memory_space<hbm>>, %arg3: memref<512x128xf32, #tpu.memory_space<hbm>>, %arg4: memref<256xi32, #tpu.memory_space<vmem>>, %arg5: memref<16x128xf32, #tpu.memory_space<vmem>>) attributes {dimension_semantics = [#tpu.dimension_semantics<core_parallel>, #tpu.dimension_semantics<subcore_parallel>], iteration_bounds = array<i64: 2, 16>, scalar_prefetch = 0 : i64, scratch_operands = 2 : i64, tpu.core_type = #tpu.core_type<sc_vector_subcore>, window_params = [{transform_indices = #map}, {transform_indices = #map}]} {
    "tpu.region"() ({
      %run_scoped3A = tpu.sem_alloc : memref<!tpu.dma_semaphore, #tpu.memory_space<semaphore_mem>>
      %dma_start3A = arith.constant 0 : i32
      %dma_start3A_2518 = tpu.memref_slice %arg2[%arg1, %dma_start3A] : memref<16x256xi32, #tpu.memory_space<hbm>> -> memref<1x256xi32, #tpu.memory_space<hbm>>
      %dma_start3A_2519 = tpu.memref_squeeze %dma_start3A_2518 : memref<1x256xi32, #tpu.memory_space<hbm>> -> memref<256xi32, #tpu.memory_space<hbm>>
      %dma_start3A_2520 = arith.constant 0 : i32
      %dma_start3A_2521 = tpu.memref_slice %arg2[%arg1, %dma_start3A_2520] : memref<16x256xi32, #tpu.memory_space<hbm>> -> memref<1x256xi32, #tpu.memory_space<hbm>>
      %dma_start3A_2522 = tpu.memref_squeeze %dma_start3A_2521 : memref<1x256xi32, #tpu.memory_space<hbm>> -> memref<256xi32, #tpu.memory_space<hbm>>
      tpu.enqueue_dma source(%dma_start3A_2522 : memref<256xi32, #tpu.memory_space<hbm>>) target(%arg4 : memref<256xi32, #tpu.memory_space<vmem>>) target_semaphore(%run_scoped3A : memref<!tpu.dma_semaphore, #tpu.memory_space<semaphore_mem>>)
      %dma_wait3A = arith.constant 0 : i32
      %dma_wait3A_2523 = tpu.memref_slice %arg2[%arg1, %dma_wait3A] : memref<16x256xi32, #tpu.memory_space<hbm>> -> memref<1x256xi32, #tpu.memory_space<hbm>>
      %dma_wait3A_2524 = tpu.memref_squeeze %dma_wait3A_2523 : memref<1x256xi32, #tpu.memory_space<hbm>> -> memref<256xi32, #tpu.memory_space<hbm>>
      %dma_wait3A_2525 = arith.constant 0 : i32
      %dma_wait3A_2526 = tpu.memref_slice %arg2[%arg1, %dma_wait3A_2525] : memref<16x256xi32, #tpu.memory_space<hbm>> -> memref<1x256xi32, #tpu.memory_space<hbm>>
      %dma_wait3A_2527 = tpu.memref_squeeze %dma_wait3A_2526 : memref<1x256xi32, #tpu.memory_space<hbm>> -> memref<256xi32, #tpu.memory_space<hbm>>
      tpu.wait_dma2 semaphore(%run_scoped3A : memref<!tpu.dma_semaphore, #tpu.memory_space<semaphore_mem>>) src(%dma_wait3A_2527 : memref<256xi32, #tpu.memory_space<hbm>>) dst(%arg4 : memref<256xi32, #tpu.memory_space<vmem>>)
      tpu.yield
    }) : () -> ()
    %get3A = arith.constant 0 : index
    %get3A_0 = tpu.vector_load %arg4[%get3A] {strides = array<i32>} : memref<256xi32, #tpu.memory_space<vmem>>, vector<16xi32>,
    %get3A_1 = arith.constant 16 : index
    %get3A_2 = tpu.vector_load %arg4[%get3A_1] {strides = array<i32>} : memref<256xi32, #tpu.memory_space<vmem>>, vector<16xi32>,
    %get3A_3 = arith.constant 32 : index
    %get3A_4 = tpu.vector_load %arg4[%get3A_3] {strides = array<i32>} : memref<256xi32, #tpu.memory_space<vmem>>, vector<16xi32>,
    %get3A_5 = arith.constant 48 : index
    %get3A_6 = tpu.vector_load %arg4[%get3A_5] {strides = array<i32>} : memref<256xi32, #tpu.memory_space<vmem>>, vector<16xi32>,
    %get3A_7 = arith.constant 64 : index
    %get3A_8 = tpu.vector_load %arg4[%get3A_7] {strides = array<i32>} : memref<256xi32, #tpu.memory_space<vmem>>, vector<16xi32>,
    %get3A_9 = arith.constant 80 : index
    %get3A_10 = tpu.vector_load %arg4[%get3A_9] {strides = array<i32>} : memref<256xi32, #tpu.memory_space<vmem>>, vector<16xi32>,
    %get3A_11 = arith.constant 96 : index
    %get3A_12 = tpu.vector_load %arg4[%get3A_11] {strides = array<i32>} : memref<256xi32, #tpu.memory_space<vmem>>, vector<16xi32>,
    %get3A_13 = arith.constant 112 : index
    %get3A_14 = tpu.vector_load %arg4[%get3A_13] {strides = array<i32>} : memref<256xi32, #tpu.memory_space<vmem>>, vector<16xi32>,
    %get3A_15 = arith.constant 128 : index
    %get3A_16 = tpu.vector_load %arg4[%get3A_15] {strides = array<i32>} : memref<256xi32, #tpu.memory_space<vmem>>, vector<16xi32>,
    %get3A_17 = arith.constant 144 : index
    %get3A_18 = tpu.vector_load %arg4[%get3A_17] {strides = array<i32>} : memref<256xi32, #tpu.memory_space<vmem>>, vector<16xi32>,
    %get3A_19 = arith.constant 160 : index
    %get3A_20 = tpu.vector_load %arg4[%get3A_19] {strides = array<i32>} : memref<256xi32, #tpu.memory_space<vmem>>, vector<16xi32>,
    %get3A_21 = arith.constant 176 : index
    %get3A_22 = tpu.vector_load %arg4[%get3A_21] {strides = array<i32>} : memref<256xi32, #tpu.memory_space<vmem>>, vector<16xi32>,
    %get3A_23 = arith.constant 192 : index
    %get3A_24 = tpu.vector_load %arg4[%get3A_23] {strides = array<i32>} : memref<256xi32, #tpu.memory_space<vmem>>, vector<16xi32>,
    %bitcast3A = vector.bitcast %get3A_24 : vector<16xi32> to vector<16xf32>
    %get3A_25 = arith.constant 208 : index
    %get3A_26 = tpu.vector_load %arg4[%get3A_25] {strides = array<i32>} : memref<256xi32, #tpu.memory_space<vmem>>, vector<16xi32>,
    %bitcast3A_27 = vector.bitcast %get3A_26 : vector<16xi32> to vector<16xf32>
    %get3A_28 = arith.constant 224 : index
    %get3A_29 = tpu.vector_load %arg4[%get3A_28] {strides = array<i32>} : memref<256xi32, #tpu.memory_space<vmem>>, vector<16xi32>,
    %bitcast3A_30 = vector.bitcast %get3A_29 : vector<16xi32> to vector<16xf32>
    %get3A_31 = arith.constant 240 : index
    %get3A_32 = tpu.vector_load %arg4[%get3A_31] {strides = array<i32>} : memref<256xi32, #tpu.memory_space<vmem>>, vector<16xi32>,
    %bitcast3A_33 = vector.bitcast %get3A_32 : vector<16xi32> to vector<16xf32>
    %mul3A = arith.constant 16 : i32
    %mul3A_34 = arith.muli %arg0, %mul3A : i32
    %get3A_35 = arith.index_cast %mul3A_34 : i32 to index
    %get3A_36 = tpu.vector_load %arg4[%get3A_35] {strides = array<i32>} : memref<256xi32, #tpu.memory_space<vmem>>, vector<16xi32>,
    %sub3A = arith.constant 2 : i32
    %sub3A_37 = vector.broadcast %sub3A : i32 to vector<16xi32>
    %sub3A_38 = arith.subi %get3A_36, %sub3A_37 : vector<16xi32>
    %add3A = arith.constant 64 : i32
    %add3A_39 = arith.addi %add3A, %mul3A_34 : i32
    %get3A_40 = arith.index_cast %add3A_39 : i32 to index
    %get3A_41 = tpu.vector_load %arg4[%get3A_40] {strides = array<i32>} : memref<256xi32, #tpu.memory_space<vmem>>, vector<16xi32>,
    %sub3A_42 = arith.constant 2 : i32
    %sub3A_43 = vector.broadcast %sub3A_42 : i32 to vector<16xi32>
    %sub3A_44 = arith.subi %get3A_41, %sub3A_43 : vector<16xi32>
    %add3A_45 = arith.constant 128 : i32
    %add3A_46 = arith.addi %add3A_45, %mul3A_34 : i32
    %get3A_47 = arith.index_cast %add3A_46 : i32 to index
    %get3A_48 = tpu.vector_load %arg4[%get3A_47] {strides = array<i32>} : memref<256xi32, #tpu.memory_space<vmem>>, vector<16xi32>,
    %sub3A_49 = arith.constant 2 : i32
    %sub3A_50 = vector.broadcast %sub3A_49 : i32 to vector<16xi32>
    %sub3A_51 = arith.subi %get3A_48, %sub3A_50 : vector<16xi32>
    %broadcast_in_dim3A = arith.constant 0.000000e+00 : f32
    %broadcast_in_dim3A_52 = vector.broadcast %broadcast_in_dim3A : f32 to vector<16xf32>
    %swap3A = arith.constant 0 : i32
    %swap3A_53 = arith.index_cast %swap3A : i32 to index
    %swap3A_54 = arith.constant 0 : index
    %swap3A_55 = tpu.vector_load %arg5[%swap3A_53, %swap3A_54] {strides = array<i32>} : memref<16x128xf32, #tpu.memory_space<vmem>>, vector<16xf32>,
    tpu.vector_store %arg5[%swap3A_53, %swap3A_54], %broadcast_in_dim3A_52 {strides = array<i32>} : memref<16x128xf32, #tpu.memory_space<vmem>>, vector<16xf32>,
    %swap3A_56 = arith.constant 0 : i32
    %swap3A_57 = arith.index_cast %swap3A_56 : i32 to index
    %swap3A_58 = arith.constant 16 : index
    %swap3A_59 = tpu.vector_load %arg5[%swap3A_57, %swap3A_58] {strides = array<i32>} : memref<16x128xf32, #tpu.memory_space<vmem>>, vector<16xf32>,
    tpu.vector_store %arg5[%swap3A_57, %swap3A_58], %broadcast_in_dim3A_52 {strides = array<i32>} : memref<16x128xf32, #tpu.memory_space<vmem>>, vector<16xf32>,
    %swap3A_60 = arith.constant 0 : i32
    %swap3A_61 = arith.index_cast %swap3A_60 : i32 to index
    %swap3A_62 = arith.constant 32 : index
    %swap3A_63 = tpu.vector_load %arg5[%swap3A_61, %swap3A_62] {strides = array<i32>} : memref<16x128xf32, #tpu.memory_space<vmem>>, vector<16xf32>,
    tpu.vector_store %arg5[%swap3A_61, %swap3A_62], %broadcast_in_dim3A_52 {strides = array<i32>} : memref<16x128xf32, #tpu.memory_space<vmem>>, vector<16xf32>,
    %swap3A_64 = arith.constant 0 : i32
    %swap3A_65 = arith.index_cast %swap3A_64 : i32 to index
    %swap3A_66 = arith.constant 48 : index
    %swap3A_67 = tpu.vector_load %arg5[%swap3A_65, %swap3A_66] {strides = array<i32>} : memref<16x128xf32, #tpu.memory_space<vmem>>, vector<16xf32>,
    tpu.vector_store %arg5[%swap3A_65, %swap3A_66], %broadcast_in_dim3A_52 {strides = array<i32>} : memref<16x128xf32, #tpu.memory_space<vmem>>, vector<16xf32>,
    %swap3A_68 = arith.constant 0 : i32
    %swap3A_69 = arith.index_cast %swap3A_68 : i32 to index
    %swap3A_70 = arith.constant 64 : index
    %swap3A_71 = tpu.vector_load %arg5[%swap3A_69, %swap3A_70] {strides = array<i32>} : memref<16x128xf32, #tpu.memory_space<vmem>>, vector<16xf32>,
    tpu.vector_store %arg5[%swap3A_69, %swap3A_70], %broadcast_in_dim3A_52 {strides = array<i32>} : memref<16x128xf32, #tpu.memory_space<vmem>>, vector<16xf32>,
    %swap3A_72 = arith.constant 0 : i32
    %swap3A_73 = arith.index_cast %swap3A_72 : i32 to index
    %swap3A_74 = arith.constant 80 : index
    %swap3A_75 = tpu.vector_load %arg5[%swap3A_73, %swap3A_74] {strides = array<i32>} : memref<16x128xf32, #tpu.memory_space<vmem>>, vector<16xf32>,
    tpu.vector_store %arg5[%swap3A_73, %swap3A_74], %broadcast_in_dim3A_52 {strides = array<i32>} : memref<16x128xf32, #tpu.memory_space<vmem>>, vector<16xf32>,
    %swap3A_76 = arith.constant 0 : i32
    %swap3A_77 = arith.index_cast %swap3A_76 : i32 to index
    %swap3A_78 = arith.constant 96 : index
    %swap3A_79 = tpu.vector_load %arg5[%swap3A_77, %swap3A_78] {strides = array<i32>} : memref<16x128xf32, #tpu.memory_space<vmem>>, vector<16xf32>,
    tpu.vector_store %arg5[%swap3A_77, %swap3A_78], %broadcast_in_dim3A_52 {strides = array<i32>} : memref<16x128xf32, #tpu.memory_space<vmem>>, vector<16xf32>,
    %swap3A_80 = arith.constant 0 : i32
    %swap3A_81 = arith.index_cast %swap3A_80 : i32 to index
    %swap3A_82 = arith.constant 112 : index
    %swap3A_83 = tpu.vector_load %arg5[%swap3A_81, %swap3A_82] {strides = array<i32>} : memref<16x128xf32, #tpu.memory_space<vmem>>, vector<16xf32>,
    tpu.vector_store %arg5[%swap3A_81, %swap3A_82], %broadcast_in_dim3A_52 {strides = array<i32>} : memref<16x128xf32, #tpu.memory_space<vmem>>, vector<16xf32>,
    %swap3A_84 = arith.constant 1 : i32
    %swap3A_85 = arith.index_cast %swap3A_84 : i32 to index
    %swap3A_86 = arith.constant 0 : index
    %swap3A_87 = tpu.vector_load %arg5[%swap3A_85, %swap3A_86] {strides = array<i32>} : memref<16x128xf32, #tpu.memory_space<vmem>>, vector<16xf32>,
    tpu.vector_store %arg5[%swap3A_85, %swap3A_86], %broadcast_in_dim3A_52 {strides = array<i32>} : memref<16x128xf32, #tpu.memory_space<vmem>>, vector<16xf32>,
    %swap3A_88 = arith.constant 1 : i32
    %swap3A_89 = arith.index_cast %swap3A_88 : i32 to index
    %swap3A_90 = arith.constant 16 : index
    %swap3A_91 = tpu.vector_load %arg5[%swap3A_89, %swap3A_90] {strides = array<i32>} : memref<16x128xf32, #tpu.memory_space<vmem>>, vector<16xf32>,
    tpu.vector_store %arg5[%swap3A_89, %swap3A_90], %broadcast_in_dim3A_52 {strides = array<i32>} : memref<16x128xf32, #tpu.memory_space<vmem>>, vector<16xf32>,
    %swap3A_92 = arith.constant 1 : i32
    %swap3A_93 = arith.index_cast %swap3A_92 : i32 to index
    %swap3A_94 = arith.constant 32 : index
    %swap3A_95 = tpu.vector_load %arg5[%swap3A_93, %swap3A_94] {strides = array<i32>} : memref<16x128xf32, #tpu.memory_space<vmem>>, vector<16xf32>,
    tpu.vector_store %arg5[%swap3A_93, %swap3A_94], %broadcast_in_dim3A_52 {strides = array<i32>} : memref<16x128xf32, #tpu.memory_space<vmem>>, vector<16xf32>,
    %swap3A_96 = arith.constant 1 : i32
    %swap3A_97 = arith.index_cast %swap3A_96 : i32 to index
    %swap3A_98 = arith.constant 48 : index
    %swap3A_99 = tpu.vector_load %arg5[%swap3A_97, %swap3A_98] {strides = array<i32>} : memref<16x128xf32, #tpu.memory_space<vmem>>, vector<16xf32>,
    tpu.vector_store %arg5[%swap3A_97, %swap3A_98], %broadcast_in_dim3A_52 {strides = array<i32>} : memref<16x128xf32, #tpu.memory_space<vmem>>, vector<16xf32>,
    %swap3A_100 = arith.constant 1 : i32
    %swap3A_101 = arith.index_cast %swap3A_100 : i32 to index
    %swap3A_102 = arith.constant 64 : index
    %swap3A_103 = tpu.vector_load %arg5[%swap3A_101, %swap3A_102] {strides = array<i32>} : memref<16x128xf32, #tpu.memory_space<vmem>>, vector<16xf32>,
    tpu.vector_store %arg5[%swap3A_101, %swap3A_102], %broadcast_in_dim3A_52 {strides = array<i32>} : memref<16x128xf32, #tpu.memory_space<vmem>>, vector<16xf32>,
    %swap3A_104 = arith.constant 1 : i32
    %swap3A_105 = arith.index_cast %swap3A_104 : i32 to index
    %swap3A_106 = arith.constant 80 : index
    %swap3A_107 = tpu.vector_load %arg5[%swap3A_105, %swap3A_106] {strides = array<i32>} : memref<16x128xf32, #tpu.memory_space<vmem>>, vector<16xf32>,
    tpu.vector_store %arg5[%swap3A_105, %swap3A_106], %broadcast_in_dim3A_52 {strides = array<i32>} : memref<16x128xf32, #tpu.memory_space<vmem>>, vector<16xf32>,
    %swap3A_108 = arith.constant 1 : i32
    %swap3A_109 = arith.index_cast %swap3A_108 : i32 to index
    %swap3A_110 = arith.constant 96 : index
    %swap3A_111 = tpu.vector_load %arg5[%swap3A_109, %swap3A_110] {strides = array<i32>} : memref<16x128xf32, #tpu.memory_space<vmem>>, vector<16xf32>,
    tpu.vector_store %arg5[%swap3A_109, %swap3A_110], %broadcast_in_dim3A_52 {strides = array<i32>} : memref<16x128xf32, #tpu.memory_space<vmem>>, vector<16xf32>,
    %swap3A_112 = arith.constant 1 : i32
    %swap3A_113 = arith.index_cast %swap3A_112 : i32 to index
    %swap3A_114 = arith.constant 112 : index
    %swap3A_115 = tpu.vector_load %arg5[%swap3A_113, %swap3A_114] {strides = array<i32>} : memref<16x128xf32, #tpu.memory_space<vmem>>, vector<16xf32>,
    tpu.vector_store %arg5[%swap3A_113, %swap3A_114], %broadcast_in_dim3A_52 {strides = array<i32>} : memref<16x128xf32, #tpu.memory_space<vmem>>, vector<16xf32>,
    %swap3A_116 = arith.constant 2 : i32
    %swap3A_117 = arith.index_cast %swap3A_116 : i32 to index
    %swap3A_118 = arith.constant 0 : index
    %swap3A_119 = tpu.vector_load %arg5[%swap3A_117, %swap3A_118] {strides = array<i32>} : memref<16x128xf32, #tpu.memory_space<vmem>>, vector<16xf32>,
    tpu.vector_store %arg5[%swap3A_117, %swap3A_118], %broadcast_in_dim3A_52 {strides = array<i32>} : memref<16x128xf32, #tpu.memory_space<vmem>>, vector<16xf32>,
    %swap3A_120 = arith.constant 2 : i32
    %swap3A_121 = arith.index_cast %swap3A_120 : i32 to index
    %swap3A_122 = arith.constant 16 : index
    %swap3A_123 = tpu.vector_load %arg5[%swap3A_121, %swap3A_122] {strides = array<i32>} : memref<16x128xf32, #tpu.memory_space<vmem>>, vector<16xf32>,
    tpu.vector_store %arg5[%swap3A_121, %swap3A_122], %broadcast_in_dim3A_52 {strides = array<i32>} : memref<16x128xf32, #tpu.memory_space<vmem>>, vector<16xf32>,
    %swap3A_124 = arith.constant 2 : i32
    %swap3A_125 = arith.index_cast %swap3A_124 : i32 to index
    %swap3A_126 = arith.constant 32 : index
    %swap3A_127 = tpu.vector_load %arg5[%swap3A_125, %swap3A_126] {strides = array<i32>} : memref<16x128xf32, #tpu.memory_space<vmem>>, vector<16xf32>,
    tpu.vector_store %arg5[%swap3A_125, %swap3A_126], %broadcast_in_dim3A_52 {strides = array<i32>} : memref<16x128xf32, #tpu.memory_space<vmem>>, vector<16xf32>,
    %swap3A_128 = arith.constant 2 : i32
    %swap3A_129 = arith.index_cast %swap3A_128 : i32 to index
    %swap3A_130 = arith.constant 48 : index
    %swap3A_131 = tpu.vector_load %arg5[%swap3A_129, %swap3A_130] {strides = array<i32>} : memref<16x128xf32, #tpu.memory_space<vmem>>, vector<16xf32>,
    tpu.vector_store %arg5[%swap3A_129, %swap3A_130], %broadcast_in_dim3A_52 {strides = array<i32>} : memref<16x128xf32, #tpu.memory_space<vmem>>, vector<16xf32>,
    %swap3A_132 = arith.constant 2 : i32
    %swap3A_133 = arith.index_cast %swap3A_132 : i32 to index
    %swap3A_134 = arith.constant 64 : index
    %swap3A_135 = tpu.vector_load %arg5[%swap3A_133, %swap3A_134] {strides = array<i32>} : memref<16x128xf32, #tpu.memory_space<vmem>>, vector<16xf32>,
    tpu.vector_store %arg5[%swap3A_133, %swap3A_134], %broadcast_in_dim3A_52 {strides = array<i32>} : memref<16x128xf32, #tpu.memory_space<vmem>>, vector<16xf32>,
    %swap3A_136 = arith.constant 2 : i32
    %swap3A_137 = arith.index_cast %swap3A_136 : i32 to index
    %swap3A_138 = arith.constant 80 : index
    %swap3A_139 = tpu.vector_load %arg5[%swap3A_137, %swap3A_138] {strides = array<i32>} : memref<16x128xf32, #tpu.memory_space<vmem>>, vector<16xf32>,
    tpu.vector_store %arg5[%swap3A_137, %swap3A_138], %broadcast_in_dim3A_52 {strides = array<i32>} : memref<16x128xf32, #tpu.memory_space<vmem>>, vector<16xf32>,
    %swap3A_140 = arith.constant 2 : i32
    %swap3A_141 = arith.index_cast %swap3A_140 : i32 to index
    %swap3A_142 = arith.constant 96 : index
    %swap3A_143 = tpu.vector_load %arg5[%swap3A_141, %swap3A_142] {strides = array<i32>} : memref<16x128xf32, #tpu.memory_space<vmem>>, vector<16xf32>,
    tpu.vector_store %arg5[%swap3A_141, %swap3A_142], %broadcast_in_dim3A_52 {strides = array<i32>} : memref<16x128xf32, #tpu.memory_space<vmem>>, vector<16xf32>,
    %swap3A_144 = arith.constant 2 : i32
    %swap3A_145 = arith.index_cast %swap3A_144 : i32 to index
    %swap3A_146 = arith.constant 112 : index
    %swap3A_147 = tpu.vector_load %arg5[%swap3A_145, %swap3A_146] {strides = array<i32>} : memref<16x128xf32, #tpu.memory_space<vmem>>, vector<16xf32>,
    tpu.vector_store %arg5[%swap3A_145, %swap3A_146], %broadcast_in_dim3A_52 {strides = array<i32>} : memref<16x128xf32, #tpu.memory_space<vmem>>, vector<16xf32>,
    %swap3A_148 = arith.constant 3 : i32
    %swap3A_149 = arith.index_cast %swap3A_148 : i32 to index
    %swap3A_150 = arith.constant 0 : index
    %swap3A_151 = tpu.vector_load %arg5[%swap3A_149, %swap3A_150] {strides = array<i32>} : memref<16x128xf32, #tpu.memory_space<vmem>>, vector<16xf32>,
    tpu.vector_store %arg5[%swap3A_149, %swap3A_150], %broadcast_in_dim3A_52 {strides = array<i32>} : memref<16x128xf32, #tpu.memory_space<vmem>>, vector<16xf32>,
    %swap3A_152 = arith.constant 3 : i32
    %swap3A_153 = arith.index_cast %swap3A_152 : i32 to index
    %swap3A_154 = arith.constant 16 : index
    %swap3A_155 = tpu.vector_load %arg5[%swap3A_153, %swap3A_154] {strides = array<i32>} : memref<16x128xf32, #tpu.memory_space<vmem>>, vector<16xf32>,
    tpu.vector_store %arg5[%swap3A_153, %swap3A_154], %broadcast_in_dim3A_52 {strides = array<i32>} : memref<16x128xf32, #tpu.memory_space<vmem>>, vector<16xf32>,
    %swap3A_156 = arith.constant 3 : i32
    %swap3A_157 = arith.index_cast %swap3A_156 : i32 to index
    %swap3A_158 = arith.constant 32 : index
    %swap3A_159 = tpu.vector_load %arg5[%swap3A_157, %swap3A_158] {strides = array<i32>} : memref<16x128xf32, #tpu.memory_space<vmem>>, vector<16xf32>,
    tpu.vector_store %arg5[%swap3A_157, %swap3A_158], %broadcast_in_dim3A_52 {strides = array<i32>} : memref<16x128xf32, #tpu.memory_space<vmem>>, vector<16xf32>,
    %swap3A_160 = arith.constant 3 : i32
    %swap3A_161 = arith.index_cast %swap3A_160 : i32 to index
    %swap3A_162 = arith.constant 48 : index
    %swap3A_163 = tpu.vector_load %arg5[%swap3A_161, %swap3A_162] {strides = array<i32>} : memref<16x128xf32, #tpu.memory_space<vmem>>, vector<16xf32>,
    tpu.vector_store %arg5[%swap3A_161, %swap3A_162], %broadcast_in_dim3A_52 {strides = array<i32>} : memref<16x128xf32, #tpu.memory_space<vmem>>, vector<16xf32>,
    %swap3A_164 = arith.constant 3 : i32
    %swap3A_165 = arith.index_cast %swap3A_164 : i32 to index
    %swap3A_166 = arith.constant 64 : index
    %swap3A_167 = tpu.vector_load %arg5[%swap3A_165, %swap3A_166] {strides = array<i32>} : memref<16x128xf32, #tpu.memory_space<vmem>>, vector<16xf32>,
    tpu.vector_store %arg5[%swap3A_165, %swap3A_166], %broadcast_in_dim3A_52 {strides = array<i32>} : memref<16x128xf32, #tpu.memory_space<vmem>>, vector<16xf32>,
    %swap3A_168 = arith.constant 3 : i32
    %swap3A_169 = arith.index_cast %swap3A_168 : i32 to index
    %swap3A_170 = arith.constant 80 : index
    %swap3A_171 = tpu.vector_load %arg5[%swap3A_169, %swap3A_170] {strides = array<i32>} : memref<16x128xf32, #tpu.memory_space<vmem>>, vector<16xf32>,
    tpu.vector_store %arg5[%swap3A_169, %swap3A_170], %broadcast_in_dim3A_52 {strides = array<i32>} : memref<16x128xf32, #tpu.memory_space<vmem>>, vector<16xf32>,
    %swap3A_172 = arith.constant 3 : i32
    %swap3A_173 = arith.index_cast %swap3A_172 : i32 to index
    %swap3A_174 = arith.constant 96 : index
    %swap3A_175 = tpu.vector_load %arg5[%swap3A_173, %swap3A_174] {strides = array<i32>} : memref<16x128xf32, #tpu.memory_space<vmem>>, vector<16xf32>,
    tpu.vector_store %arg5[%swap3A_173, %swap3A_174], %broadcast_in_dim3A_52 {strides = array<i32>} : memref<16x128xf32, #tpu.memory_space<vmem>>, vector<16xf32>,
    %swap3A_176 = arith.constant 3 : i32
    %swap3A_177 = arith.index_cast %swap3A_176 : i32 to index
    %swap3A_178 = arith.constant 112 : index
    %swap3A_179 = tpu.vector_load %arg5[%swap3A_177, %swap3A_178] {strides = array<i32>} : memref<16x128xf32, #tpu.memory_space<vmem>>, vector<16xf32>,
    tpu.vector_store %arg5[%swap3A_177, %swap3A_178], %broadcast_in_dim3A_52 {strides = array<i32>} : memref<16x128xf32, #tpu.memory_space<vmem>>, vector<16xf32>,
    %swap3A_180 = arith.constant 4 : i32
    %swap3A_181 = arith.index_cast %swap3A_180 : i32 to index
    %swap3A_182 = arith.constant 0 : index
    %swap3A_183 = tpu.vector_load %arg5[%swap3A_181, %swap3A_182] {strides = array<i32>} : memref<16x128xf32, #tpu.memory_space<vmem>>, vector<16xf32>,
    tpu.vector_store %arg5[%swap3A_181, %swap3A_182], %broadcast_in_dim3A_52 {strides = array<i32>} : memref<16x128xf32, #tpu.memory_space<vmem>>, vector<16xf32>,
    %swap3A_184 = arith.constant 4 : i32
    %swap3A_185 = arith.index_cast %swap3A_184 : i32 to index
    %swap3A_186 = arith.constant 16 : index
    %swap3A_187 = tpu.vector_load %arg5[%swap3A_185, %swap3A_186] {strides = array<i32>} : memref<16x128xf32, #tpu.memory_space<vmem>>, vector<16xf32>,
    tpu.vector_store %arg5[%swap3A_185, %swap3A_186], %broadcast_in_dim3A_52 {strides = array<i32>} : memref<16x128xf32, #tpu.memory_space<vmem>>, vector<16xf32>,
    %swap3A_188 = arith.constant 4 : i32
    %swap3A_189 = arith.index_cast %swap3A_188 : i32 to index
    %swap3A_190 = arith.constant 32 : index
    %swap3A_191 = tpu.vector_load %arg5[%swap3A_189, %swap3A_190] {strides = array<i32>} : memref<16x128xf32, #tpu.memory_space<vmem>>, vector<16xf32>,
    tpu.vector_store %arg5[%swap3A_189, %swap3A_190], %broadcast_in_dim3A_52 {strides = array<i32>} : memref<16x128xf32, #tpu.memory_space<vmem>>, vector<16xf32>,
    %swap3A_192 = arith.constant 4 : i32
    %swap3A_193 = arith.index_cast %swap3A_192 : i32 to index
    %swap3A_194 = arith.constant 48 : index
    %swap3A_195 = tpu.vector_load %arg5[%swap3A_193, %swap3A_194] {strides = array<i32>} : memref<16x128xf32, #tpu.memory_space<vmem>>, vector<16xf32>,
    tpu.vector_store %arg5[%swap3A_193, %swap3A_194], %broadcast_in_dim3A_52 {strides = array<i32>} : memref<16x128xf32, #tpu.memory_space<vmem>>, vector<16xf32>,
    %swap3A_196 = arith.constant 4 : i32
    %swap3A_197 = arith.index_cast %swap3A_196 : i32 to index
    %swap3A_198 = arith.constant 64 : index
    %swap3A_199 = tpu.vector_load %arg5[%swap3A_197, %swap3A_198] {strides = array<i32>} : memref<16x128xf32, #tpu.memory_space<vmem>>, vector<16xf32>,
    tpu.vector_store %arg5[%swap3A_197, %swap3A_198], %broadcast_in_dim3A_52 {strides = array<i32>} : memref<16x128xf32, #tpu.memory_space<vmem>>, vector<16xf32>,
    %swap3A_200 = arith.constant 4 : i32
    %swap3A_201 = arith.index_cast %swap3A_200 : i32 to index
    %swap3A_202 = arith.constant 80 : index
    %swap3A_203 = tpu.vector_load %arg5[%swap3A_201, %swap3A_202] {strides = array<i32>} : memref<16x128xf32, #tpu.memory_space<vmem>>, vector<16xf32>,
    tpu.vector_store %arg5[%swap3A_201, %swap3A_202], %broadcast_in_dim3A_52 {strides = array<i32>} : memref<16x128xf32, #tpu.memory_space<vmem>>, vector<16xf32>,
    %swap3A_204 = arith.constant 4 : i32
    %swap3A_205 = arith.index_cast %swap3A_204 : i32 to index
    %swap3A_206 = arith.constant 96 : index
    %swap3A_207 = tpu.vector_load %arg5[%swap3A_205, %swap3A_206] {strides = array<i32>} : memref<16x128xf32, #tpu.memory_space<vmem>>, vector<16xf32>,
    tpu.vector_store %arg5[%swap3A_205, %swap3A_206], %broadcast_in_dim3A_52 {strides = array<i32>} : memref<16x128xf32, #tpu.memory_space<vmem>>, vector<16xf32>,
    %swap3A_208 = arith.constant 4 : i32
    %swap3A_209 = arith.index_cast %swap3A_208 : i32 to index
    %swap3A_210 = arith.constant 112 : index
    %swap3A_211 = tpu.vector_load %arg5[%swap3A_209, %swap3A_210] {strides = array<i32>} : memref<16x128xf32, #tpu.memory_space<vmem>>, vector<16xf32>,
    tpu.vector_store %arg5[%swap3A_209, %swap3A_210], %broadcast_in_dim3A_52 {strides = array<i32>} : memref<16x128xf32, #tpu.memory_space<vmem>>, vector<16xf32>,
    %swap3A_212 = arith.constant 5 : i32
    %swap3A_213 = arith.index_cast %swap3A_212 : i32 to index
    %swap3A_214 = arith.constant 0 : index
    %swap3A_215 = tpu.vector_load %arg5[%swap3A_213, %swap3A_214] {strides = array<i32>} : memref<16x128xf32, #tpu.memory_space<vmem>>, vector<16xf32>,
    tpu.vector_store %arg5[%swap3A_213, %swap3A_214], %broadcast_in_dim3A_52 {strides = array<i32>} : memref<16x128xf32, #tpu.memory_space<vmem>>, vector<16xf32>,
    %swap3A_216 = arith.constant 5 : i32
    %swap3A_217 = arith.index_cast %swap3A_216 : i32 to index
    %swap3A_218 = arith.constant 16 : index
    %swap3A_219 = tpu.vector_load %arg5[%swap3A_217, %swap3A_218] {strides = array<i32>} : memref<16x128xf32, #tpu.memory_space<vmem>>, vector<16xf32>,
    tpu.vector_store %arg5[%swap3A_217, %swap3A_218], %broadcast_in_dim3A_52 {strides = array<i32>} : memref<16x128xf32, #tpu.memory_space<vmem>>, vector<16xf32>,
    %swap3A_220 = arith.constant 5 : i32
    %swap3A_221 = arith.index_cast %swap3A_220 : i32 to index
    %swap3A_222 = arith.constant 32 : index
    %swap3A_223 = tpu.vector_load %arg5[%swap3A_221, %swap3A_222] {strides = array<i32>} : memref<16x128xf32, #tpu.memory_space<vmem>>, vector<16xf32>,
    tpu.vector_store %arg5[%swap3A_221, %swap3A_222], %broadcast_in_dim3A_52 {strides = array<i32>} : memref<16x128xf32, #tpu.memory_space<vmem>>, vector<16xf32>,
    %swap3A_224 = arith.constant 5 : i32
    %swap3A_225 = arith.index_cast %swap3A_224 : i32 to index
    %swap3A_226 = arith.constant 48 : index
    %swap3A_227 = tpu.vector_load %arg5[%swap3A_225, %swap3A_226] {strides = array<i32>} : memref<16x128xf32, #tpu.memory_space<vmem>>, vector<16xf32>,
    tpu.vector_store %arg5[%swap3A_225, %swap3A_226], %broadcast_in_dim3A_52 {strides = array<i32>} : memref<16x128xf32, #tpu.memory_space<vmem>>, vector<16xf32>,
    %swap3A_228 = arith.constant 5 : i32
    %swap3A_229 = arith.index_cast %swap3A_228 : i32 to index
    %swap3A_230 = arith.constant 64 : index
    %swap3A_231 = tpu.vector_load %arg5[%swap3A_229, %swap3A_230] {strides = array<i32>} : memref<16x128xf32, #tpu.memory_space<vmem>>, vector<16xf32>,
    tpu.vector_store %arg5[%swap3A_229, %swap3A_230], %broadcast_in_dim3A_52 {strides = array<i32>} : memref<16x128xf32, #tpu.memory_space<vmem>>, vector<16xf32>,
    %swap3A_232 = arith.constant 5 : i32
    %swap3A_233 = arith.index_cast %swap3A_232 : i32 to index
    %swap3A_234 = arith.constant 80 : index
    %swap3A_235 = tpu.vector_load %arg5[%swap3A_233, %swap3A_234] {strides = array<i32>} : memref<16x128xf32, #tpu.memory_space<vmem>>, vector<16xf32>,
    tpu.vector_store %arg5[%swap3A_233, %swap3A_234], %broadcast_in_dim3A_52 {strides = array<i32>} : memref<16x128xf32, #tpu.memory_space<vmem>>, vector<16xf32>,
    %swap3A_236 = arith.constant 5 : i32
    %swap3A_237 = arith.index_cast %swap3A_236 : i32 to index
    %swap3A_238 = arith.constant 96 : index
    %swap3A_239 = tpu.vector_load %arg5[%swap3A_237, %swap3A_238] {strides = array<i32>} : memref<16x128xf32, #tpu.memory_space<vmem>>, vector<16xf32>,
    tpu.vector_store %arg5[%swap3A_237, %swap3A_238], %broadcast_in_dim3A_52 {strides = array<i32>} : memref<16x128xf32, #tpu.memory_space<vmem>>, vector<16xf32>,
    %swap3A_240 = arith.constant 5 : i32
    %swap3A_241 = arith.index_cast %swap3A_240 : i32 to index
    %swap3A_242 = arith.constant 112 : index
    %swap3A_243 = tpu.vector_load %arg5[%swap3A_241, %swap3A_242] {strides = array<i32>} : memref<16x128xf32, #tpu.memory_space<vmem>>, vector<16xf32>,
    tpu.vector_store %arg5[%swap3A_241, %swap3A_242], %broadcast_in_dim3A_52 {strides = array<i32>} : memref<16x128xf32, #tpu.memory_space<vmem>>, vector<16xf32>,
    %swap3A_244 = arith.constant 6 : i32
    %swap3A_245 = arith.index_cast %swap3A_244 : i32 to index
    %swap3A_246 = arith.constant 0 : index
    %swap3A_247 = tpu.vector_load %arg5[%swap3A_245, %swap3A_246] {strides = array<i32>} : memref<16x128xf32, #tpu.memory_space<vmem>>, vector<16xf32>,
    tpu.vector_store %arg5[%swap3A_245, %swap3A_246], %broadcast_in_dim3A_52 {strides = array<i32>} : memref<16x128xf32, #tpu.memory_space<vmem>>, vector<16xf32>,
    %swap3A_248 = arith.constant 6 : i32
    %swap3A_249 = arith.index_cast %swap3A_248 : i32 to index
    %swap3A_250 = arith.constant 16 : index
    %swap3A_251 = tpu.vector_load %arg5[%swap3A_249, %swap3A_250] {strides = array<i32>} : memref<16x128xf32, #tpu.memory_space<vmem>>, vector<16xf32>,
    tpu.vector_store %arg5[%swap3A_249, %swap3A_250], %broadcast_in_dim3A_52 {strides = array<i32>} : memref<16x128xf32, #tpu.memory_space<vmem>>, vector<16xf32>,
    %swap3A_252 = arith.constant 6 : i32
    %swap3A_253 = arith.index_cast %swap3A_252 : i32 to index
    %swap3A_254 = arith.constant 32 : index
    %swap3A_255 = tpu.vector_load %arg5[%swap3A_253, %swap3A_254] {strides = array<i32>} : memref<16x128xf32, #tpu.memory_space<vmem>>, vector<16xf32>,
    tpu.vector_store %arg5[%swap3A_253, %swap3A_254], %broadcast_in_dim3A_52 {strides = array<i32>} : memref<16x128xf32, #tpu.memory_space<vmem>>, vector<16xf32>,
    %swap3A_256 = arith.constant 6 : i32
    %swap3A_257 = arith.index_cast %swap3A_256 : i32 to index
    %swap3A_258 = arith.constant 48 : index
    %swap3A_259 = tpu.vector_load %arg5[%swap3A_257, %swap3A_258] {strides = array<i32>} : memref<16x128xf32, #tpu.memory_space<vmem>>, vector<16xf32>,
    tpu.vector_store %arg5[%swap3A_257, %swap3A_258], %broadcast_in_dim3A_52 {strides = array<i32>} : memref<16x128xf32, #tpu.memory_space<vmem>>, vector<16xf32>,
    %swap3A_260 = arith.constant 6 : i32
    %swap3A_261 = arith.index_cast %swap3A_260 : i32 to index
    %swap3A_262 = arith.constant 64 : index
    %swap3A_263 = tpu.vector_load %arg5[%swap3A_261, %swap3A_262] {strides = array<i32>} : memref<16x128xf32, #tpu.memory_space<vmem>>, vector<16xf32>,
    tpu.vector_store %arg5[%swap3A_261, %swap3A_262], %broadcast_in_dim3A_52 {strides = array<i32>} : memref<16x128xf32, #tpu.memory_space<vmem>>, vector<16xf32>,
    %swap3A_264 = arith.constant 6 : i32
    %swap3A_265 = arith.index_cast %swap3A_264 : i32 to index
    %swap3A_266 = arith.constant 80 : index
    %swap3A_267 = tpu.vector_load %arg5[%swap3A_265, %swap3A_266] {strides = array<i32>} : memref<16x128xf32, #tpu.memory_space<vmem>>, vector<16xf32>,
    tpu.vector_store %arg5[%swap3A_265, %swap3A_266], %broadcast_in_dim3A_52 {strides = array<i32>} : memref<16x128xf32, #tpu.memory_space<vmem>>, vector<16xf32>,
    %swap3A_268 = arith.constant 6 : i32
    %swap3A_269 = arith.index_cast %swap3A_268 : i32 to index
    %swap3A_270 = arith.constant 96 : index
    %swap3A_271 = tpu.vector_load %arg5[%swap3A_269, %swap3A_270] {strides = array<i32>} : memref<16x128xf32, #tpu.memory_space<vmem>>, vector<16xf32>,
    tpu.vector_store %arg5[%swap3A_269, %swap3A_270], %broadcast_in_dim3A_52 {strides = array<i32>} : memref<16x128xf32, #tpu.memory_space<vmem>>, vector<16xf32>,
    %swap3A_272 = arith.constant 6 : i32
    %swap3A_273 = arith.index_cast %swap3A_272 : i32 to index
    %swap3A_274 = arith.constant 112 : index
    %swap3A_275 = tpu.vector_load %arg5[%swap3A_273, %swap3A_274] {strides = array<i32>} : memref<16x128xf32, #tpu.memory_space<vmem>>, vector<16xf32>,
    tpu.vector_store %arg5[%swap3A_273, %swap3A_274], %broadcast_in_dim3A_52 {strides = array<i32>} : memref<16x128xf32, #tpu.memory_space<vmem>>, vector<16xf32>,
    %swap3A_276 = arith.constant 7 : i32
    %swap3A_277 = arith.index_cast %swap3A_276 : i32 to index
    %swap3A_278 = arith.constant 0 : index
    %swap3A_279 = tpu.vector_load %arg5[%swap3A_277, %swap3A_278] {strides = array<i32>} : memref<16x128xf32, #tpu.memory_space<vmem>>, vector<16xf32>,
    tpu.vector_store %arg5[%swap3A_277, %swap3A_278], %broadcast_in_dim3A_52 {strides = array<i32>} : memref<16x128xf32, #tpu.memory_space<vmem>>, vector<16xf32>,
    %swap3A_280 = arith.constant 7 : i32
    %swap3A_281 = arith.index_cast %swap3A_280 : i32 to index
    %swap3A_282 = arith.constant 16 : index
    %swap3A_283 = tpu.vector_load %arg5[%swap3A_281, %swap3A_282] {strides = array<i32>} : memref<16x128xf32, #tpu.memory_space<vmem>>, vector<16xf32>,
    tpu.vector_store %arg5[%swap3A_281, %swap3A_282], %broadcast_in_dim3A_52 {strides = array<i32>} : memref<16x128xf32, #tpu.memory_space<vmem>>, vector<16xf32>,
    %swap3A_284 = arith.constant 7 : i32
    %swap3A_285 = arith.index_cast %swap3A_284 : i32 to index
    %swap3A_286 = arith.constant 32 : index
    %swap3A_287 = tpu.vector_load %arg5[%swap3A_285, %swap3A_286] {strides = array<i32>} : memref<16x128xf32, #tpu.memory_space<vmem>>, vector<16xf32>,
    tpu.vector_store %arg5[%swap3A_285, %swap3A_286], %broadcast_in_dim3A_52 {strides = array<i32>} : memref<16x128xf32, #tpu.memory_space<vmem>>, vector<16xf32>,
    %swap3A_288 = arith.constant 7 : i32
    %swap3A_289 = arith.index_cast %swap3A_288 : i32 to index
    %swap3A_290 = arith.constant 48 : index
    %swap3A_291 = tpu.vector_load %arg5[%swap3A_289, %swap3A_290] {strides = array<i32>} : memref<16x128xf32, #tpu.memory_space<vmem>>, vector<16xf32>,
    tpu.vector_store %arg5[%swap3A_289, %swap3A_290], %broadcast_in_dim3A_52 {strides = array<i32>} : memref<16x128xf32, #tpu.memory_space<vmem>>, vector<16xf32>,
    %swap3A_292 = arith.constant 7 : i32
    %swap3A_293 = arith.index_cast %swap3A_292 : i32 to index
    %swap3A_294 = arith.constant 64 : index
    %swap3A_295 = tpu.vector_load %arg5[%swap3A_293, %swap3A_294] {strides = array<i32>} : memref<16x128xf32, #tpu.memory_space<vmem>>, vector<16xf32>,
    tpu.vector_store %arg5[%swap3A_293, %swap3A_294], %broadcast_in_dim3A_52 {strides = array<i32>} : memref<16x128xf32, #tpu.memory_space<vmem>>, vector<16xf32>,
    %swap3A_296 = arith.constant 7 : i32
    %swap3A_297 = arith.index_cast %swap3A_296 : i32 to index
    %swap3A_298 = arith.constant 80 : index
    %swap3A_299 = tpu.vector_load %arg5[%swap3A_297, %swap3A_298] {strides = array<i32>} : memref<16x128xf32, #tpu.memory_space<vmem>>, vector<16xf32>,
    tpu.vector_store %arg5[%swap3A_297, %swap3A_298], %broadcast_in_dim3A_52 {strides = array<i32>} : memref<16x128xf32, #tpu.memory_space<vmem>>, vector<16xf32>,
    %swap3A_300 = arith.constant 7 : i32
    %swap3A_301 = arith.index_cast %swap3A_300 : i32 to index
    %swap3A_302 = arith.constant 96 : index
    %swap3A_303 = tpu.vector_load %arg5[%swap3A_301, %swap3A_302] {strides = array<i32>} : memref<16x128xf32, #tpu.memory_space<vmem>>, vector<16xf32>,
    tpu.vector_store %arg5[%swap3A_301, %swap3A_302], %broadcast_in_dim3A_52 {strides = array<i32>} : memref<16x128xf32, #tpu.memory_space<vmem>>, vector<16xf32>,
    %swap3A_304 = arith.constant 7 : i32
    %swap3A_305 = arith.index_cast %swap3A_304 : i32 to index
    %swap3A_306 = arith.constant 112 : index
    %swap3A_307 = tpu.vector_load %arg5[%swap3A_305, %swap3A_306] {strides = array<i32>} : memref<16x128xf32, #tpu.memory_space<vmem>>, vector<16xf32>,
    tpu.vector_store %arg5[%swap3A_305, %swap3A_306], %broadcast_in_dim3A_52 {strides = array<i32>} : memref<16x128xf32, #tpu.memory_space<vmem>>, vector<16xf32>,
    %swap3A_308 = arith.constant 8 : i32
    %swap3A_309 = arith.index_cast %swap3A_308 : i32 to index
    %swap3A_310 = arith.constant 0 : index
    %swap3A_311 = tpu.vector_load %arg5[%swap3A_309, %swap3A_310] {strides = array<i32>} : memref<16x128xf32, #tpu.memory_space<vmem>>, vector<16xf32>,
    tpu.vector_store %arg5[%swap3A_309, %swap3A_310], %broadcast_in_dim3A_52 {strides = array<i32>} : memref<16x128xf32, #tpu.memory_space<vmem>>, vector<16xf32>,
    %swap3A_312 = arith.constant 8 : i32
    %swap3A_313 = arith.index_cast %swap3A_312 : i32 to index
    %swap3A_314 = arith.constant 16 : index
    %swap3A_315 = tpu.vector_load %arg5[%swap3A_313, %swap3A_314] {strides = array<i32>} : memref<16x128xf32, #tpu.memory_space<vmem>>, vector<16xf32>,
    tpu.vector_store %arg5[%swap3A_313, %swap3A_314], %broadcast_in_dim3A_52 {strides = array<i32>} : memref<16x128xf32, #tpu.memory_space<vmem>>, vector<16xf32>,
    %swap3A_316 = arith.constant 8 : i32
    %swap3A_317 = arith.index_cast %swap3A_316 : i32 to index
    %swap3A_318 = arith.constant 32 : index
    %swap3A_319 = tpu.vector_load %arg5[%swap3A_317, %swap3A_318] {strides = array<i32>} : memref<16x128xf32, #tpu.memory_space<vmem>>, vector<16xf32>,
    tpu.vector_store %arg5[%swap3A_317, %swap3A_318], %broadcast_in_dim3A_52 {strides = array<i32>} : memref<16x128xf32, #tpu.memory_space<vmem>>, vector<16xf32>,
    %swap3A_320 = arith.constant 8 : i32
    %swap3A_321 = arith.index_cast %swap3A_320 : i32 to index
    %swap3A_322 = arith.constant 48 : index
    %swap3A_323 = tpu.vector_load %arg5[%swap3A_321, %swap3A_322] {strides = array<i32>} : memref<16x128xf32, #tpu.memory_space<vmem>>, vector<16xf32>,
    tpu.vector_store %arg5[%swap3A_321, %swap3A_322], %broadcast_in_dim3A_52 {strides = array<i32>} : memref<16x128xf32, #tpu.memory_space<vmem>>, vector<16xf32>,
    %swap3A_324 = arith.constant 8 : i32
    %swap3A_325 = arith.index_cast %swap3A_324 : i32 to index
    %swap3A_326 = arith.constant 64 : index
    %swap3A_327 = tpu.vector_load %arg5[%swap3A_325, %swap3A_326] {strides = array<i32>} : memref<16x128xf32, #tpu.memory_space<vmem>>, vector<16xf32>,
    tpu.vector_store %arg5[%swap3A_325, %swap3A_326], %broadcast_in_dim3A_52 {strides = array<i32>} : memref<16x128xf32, #tpu.memory_space<vmem>>, vector<16xf32>,
    %swap3A_328 = arith.constant 8 : i32
    %swap3A_329 = arith.index_cast %swap3A_328 : i32 to index
    %swap3A_330 = arith.constant 80 : index
    %swap3A_331 = tpu.vector_load %arg5[%swap3A_329, %swap3A_330] {strides = array<i32>} : memref<16x128xf32, #tpu.memory_space<vmem>>, vector<16xf32>,
    tpu.vector_store %arg5[%swap3A_329, %swap3A_330], %broadcast_in_dim3A_52 {strides = array<i32>} : memref<16x128xf32, #tpu.memory_space<vmem>>, vector<16xf32>,
    %swap3A_332 = arith.constant 8 : i32
    %swap3A_333 = arith.index_cast %swap3A_332 : i32 to index
    %swap3A_334 = arith.constant 96 : index
    %swap3A_335 = tpu.vector_load %arg5[%swap3A_333, %swap3A_334] {strides = array<i32>} : memref<16x128xf32, #tpu.memory_space<vmem>>, vector<16xf32>,
    tpu.vector_store %arg5[%swap3A_333, %swap3A_334], %broadcast_in_dim3A_52 {strides = array<i32>} : memref<16x128xf32, #tpu.memory_space<vmem>>, vector<16xf32>,
    %swap3A_336 = arith.constant 8 : i32
    %swap3A_337 = arith.index_cast %swap3A_336 : i32 to index
    %swap3A_338 = arith.constant 112 : index
    %swap3A_339 = tpu.vector_load %arg5[%swap3A_337, %swap3A_338] {strides = array<i32>} : memref<16x128xf32, #tpu.memory_space<vmem>>, vector<16xf32>,
    tpu.vector_store %arg5[%swap3A_337, %swap3A_338], %broadcast_in_dim3A_52 {strides = array<i32>} : memref<16x128xf32, #tpu.memory_space<vmem>>, vector<16xf32>,
    %swap3A_340 = arith.constant 9 : i32
    %swap3A_341 = arith.index_cast %swap3A_340 : i32 to index
    %swap3A_342 = arith.constant 0 : index
    %swap3A_343 = tpu.vector_load %arg5[%swap3A_341, %swap3A_342] {strides = array<i32>} : memref<16x128xf32, #tpu.memory_space<vmem>>, vector<16xf32>,
    tpu.vector_store %arg5[%swap3A_341, %swap3A_342], %broadcast_in_dim3A_52 {strides = array<i32>} : memref<16x128xf32, #tpu.memory_space<vmem>>, vector<16xf32>,
    %swap3A_344 = arith.constant 9 : i32
    %swap3A_345 = arith.index_cast %swap3A_344 : i32 to index
    %swap3A_346 = arith.constant 16 : index
    %swap3A_347 = tpu.vector_load %arg5[%swap3A_345, %swap3A_346] {strides = array<i32>} : memref<16x128xf32, #tpu.memory_space<vmem>>, vector<16xf32>,
    tpu.vector_store %arg5[%swap3A_345, %swap3A_346], %broadcast_in_dim3A_52 {strides = array<i32>} : memref<16x128xf32, #tpu.memory_space<vmem>>, vector<16xf32>,
    %swap3A_348 = arith.constant 9 : i32
    %swap3A_349 = arith.index_cast %swap3A_348 : i32 to index
    %swap3A_350 = arith.constant 32 : index
    %swap3A_351 = tpu.vector_load %arg5[%swap3A_349, %swap3A_350] {strides = array<i32>} : memref<16x128xf32, #tpu.memory_space<vmem>>, vector<16xf32>,
    tpu.vector_store %arg5[%swap3A_349, %swap3A_350], %broadcast_in_dim3A_52 {strides = array<i32>} : memref<16x128xf32, #tpu.memory_space<vmem>>, vector<16xf32>,
    %swap3A_352 = arith.constant 9 : i32
    %swap3A_353 = arith.index_cast %swap3A_352 : i32 to index
    %swap3A_354 = arith.constant 48 : index
    %swap3A_355 = tpu.vector_load %arg5[%swap3A_353, %swap3A_354] {strides = array<i32>} : memref<16x128xf32, #tpu.memory_space<vmem>>, vector<16xf32>,
    tpu.vector_store %arg5[%swap3A_353, %swap3A_354], %broadcast_in_dim3A_52 {strides = array<i32>} : memref<16x128xf32, #tpu.memory_space<vmem>>, vector<16xf32>,
    %swap3A_356 = arith.constant 9 : i32
    %swap3A_357 = arith.index_cast %swap3A_356 : i32 to index
    %swap3A_358 = arith.constant 64 : index
    %swap3A_359 = tpu.vector_load %arg5[%swap3A_357, %swap3A_358] {strides = array<i32>} : memref<16x128xf32, #tpu.memory_space<vmem>>, vector<16xf32>,
    tpu.vector_store %arg5[%swap3A_357, %swap3A_358], %broadcast_in_dim3A_52 {strides = array<i32>} : memref<16x128xf32, #tpu.memory_space<vmem>>, vector<16xf32>,
    %swap3A_360 = arith.constant 9 : i32
    %swap3A_361 = arith.index_cast %swap3A_360 : i32 to index
    %swap3A_362 = arith.constant 80 : index
    %swap3A_363 = tpu.vector_load %arg5[%swap3A_361, %swap3A_362] {strides = array<i32>} : memref<16x128xf32, #tpu.memory_space<vmem>>, vector<16xf32>,
    tpu.vector_store %arg5[%swap3A_361, %swap3A_362], %broadcast_in_dim3A_52 {strides = array<i32>} : memref<16x128xf32, #tpu.memory_space<vmem>>, vector<16xf32>,
    %swap3A_364 = arith.constant 9 : i32
    %swap3A_365 = arith.index_cast %swap3A_364 : i32 to index
    %swap3A_366 = arith.constant 96 : index
    %swap3A_367 = tpu.vector_load %arg5[%swap3A_365, %swap3A_366] {strides = array<i32>} : memref<16x128xf32, #tpu.memory_space<vmem>>, vector<16xf32>,
    tpu.vector_store %arg5[%swap3A_365, %swap3A_366], %broadcast_in_dim3A_52 {strides = array<i32>} : memref<16x128xf32, #tpu.memory_space<vmem>>, vector<16xf32>,
    %swap3A_368 = arith.constant 9 : i32
    %swap3A_369 = arith.index_cast %swap3A_368 : i32 to index
    %swap3A_370 = arith.constant 112 : index
    %swap3A_371 = tpu.vector_load %arg5[%swap3A_369, %swap3A_370] {strides = array<i32>} : memref<16x128xf32, #tpu.memory_space<vmem>>, vector<16xf32>,
    tpu.vector_store %arg5[%swap3A_369, %swap3A_370], %broadcast_in_dim3A_52 {strides = array<i32>} : memref<16x128xf32, #tpu.memory_space<vmem>>, vector<16xf32>,
    %swap3A_372 = arith.constant 10 : i32
    %swap3A_373 = arith.index_cast %swap3A_372 : i32 to index
    %swap3A_374 = arith.constant 0 : index
    %swap3A_375 = tpu.vector_load %arg5[%swap3A_373, %swap3A_374] {strides = array<i32>} : memref<16x128xf32, #tpu.memory_space<vmem>>, vector<16xf32>,
    tpu.vector_store %arg5[%swap3A_373, %swap3A_374], %broadcast_in_dim3A_52 {strides = array<i32>} : memref<16x128xf32, #tpu.memory_space<vmem>>, vector<16xf32>,
    %swap3A_376 = arith.constant 10 : i32
    %swap3A_377 = arith.index_cast %swap3A_376 : i32 to index
    %swap3A_378 = arith.constant 16 : index
    %swap3A_379 = tpu.vector_load %arg5[%swap3A_377, %swap3A_378] {strides = array<i32>} : memref<16x128xf32, #tpu.memory_space<vmem>>, vector<16xf32>,
    tpu.vector_store %arg5[%swap3A_377, %swap3A_378], %broadcast_in_dim3A_52 {strides = array<i32>} : memref<16x128xf32, #tpu.memory_space<vmem>>, vector<16xf32>,
    %swap3A_380 = arith.constant 10 : i32
    %swap3A_381 = arith.index_cast %swap3A_380 : i32 to index
    %swap3A_382 = arith.constant 32 : index
    %swap3A_383 = tpu.vector_load %arg5[%swap3A_381, %swap3A_382] {strides = array<i32>} : memref<16x128xf32, #tpu.memory_space<vmem>>, vector<16xf32>,
    tpu.vector_store %arg5[%swap3A_381, %swap3A_382], %broadcast_in_dim3A_52 {strides = array<i32>} : memref<16x128xf32, #tpu.memory_space<vmem>>, vector<16xf32>,
    %swap3A_384 = arith.constant 10 : i32
    %swap3A_385 = arith.index_cast %swap3A_384 : i32 to index
    %swap3A_386 = arith.constant 48 : index
    %swap3A_387 = tpu.vector_load %arg5[%swap3A_385, %swap3A_386] {strides = array<i32>} : memref<16x128xf32, #tpu.memory_space<vmem>>, vector<16xf32>,
    tpu.vector_store %arg5[%swap3A_385, %swap3A_386], %broadcast_in_dim3A_52 {strides = array<i32>} : memref<16x128xf32, #tpu.memory_space<vmem>>, vector<16xf32>,
    %swap3A_388 = arith.constant 10 : i32
    %swap3A_389 = arith.index_cast %swap3A_388 : i32 to index
    %swap3A_390 = arith.constant 64 : index
    %swap3A_391 = tpu.vector_load %arg5[%swap3A_389, %swap3A_390] {strides = array<i32>} : memref<16x128xf32, #tpu.memory_space<vmem>>, vector<16xf32>,
    tpu.vector_store %arg5[%swap3A_389, %swap3A_390], %broadcast_in_dim3A_52 {strides = array<i32>} : memref<16x128xf32, #tpu.memory_space<vmem>>, vector<16xf32>,
    %swap3A_392 = arith.constant 10 : i32
    %swap3A_393 = arith.index_cast %swap3A_392 : i32 to index
    %swap3A_394 = arith.constant 80 : index
    %swap3A_395 = tpu.vector_load %arg5[%swap3A_393, %swap3A_394] {strides = array<i32>} : memref<16x128xf32, #tpu.memory_space<vmem>>, vector<16xf32>,
    tpu.vector_store %arg5[%swap3A_393, %swap3A_394], %broadcast_in_dim3A_52 {strides = array<i32>} : memref<16x128xf32, #tpu.memory_space<vmem>>, vector<16xf32>,
    %swap3A_396 = arith.constant 10 : i32
    %swap3A_397 = arith.index_cast %swap3A_396 : i32 to index
    %swap3A_398 = arith.constant 96 : index
    %swap3A_399 = tpu.vector_load %arg5[%swap3A_397, %swap3A_398] {strides = array<i32>} : memref<16x128xf32, #tpu.memory_space<vmem>>, vector<16xf32>,
    tpu.vector_store %arg5[%swap3A_397, %swap3A_398], %broadcast_in_dim3A_52 {strides = array<i32>} : memref<16x128xf32, #tpu.memory_space<vmem>>, vector<16xf32>,
    %swap3A_400 = arith.constant 10 : i32
    %swap3A_401 = arith.index_cast %swap3A_400 : i32 to index
    %swap3A_402 = arith.constant 112 : index
    %swap3A_403 = tpu.vector_load %arg5[%swap3A_401, %swap3A_402] {strides = array<i32>} : memref<16x128xf32, #tpu.memory_space<vmem>>, vector<16xf32>,
    tpu.vector_store %arg5[%swap3A_401, %swap3A_402], %broadcast_in_dim3A_52 {strides = array<i32>} : memref<16x128xf32, #tpu.memory_space<vmem>>, vector<16xf32>,
    %swap3A_404 = arith.constant 11 : i32
    %swap3A_405 = arith.index_cast %swap3A_404 : i32 to index
    %swap3A_406 = arith.constant 0 : index
    %swap3A_407 = tpu.vector_load %arg5[%swap3A_405, %swap3A_406] {strides = array<i32>} : memref<16x128xf32, #tpu.memory_space<vmem>>, vector<16xf32>,
    tpu.vector_store %arg5[%swap3A_405, %swap3A_406], %broadcast_in_dim3A_52 {strides = array<i32>} : memref<16x128xf32, #tpu.memory_space<vmem>>, vector<16xf32>,
    %swap3A_408 = arith.constant 11 : i32
    %swap3A_409 = arith.index_cast %swap3A_408 : i32 to index
    %swap3A_410 = arith.constant 16 : index
    %swap3A_411 = tpu.vector_load %arg5[%swap3A_409, %swap3A_410] {strides = array<i32>} : memref<16x128xf32, #tpu.memory_space<vmem>>, vector<16xf32>,
    tpu.vector_store %arg5[%swap3A_409, %swap3A_410], %broadcast_in_dim3A_52 {strides = array<i32>} : memref<16x128xf32, #tpu.memory_space<vmem>>, vector<16xf32>,
    %swap3A_412 = arith.constant 11 : i32
    %swap3A_413 = arith.index_cast %swap3A_412 : i32 to index
    %swap3A_414 = arith.constant 32 : index
    %swap3A_415 = tpu.vector_load %arg5[%swap3A_413, %swap3A_414] {strides = array<i32>} : memref<16x128xf32, #tpu.memory_space<vmem>>, vector<16xf32>,
    tpu.vector_store %arg5[%swap3A_413, %swap3A_414], %broadcast_in_dim3A_52 {strides = array<i32>} : memref<16x128xf32, #tpu.memory_space<vmem>>, vector<16xf32>,
    %swap3A_416 = arith.constant 11 : i32
    %swap3A_417 = arith.index_cast %swap3A_416 : i32 to index
    %swap3A_418 = arith.constant 48 : index
    %swap3A_419 = tpu.vector_load %arg5[%swap3A_417, %swap3A_418] {strides = array<i32>} : memref<16x128xf32, #tpu.memory_space<vmem>>, vector<16xf32>,
    tpu.vector_store %arg5[%swap3A_417, %swap3A_418], %broadcast_in_dim3A_52 {strides = array<i32>} : memref<16x128xf32, #tpu.memory_space<vmem>>, vector<16xf32>,
    %swap3A_420 = arith.constant 11 : i32
    %swap3A_421 = arith.index_cast %swap3A_420 : i32 to index
    %swap3A_422 = arith.constant 64 : index
    %swap3A_423 = tpu.vector_load %arg5[%swap3A_421, %swap3A_422] {strides = array<i32>} : memref<16x128xf32, #tpu.memory_space<vmem>>, vector<16xf32>,
    tpu.vector_store %arg5[%swap3A_421, %swap3A_422], %broadcast_in_dim3A_52 {strides = array<i32>} : memref<16x128xf32, #tpu.memory_space<vmem>>, vector<16xf32>,
    %swap3A_424 = arith.constant 11 : i32
    %swap3A_425 = arith.index_cast %swap3A_424 : i32 to index
    %swap3A_426 = arith.constant 80 : index
    %swap3A_427 = tpu.vector_load %arg5[%swap3A_425, %swap3A_426] {strides = array<i32>} : memref<16x128xf32, #tpu.memory_space<vmem>>, vector<16xf32>,
    tpu.vector_store %arg5[%swap3A_425, %swap3A_426], %broadcast_in_dim3A_52 {strides = array<i32>} : memref<16x128xf32, #tpu.memory_space<vmem>>, vector<16xf32>,
    %swap3A_428 = arith.constant 11 : i32
    %swap3A_429 = arith.index_cast %swap3A_428 : i32 to index
    %swap3A_430 = arith.constant 96 : index
    %swap3A_431 = tpu.vector_load %arg5[%swap3A_429, %swap3A_430] {strides = array<i32>} : memref<16x128xf32, #tpu.memory_space<vmem>>, vector<16xf32>,
    tpu.vector_store %arg5[%swap3A_429, %swap3A_430], %broadcast_in_dim3A_52 {strides = array<i32>} : memref<16x128xf32, #tpu.memory_space<vmem>>, vector<16xf32>,
    %swap3A_432 = arith.constant 11 : i32
    %swap3A_433 = arith.index_cast %swap3A_432 : i32 to index
    %swap3A_434 = arith.constant 112 : index
    %swap3A_435 = tpu.vector_load %arg5[%swap3A_433, %swap3A_434] {strides = array<i32>} : memref<16x128xf32, #tpu.memory_space<vmem>>, vector<16xf32>,
    tpu.vector_store %arg5[%swap3A_433, %swap3A_434], %broadcast_in_dim3A_52 {strides = array<i32>} : memref<16x128xf32, #tpu.memory_space<vmem>>, vector<16xf32>,
    %swap3A_436 = arith.constant 12 : i32
    %swap3A_437 = arith.index_cast %swap3A_436 : i32 to index
    %swap3A_438 = arith.constant 0 : index
    %swap3A_439 = tpu.vector_load %arg5[%swap3A_437, %swap3A_438] {strides = array<i32>} : memref<16x128xf32, #tpu.memory_space<vmem>>, vector<16xf32>,
    tpu.vector_store %arg5[%swap3A_437, %swap3A_438], %broadcast_in_dim3A_52 {strides = array<i32>} : memref<16x128xf32, #tpu.memory_space<vmem>>, vector<16xf32>,
    %swap3A_440 = arith.constant 12 : i32
    %swap3A_441 = arith.index_cast %swap3A_440 : i32 to index
    %swap3A_442 = arith.constant 16 : index
    %swap3A_443 = tpu.vector_load %arg5[%swap3A_441, %swap3A_442] {strides = array<i32>} : memref<16x128xf32, #tpu.memory_space<vmem>>, vector<16xf32>,
    tpu.vector_store %arg5[%swap3A_441, %swap3A_442], %broadcast_in_dim3A_52 {strides = array<i32>} : memref<16x128xf32, #tpu.memory_space<vmem>>, vector<16xf32>,
    %swap3A_444 = arith.constant 12 : i32
    %swap3A_445 = arith.index_cast %swap3A_444 : i32 to index
    %swap3A_446 = arith.constant 32 : index
    %swap3A_447 = tpu.vector_load %arg5[%swap3A_445, %swap3A_446] {strides = array<i32>} : memref<16x128xf32, #tpu.memory_space<vmem>>, vector<16xf32>,
    tpu.vector_store %arg5[%swap3A_445, %swap3A_446], %broadcast_in_dim3A_52 {strides = array<i32>} : memref<16x128xf32, #tpu.memory_space<vmem>>, vector<16xf32>,
    %swap3A_448 = arith.constant 12 : i32
    %swap3A_449 = arith.index_cast %swap3A_448 : i32 to index
    %swap3A_450 = arith.constant 48 : index
    %swap3A_451 = tpu.vector_load %arg5[%swap3A_449, %swap3A_450] {strides = array<i32>} : memref<16x128xf32, #tpu.memory_space<vmem>>, vector<16xf32>,
    tpu.vector_store %arg5[%swap3A_449, %swap3A_450], %broadcast_in_dim3A_52 {strides = array<i32>} : memref<16x128xf32, #tpu.memory_space<vmem>>, vector<16xf32>,
    %swap3A_452 = arith.constant 12 : i32
    %swap3A_453 = arith.index_cast %swap3A_452 : i32 to index
    %swap3A_454 = arith.constant 64 : index
    %swap3A_455 = tpu.vector_load %arg5[%swap3A_453, %swap3A_454] {strides = array<i32>} : memref<16x128xf32, #tpu.memory_space<vmem>>, vector<16xf32>,
    tpu.vector_store %arg5[%swap3A_453, %swap3A_454], %broadcast_in_dim3A_52 {strides = array<i32>} : memref<16x128xf32, #tpu.memory_space<vmem>>, vector<16xf32>,
    %swap3A_456 = arith.constant 12 : i32
    %swap3A_457 = arith.index_cast %swap3A_456 : i32 to index
    %swap3A_458 = arith.constant 80 : index
    %swap3A_459 = tpu.vector_load %arg5[%swap3A_457, %swap3A_458] {strides = array<i32>} : memref<16x128xf32, #tpu.memory_space<vmem>>, vector<16xf32>,
    tpu.vector_store %arg5[%swap3A_457, %swap3A_458], %broadcast_in_dim3A_52 {strides = array<i32>} : memref<16x128xf32, #tpu.memory_space<vmem>>, vector<16xf32>,
    %swap3A_460 = arith.constant 12 : i32
    %swap3A_461 = arith.index_cast %swap3A_460 : i32 to index
    %swap3A_462 = arith.constant 96 : index
    %swap3A_463 = tpu.vector_load %arg5[%swap3A_461, %swap3A_462] {strides = array<i32>} : memref<16x128xf32, #tpu.memory_space<vmem>>, vector<16xf32>,
    tpu.vector_store %arg5[%swap3A_461, %swap3A_462], %broadcast_in_dim3A_52 {strides = array<i32>} : memref<16x128xf32, #tpu.memory_space<vmem>>, vector<16xf32>,
    %swap3A_464 = arith.constant 12 : i32
    %swap3A_465 = arith.index_cast %swap3A_464 : i32 to index
    %swap3A_466 = arith.constant 112 : index
    %swap3A_467 = tpu.vector_load %arg5[%swap3A_465, %swap3A_466] {strides = array<i32>} : memref<16x128xf32, #tpu.memory_space<vmem>>, vector<16xf32>,
    tpu.vector_store %arg5[%swap3A_465, %swap3A_466], %broadcast_in_dim3A_52 {strides = array<i32>} : memref<16x128xf32, #tpu.memory_space<vmem>>, vector<16xf32>,
    %swap3A_468 = arith.constant 13 : i32
    %swap3A_469 = arith.index_cast %swap3A_468 : i32 to index
    %swap3A_470 = arith.constant 0 : index
    %swap3A_471 = tpu.vector_load %arg5[%swap3A_469, %swap3A_470] {strides = array<i32>} : memref<16x128xf32, #tpu.memory_space<vmem>>, vector<16xf32>,
    tpu.vector_store %arg5[%swap3A_469, %swap3A_470], %broadcast_in_dim3A_52 {strides = array<i32>} : memref<16x128xf32, #tpu.memory_space<vmem>>, vector<16xf32>,
    %swap3A_472 = arith.constant 13 : i32
    %swap3A_473 = arith.index_cast %swap3A_472 : i32 to index
    %swap3A_474 = arith.constant 16 : index
    %swap3A_475 = tpu.vector_load %arg5[%swap3A_473, %swap3A_474] {strides = array<i32>} : memref<16x128xf32, #tpu.memory_space<vmem>>, vector<16xf32>,
    tpu.vector_store %arg5[%swap3A_473, %swap3A_474], %broadcast_in_dim3A_52 {strides = array<i32>} : memref<16x128xf32, #tpu.memory_space<vmem>>, vector<16xf32>,
    %swap3A_476 = arith.constant 13 : i32
    %swap3A_477 = arith.index_cast %swap3A_476 : i32 to index
    %swap3A_478 = arith.constant 32 : index
    %swap3A_479 = tpu.vector_load %arg5[%swap3A_477, %swap3A_478] {strides = array<i32>} : memref<16x128xf32, #tpu.memory_space<vmem>>, vector<16xf32>,
    tpu.vector_store %arg5[%swap3A_477, %swap3A_478], %broadcast_in_dim3A_52 {strides = array<i32>} : memref<16x128xf32, #tpu.memory_space<vmem>>, vector<16xf32>,
    %swap3A_480 = arith.constant 13 : i32
    %swap3A_481 = arith.index_cast %swap3A_480 : i32 to index
    %swap3A_482 = arith.constant 48 : index
    %swap3A_483 = tpu.vector_load %arg5[%swap3A_481, %swap3A_482] {strides = array<i32>} : memref<16x128xf32, #tpu.memory_space<vmem>>, vector<16xf32>,
    tpu.vector_store %arg5[%swap3A_481, %swap3A_482], %broadcast_in_dim3A_52 {strides = array<i32>} : memref<16x128xf32, #tpu.memory_space<vmem>>, vector<16xf32>,
    %swap3A_484 = arith.constant 13 : i32
    %swap3A_485 = arith.index_cast %swap3A_484 : i32 to index
    %swap3A_486 = arith.constant 64 : index
    %swap3A_487 = tpu.vector_load %arg5[%swap3A_485, %swap3A_486] {strides = array<i32>} : memref<16x128xf32, #tpu.memory_space<vmem>>, vector<16xf32>,
    tpu.vector_store %arg5[%swap3A_485, %swap3A_486], %broadcast_in_dim3A_52 {strides = array<i32>} : memref<16x128xf32, #tpu.memory_space<vmem>>, vector<16xf32>,
    %swap3A_488 = arith.constant 13 : i32
    %swap3A_489 = arith.index_cast %swap3A_488 : i32 to index
    %swap3A_490 = arith.constant 80 : index
    %swap3A_491 = tpu.vector_load %arg5[%swap3A_489, %swap3A_490] {strides = array<i32>} : memref<16x128xf32, #tpu.memory_space<vmem>>, vector<16xf32>,
    tpu.vector_store %arg5[%swap3A_489, %swap3A_490], %broadcast_in_dim3A_52 {strides = array<i32>} : memref<16x128xf32, #tpu.memory_space<vmem>>, vector<16xf32>,
    %swap3A_492 = arith.constant 13 : i32
    %swap3A_493 = arith.index_cast %swap3A_492 : i32 to index
    %swap3A_494 = arith.constant 96 : index
    %swap3A_495 = tpu.vector_load %arg5[%swap3A_493, %swap3A_494] {strides = array<i32>} : memref<16x128xf32, #tpu.memory_space<vmem>>, vector<16xf32>,
    tpu.vector_store %arg5[%swap3A_493, %swap3A_494], %broadcast_in_dim3A_52 {strides = array<i32>} : memref<16x128xf32, #tpu.memory_space<vmem>>, vector<16xf32>,
    %swap3A_496 = arith.constant 13 : i32
    %swap3A_497 = arith.index_cast %swap3A_496 : i32 to index
    %swap3A_498 = arith.constant 112 : index
    %swap3A_499 = tpu.vector_load %arg5[%swap3A_497, %swap3A_498] {strides = array<i32>} : memref<16x128xf32, #tpu.memory_space<vmem>>, vector<16xf32>,
    tpu.vector_store %arg5[%swap3A_497, %swap3A_498], %broadcast_in_dim3A_52 {strides = array<i32>} : memref<16x128xf32, #tpu.memory_space<vmem>>, vector<16xf32>,
    %swap3A_500 = arith.constant 14 : i32
    %swap3A_501 = arith.index_cast %swap3A_500 : i32 to index
    %swap3A_502 = arith.constant 0 : index
    %swap3A_503 = tpu.vector_load %arg5[%swap3A_501, %swap3A_502] {strides = array<i32>} : memref<16x128xf32, #tpu.memory_space<vmem>>, vector<16xf32>,
    tpu.vector_store %arg5[%swap3A_501, %swap3A_502], %broadcast_in_dim3A_52 {strides = array<i32>} : memref<16x128xf32, #tpu.memory_space<vmem>>, vector<16xf32>,
    %swap3A_504 = arith.constant 14 : i32
    %swap3A_505 = arith.index_cast %swap3A_504 : i32 to index
    %swap3A_506 = arith.constant 16 : index
    %swap3A_507 = tpu.vector_load %arg5[%swap3A_505, %swap3A_506] {strides = array<i32>} : memref<16x128xf32, #tpu.memory_space<vmem>>, vector<16xf32>,
    tpu.vector_store %arg5[%swap3A_505, %swap3A_506], %broadcast_in_dim3A_52 {strides = array<i32>} : memref<16x128xf32, #tpu.memory_space<vmem>>, vector<16xf32>,
    %swap3A_508 = arith.constant 14 : i32
    %swap3A_509 = arith.index_cast %swap3A_508 : i32 to index
    %swap3A_510 = arith.constant 32 : index
    %swap3A_511 = tpu.vector_load %arg5[%swap3A_509, %swap3A_510] {strides = array<i32>} : memref<16x128xf32, #tpu.memory_space<vmem>>, vector<16xf32>,
    tpu.vector_store %arg5[%swap3A_509, %swap3A_510], %broadcast_in_dim3A_52 {strides = array<i32>} : memref<16x128xf32, #tpu.memory_space<vmem>>, vector<16xf32>,
    %swap3A_512 = arith.constant 14 : i32
    %swap3A_513 = arith.index_cast %swap3A_512 : i32 to index
    %swap3A_514 = arith.constant 48 : index
    %swap3A_515 = tpu.vector_load %arg5[%swap3A_513, %swap3A_514] {strides = array<i32>} : memref<16x128xf32, #tpu.memory_space<vmem>>, vector<16xf32>,
    tpu.vector_store %arg5[%swap3A_513, %swap3A_514], %broadcast_in_dim3A_52 {strides = array<i32>} : memref<16x128xf32, #tpu.memory_space<vmem>>, vector<16xf32>,
    %swap3A_516 = arith.constant 14 : i32
    %swap3A_517 = arith.index_cast %swap3A_516 : i32 to index
    %swap3A_518 = arith.constant 64 : index
    %swap3A_519 = tpu.vector_load %arg5[%swap3A_517, %swap3A_518] {strides = array<i32>} : memref<16x128xf32, #tpu.memory_space<vmem>>, vector<16xf32>,
    tpu.vector_store %arg5[%swap3A_517, %swap3A_518], %broadcast_in_dim3A_52 {strides = array<i32>} : memref<16x128xf32, #tpu.memory_space<vmem>>, vector<16xf32>,
    %swap3A_520 = arith.constant 14 : i32
    %swap3A_521 = arith.index_cast %swap3A_520 : i32 to index
    %swap3A_522 = arith.constant 80 : index
    %swap3A_523 = tpu.vector_load %arg5[%swap3A_521, %swap3A_522] {strides = array<i32>} : memref<16x128xf32, #tpu.memory_space<vmem>>, vector<16xf32>,
    tpu.vector_store %arg5[%swap3A_521, %swap3A_522], %broadcast_in_dim3A_52 {strides = array<i32>} : memref<16x128xf32, #tpu.memory_space<vmem>>, vector<16xf32>,
    %swap3A_524 = arith.constant 14 : i32
    %swap3A_525 = arith.index_cast %swap3A_524 : i32 to index
    %swap3A_526 = arith.constant 96 : index
    %swap3A_527 = tpu.vector_load %arg5[%swap3A_525, %swap3A_526] {strides = array<i32>} : memref<16x128xf32, #tpu.memory_space<vmem>>, vector<16xf32>,
    tpu.vector_store %arg5[%swap3A_525, %swap3A_526], %broadcast_in_dim3A_52 {strides = array<i32>} : memref<16x128xf32, #tpu.memory_space<vmem>>, vector<16xf32>,
    %swap3A_528 = arith.constant 14 : i32
    %swap3A_529 = arith.index_cast %swap3A_528 : i32 to index
    %swap3A_530 = arith.constant 112 : index
    %swap3A_531 = tpu.vector_load %arg5[%swap3A_529, %swap3A_530] {strides = array<i32>} : memref<16x128xf32, #tpu.memory_space<vmem>>, vector<16xf32>,
    tpu.vector_store %arg5[%swap3A_529, %swap3A_530], %broadcast_in_dim3A_52 {strides = array<i32>} : memref<16x128xf32, #tpu.memory_space<vmem>>, vector<16xf32>,
    %swap3A_532 = arith.constant 15 : i32
    %swap3A_533 = arith.index_cast %swap3A_532 : i32 to index
    %swap3A_534 = arith.constant 0 : index
    %swap3A_535 = tpu.vector_load %arg5[%swap3A_533, %swap3A_534] {strides = array<i32>} : memref<16x128xf32, #tpu.memory_space<vmem>>, vector<16xf32>,
    tpu.vector_store %arg5[%swap3A_533, %swap3A_534], %broadcast_in_dim3A_52 {strides = array<i32>} : memref<16x128xf32, #tpu.memory_space<vmem>>, vector<16xf32>,
    %swap3A_536 = arith.constant 15 : i32
    %swap3A_537 = arith.index_cast %swap3A_536 : i32 to index
    %swap3A_538 = arith.constant 16 : index
    %swap3A_539 = tpu.vector_load %arg5[%swap3A_537, %swap3A_538] {strides = array<i32>} : memref<16x128xf32, #tpu.memory_space<vmem>>, vector<16xf32>,
    tpu.vector_store %arg5[%swap3A_537, %swap3A_538], %broadcast_in_dim3A_52 {strides = array<i32>} : memref<16x128xf32, #tpu.memory_space<vmem>>, vector<16xf32>,
    %swap3A_540 = arith.constant 15 : i32
    %swap3A_541 = arith.index_cast %swap3A_540 : i32 to index
    %swap3A_542 = arith.constant 32 : index
    %swap3A_543 = tpu.vector_load %arg5[%swap3A_541, %swap3A_542] {strides = array<i32>} : memref<16x128xf32, #tpu.memory_space<vmem>>, vector<16xf32>,
    tpu.vector_store %arg5[%swap3A_541, %swap3A_542], %broadcast_in_dim3A_52 {strides = array<i32>} : memref<16x128xf32, #tpu.memory_space<vmem>>, vector<16xf32>,
    %swap3A_544 = arith.constant 15 : i32
    %swap3A_545 = arith.index_cast %swap3A_544 : i32 to index
    %swap3A_546 = arith.constant 48 : index
    %swap3A_547 = tpu.vector_load %arg5[%swap3A_545, %swap3A_546] {strides = array<i32>} : memref<16x128xf32, #tpu.memory_space<vmem>>, vector<16xf32>,
    tpu.vector_store %arg5[%swap3A_545, %swap3A_546], %broadcast_in_dim3A_52 {strides = array<i32>} : memref<16x128xf32, #tpu.memory_space<vmem>>, vector<16xf32>,
    %swap3A_548 = arith.constant 15 : i32
    %swap3A_549 = arith.index_cast %swap3A_548 : i32 to index
    %swap3A_550 = arith.constant 64 : index
    %swap3A_551 = tpu.vector_load %arg5[%swap3A_549, %swap3A_550] {strides = array<i32>} : memref<16x128xf32, #tpu.memory_space<vmem>>, vector<16xf32>,
    tpu.vector_store %arg5[%swap3A_549, %swap3A_550], %broadcast_in_dim3A_52 {strides = array<i32>} : memref<16x128xf32, #tpu.memory_space<vmem>>, vector<16xf32>,
    %swap3A_552 = arith.constant 15 : i32
    %swap3A_553 = arith.index_cast %swap3A_552 : i32 to index
    %swap3A_554 = arith.constant 80 : index
    %swap3A_555 = tpu.vector_load %arg5[%swap3A_553, %swap3A_554] {strides = array<i32>} : memref<16x128xf32, #tpu.memory_space<vmem>>, vector<16xf32>,
    tpu.vector_store %arg5[%swap3A_553, %swap3A_554], %broadcast_in_dim3A_52 {strides = array<i32>} : memref<16x128xf32, #tpu.memory_space<vmem>>, vector<16xf32>,
    %swap3A_556 = arith.constant 15 : i32
    %swap3A_557 = arith.index_cast %swap3A_556 : i32 to index
    %swap3A_558 = arith.constant 96 : index
    %swap3A_559 = tpu.vector_load %arg5[%swap3A_557, %swap3A_558] {strides = array<i32>} : memref<16x128xf32, #tpu.memory_space<vmem>>, vector<16xf32>,
    tpu.vector_store %arg5[%swap3A_557, %swap3A_558], %broadcast_in_dim3A_52 {strides = array<i32>} : memref<16x128xf32, #tpu.memory_space<vmem>>, vector<16xf32>,
    %swap3A_560 = arith.constant 15 : i32
    %swap3A_561 = arith.index_cast %swap3A_560 : i32 to index
    %swap3A_562 = arith.constant 112 : index
    %swap3A_563 = tpu.vector_load %arg5[%swap3A_561, %swap3A_562] {strides = array<i32>} : memref<16x128xf32, #tpu.memory_space<vmem>>, vector<16xf32>,
    tpu.vector_store %arg5[%swap3A_561, %swap3A_562], %broadcast_in_dim3A_52 {strides = array<i32>} : memref<16x128xf32, #tpu.memory_space<vmem>>, vector<16xf32>,
    %iota3A = tpu.iota {dimensions = array<i32: 0>} : vector<16xi32>
    %broadcast_in_dim3A_564 = arith.constant 4 : i32
    %broadcast_in_dim3A_565 = vector.broadcast %broadcast_in_dim3A_564 : i32 to vector<16xi32>
    %slice3A = vector.extract_strided_slice %get3A_0 {offsets = [0], sizes = [1], strides = [1]} : vector<16xi32> to vector<1xi32>
    %squeeze3A = vector.extract %slice3A[0] : i32 from vector<1xi32>
    %broadcast_in_dim3A_566 = vector.broadcast %squeeze3A : i32 to vector<16xi32>
    %sub3A_567 = arith.subi %broadcast_in_dim3A_566, %sub3A_38 : vector<16xi32>
    %slice3A_568 = vector.extract_strided_slice %get3A_8 {offsets = [0], sizes = [1], strides = [1]} : vector<16xi32> to vector<1xi32>
    %squeeze3A_569 = vector.extract %slice3A_568[0] : i32 from vector<1xi32>
    %broadcast_in_dim3A_570 = vector.broadcast %squeeze3A_569 : i32 to vector<16xi32>
    %sub3A_571 = arith.subi %broadcast_in_dim3A_570, %sub3A_44 : vector<16xi32>
    %slice3A_572 = vector.extract_strided_slice %get3A_16 {offsets = [0], sizes = [1], strides = [1]} : vector<16xi32> to vector<1xi32>
    %squeeze3A_573 = vector.extract %slice3A_572[0] : i32 from vector<1xi32>
    %broadcast_in_dim3A_574 = vector.broadcast %squeeze3A_573 : i32 to vector<16xi32>
    %sub3A_575 = arith.subi %broadcast_in_dim3A_574, %sub3A_51 : vector<16xi32>
    %bitcast3A_576 = vector.bitcast %sub3A_567 : vector<16xi32> to vector<16xi32>
    %le3A = arith.cmpi ule, %bitcast3A_576, %broadcast_in_dim3A_565 : vector<16xi32>
    %bitcast3A_577 = vector.bitcast %sub3A_571 : vector<16xi32> to vector<16xi32>
    %le3A_578 = arith.cmpi ule, %bitcast3A_577, %broadcast_in_dim3A_565 : vector<16xi32>
    %and3A = arith.andi %le3A, %le3A_578 : vector<16xi1>
    %bitcast3A_579 = vector.bitcast %sub3A_575 : vector<16xi32> to vector<16xi32>
    %le3A_580 = arith.cmpi ule, %bitcast3A_579, %broadcast_in_dim3A_565 : vector<16xi32>
    %and3A_581 = arith.andi %and3A, %le3A_580 : vector<16xi1>
    %mul3A_582 = arith.constant 5 : i32
    %mul3A_583 = vector.broadcast %mul3A_582 : i32 to vector<16xi32>
    %mul3A_584 = arith.muli %sub3A_567, %mul3A_583 : vector<16xi32>
    %add3A_585 = arith.addi %mul3A_584, %sub3A_571 : vector<16xi32>
    %mul3A_586 = arith.constant 5 : i32
    %mul3A_587 = vector.broadcast %mul3A_586 : i32 to vector<16xi32>
    %mul3A_588 = arith.muli %add3A_585, %mul3A_587 : vector<16xi32>
    %add3A_589 = arith.addi %mul3A_588, %sub3A_575 : vector<16xi32>
    %slice3A_590 = vector.extract_strided_slice %bitcast3A {offsets = [0], sizes = [1], strides = [1]} : vector<16xf32> to vector<1xf32>
    %squeeze3A_591 = vector.extract %slice3A_590[0] : f32 from vector<1xf32>
    %broadcast_in_dim3A_592 = vector.broadcast %squeeze3A_591 : f32 to vector<16xf32>
    tpu.vector_store_idx %arg5[%iota3A, %add3A_589], %broadcast_in_dim3A_592 masked %and3A_581 : memref<16x128xf32, #tpu.memory_space<vmem>>[vector<16xi32>, vector<16xi32>], vector<16xf32>, vector<16xi1>
    %slice3A_593 = vector.extract_strided_slice %get3A_0 {offsets = [1], sizes = [1], strides = [1]} : vector<16xi32> to vector<1xi32>
    %squeeze3A_594 = vector.extract %slice3A_593[0] : i32 from vector<1xi32>
    %broadcast_in_dim3A_595 = vector.broadcast %squeeze3A_594 : i32 to vector<16xi32>
    %sub3A_596 = arith.subi %broadcast_in_dim3A_595, %sub3A_38 : vector<16xi32>
    %slice3A_597 = vector.extract_strided_slice %get3A_8 {offsets = [1], sizes = [1], strides = [1]} : vector<16xi32> to vector<1xi32>
    %squeeze3A_598 = vector.extract %slice3A_597[0] : i32 from vector<1xi32>
    %broadcast_in_dim3A_599 = vector.broadcast %squeeze3A_598 : i32 to vector<16xi32>
    %sub3A_600 = arith.subi %broadcast_in_dim3A_599, %sub3A_44 : vector<16xi32>
    %slice3A_601 = vector.extract_strided_slice %get3A_16 {offsets = [1], sizes = [1], strides = [1]} : vector<16xi32> to vector<1xi32>
    %squeeze3A_602 = vector.extract %slice3A_601[0] : i32 from vector<1xi32>
    %broadcast_in_dim3A_603 = vector.broadcast %squeeze3A_602 : i32 to vector<16xi32>
    %sub3A_604 = arith.subi %broadcast_in_dim3A_603, %sub3A_51 : vector<16xi32>
    %bitcast3A_605 = vector.bitcast %sub3A_596 : vector<16xi32> to vector<16xi32>
    %le3A_606 = arith.cmpi ule, %bitcast3A_605, %broadcast_in_dim3A_565 : vector<16xi32>
    %bitcast3A_607 = vector.bitcast %sub3A_600 : vector<16xi32> to vector<16xi32>
    %le3A_608 = arith.cmpi ule, %bitcast3A_607, %broadcast_in_dim3A_565 : vector<16xi32>
    %and3A_609 = arith.andi %le3A_606, %le3A_608 : vector<16xi1>
    %bitcast3A_610 = vector.bitcast %sub3A_604 : vector<16xi32> to vector<16xi32>
    %le3A_611 = arith.cmpi ule, %bitcast3A_610, %broadcast_in_dim3A_565 : vector<16xi32>
    %and3A_612 = arith.andi %and3A_609, %le3A_611 : vector<16xi1>
    %mul3A_613 = arith.constant 5 : i32
    %mul3A_614 = vector.broadcast %mul3A_613 : i32 to vector<16xi32>
    %mul3A_615 = arith.muli %sub3A_596, %mul3A_614 : vector<16xi32>
    %add3A_616 = arith.addi %mul3A_615, %sub3A_600 : vector<16xi32>
    %mul3A_617 = arith.constant 5 : i32
    %mul3A_618 = vector.broadcast %mul3A_617 : i32 to vector<16xi32>
    %mul3A_619 = arith.muli %add3A_616, %mul3A_618 : vector<16xi32>
    %add3A_620 = arith.addi %mul3A_619, %sub3A_604 : vector<16xi32>
    %slice3A_621 = vector.extract_strided_slice %bitcast3A {offsets = [1], sizes = [1], strides = [1]} : vector<16xf32> to vector<1xf32>
    %squeeze3A_622 = vector.extract %slice3A_621[0] : f32 from vector<1xf32>
    %broadcast_in_dim3A_623 = vector.broadcast %squeeze3A_622 : f32 to vector<16xf32>
    tpu.vector_store_idx %arg5[%iota3A, %add3A_620], %broadcast_in_dim3A_623 masked %and3A_612 : memref<16x128xf32, #tpu.memory_space<vmem>>[vector<16xi32>, vector<16xi32>], vector<16xf32>, vector<16xi1>
    %slice3A_624 = vector.extract_strided_slice %get3A_0 {offsets = [2], sizes = [1], strides = [1]} : vector<16xi32> to vector<1xi32>
    %squeeze3A_625 = vector.extract %slice3A_624[0] : i32 from vector<1xi32>
    %broadcast_in_dim3A_626 = vector.broadcast %squeeze3A_625 : i32 to vector<16xi32>
    %sub3A_627 = arith.subi %broadcast_in_dim3A_626, %sub3A_38 : vector<16xi32>
    %slice3A_628 = vector.extract_strided_slice %get3A_8 {offsets = [2], sizes = [1], strides = [1]} : vector<16xi32> to vector<1xi32>
    %squeeze3A_629 = vector.extract %slice3A_628[0] : i32 from vector<1xi32>
    %broadcast_in_dim3A_630 = vector.broadcast %squeeze3A_629 : i32 to vector<16xi32>
    %sub3A_631 = arith.subi %broadcast_in_dim3A_630, %sub3A_44 : vector<16xi32>
    %slice3A_632 = vector.extract_strided_slice %get3A_16 {offsets = [2], sizes = [1], strides = [1]} : vector<16xi32> to vector<1xi32>
    %squeeze3A_633 = vector.extract %slice3A_632[0] : i32 from vector<1xi32>
    %broadcast_in_dim3A_634 = vector.broadcast %squeeze3A_633 : i32 to vector<16xi32>
    %sub3A_635 = arith.subi %broadcast_in_dim3A_634, %sub3A_51 : vector<16xi32>
    %bitcast3A_636 = vector.bitcast %sub3A_627 : vector<16xi32> to vector<16xi32>
    %le3A_637 = arith.cmpi ule, %bitcast3A_636, %broadcast_in_dim3A_565 : vector<16xi32>
    %bitcast3A_638 = vector.bitcast %sub3A_631 : vector<16xi32> to vector<16xi32>
    %le3A_639 = arith.cmpi ule, %bitcast3A_638, %broadcast_in_dim3A_565 : vector<16xi32>
    %and3A_640 = arith.andi %le3A_637, %le3A_639 : vector<16xi1>
    %bitcast3A_641 = vector.bitcast %sub3A_635 : vector<16xi32> to vector<16xi32>
    %le3A_642 = arith.cmpi ule, %bitcast3A_641, %broadcast_in_dim3A_565 : vector<16xi32>
    %and3A_643 = arith.andi %and3A_640, %le3A_642 : vector<16xi1>
    %mul3A_644 = arith.constant 5 : i32
    %mul3A_645 = vector.broadcast %mul3A_644 : i32 to vector<16xi32>
    %mul3A_646 = arith.muli %sub3A_627, %mul3A_645 : vector<16xi32>
    %add3A_647 = arith.addi %mul3A_646, %sub3A_631 : vector<16xi32>
    %mul3A_648 = arith.constant 5 : i32
    %mul3A_649 = vector.broadcast %mul3A_648 : i32 to vector<16xi32>
    %mul3A_650 = arith.muli %add3A_647, %mul3A_649 : vector<16xi32>
    %add3A_651 = arith.addi %mul3A_650, %sub3A_635 : vector<16xi32>
    %slice3A_652 = vector.extract_strided_slice %bitcast3A {offsets = [2], sizes = [1], strides = [1]} : vector<16xf32> to vector<1xf32>
    %squeeze3A_653 = vector.extract %slice3A_652[0] : f32 from vector<1xf32>
    %broadcast_in_dim3A_654 = vector.broadcast %squeeze3A_653 : f32 to vector<16xf32>
    tpu.vector_store_idx %arg5[%iota3A, %add3A_651], %broadcast_in_dim3A_654 masked %and3A_643 : memref<16x128xf32, #tpu.memory_space<vmem>>[vector<16xi32>, vector<16xi32>], vector<16xf32>, vector<16xi1>
    %slice3A_655 = vector.extract_strided_slice %get3A_0 {offsets = [3], sizes = [1], strides = [1]} : vector<16xi32> to vector<1xi32>
    %squeeze3A_656 = vector.extract %slice3A_655[0] : i32 from vector<1xi32>
    %broadcast_in_dim3A_657 = vector.broadcast %squeeze3A_656 : i32 to vector<16xi32>
    %sub3A_658 = arith.subi %broadcast_in_dim3A_657, %sub3A_38 : vector<16xi32>
    %slice3A_659 = vector.extract_strided_slice %get3A_8 {offsets = [3], sizes = [1], strides = [1]} : vector<16xi32> to vector<1xi32>
    %squeeze3A_660 = vector.extract %slice3A_659[0] : i32 from vector<1xi32>
    %broadcast_in_dim3A_661 = vector.broadcast %squeeze3A_660 : i32 to vector<16xi32>
    %sub3A_662 = arith.subi %broadcast_in_dim3A_661, %sub3A_44 : vector<16xi32>
    %slice3A_663 = vector.extract_strided_slice %get3A_16 {offsets = [3], sizes = [1], strides = [1]} : vector<16xi32> to vector<1xi32>
    %squeeze3A_664 = vector.extract %slice3A_663[0] : i32 from vector<1xi32>
    %broadcast_in_dim3A_665 = vector.broadcast %squeeze3A_664 : i32 to vector<16xi32>
    %sub3A_666 = arith.subi %broadcast_in_dim3A_665, %sub3A_51 : vector<16xi32>
    %bitcast3A_667 = vector.bitcast %sub3A_658 : vector<16xi32> to vector<16xi32>
    %le3A_668 = arith.cmpi ule, %bitcast3A_667, %broadcast_in_dim3A_565 : vector<16xi32>
    %bitcast3A_669 = vector.bitcast %sub3A_662 : vector<16xi32> to vector<16xi32>
    %le3A_670 = arith.cmpi ule, %bitcast3A_669, %broadcast_in_dim3A_565 : vector<16xi32>
    %and3A_671 = arith.andi %le3A_668, %le3A_670 : vector<16xi1>
    %bitcast3A_672 = vector.bitcast %sub3A_666 : vector<16xi32> to vector<16xi32>
    %le3A_673 = arith.cmpi ule, %bitcast3A_672, %broadcast_in_dim3A_565 : vector<16xi32>
    %and3A_674 = arith.andi %and3A_671, %le3A_673 : vector<16xi1>
    %mul3A_675 = arith.constant 5 : i32
    %mul3A_676 = vector.broadcast %mul3A_675 : i32 to vector<16xi32>
    %mul3A_677 = arith.muli %sub3A_658, %mul3A_676 : vector<16xi32>
    %add3A_678 = arith.addi %mul3A_677, %sub3A_662 : vector<16xi32>
    %mul3A_679 = arith.constant 5 : i32
    %mul3A_680 = vector.broadcast %mul3A_679 : i32 to vector<16xi32>
    %mul3A_681 = arith.muli %add3A_678, %mul3A_680 : vector<16xi32>
    %add3A_682 = arith.addi %mul3A_681, %sub3A_666 : vector<16xi32>
    %slice3A_683 = vector.extract_strided_slice %bitcast3A {offsets = [3], sizes = [1], strides = [1]} : vector<16xf32> to vector<1xf32>
    %squeeze3A_684 = vector.extract %slice3A_683[0] : f32 from vector<1xf32>
    %broadcast_in_dim3A_685 = vector.broadcast %squeeze3A_684 : f32 to vector<16xf32>
    tpu.vector_store_idx %arg5[%iota3A, %add3A_682], %broadcast_in_dim3A_685 masked %and3A_674 : memref<16x128xf32, #tpu.memory_space<vmem>>[vector<16xi32>, vector<16xi32>], vector<16xf32>, vector<16xi1>
    %slice3A_686 = vector.extract_strided_slice %get3A_0 {offsets = [4], sizes = [1], strides = [1]} : vector<16xi32> to vector<1xi32>
    %squeeze3A_687 = vector.extract %slice3A_686[0] : i32 from vector<1xi32>
    %broadcast_in_dim3A_688 = vector.broadcast %squeeze3A_687 : i32 to vector<16xi32>
    %sub3A_689 = arith.subi %broadcast_in_dim3A_688, %sub3A_38 : vector<16xi32>
    %slice3A_690 = vector.extract_strided_slice %get3A_8 {offsets = [4], sizes = [1], strides = [1]} : vector<16xi32> to vector<1xi32>
    %squeeze3A_691 = vector.extract %slice3A_690[0] : i32 from vector<1xi32>
    %broadcast_in_dim3A_692 = vector.broadcast %squeeze3A_691 : i32 to vector<16xi32>
    %sub3A_693 = arith.subi %broadcast_in_dim3A_692, %sub3A_44 : vector<16xi32>
    %slice3A_694 = vector.extract_strided_slice %get3A_16 {offsets = [4], sizes = [1], strides = [1]} : vector<16xi32> to vector<1xi32>
    %squeeze3A_695 = vector.extract %slice3A_694[0] : i32 from vector<1xi32>
    %broadcast_in_dim3A_696 = vector.broadcast %squeeze3A_695 : i32 to vector<16xi32>
    %sub3A_697 = arith.subi %broadcast_in_dim3A_696, %sub3A_51 : vector<16xi32>
    %bitcast3A_698 = vector.bitcast %sub3A_689 : vector<16xi32> to vector<16xi32>
    %le3A_699 = arith.cmpi ule, %bitcast3A_698, %broadcast_in_dim3A_565 : vector<16xi32>
    %bitcast3A_700 = vector.bitcast %sub3A_693 : vector<16xi32> to vector<16xi32>
    %le3A_701 = arith.cmpi ule, %bitcast3A_700, %broadcast_in_dim3A_565 : vector<16xi32>
    %and3A_702 = arith.andi %le3A_699, %le3A_701 : vector<16xi1>
    %bitcast3A_703 = vector.bitcast %sub3A_697 : vector<16xi32> to vector<16xi32>
    %le3A_704 = arith.cmpi ule, %bitcast3A_703, %broadcast_in_dim3A_565 : vector<16xi32>
    %and3A_705 = arith.andi %and3A_702, %le3A_704 : vector<16xi1>
    %mul3A_706 = arith.constant 5 : i32
    %mul3A_707 = vector.broadcast %mul3A_706 : i32 to vector<16xi32>
    %mul3A_708 = arith.muli %sub3A_689, %mul3A_707 : vector<16xi32>
    %add3A_709 = arith.addi %mul3A_708, %sub3A_693 : vector<16xi32>
    %mul3A_710 = arith.constant 5 : i32
    %mul3A_711 = vector.broadcast %mul3A_710 : i32 to vector<16xi32>
    %mul3A_712 = arith.muli %add3A_709, %mul3A_711 : vector<16xi32>
    %add3A_713 = arith.addi %mul3A_712, %sub3A_697 : vector<16xi32>
    %slice3A_714 = vector.extract_strided_slice %bitcast3A {offsets = [4], sizes = [1], strides = [1]} : vector<16xf32> to vector<1xf32>
    %squeeze3A_715 = vector.extract %slice3A_714[0] : f32 from vector<1xf32>
    %broadcast_in_dim3A_716 = vector.broadcast %squeeze3A_715 : f32 to vector<16xf32>
    tpu.vector_store_idx %arg5[%iota3A, %add3A_713], %broadcast_in_dim3A_716 masked %and3A_705 : memref<16x128xf32, #tpu.memory_space<vmem>>[vector<16xi32>, vector<16xi32>], vector<16xf32>, vector<16xi1>
    %slice3A_717 = vector.extract_strided_slice %get3A_0 {offsets = [5], sizes = [1], strides = [1]} : vector<16xi32> to vector<1xi32>
    %squeeze3A_718 = vector.extract %slice3A_717[0] : i32 from vector<1xi32>
    %broadcast_in_dim3A_719 = vector.broadcast %squeeze3A_718 : i32 to vector<16xi32>
    %sub3A_720 = arith.subi %broadcast_in_dim3A_719, %sub3A_38 : vector<16xi32>
    %slice3A_721 = vector.extract_strided_slice %get3A_8 {offsets = [5], sizes = [1], strides = [1]} : vector<16xi32> to vector<1xi32>
    %squeeze3A_722 = vector.extract %slice3A_721[0] : i32 from vector<1xi32>
    %broadcast_in_dim3A_723 = vector.broadcast %squeeze3A_722 : i32 to vector<16xi32>
    %sub3A_724 = arith.subi %broadcast_in_dim3A_723, %sub3A_44 : vector<16xi32>
    %slice3A_725 = vector.extract_strided_slice %get3A_16 {offsets = [5], sizes = [1], strides = [1]} : vector<16xi32> to vector<1xi32>
    %squeeze3A_726 = vector.extract %slice3A_725[0] : i32 from vector<1xi32>
    %broadcast_in_dim3A_727 = vector.broadcast %squeeze3A_726 : i32 to vector<16xi32>
    %sub3A_728 = arith.subi %broadcast_in_dim3A_727, %sub3A_51 : vector<16xi32>
    %bitcast3A_729 = vector.bitcast %sub3A_720 : vector<16xi32> to vector<16xi32>
    %le3A_730 = arith.cmpi ule, %bitcast3A_729, %broadcast_in_dim3A_565 : vector<16xi32>
    %bitcast3A_731 = vector.bitcast %sub3A_724 : vector<16xi32> to vector<16xi32>
    %le3A_732 = arith.cmpi ule, %bitcast3A_731, %broadcast_in_dim3A_565 : vector<16xi32>
    %and3A_733 = arith.andi %le3A_730, %le3A_732 : vector<16xi1>
    %bitcast3A_734 = vector.bitcast %sub3A_728 : vector<16xi32> to vector<16xi32>
    %le3A_735 = arith.cmpi ule, %bitcast3A_734, %broadcast_in_dim3A_565 : vector<16xi32>
    %and3A_736 = arith.andi %and3A_733, %le3A_735 : vector<16xi1>
    %mul3A_737 = arith.constant 5 : i32
    %mul3A_738 = vector.broadcast %mul3A_737 : i32 to vector<16xi32>
    %mul3A_739 = arith.muli %sub3A_720, %mul3A_738 : vector<16xi32>
    %add3A_740 = arith.addi %mul3A_739, %sub3A_724 : vector<16xi32>
    %mul3A_741 = arith.constant 5 : i32
    %mul3A_742 = vector.broadcast %mul3A_741 : i32 to vector<16xi32>
    %mul3A_743 = arith.muli %add3A_740, %mul3A_742 : vector<16xi32>
    %add3A_744 = arith.addi %mul3A_743, %sub3A_728 : vector<16xi32>
    %slice3A_745 = vector.extract_strided_slice %bitcast3A {offsets = [5], sizes = [1], strides = [1]} : vector<16xf32> to vector<1xf32>
    %squeeze3A_746 = vector.extract %slice3A_745[0] : f32 from vector<1xf32>
    %broadcast_in_dim3A_747 = vector.broadcast %squeeze3A_746 : f32 to vector<16xf32>
    tpu.vector_store_idx %arg5[%iota3A, %add3A_744], %broadcast_in_dim3A_747 masked %and3A_736 : memref<16x128xf32, #tpu.memory_space<vmem>>[vector<16xi32>, vector<16xi32>], vector<16xf32>, vector<16xi1>
    %slice3A_748 = vector.extract_strided_slice %get3A_0 {offsets = [6], sizes = [1], strides = [1]} : vector<16xi32> to vector<1xi32>
    %squeeze3A_749 = vector.extract %slice3A_748[0] : i32 from vector<1xi32>
    %broadcast_in_dim3A_750 = vector.broadcast %squeeze3A_749 : i32 to vector<16xi32>
    %sub3A_751 = arith.subi %broadcast_in_dim3A_750, %sub3A_38 : vector<16xi32>
    %slice3A_752 = vector.extract_strided_slice %get3A_8 {offsets = [6], sizes = [1], strides = [1]} : vector<16xi32> to vector<1xi32>
    %squeeze3A_753 = vector.extract %slice3A_752[0] : i32 from vector<1xi32>
    %broadcast_in_dim3A_754 = vector.broadcast %squeeze3A_753 : i32 to vector<16xi32>
    %sub3A_755 = arith.subi %broadcast_in_dim3A_754, %sub3A_44 : vector<16xi32>
    %slice3A_756 = vector.extract_strided_slice %get3A_16 {offsets = [6], sizes = [1], strides = [1]} : vector<16xi32> to vector<1xi32>
    %squeeze3A_757 = vector.extract %slice3A_756[0] : i32 from vector<1xi32>
    %broadcast_in_dim3A_758 = vector.broadcast %squeeze3A_757 : i32 to vector<16xi32>
    %sub3A_759 = arith.subi %broadcast_in_dim3A_758, %sub3A_51 : vector<16xi32>
    %bitcast3A_760 = vector.bitcast %sub3A_751 : vector<16xi32> to vector<16xi32>
    %le3A_761 = arith.cmpi ule, %bitcast3A_760, %broadcast_in_dim3A_565 : vector<16xi32>
    %bitcast3A_762 = vector.bitcast %sub3A_755 : vector<16xi32> to vector<16xi32>
    %le3A_763 = arith.cmpi ule, %bitcast3A_762, %broadcast_in_dim3A_565 : vector<16xi32>
    %and3A_764 = arith.andi %le3A_761, %le3A_763 : vector<16xi1>
    %bitcast3A_765 = vector.bitcast %sub3A_759 : vector<16xi32> to vector<16xi32>
    %le3A_766 = arith.cmpi ule, %bitcast3A_765, %broadcast_in_dim3A_565 : vector<16xi32>
    %and3A_767 = arith.andi %and3A_764, %le3A_766 : vector<16xi1>
    %mul3A_768 = arith.constant 5 : i32
    %mul3A_769 = vector.broadcast %mul3A_768 : i32 to vector<16xi32>
    %mul3A_770 = arith.muli %sub3A_751, %mul3A_769 : vector<16xi32>
    %add3A_771 = arith.addi %mul3A_770, %sub3A_755 : vector<16xi32>
    %mul3A_772 = arith.constant 5 : i32
    %mul3A_773 = vector.broadcast %mul3A_772 : i32 to vector<16xi32>
    %mul3A_774 = arith.muli %add3A_771, %mul3A_773 : vector<16xi32>
    %add3A_775 = arith.addi %mul3A_774, %sub3A_759 : vector<16xi32>
    %slice3A_776 = vector.extract_strided_slice %bitcast3A {offsets = [6], sizes = [1], strides = [1]} : vector<16xf32> to vector<1xf32>
    %squeeze3A_777 = vector.extract %slice3A_776[0] : f32 from vector<1xf32>
    %broadcast_in_dim3A_778 = vector.broadcast %squeeze3A_777 : f32 to vector<16xf32>
    tpu.vector_store_idx %arg5[%iota3A, %add3A_775], %broadcast_in_dim3A_778 masked %and3A_767 : memref<16x128xf32, #tpu.memory_space<vmem>>[vector<16xi32>, vector<16xi32>], vector<16xf32>, vector<16xi1>
    %slice3A_779 = vector.extract_strided_slice %get3A_0 {offsets = [7], sizes = [1], strides = [1]} : vector<16xi32> to vector<1xi32>
    %squeeze3A_780 = vector.extract %slice3A_779[0] : i32 from vector<1xi32>
    %broadcast_in_dim3A_781 = vector.broadcast %squeeze3A_780 : i32 to vector<16xi32>
    %sub3A_782 = arith.subi %broadcast_in_dim3A_781, %sub3A_38 : vector<16xi32>
    %slice3A_783 = vector.extract_strided_slice %get3A_8 {offsets = [7], sizes = [1], strides = [1]} : vector<16xi32> to vector<1xi32>
    %squeeze3A_784 = vector.extract %slice3A_783[0] : i32 from vector<1xi32>
    %broadcast_in_dim3A_785 = vector.broadcast %squeeze3A_784 : i32 to vector<16xi32>
    %sub3A_786 = arith.subi %broadcast_in_dim3A_785, %sub3A_44 : vector<16xi32>
    %slice3A_787 = vector.extract_strided_slice %get3A_16 {offsets = [7], sizes = [1], strides = [1]} : vector<16xi32> to vector<1xi32>
    %squeeze3A_788 = vector.extract %slice3A_787[0] : i32 from vector<1xi32>
    %broadcast_in_dim3A_789 = vector.broadcast %squeeze3A_788 : i32 to vector<16xi32>
    %sub3A_790 = arith.subi %broadcast_in_dim3A_789, %sub3A_51 : vector<16xi32>
    %bitcast3A_791 = vector.bitcast %sub3A_782 : vector<16xi32> to vector<16xi32>
    %le3A_792 = arith.cmpi ule, %bitcast3A_791, %broadcast_in_dim3A_565 : vector<16xi32>
    %bitcast3A_793 = vector.bitcast %sub3A_786 : vector<16xi32> to vector<16xi32>
    %le3A_794 = arith.cmpi ule, %bitcast3A_793, %broadcast_in_dim3A_565 : vector<16xi32>
    %and3A_795 = arith.andi %le3A_792, %le3A_794 : vector<16xi1>
    %bitcast3A_796 = vector.bitcast %sub3A_790 : vector<16xi32> to vector<16xi32>
    %le3A_797 = arith.cmpi ule, %bitcast3A_796, %broadcast_in_dim3A_565 : vector<16xi32>
    %and3A_798 = arith.andi %and3A_795, %le3A_797 : vector<16xi1>
    %mul3A_799 = arith.constant 5 : i32
    %mul3A_800 = vector.broadcast %mul3A_799 : i32 to vector<16xi32>
    %mul3A_801 = arith.muli %sub3A_782, %mul3A_800 : vector<16xi32>
    %add3A_802 = arith.addi %mul3A_801, %sub3A_786 : vector<16xi32>
    %mul3A_803 = arith.constant 5 : i32
    %mul3A_804 = vector.broadcast %mul3A_803 : i32 to vector<16xi32>
    %mul3A_805 = arith.muli %add3A_802, %mul3A_804 : vector<16xi32>
    %add3A_806 = arith.addi %mul3A_805, %sub3A_790 : vector<16xi32>
    %slice3A_807 = vector.extract_strided_slice %bitcast3A {offsets = [7], sizes = [1], strides = [1]} : vector<16xf32> to vector<1xf32>
    %squeeze3A_808 = vector.extract %slice3A_807[0] : f32 from vector<1xf32>
    %broadcast_in_dim3A_809 = vector.broadcast %squeeze3A_808 : f32 to vector<16xf32>
    tpu.vector_store_idx %arg5[%iota3A, %add3A_806], %broadcast_in_dim3A_809 masked %and3A_798 : memref<16x128xf32, #tpu.memory_space<vmem>>[vector<16xi32>, vector<16xi32>], vector<16xf32>, vector<16xi1>
    %slice3A_810 = vector.extract_strided_slice %get3A_0 {offsets = [8], sizes = [1], strides = [1]} : vector<16xi32> to vector<1xi32>
    %squeeze3A_811 = vector.extract %slice3A_810[0] : i32 from vector<1xi32>
    %broadcast_in_dim3A_812 = vector.broadcast %squeeze3A_811 : i32 to vector<16xi32>
    %sub3A_813 = arith.subi %broadcast_in_dim3A_812, %sub3A_38 : vector<16xi32>
    %slice3A_814 = vector.extract_strided_slice %get3A_8 {offsets = [8], sizes = [1], strides = [1]} : vector<16xi32> to vector<1xi32>
    %squeeze3A_815 = vector.extract %slice3A_814[0] : i32 from vector<1xi32>
    %broadcast_in_dim3A_816 = vector.broadcast %squeeze3A_815 : i32 to vector<16xi32>
    %sub3A_817 = arith.subi %broadcast_in_dim3A_816, %sub3A_44 : vector<16xi32>
    %slice3A_818 = vector.extract_strided_slice %get3A_16 {offsets = [8], sizes = [1], strides = [1]} : vector<16xi32> to vector<1xi32>
    %squeeze3A_819 = vector.extract %slice3A_818[0] : i32 from vector<1xi32>
    %broadcast_in_dim3A_820 = vector.broadcast %squeeze3A_819 : i32 to vector<16xi32>
    %sub3A_821 = arith.subi %broadcast_in_dim3A_820, %sub3A_51 : vector<16xi32>
    %bitcast3A_822 = vector.bitcast %sub3A_813 : vector<16xi32> to vector<16xi32>
    %le3A_823 = arith.cmpi ule, %bitcast3A_822, %broadcast_in_dim3A_565 : vector<16xi32>
    %bitcast3A_824 = vector.bitcast %sub3A_817 : vector<16xi32> to vector<16xi32>
    %le3A_825 = arith.cmpi ule, %bitcast3A_824, %broadcast_in_dim3A_565 : vector<16xi32>
    %and3A_826 = arith.andi %le3A_823, %le3A_825 : vector<16xi1>
    %bitcast3A_827 = vector.bitcast %sub3A_821 : vector<16xi32> to vector<16xi32>
    %le3A_828 = arith.cmpi ule, %bitcast3A_827, %broadcast_in_dim3A_565 : vector<16xi32>
    %and3A_829 = arith.andi %and3A_826, %le3A_828 : vector<16xi1>
    %mul3A_830 = arith.constant 5 : i32
    %mul3A_831 = vector.broadcast %mul3A_830 : i32 to vector<16xi32>
    %mul3A_832 = arith.muli %sub3A_813, %mul3A_831 : vector<16xi32>
    %add3A_833 = arith.addi %mul3A_832, %sub3A_817 : vector<16xi32>
    %mul3A_834 = arith.constant 5 : i32
    %mul3A_835 = vector.broadcast %mul3A_834 : i32 to vector<16xi32>
    %mul3A_836 = arith.muli %add3A_833, %mul3A_835 : vector<16xi32>
    %add3A_837 = arith.addi %mul3A_836, %sub3A_821 : vector<16xi32>
    %slice3A_838 = vector.extract_strided_slice %bitcast3A {offsets = [8], sizes = [1], strides = [1]} : vector<16xf32> to vector<1xf32>
    %squeeze3A_839 = vector.extract %slice3A_838[0] : f32 from vector<1xf32>
    %broadcast_in_dim3A_840 = vector.broadcast %squeeze3A_839 : f32 to vector<16xf32>
    tpu.vector_store_idx %arg5[%iota3A, %add3A_837], %broadcast_in_dim3A_840 masked %and3A_829 : memref<16x128xf32, #tpu.memory_space<vmem>>[vector<16xi32>, vector<16xi32>], vector<16xf32>, vector<16xi1>
    %slice3A_841 = vector.extract_strided_slice %get3A_0 {offsets = [9], sizes = [1], strides = [1]} : vector<16xi32> to vector<1xi32>
    %squeeze3A_842 = vector.extract %slice3A_841[0] : i32 from vector<1xi32>
    %broadcast_in_dim3A_843 = vector.broadcast %squeeze3A_842 : i32 to vector<16xi32>
    %sub3A_844 = arith.subi %broadcast_in_dim3A_843, %sub3A_38 : vector<16xi32>
    %slice3A_845 = vector.extract_strided_slice %get3A_8 {offsets = [9], sizes = [1], strides = [1]} : vector<16xi32> to vector<1xi32>
    %squeeze3A_846 = vector.extract %slice3A_845[0] : i32 from vector<1xi32>
    %broadcast_in_dim3A_847 = vector.broadcast %squeeze3A_846 : i32 to vector<16xi32>
    %sub3A_848 = arith.subi %broadcast_in_dim3A_847, %sub3A_44 : vector<16xi32>
    %slice3A_849 = vector.extract_strided_slice %get3A_16 {offsets = [9], sizes = [1], strides = [1]} : vector<16xi32> to vector<1xi32>
    %squeeze3A_850 = vector.extract %slice3A_849[0] : i32 from vector<1xi32>
    %broadcast_in_dim3A_851 = vector.broadcast %squeeze3A_850 : i32 to vector<16xi32>
    %sub3A_852 = arith.subi %broadcast_in_dim3A_851, %sub3A_51 : vector<16xi32>
    %bitcast3A_853 = vector.bitcast %sub3A_844 : vector<16xi32> to vector<16xi32>
    %le3A_854 = arith.cmpi ule, %bitcast3A_853, %broadcast_in_dim3A_565 : vector<16xi32>
    %bitcast3A_855 = vector.bitcast %sub3A_848 : vector<16xi32> to vector<16xi32>
    %le3A_856 = arith.cmpi ule, %bitcast3A_855, %broadcast_in_dim3A_565 : vector<16xi32>
    %and3A_857 = arith.andi %le3A_854, %le3A_856 : vector<16xi1>
    %bitcast3A_858 = vector.bitcast %sub3A_852 : vector<16xi32> to vector<16xi32>
    %le3A_859 = arith.cmpi ule, %bitcast3A_858, %broadcast_in_dim3A_565 : vector<16xi32>
    %and3A_860 = arith.andi %and3A_857, %le3A_859 : vector<16xi1>
    %mul3A_861 = arith.constant 5 : i32
    %mul3A_862 = vector.broadcast %mul3A_861 : i32 to vector<16xi32>
    %mul3A_863 = arith.muli %sub3A_844, %mul3A_862 : vector<16xi32>
    %add3A_864 = arith.addi %mul3A_863, %sub3A_848 : vector<16xi32>
    %mul3A_865 = arith.constant 5 : i32
    %mul3A_866 = vector.broadcast %mul3A_865 : i32 to vector<16xi32>
    %mul3A_867 = arith.muli %add3A_864, %mul3A_866 : vector<16xi32>
    %add3A_868 = arith.addi %mul3A_867, %sub3A_852 : vector<16xi32>
    %slice3A_869 = vector.extract_strided_slice %bitcast3A {offsets = [9], sizes = [1], strides = [1]} : vector<16xf32> to vector<1xf32>
    %squeeze3A_870 = vector.extract %slice3A_869[0] : f32 from vector<1xf32>
    %broadcast_in_dim3A_871 = vector.broadcast %squeeze3A_870 : f32 to vector<16xf32>
    tpu.vector_store_idx %arg5[%iota3A, %add3A_868], %broadcast_in_dim3A_871 masked %and3A_860 : memref<16x128xf32, #tpu.memory_space<vmem>>[vector<16xi32>, vector<16xi32>], vector<16xf32>, vector<16xi1>
    %slice3A_872 = vector.extract_strided_slice %get3A_0 {offsets = [10], sizes = [1], strides = [1]} : vector<16xi32> to vector<1xi32>
    %squeeze3A_873 = vector.extract %slice3A_872[0] : i32 from vector<1xi32>
    %broadcast_in_dim3A_874 = vector.broadcast %squeeze3A_873 : i32 to vector<16xi32>
    %sub3A_875 = arith.subi %broadcast_in_dim3A_874, %sub3A_38 : vector<16xi32>
    %slice3A_876 = vector.extract_strided_slice %get3A_8 {offsets = [10], sizes = [1], strides = [1]} : vector<16xi32> to vector<1xi32>
    %squeeze3A_877 = vector.extract %slice3A_876[0] : i32 from vector<1xi32>
    %broadcast_in_dim3A_878 = vector.broadcast %squeeze3A_877 : i32 to vector<16xi32>
    %sub3A_879 = arith.subi %broadcast_in_dim3A_878, %sub3A_44 : vector<16xi32>
    %slice3A_880 = vector.extract_strided_slice %get3A_16 {offsets = [10], sizes = [1], strides = [1]} : vector<16xi32> to vector<1xi32>
    %squeeze3A_881 = vector.extract %slice3A_880[0] : i32 from vector<1xi32>
    %broadcast_in_dim3A_882 = vector.broadcast %squeeze3A_881 : i32 to vector<16xi32>
    %sub3A_883 = arith.subi %broadcast_in_dim3A_882, %sub3A_51 : vector<16xi32>
    %bitcast3A_884 = vector.bitcast %sub3A_875 : vector<16xi32> to vector<16xi32>
    %le3A_885 = arith.cmpi ule, %bitcast3A_884, %broadcast_in_dim3A_565 : vector<16xi32>
    %bitcast3A_886 = vector.bitcast %sub3A_879 : vector<16xi32> to vector<16xi32>
    %le3A_887 = arith.cmpi ule, %bitcast3A_886, %broadcast_in_dim3A_565 : vector<16xi32>
    %and3A_888 = arith.andi %le3A_885, %le3A_887 : vector<16xi1>
    %bitcast3A_889 = vector.bitcast %sub3A_883 : vector<16xi32> to vector<16xi32>
    %le3A_890 = arith.cmpi ule, %bitcast3A_889, %broadcast_in_dim3A_565 : vector<16xi32>
    %and3A_891 = arith.andi %and3A_888, %le3A_890 : vector<16xi1>
    %mul3A_892 = arith.constant 5 : i32
    %mul3A_893 = vector.broadcast %mul3A_892 : i32 to vector<16xi32>
    %mul3A_894 = arith.muli %sub3A_875, %mul3A_893 : vector<16xi32>
    %add3A_895 = arith.addi %mul3A_894, %sub3A_879 : vector<16xi32>
    %mul3A_896 = arith.constant 5 : i32
    %mul3A_897 = vector.broadcast %mul3A_896 : i32 to vector<16xi32>
    %mul3A_898 = arith.muli %add3A_895, %mul3A_897 : vector<16xi32>
    %add3A_899 = arith.addi %mul3A_898, %sub3A_883 : vector<16xi32>
    %slice3A_900 = vector.extract_strided_slice %bitcast3A {offsets = [10], sizes = [1], strides = [1]} : vector<16xf32> to vector<1xf32>
    %squeeze3A_901 = vector.extract %slice3A_900[0] : f32 from vector<1xf32>
    %broadcast_in_dim3A_902 = vector.broadcast %squeeze3A_901 : f32 to vector<16xf32>
    tpu.vector_store_idx %arg5[%iota3A, %add3A_899], %broadcast_in_dim3A_902 masked %and3A_891 : memref<16x128xf32, #tpu.memory_space<vmem>>[vector<16xi32>, vector<16xi32>], vector<16xf32>, vector<16xi1>
    %slice3A_903 = vector.extract_strided_slice %get3A_0 {offsets = [11], sizes = [1], strides = [1]} : vector<16xi32> to vector<1xi32>
    %squeeze3A_904 = vector.extract %slice3A_903[0] : i32 from vector<1xi32>
    %broadcast_in_dim3A_905 = vector.broadcast %squeeze3A_904 : i32 to vector<16xi32>
    %sub3A_906 = arith.subi %broadcast_in_dim3A_905, %sub3A_38 : vector<16xi32>
    %slice3A_907 = vector.extract_strided_slice %get3A_8 {offsets = [11], sizes = [1], strides = [1]} : vector<16xi32> to vector<1xi32>
    %squeeze3A_908 = vector.extract %slice3A_907[0] : i32 from vector<1xi32>
    %broadcast_in_dim3A_909 = vector.broadcast %squeeze3A_908 : i32 to vector<16xi32>
    %sub3A_910 = arith.subi %broadcast_in_dim3A_909, %sub3A_44 : vector<16xi32>
    %slice3A_911 = vector.extract_strided_slice %get3A_16 {offsets = [11], sizes = [1], strides = [1]} : vector<16xi32> to vector<1xi32>
    %squeeze3A_912 = vector.extract %slice3A_911[0] : i32 from vector<1xi32>
    %broadcast_in_dim3A_913 = vector.broadcast %squeeze3A_912 : i32 to vector<16xi32>
    %sub3A_914 = arith.subi %broadcast_in_dim3A_913, %sub3A_51 : vector<16xi32>
    %bitcast3A_915 = vector.bitcast %sub3A_906 : vector<16xi32> to vector<16xi32>
    %le3A_916 = arith.cmpi ule, %bitcast3A_915, %broadcast_in_dim3A_565 : vector<16xi32>
    %bitcast3A_917 = vector.bitcast %sub3A_910 : vector<16xi32> to vector<16xi32>
    %le3A_918 = arith.cmpi ule, %bitcast3A_917, %broadcast_in_dim3A_565 : vector<16xi32>
    %and3A_919 = arith.andi %le3A_916, %le3A_918 : vector<16xi1>
    %bitcast3A_920 = vector.bitcast %sub3A_914 : vector<16xi32> to vector<16xi32>
    %le3A_921 = arith.cmpi ule, %bitcast3A_920, %broadcast_in_dim3A_565 : vector<16xi32>
    %and3A_922 = arith.andi %and3A_919, %le3A_921 : vector<16xi1>
    %mul3A_923 = arith.constant 5 : i32
    %mul3A_924 = vector.broadcast %mul3A_923 : i32 to vector<16xi32>
    %mul3A_925 = arith.muli %sub3A_906, %mul3A_924 : vector<16xi32>
    %add3A_926 = arith.addi %mul3A_925, %sub3A_910 : vector<16xi32>
    %mul3A_927 = arith.constant 5 : i32
    %mul3A_928 = vector.broadcast %mul3A_927 : i32 to vector<16xi32>
    %mul3A_929 = arith.muli %add3A_926, %mul3A_928 : vector<16xi32>
    %add3A_930 = arith.addi %mul3A_929, %sub3A_914 : vector<16xi32>
    %slice3A_931 = vector.extract_strided_slice %bitcast3A {offsets = [11], sizes = [1], strides = [1]} : vector<16xf32> to vector<1xf32>
    %squeeze3A_932 = vector.extract %slice3A_931[0] : f32 from vector<1xf32>
    %broadcast_in_dim3A_933 = vector.broadcast %squeeze3A_932 : f32 to vector<16xf32>
    tpu.vector_store_idx %arg5[%iota3A, %add3A_930], %broadcast_in_dim3A_933 masked %and3A_922 : memref<16x128xf32, #tpu.memory_space<vmem>>[vector<16xi32>, vector<16xi32>], vector<16xf32>, vector<16xi1>
    %slice3A_934 = vector.extract_strided_slice %get3A_0 {offsets = [12], sizes = [1], strides = [1]} : vector<16xi32> to vector<1xi32>
    %squeeze3A_935 = vector.extract %slice3A_934[0] : i32 from vector<1xi32>
    %broadcast_in_dim3A_936 = vector.broadcast %squeeze3A_935 : i32 to vector<16xi32>
    %sub3A_937 = arith.subi %broadcast_in_dim3A_936, %sub3A_38 : vector<16xi32>
    %slice3A_938 = vector.extract_strided_slice %get3A_8 {offsets = [12], sizes = [1], strides = [1]} : vector<16xi32> to vector<1xi32>
    %squeeze3A_939 = vector.extract %slice3A_938[0] : i32 from vector<1xi32>
    %broadcast_in_dim3A_940 = vector.broadcast %squeeze3A_939 : i32 to vector<16xi32>
    %sub3A_941 = arith.subi %broadcast_in_dim3A_940, %sub3A_44 : vector<16xi32>
    %slice3A_942 = vector.extract_strided_slice %get3A_16 {offsets = [12], sizes = [1], strides = [1]} : vector<16xi32> to vector<1xi32>
    %squeeze3A_943 = vector.extract %slice3A_942[0] : i32 from vector<1xi32>
    %broadcast_in_dim3A_944 = vector.broadcast %squeeze3A_943 : i32 to vector<16xi32>
    %sub3A_945 = arith.subi %broadcast_in_dim3A_944, %sub3A_51 : vector<16xi32>
    %bitcast3A_946 = vector.bitcast %sub3A_937 : vector<16xi32> to vector<16xi32>
    %le3A_947 = arith.cmpi ule, %bitcast3A_946, %broadcast_in_dim3A_565 : vector<16xi32>
    %bitcast3A_948 = vector.bitcast %sub3A_941 : vector<16xi32> to vector<16xi32>
    %le3A_949 = arith.cmpi ule, %bitcast3A_948, %broadcast_in_dim3A_565 : vector<16xi32>
    %and3A_950 = arith.andi %le3A_947, %le3A_949 : vector<16xi1>
    %bitcast3A_951 = vector.bitcast %sub3A_945 : vector<16xi32> to vector<16xi32>
    %le3A_952 = arith.cmpi ule, %bitcast3A_951, %broadcast_in_dim3A_565 : vector<16xi32>
    %and3A_953 = arith.andi %and3A_950, %le3A_952 : vector<16xi1>
    %mul3A_954 = arith.constant 5 : i32
    %mul3A_955 = vector.broadcast %mul3A_954 : i32 to vector<16xi32>
    %mul3A_956 = arith.muli %sub3A_937, %mul3A_955 : vector<16xi32>
    %add3A_957 = arith.addi %mul3A_956, %sub3A_941 : vector<16xi32>
    %mul3A_958 = arith.constant 5 : i32
    %mul3A_959 = vector.broadcast %mul3A_958 : i32 to vector<16xi32>
    %mul3A_960 = arith.muli %add3A_957, %mul3A_959 : vector<16xi32>
    %add3A_961 = arith.addi %mul3A_960, %sub3A_945 : vector<16xi32>
    %slice3A_962 = vector.extract_strided_slice %bitcast3A {offsets = [12], sizes = [1], strides = [1]} : vector<16xf32> to vector<1xf32>
    %squeeze3A_963 = vector.extract %slice3A_962[0] : f32 from vector<1xf32>
    %broadcast_in_dim3A_964 = vector.broadcast %squeeze3A_963 : f32 to vector<16xf32>
    tpu.vector_store_idx %arg5[%iota3A, %add3A_961], %broadcast_in_dim3A_964 masked %and3A_953 : memref<16x128xf32, #tpu.memory_space<vmem>>[vector<16xi32>, vector<16xi32>], vector<16xf32>, vector<16xi1>
    %slice3A_965 = vector.extract_strided_slice %get3A_0 {offsets = [13], sizes = [1], strides = [1]} : vector<16xi32> to vector<1xi32>
    %squeeze3A_966 = vector.extract %slice3A_965[0] : i32 from vector<1xi32>
    %broadcast_in_dim3A_967 = vector.broadcast %squeeze3A_966 : i32 to vector<16xi32>
    %sub3A_968 = arith.subi %broadcast_in_dim3A_967, %sub3A_38 : vector<16xi32>
    %slice3A_969 = vector.extract_strided_slice %get3A_8 {offsets = [13], sizes = [1], strides = [1]} : vector<16xi32> to vector<1xi32>
    %squeeze3A_970 = vector.extract %slice3A_969[0] : i32 from vector<1xi32>
    %broadcast_in_dim3A_971 = vector.broadcast %squeeze3A_970 : i32 to vector<16xi32>
    %sub3A_972 = arith.subi %broadcast_in_dim3A_971, %sub3A_44 : vector<16xi32>
    %slice3A_973 = vector.extract_strided_slice %get3A_16 {offsets = [13], sizes = [1], strides = [1]} : vector<16xi32> to vector<1xi32>
    %squeeze3A_974 = vector.extract %slice3A_973[0] : i32 from vector<1xi32>
    %broadcast_in_dim3A_975 = vector.broadcast %squeeze3A_974 : i32 to vector<16xi32>
    %sub3A_976 = arith.subi %broadcast_in_dim3A_975, %sub3A_51 : vector<16xi32>
    %bitcast3A_977 = vector.bitcast %sub3A_968 : vector<16xi32> to vector<16xi32>
    %le3A_978 = arith.cmpi ule, %bitcast3A_977, %broadcast_in_dim3A_565 : vector<16xi32>
    %bitcast3A_979 = vector.bitcast %sub3A_972 : vector<16xi32> to vector<16xi32>
    %le3A_980 = arith.cmpi ule, %bitcast3A_979, %broadcast_in_dim3A_565 : vector<16xi32>
    %and3A_981 = arith.andi %le3A_978, %le3A_980 : vector<16xi1>
    %bitcast3A_982 = vector.bitcast %sub3A_976 : vector<16xi32> to vector<16xi32>
    %le3A_983 = arith.cmpi ule, %bitcast3A_982, %broadcast_in_dim3A_565 : vector<16xi32>
    %and3A_984 = arith.andi %and3A_981, %le3A_983 : vector<16xi1>
    %mul3A_985 = arith.constant 5 : i32
    %mul3A_986 = vector.broadcast %mul3A_985 : i32 to vector<16xi32>
    %mul3A_987 = arith.muli %sub3A_968, %mul3A_986 : vector<16xi32>
    %add3A_988 = arith.addi %mul3A_987, %sub3A_972 : vector<16xi32>
    %mul3A_989 = arith.constant 5 : i32
    %mul3A_990 = vector.broadcast %mul3A_989 : i32 to vector<16xi32>
    %mul3A_991 = arith.muli %add3A_988, %mul3A_990 : vector<16xi32>
    %add3A_992 = arith.addi %mul3A_991, %sub3A_976 : vector<16xi32>
    %slice3A_993 = vector.extract_strided_slice %bitcast3A {offsets = [13], sizes = [1], strides = [1]} : vector<16xf32> to vector<1xf32>
    %squeeze3A_994 = vector.extract %slice3A_993[0] : f32 from vector<1xf32>
    %broadcast_in_dim3A_995 = vector.broadcast %squeeze3A_994 : f32 to vector<16xf32>
    tpu.vector_store_idx %arg5[%iota3A, %add3A_992], %broadcast_in_dim3A_995 masked %and3A_984 : memref<16x128xf32, #tpu.memory_space<vmem>>[vector<16xi32>, vector<16xi32>], vector<16xf32>, vector<16xi1>
    %slice3A_996 = vector.extract_strided_slice %get3A_0 {offsets = [14], sizes = [1], strides = [1]} : vector<16xi32> to vector<1xi32>
    %squeeze3A_997 = vector.extract %slice3A_996[0] : i32 from vector<1xi32>
    %broadcast_in_dim3A_998 = vector.broadcast %squeeze3A_997 : i32 to vector<16xi32>
    %sub3A_999 = arith.subi %broadcast_in_dim3A_998, %sub3A_38 : vector<16xi32>
    %slice3A_1000 = vector.extract_strided_slice %get3A_8 {offsets = [14], sizes = [1], strides = [1]} : vector<16xi32> to vector<1xi32>
    %squeeze3A_1001 = vector.extract %slice3A_1000[0] : i32 from vector<1xi32>
    %broadcast_in_dim3A_1002 = vector.broadcast %squeeze3A_1001 : i32 to vector<16xi32>
    %sub3A_1003 = arith.subi %broadcast_in_dim3A_1002, %sub3A_44 : vector<16xi32>
    %slice3A_1004 = vector.extract_strided_slice %get3A_16 {offsets = [14], sizes = [1], strides = [1]} : vector<16xi32> to vector<1xi32>
    %squeeze3A_1005 = vector.extract %slice3A_1004[0] : i32 from vector<1xi32>
    %broadcast_in_dim3A_1006 = vector.broadcast %squeeze3A_1005 : i32 to vector<16xi32>
    %sub3A_1007 = arith.subi %broadcast_in_dim3A_1006, %sub3A_51 : vector<16xi32>
    %bitcast3A_1008 = vector.bitcast %sub3A_999 : vector<16xi32> to vector<16xi32>
    %le3A_1009 = arith.cmpi ule, %bitcast3A_1008, %broadcast_in_dim3A_565 : vector<16xi32>
    %bitcast3A_1010 = vector.bitcast %sub3A_1003 : vector<16xi32> to vector<16xi32>
    %le3A_1011 = arith.cmpi ule, %bitcast3A_1010, %broadcast_in_dim3A_565 : vector<16xi32>
    %and3A_1012 = arith.andi %le3A_1009, %le3A_1011 : vector<16xi1>
    %bitcast3A_1013 = vector.bitcast %sub3A_1007 : vector<16xi32> to vector<16xi32>
    %le3A_1014 = arith.cmpi ule, %bitcast3A_1013, %broadcast_in_dim3A_565 : vector<16xi32>
    %and3A_1015 = arith.andi %and3A_1012, %le3A_1014 : vector<16xi1>
    %mul3A_1016 = arith.constant 5 : i32
    %mul3A_1017 = vector.broadcast %mul3A_1016 : i32 to vector<16xi32>
    %mul3A_1018 = arith.muli %sub3A_999, %mul3A_1017 : vector<16xi32>
    %add3A_1019 = arith.addi %mul3A_1018, %sub3A_1003 : vector<16xi32>
    %mul3A_1020 = arith.constant 5 : i32
    %mul3A_1021 = vector.broadcast %mul3A_1020 : i32 to vector<16xi32>
    %mul3A_1022 = arith.muli %add3A_1019, %mul3A_1021 : vector<16xi32>
    %add3A_1023 = arith.addi %mul3A_1022, %sub3A_1007 : vector<16xi32>
    %slice3A_1024 = vector.extract_strided_slice %bitcast3A {offsets = [14], sizes = [1], strides = [1]} : vector<16xf32> to vector<1xf32>
    %squeeze3A_1025 = vector.extract %slice3A_1024[0] : f32 from vector<1xf32>
    %broadcast_in_dim3A_1026 = vector.broadcast %squeeze3A_1025 : f32 to vector<16xf32>
    tpu.vector_store_idx %arg5[%iota3A, %add3A_1023], %broadcast_in_dim3A_1026 masked %and3A_1015 : memref<16x128xf32, #tpu.memory_space<vmem>>[vector<16xi32>, vector<16xi32>], vector<16xf32>, vector<16xi1>
    %slice3A_1027 = vector.extract_strided_slice %get3A_0 {offsets = [15], sizes = [1], strides = [1]} : vector<16xi32> to vector<1xi32>
    %squeeze3A_1028 = vector.extract %slice3A_1027[0] : i32 from vector<1xi32>
    %broadcast_in_dim3A_1029 = vector.broadcast %squeeze3A_1028 : i32 to vector<16xi32>
    %sub3A_1030 = arith.subi %broadcast_in_dim3A_1029, %sub3A_38 : vector<16xi32>
    %slice3A_1031 = vector.extract_strided_slice %get3A_8 {offsets = [15], sizes = [1], strides = [1]} : vector<16xi32> to vector<1xi32>
    %squeeze3A_1032 = vector.extract %slice3A_1031[0] : i32 from vector<1xi32>
    %broadcast_in_dim3A_1033 = vector.broadcast %squeeze3A_1032 : i32 to vector<16xi32>
    %sub3A_1034 = arith.subi %broadcast_in_dim3A_1033, %sub3A_44 : vector<16xi32>
    %slice3A_1035 = vector.extract_strided_slice %get3A_16 {offsets = [15], sizes = [1], strides = [1]} : vector<16xi32> to vector<1xi32>
    %squeeze3A_1036 = vector.extract %slice3A_1035[0] : i32 from vector<1xi32>
    %broadcast_in_dim3A_1037 = vector.broadcast %squeeze3A_1036 : i32 to vector<16xi32>
    %sub3A_1038 = arith.subi %broadcast_in_dim3A_1037, %sub3A_51 : vector<16xi32>
    %bitcast3A_1039 = vector.bitcast %sub3A_1030 : vector<16xi32> to vector<16xi32>
    %le3A_1040 = arith.cmpi ule, %bitcast3A_1039, %broadcast_in_dim3A_565 : vector<16xi32>
    %bitcast3A_1041 = vector.bitcast %sub3A_1034 : vector<16xi32> to vector<16xi32>
    %le3A_1042 = arith.cmpi ule, %bitcast3A_1041, %broadcast_in_dim3A_565 : vector<16xi32>
    %and3A_1043 = arith.andi %le3A_1040, %le3A_1042 : vector<16xi1>
    %bitcast3A_1044 = vector.bitcast %sub3A_1038 : vector<16xi32> to vector<16xi32>
    %le3A_1045 = arith.cmpi ule, %bitcast3A_1044, %broadcast_in_dim3A_565 : vector<16xi32>
    %and3A_1046 = arith.andi %and3A_1043, %le3A_1045 : vector<16xi1>
    %mul3A_1047 = arith.constant 5 : i32
    %mul3A_1048 = vector.broadcast %mul3A_1047 : i32 to vector<16xi32>
    %mul3A_1049 = arith.muli %sub3A_1030, %mul3A_1048 : vector<16xi32>
    %add3A_1050 = arith.addi %mul3A_1049, %sub3A_1034 : vector<16xi32>
    %mul3A_1051 = arith.constant 5 : i32
    %mul3A_1052 = vector.broadcast %mul3A_1051 : i32 to vector<16xi32>
    %mul3A_1053 = arith.muli %add3A_1050, %mul3A_1052 : vector<16xi32>
    %add3A_1054 = arith.addi %mul3A_1053, %sub3A_1038 : vector<16xi32>
    %slice3A_1055 = vector.extract_strided_slice %bitcast3A {offsets = [15], sizes = [1], strides = [1]} : vector<16xf32> to vector<1xf32>
    %squeeze3A_1056 = vector.extract %slice3A_1055[0] : f32 from vector<1xf32>
    %broadcast_in_dim3A_1057 = vector.broadcast %squeeze3A_1056 : f32 to vector<16xf32>
    tpu.vector_store_idx %arg5[%iota3A, %add3A_1054], %broadcast_in_dim3A_1057 masked %and3A_1046 : memref<16x128xf32, #tpu.memory_space<vmem>>[vector<16xi32>, vector<16xi32>], vector<16xf32>, vector<16xi1>
    %slice3A_1058 = vector.extract_strided_slice %get3A_2 {offsets = [0], sizes = [1], strides = [1]} : vector<16xi32> to vector<1xi32>
    %squeeze3A_1059 = vector.extract %slice3A_1058[0] : i32 from vector<1xi32>
    %broadcast_in_dim3A_1060 = vector.broadcast %squeeze3A_1059 : i32 to vector<16xi32>
    %sub3A_1061 = arith.subi %broadcast_in_dim3A_1060, %sub3A_38 : vector<16xi32>
    %slice3A_1062 = vector.extract_strided_slice %get3A_10 {offsets = [0], sizes = [1], strides = [1]} : vector<16xi32> to vector<1xi32>
    %squeeze3A_1063 = vector.extract %slice3A_1062[0] : i32 from vector<1xi32>
    %broadcast_in_dim3A_1064 = vector.broadcast %squeeze3A_1063 : i32 to vector<16xi32>
    %sub3A_1065 = arith.subi %broadcast_in_dim3A_1064, %sub3A_44 : vector<16xi32>
    %slice3A_1066 = vector.extract_strided_slice %get3A_18 {offsets = [0], sizes = [1], strides = [1]} : vector<16xi32> to vector<1xi32>
    %squeeze3A_1067 = vector.extract %slice3A_1066[0] : i32 from vector<1xi32>
    %broadcast_in_dim3A_1068 = vector.broadcast %squeeze3A_1067 : i32 to vector<16xi32>
    %sub3A_1069 = arith.subi %broadcast_in_dim3A_1068, %sub3A_51 : vector<16xi32>
    %bitcast3A_1070 = vector.bitcast %sub3A_1061 : vector<16xi32> to vector<16xi32>
    %le3A_1071 = arith.cmpi ule, %bitcast3A_1070, %broadcast_in_dim3A_565 : vector<16xi32>
    %bitcast3A_1072 = vector.bitcast %sub3A_1065 : vector<16xi32> to vector<16xi32>
    %le3A_1073 = arith.cmpi ule, %bitcast3A_1072, %broadcast_in_dim3A_565 : vector<16xi32>
    %and3A_1074 = arith.andi %le3A_1071, %le3A_1073 : vector<16xi1>
    %bitcast3A_1075 = vector.bitcast %sub3A_1069 : vector<16xi32> to vector<16xi32>
    %le3A_1076 = arith.cmpi ule, %bitcast3A_1075, %broadcast_in_dim3A_565 : vector<16xi32>
    %and3A_1077 = arith.andi %and3A_1074, %le3A_1076 : vector<16xi1>
    %mul3A_1078 = arith.constant 5 : i32
    %mul3A_1079 = vector.broadcast %mul3A_1078 : i32 to vector<16xi32>
    %mul3A_1080 = arith.muli %sub3A_1061, %mul3A_1079 : vector<16xi32>
    %add3A_1081 = arith.addi %mul3A_1080, %sub3A_1065 : vector<16xi32>
    %mul3A_1082 = arith.constant 5 : i32
    %mul3A_1083 = vector.broadcast %mul3A_1082 : i32 to vector<16xi32>
    %mul3A_1084 = arith.muli %add3A_1081, %mul3A_1083 : vector<16xi32>
    %add3A_1085 = arith.addi %mul3A_1084, %sub3A_1069 : vector<16xi32>
    %slice3A_1086 = vector.extract_strided_slice %bitcast3A_27 {offsets = [0], sizes = [1], strides = [1]} : vector<16xf32> to vector<1xf32>
    %squeeze3A_1087 = vector.extract %slice3A_1086[0] : f32 from vector<1xf32>
    %broadcast_in_dim3A_1088 = vector.broadcast %squeeze3A_1087 : f32 to vector<16xf32>
    tpu.vector_store_idx %arg5[%iota3A, %add3A_1085], %broadcast_in_dim3A_1088 masked %and3A_1077 : memref<16x128xf32, #tpu.memory_space<vmem>>[vector<16xi32>, vector<16xi32>], vector<16xf32>, vector<16xi1>
    %slice3A_1089 = vector.extract_strided_slice %get3A_2 {offsets = [1], sizes = [1], strides = [1]} : vector<16xi32> to vector<1xi32>
    %squeeze3A_1090 = vector.extract %slice3A_1089[0] : i32 from vector<1xi32>
    %broadcast_in_dim3A_1091 = vector.broadcast %squeeze3A_1090 : i32 to vector<16xi32>
    %sub3A_1092 = arith.subi %broadcast_in_dim3A_1091, %sub3A_38 : vector<16xi32>
    %slice3A_1093 = vector.extract_strided_slice %get3A_10 {offsets = [1], sizes = [1], strides = [1]} : vector<16xi32> to vector<1xi32>
    %squeeze3A_1094 = vector.extract %slice3A_1093[0] : i32 from vector<1xi32>
    %broadcast_in_dim3A_1095 = vector.broadcast %squeeze3A_1094 : i32 to vector<16xi32>
    %sub3A_1096 = arith.subi %broadcast_in_dim3A_1095, %sub3A_44 : vector<16xi32>
    %slice3A_1097 = vector.extract_strided_slice %get3A_18 {offsets = [1], sizes = [1], strides = [1]} : vector<16xi32> to vector<1xi32>
    %squeeze3A_1098 = vector.extract %slice3A_1097[0] : i32 from vector<1xi32>
    %broadcast_in_dim3A_1099 = vector.broadcast %squeeze3A_1098 : i32 to vector<16xi32>
    %sub3A_1100 = arith.subi %broadcast_in_dim3A_1099, %sub3A_51 : vector<16xi32>
    %bitcast3A_1101 = vector.bitcast %sub3A_1092 : vector<16xi32> to vector<16xi32>
    %le3A_1102 = arith.cmpi ule, %bitcast3A_1101, %broadcast_in_dim3A_565 : vector<16xi32>
    %bitcast3A_1103 = vector.bitcast %sub3A_1096 : vector<16xi32> to vector<16xi32>
    %le3A_1104 = arith.cmpi ule, %bitcast3A_1103, %broadcast_in_dim3A_565 : vector<16xi32>
    %and3A_1105 = arith.andi %le3A_1102, %le3A_1104 : vector<16xi1>
    %bitcast3A_1106 = vector.bitcast %sub3A_1100 : vector<16xi32> to vector<16xi32>
    %le3A_1107 = arith.cmpi ule, %bitcast3A_1106, %broadcast_in_dim3A_565 : vector<16xi32>
    %and3A_1108 = arith.andi %and3A_1105, %le3A_1107 : vector<16xi1>
    %mul3A_1109 = arith.constant 5 : i32
    %mul3A_1110 = vector.broadcast %mul3A_1109 : i32 to vector<16xi32>
    %mul3A_1111 = arith.muli %sub3A_1092, %mul3A_1110 : vector<16xi32>
    %add3A_1112 = arith.addi %mul3A_1111, %sub3A_1096 : vector<16xi32>
    %mul3A_1113 = arith.constant 5 : i32
    %mul3A_1114 = vector.broadcast %mul3A_1113 : i32 to vector<16xi32>
    %mul3A_1115 = arith.muli %add3A_1112, %mul3A_1114 : vector<16xi32>
    %add3A_1116 = arith.addi %mul3A_1115, %sub3A_1100 : vector<16xi32>
    %slice3A_1117 = vector.extract_strided_slice %bitcast3A_27 {offsets = [1], sizes = [1], strides = [1]} : vector<16xf32> to vector<1xf32>
    %squeeze3A_1118 = vector.extract %slice3A_1117[0] : f32 from vector<1xf32>
    %broadcast_in_dim3A_1119 = vector.broadcast %squeeze3A_1118 : f32 to vector<16xf32>
    tpu.vector_store_idx %arg5[%iota3A, %add3A_1116], %broadcast_in_dim3A_1119 masked %and3A_1108 : memref<16x128xf32, #tpu.memory_space<vmem>>[vector<16xi32>, vector<16xi32>], vector<16xf32>, vector<16xi1>
    %slice3A_1120 = vector.extract_strided_slice %get3A_2 {offsets = [2], sizes = [1], strides = [1]} : vector<16xi32> to vector<1xi32>
    %squeeze3A_1121 = vector.extract %slice3A_1120[0] : i32 from vector<1xi32>
    %broadcast_in_dim3A_1122 = vector.broadcast %squeeze3A_1121 : i32 to vector<16xi32>
    %sub3A_1123 = arith.subi %broadcast_in_dim3A_1122, %sub3A_38 : vector<16xi32>
    %slice3A_1124 = vector.extract_strided_slice %get3A_10 {offsets = [2], sizes = [1], strides = [1]} : vector<16xi32> to vector<1xi32>
    %squeeze3A_1125 = vector.extract %slice3A_1124[0] : i32 from vector<1xi32>
    %broadcast_in_dim3A_1126 = vector.broadcast %squeeze3A_1125 : i32 to vector<16xi32>
    %sub3A_1127 = arith.subi %broadcast_in_dim3A_1126, %sub3A_44 : vector<16xi32>
    %slice3A_1128 = vector.extract_strided_slice %get3A_18 {offsets = [2], sizes = [1], strides = [1]} : vector<16xi32> to vector<1xi32>
    %squeeze3A_1129 = vector.extract %slice3A_1128[0] : i32 from vector<1xi32>
    %broadcast_in_dim3A_1130 = vector.broadcast %squeeze3A_1129 : i32 to vector<16xi32>
    %sub3A_1131 = arith.subi %broadcast_in_dim3A_1130, %sub3A_51 : vector<16xi32>
    %bitcast3A_1132 = vector.bitcast %sub3A_1123 : vector<16xi32> to vector<16xi32>
    %le3A_1133 = arith.cmpi ule, %bitcast3A_1132, %broadcast_in_dim3A_565 : vector<16xi32>
    %bitcast3A_1134 = vector.bitcast %sub3A_1127 : vector<16xi32> to vector<16xi32>
    %le3A_1135 = arith.cmpi ule, %bitcast3A_1134, %broadcast_in_dim3A_565 : vector<16xi32>
    %and3A_1136 = arith.andi %le3A_1133, %le3A_1135 : vector<16xi1>
    %bitcast3A_1137 = vector.bitcast %sub3A_1131 : vector<16xi32> to vector<16xi32>
    %le3A_1138 = arith.cmpi ule, %bitcast3A_1137, %broadcast_in_dim3A_565 : vector<16xi32>
    %and3A_1139 = arith.andi %and3A_1136, %le3A_1138 : vector<16xi1>
    %mul3A_1140 = arith.constant 5 : i32
    %mul3A_1141 = vector.broadcast %mul3A_1140 : i32 to vector<16xi32>
    %mul3A_1142 = arith.muli %sub3A_1123, %mul3A_1141 : vector<16xi32>
    %add3A_1143 = arith.addi %mul3A_1142, %sub3A_1127 : vector<16xi32>
    %mul3A_1144 = arith.constant 5 : i32
    %mul3A_1145 = vector.broadcast %mul3A_1144 : i32 to vector<16xi32>
    %mul3A_1146 = arith.muli %add3A_1143, %mul3A_1145 : vector<16xi32>
    %add3A_1147 = arith.addi %mul3A_1146, %sub3A_1131 : vector<16xi32>
    %slice3A_1148 = vector.extract_strided_slice %bitcast3A_27 {offsets = [2], sizes = [1], strides = [1]} : vector<16xf32> to vector<1xf32>
    %squeeze3A_1149 = vector.extract %slice3A_1148[0] : f32 from vector<1xf32>
    %broadcast_in_dim3A_1150 = vector.broadcast %squeeze3A_1149 : f32 to vector<16xf32>
    tpu.vector_store_idx %arg5[%iota3A, %add3A_1147], %broadcast_in_dim3A_1150 masked %and3A_1139 : memref<16x128xf32, #tpu.memory_space<vmem>>[vector<16xi32>, vector<16xi32>], vector<16xf32>, vector<16xi1>
    %slice3A_1151 = vector.extract_strided_slice %get3A_2 {offsets = [3], sizes = [1], strides = [1]} : vector<16xi32> to vector<1xi32>
    %squeeze3A_1152 = vector.extract %slice3A_1151[0] : i32 from vector<1xi32>
    %broadcast_in_dim3A_1153 = vector.broadcast %squeeze3A_1152 : i32 to vector<16xi32>
    %sub3A_1154 = arith.subi %broadcast_in_dim3A_1153, %sub3A_38 : vector<16xi32>
    %slice3A_1155 = vector.extract_strided_slice %get3A_10 {offsets = [3], sizes = [1], strides = [1]} : vector<16xi32> to vector<1xi32>
    %squeeze3A_1156 = vector.extract %slice3A_1155[0] : i32 from vector<1xi32>
    %broadcast_in_dim3A_1157 = vector.broadcast %squeeze3A_1156 : i32 to vector<16xi32>
    %sub3A_1158 = arith.subi %broadcast_in_dim3A_1157, %sub3A_44 : vector<16xi32>
    %slice3A_1159 = vector.extract_strided_slice %get3A_18 {offsets = [3], sizes = [1], strides = [1]} : vector<16xi32> to vector<1xi32>
    %squeeze3A_1160 = vector.extract %slice3A_1159[0] : i32 from vector<1xi32>
    %broadcast_in_dim3A_1161 = vector.broadcast %squeeze3A_1160 : i32 to vector<16xi32>
    %sub3A_1162 = arith.subi %broadcast_in_dim3A_1161, %sub3A_51 : vector<16xi32>
    %bitcast3A_1163 = vector.bitcast %sub3A_1154 : vector<16xi32> to vector<16xi32>
    %le3A_1164 = arith.cmpi ule, %bitcast3A_1163, %broadcast_in_dim3A_565 : vector<16xi32>
    %bitcast3A_1165 = vector.bitcast %sub3A_1158 : vector<16xi32> to vector<16xi32>
    %le3A_1166 = arith.cmpi ule, %bitcast3A_1165, %broadcast_in_dim3A_565 : vector<16xi32>
    %and3A_1167 = arith.andi %le3A_1164, %le3A_1166 : vector<16xi1>
    %bitcast3A_1168 = vector.bitcast %sub3A_1162 : vector<16xi32> to vector<16xi32>
    %le3A_1169 = arith.cmpi ule, %bitcast3A_1168, %broadcast_in_dim3A_565 : vector<16xi32>
    %and3A_1170 = arith.andi %and3A_1167, %le3A_1169 : vector<16xi1>
    %mul3A_1171 = arith.constant 5 : i32
    %mul3A_1172 = vector.broadcast %mul3A_1171 : i32 to vector<16xi32>
    %mul3A_1173 = arith.muli %sub3A_1154, %mul3A_1172 : vector<16xi32>
    %add3A_1174 = arith.addi %mul3A_1173, %sub3A_1158 : vector<16xi32>
    %mul3A_1175 = arith.constant 5 : i32
    %mul3A_1176 = vector.broadcast %mul3A_1175 : i32 to vector<16xi32>
    %mul3A_1177 = arith.muli %add3A_1174, %mul3A_1176 : vector<16xi32>
    %add3A_1178 = arith.addi %mul3A_1177, %sub3A_1162 : vector<16xi32>
    %slice3A_1179 = vector.extract_strided_slice %bitcast3A_27 {offsets = [3], sizes = [1], strides = [1]} : vector<16xf32> to vector<1xf32>
    %squeeze3A_1180 = vector.extract %slice3A_1179[0] : f32 from vector<1xf32>
    %broadcast_in_dim3A_1181 = vector.broadcast %squeeze3A_1180 : f32 to vector<16xf32>
    tpu.vector_store_idx %arg5[%iota3A, %add3A_1178], %broadcast_in_dim3A_1181 masked %and3A_1170 : memref<16x128xf32, #tpu.memory_space<vmem>>[vector<16xi32>, vector<16xi32>], vector<16xf32>, vector<16xi1>
    %slice3A_1182 = vector.extract_strided_slice %get3A_2 {offsets = [4], sizes = [1], strides = [1]} : vector<16xi32> to vector<1xi32>
    %squeeze3A_1183 = vector.extract %slice3A_1182[0] : i32 from vector<1xi32>
    %broadcast_in_dim3A_1184 = vector.broadcast %squeeze3A_1183 : i32 to vector<16xi32>
    %sub3A_1185 = arith.subi %broadcast_in_dim3A_1184, %sub3A_38 : vector<16xi32>
    %slice3A_1186 = vector.extract_strided_slice %get3A_10 {offsets = [4], sizes = [1], strides = [1]} : vector<16xi32> to vector<1xi32>
    %squeeze3A_1187 = vector.extract %slice3A_1186[0] : i32 from vector<1xi32>
    %broadcast_in_dim3A_1188 = vector.broadcast %squeeze3A_1187 : i32 to vector<16xi32>
    %sub3A_1189 = arith.subi %broadcast_in_dim3A_1188, %sub3A_44 : vector<16xi32>
    %slice3A_1190 = vector.extract_strided_slice %get3A_18 {offsets = [4], sizes = [1], strides = [1]} : vector<16xi32> to vector<1xi32>
    %squeeze3A_1191 = vector.extract %slice3A_1190[0] : i32 from vector<1xi32>
    %broadcast_in_dim3A_1192 = vector.broadcast %squeeze3A_1191 : i32 to vector<16xi32>
    %sub3A_1193 = arith.subi %broadcast_in_dim3A_1192, %sub3A_51 : vector<16xi32>
    %bitcast3A_1194 = vector.bitcast %sub3A_1185 : vector<16xi32> to vector<16xi32>
    %le3A_1195 = arith.cmpi ule, %bitcast3A_1194, %broadcast_in_dim3A_565 : vector<16xi32>
    %bitcast3A_1196 = vector.bitcast %sub3A_1189 : vector<16xi32> to vector<16xi32>
    %le3A_1197 = arith.cmpi ule, %bitcast3A_1196, %broadcast_in_dim3A_565 : vector<16xi32>
    %and3A_1198 = arith.andi %le3A_1195, %le3A_1197 : vector<16xi1>
    %bitcast3A_1199 = vector.bitcast %sub3A_1193 : vector<16xi32> to vector<16xi32>
    %le3A_1200 = arith.cmpi ule, %bitcast3A_1199, %broadcast_in_dim3A_565 : vector<16xi32>
    %and3A_1201 = arith.andi %and3A_1198, %le3A_1200 : vector<16xi1>
    %mul3A_1202 = arith.constant 5 : i32
    %mul3A_1203 = vector.broadcast %mul3A_1202 : i32 to vector<16xi32>
    %mul3A_1204 = arith.muli %sub3A_1185, %mul3A_1203 : vector<16xi32>
    %add3A_1205 = arith.addi %mul3A_1204, %sub3A_1189 : vector<16xi32>
    %mul3A_1206 = arith.constant 5 : i32
    %mul3A_1207 = vector.broadcast %mul3A_1206 : i32 to vector<16xi32>
    %mul3A_1208 = arith.muli %add3A_1205, %mul3A_1207 : vector<16xi32>
    %add3A_1209 = arith.addi %mul3A_1208, %sub3A_1193 : vector<16xi32>
    %slice3A_1210 = vector.extract_strided_slice %bitcast3A_27 {offsets = [4], sizes = [1], strides = [1]} : vector<16xf32> to vector<1xf32>
    %squeeze3A_1211 = vector.extract %slice3A_1210[0] : f32 from vector<1xf32>
    %broadcast_in_dim3A_1212 = vector.broadcast %squeeze3A_1211 : f32 to vector<16xf32>
    tpu.vector_store_idx %arg5[%iota3A, %add3A_1209], %broadcast_in_dim3A_1212 masked %and3A_1201 : memref<16x128xf32, #tpu.memory_space<vmem>>[vector<16xi32>, vector<16xi32>], vector<16xf32>, vector<16xi1>
    %slice3A_1213 = vector.extract_strided_slice %get3A_2 {offsets = [5], sizes = [1], strides = [1]} : vector<16xi32> to vector<1xi32>
    %squeeze3A_1214 = vector.extract %slice3A_1213[0] : i32 from vector<1xi32>
    %broadcast_in_dim3A_1215 = vector.broadcast %squeeze3A_1214 : i32 to vector<16xi32>
    %sub3A_1216 = arith.subi %broadcast_in_dim3A_1215, %sub3A_38 : vector<16xi32>
    %slice3A_1217 = vector.extract_strided_slice %get3A_10 {offsets = [5], sizes = [1], strides = [1]} : vector<16xi32> to vector<1xi32>
    %squeeze3A_1218 = vector.extract %slice3A_1217[0] : i32 from vector<1xi32>
    %broadcast_in_dim3A_1219 = vector.broadcast %squeeze3A_1218 : i32 to vector<16xi32>
    %sub3A_1220 = arith.subi %broadcast_in_dim3A_1219, %sub3A_44 : vector<16xi32>
    %slice3A_1221 = vector.extract_strided_slice %get3A_18 {offsets = [5], sizes = [1], strides = [1]} : vector<16xi32> to vector<1xi32>
    %squeeze3A_1222 = vector.extract %slice3A_1221[0] : i32 from vector<1xi32>
    %broadcast_in_dim3A_1223 = vector.broadcast %squeeze3A_1222 : i32 to vector<16xi32>
    %sub3A_1224 = arith.subi %broadcast_in_dim3A_1223, %sub3A_51 : vector<16xi32>
    %bitcast3A_1225 = vector.bitcast %sub3A_1216 : vector<16xi32> to vector<16xi32>
    %le3A_1226 = arith.cmpi ule, %bitcast3A_1225, %broadcast_in_dim3A_565 : vector<16xi32>
    %bitcast3A_1227 = vector.bitcast %sub3A_1220 : vector<16xi32> to vector<16xi32>
    %le3A_1228 = arith.cmpi ule, %bitcast3A_1227, %broadcast_in_dim3A_565 : vector<16xi32>
    %and3A_1229 = arith.andi %le3A_1226, %le3A_1228 : vector<16xi1>
    %bitcast3A_1230 = vector.bitcast %sub3A_1224 : vector<16xi32> to vector<16xi32>
    %le3A_1231 = arith.cmpi ule, %bitcast3A_1230, %broadcast_in_dim3A_565 : vector<16xi32>
    %and3A_1232 = arith.andi %and3A_1229, %le3A_1231 : vector<16xi1>
    %mul3A_1233 = arith.constant 5 : i32
    %mul3A_1234 = vector.broadcast %mul3A_1233 : i32 to vector<16xi32>
    %mul3A_1235 = arith.muli %sub3A_1216, %mul3A_1234 : vector<16xi32>
    %add3A_1236 = arith.addi %mul3A_1235, %sub3A_1220 : vector<16xi32>
    %mul3A_1237 = arith.constant 5 : i32
    %mul3A_1238 = vector.broadcast %mul3A_1237 : i32 to vector<16xi32>
    %mul3A_1239 = arith.muli %add3A_1236, %mul3A_1238 : vector<16xi32>
    %add3A_1240 = arith.addi %mul3A_1239, %sub3A_1224 : vector<16xi32>
    %slice3A_1241 = vector.extract_strided_slice %bitcast3A_27 {offsets = [5], sizes = [1], strides = [1]} : vector<16xf32> to vector<1xf32>
    %squeeze3A_1242 = vector.extract %slice3A_1241[0] : f32 from vector<1xf32>
    %broadcast_in_dim3A_1243 = vector.broadcast %squeeze3A_1242 : f32 to vector<16xf32>
    tpu.vector_store_idx %arg5[%iota3A, %add3A_1240], %broadcast_in_dim3A_1243 masked %and3A_1232 : memref<16x128xf32, #tpu.memory_space<vmem>>[vector<16xi32>, vector<16xi32>], vector<16xf32>, vector<16xi1>
    %slice3A_1244 = vector.extract_strided_slice %get3A_2 {offsets = [6], sizes = [1], strides = [1]} : vector<16xi32> to vector<1xi32>
    %squeeze3A_1245 = vector.extract %slice3A_1244[0] : i32 from vector<1xi32>
    %broadcast_in_dim3A_1246 = vector.broadcast %squeeze3A_1245 : i32 to vector<16xi32>
    %sub3A_1247 = arith.subi %broadcast_in_dim3A_1246, %sub3A_38 : vector<16xi32>
    %slice3A_1248 = vector.extract_strided_slice %get3A_10 {offsets = [6], sizes = [1], strides = [1]} : vector<16xi32> to vector<1xi32>
    %squeeze3A_1249 = vector.extract %slice3A_1248[0] : i32 from vector<1xi32>
    %broadcast_in_dim3A_1250 = vector.broadcast %squeeze3A_1249 : i32 to vector<16xi32>
    %sub3A_1251 = arith.subi %broadcast_in_dim3A_1250, %sub3A_44 : vector<16xi32>
    %slice3A_1252 = vector.extract_strided_slice %get3A_18 {offsets = [6], sizes = [1], strides = [1]} : vector<16xi32> to vector<1xi32>
    %squeeze3A_1253 = vector.extract %slice3A_1252[0] : i32 from vector<1xi32>
    %broadcast_in_dim3A_1254 = vector.broadcast %squeeze3A_1253 : i32 to vector<16xi32>
    %sub3A_1255 = arith.subi %broadcast_in_dim3A_1254, %sub3A_51 : vector<16xi32>
    %bitcast3A_1256 = vector.bitcast %sub3A_1247 : vector<16xi32> to vector<16xi32>
    %le3A_1257 = arith.cmpi ule, %bitcast3A_1256, %broadcast_in_dim3A_565 : vector<16xi32>
    %bitcast3A_1258 = vector.bitcast %sub3A_1251 : vector<16xi32> to vector<16xi32>
    %le3A_1259 = arith.cmpi ule, %bitcast3A_1258, %broadcast_in_dim3A_565 : vector<16xi32>
    %and3A_1260 = arith.andi %le3A_1257, %le3A_1259 : vector<16xi1>
    %bitcast3A_1261 = vector.bitcast %sub3A_1255 : vector<16xi32> to vector<16xi32>
    %le3A_1262 = arith.cmpi ule, %bitcast3A_1261, %broadcast_in_dim3A_565 : vector<16xi32>
    %and3A_1263 = arith.andi %and3A_1260, %le3A_1262 : vector<16xi1>
    %mul3A_1264 = arith.constant 5 : i32
    %mul3A_1265 = vector.broadcast %mul3A_1264 : i32 to vector<16xi32>
    %mul3A_1266 = arith.muli %sub3A_1247, %mul3A_1265 : vector<16xi32>
    %add3A_1267 = arith.addi %mul3A_1266, %sub3A_1251 : vector<16xi32>
    %mul3A_1268 = arith.constant 5 : i32
    %mul3A_1269 = vector.broadcast %mul3A_1268 : i32 to vector<16xi32>
    %mul3A_1270 = arith.muli %add3A_1267, %mul3A_1269 : vector<16xi32>
    %add3A_1271 = arith.addi %mul3A_1270, %sub3A_1255 : vector<16xi32>
    %slice3A_1272 = vector.extract_strided_slice %bitcast3A_27 {offsets = [6], sizes = [1], strides = [1]} : vector<16xf32> to vector<1xf32>
    %squeeze3A_1273 = vector.extract %slice3A_1272[0] : f32 from vector<1xf32>
    %broadcast_in_dim3A_1274 = vector.broadcast %squeeze3A_1273 : f32 to vector<16xf32>
    tpu.vector_store_idx %arg5[%iota3A, %add3A_1271], %broadcast_in_dim3A_1274 masked %and3A_1263 : memref<16x128xf32, #tpu.memory_space<vmem>>[vector<16xi32>, vector<16xi32>], vector<16xf32>, vector<16xi1>
    %slice3A_1275 = vector.extract_strided_slice %get3A_2 {offsets = [7], sizes = [1], strides = [1]} : vector<16xi32> to vector<1xi32>
    %squeeze3A_1276 = vector.extract %slice3A_1275[0] : i32 from vector<1xi32>
    %broadcast_in_dim3A_1277 = vector.broadcast %squeeze3A_1276 : i32 to vector<16xi32>
    %sub3A_1278 = arith.subi %broadcast_in_dim3A_1277, %sub3A_38 : vector<16xi32>
    %slice3A_1279 = vector.extract_strided_slice %get3A_10 {offsets = [7], sizes = [1], strides = [1]} : vector<16xi32> to vector<1xi32>
    %squeeze3A_1280 = vector.extract %slice3A_1279[0] : i32 from vector<1xi32>
    %broadcast_in_dim3A_1281 = vector.broadcast %squeeze3A_1280 : i32 to vector<16xi32>
    %sub3A_1282 = arith.subi %broadcast_in_dim3A_1281, %sub3A_44 : vector<16xi32>
    %slice3A_1283 = vector.extract_strided_slice %get3A_18 {offsets = [7], sizes = [1], strides = [1]} : vector<16xi32> to vector<1xi32>
    %squeeze3A_1284 = vector.extract %slice3A_1283[0] : i32 from vector<1xi32>
    %broadcast_in_dim3A_1285 = vector.broadcast %squeeze3A_1284 : i32 to vector<16xi32>
    %sub3A_1286 = arith.subi %broadcast_in_dim3A_1285, %sub3A_51 : vector<16xi32>
    %bitcast3A_1287 = vector.bitcast %sub3A_1278 : vector<16xi32> to vector<16xi32>
    %le3A_1288 = arith.cmpi ule, %bitcast3A_1287, %broadcast_in_dim3A_565 : vector<16xi32>
    %bitcast3A_1289 = vector.bitcast %sub3A_1282 : vector<16xi32> to vector<16xi32>
    %le3A_1290 = arith.cmpi ule, %bitcast3A_1289, %broadcast_in_dim3A_565 : vector<16xi32>
    %and3A_1291 = arith.andi %le3A_1288, %le3A_1290 : vector<16xi1>
    %bitcast3A_1292 = vector.bitcast %sub3A_1286 : vector<16xi32> to vector<16xi32>
    %le3A_1293 = arith.cmpi ule, %bitcast3A_1292, %broadcast_in_dim3A_565 : vector<16xi32>
    %and3A_1294 = arith.andi %and3A_1291, %le3A_1293 : vector<16xi1>
    %mul3A_1295 = arith.constant 5 : i32
    %mul3A_1296 = vector.broadcast %mul3A_1295 : i32 to vector<16xi32>
    %mul3A_1297 = arith.muli %sub3A_1278, %mul3A_1296 : vector<16xi32>
    %add3A_1298 = arith.addi %mul3A_1297, %sub3A_1282 : vector<16xi32>
    %mul3A_1299 = arith.constant 5 : i32
    %mul3A_1300 = vector.broadcast %mul3A_1299 : i32 to vector<16xi32>
    %mul3A_1301 = arith.muli %add3A_1298, %mul3A_1300 : vector<16xi32>
    %add3A_1302 = arith.addi %mul3A_1301, %sub3A_1286 : vector<16xi32>
    %slice3A_1303 = vector.extract_strided_slice %bitcast3A_27 {offsets = [7], sizes = [1], strides = [1]} : vector<16xf32> to vector<1xf32>
    %squeeze3A_1304 = vector.extract %slice3A_1303[0] : f32 from vector<1xf32>
    %broadcast_in_dim3A_1305 = vector.broadcast %squeeze3A_1304 : f32 to vector<16xf32>
    tpu.vector_store_idx %arg5[%iota3A, %add3A_1302], %broadcast_in_dim3A_1305 masked %and3A_1294 : memref<16x128xf32, #tpu.memory_space<vmem>>[vector<16xi32>, vector<16xi32>], vector<16xf32>, vector<16xi1>
    %slice3A_1306 = vector.extract_strided_slice %get3A_2 {offsets = [8], sizes = [1], strides = [1]} : vector<16xi32> to vector<1xi32>
    %squeeze3A_1307 = vector.extract %slice3A_1306[0] : i32 from vector<1xi32>
    %broadcast_in_dim3A_1308 = vector.broadcast %squeeze3A_1307 : i32 to vector<16xi32>
    %sub3A_1309 = arith.subi %broadcast_in_dim3A_1308, %sub3A_38 : vector<16xi32>
    %slice3A_1310 = vector.extract_strided_slice %get3A_10 {offsets = [8], sizes = [1], strides = [1]} : vector<16xi32> to vector<1xi32>
    %squeeze3A_1311 = vector.extract %slice3A_1310[0] : i32 from vector<1xi32>
    %broadcast_in_dim3A_1312 = vector.broadcast %squeeze3A_1311 : i32 to vector<16xi32>
    %sub3A_1313 = arith.subi %broadcast_in_dim3A_1312, %sub3A_44 : vector<16xi32>
    %slice3A_1314 = vector.extract_strided_slice %get3A_18 {offsets = [8], sizes = [1], strides = [1]} : vector<16xi32> to vector<1xi32>
    %squeeze3A_1315 = vector.extract %slice3A_1314[0] : i32 from vector<1xi32>
    %broadcast_in_dim3A_1316 = vector.broadcast %squeeze3A_1315 : i32 to vector<16xi32>
    %sub3A_1317 = arith.subi %broadcast_in_dim3A_1316, %sub3A_51 : vector<16xi32>
    %bitcast3A_1318 = vector.bitcast %sub3A_1309 : vector<16xi32> to vector<16xi32>
    %le3A_1319 = arith.cmpi ule, %bitcast3A_1318, %broadcast_in_dim3A_565 : vector<16xi32>
    %bitcast3A_1320 = vector.bitcast %sub3A_1313 : vector<16xi32> to vector<16xi32>
    %le3A_1321 = arith.cmpi ule, %bitcast3A_1320, %broadcast_in_dim3A_565 : vector<16xi32>
    %and3A_1322 = arith.andi %le3A_1319, %le3A_1321 : vector<16xi1>
    %bitcast3A_1323 = vector.bitcast %sub3A_1317 : vector<16xi32> to vector<16xi32>
    %le3A_1324 = arith.cmpi ule, %bitcast3A_1323, %broadcast_in_dim3A_565 : vector<16xi32>
    %and3A_1325 = arith.andi %and3A_1322, %le3A_1324 : vector<16xi1>
    %mul3A_1326 = arith.constant 5 : i32
    %mul3A_1327 = vector.broadcast %mul3A_1326 : i32 to vector<16xi32>
    %mul3A_1328 = arith.muli %sub3A_1309, %mul3A_1327 : vector<16xi32>
    %add3A_1329 = arith.addi %mul3A_1328, %sub3A_1313 : vector<16xi32>
    %mul3A_1330 = arith.constant 5 : i32
    %mul3A_1331 = vector.broadcast %mul3A_1330 : i32 to vector<16xi32>
    %mul3A_1332 = arith.muli %add3A_1329, %mul3A_1331 : vector<16xi32>
    %add3A_1333 = arith.addi %mul3A_1332, %sub3A_1317 : vector<16xi32>
    %slice3A_1334 = vector.extract_strided_slice %bitcast3A_27 {offsets = [8], sizes = [1], strides = [1]} : vector<16xf32> to vector<1xf32>
    %squeeze3A_1335 = vector.extract %slice3A_1334[0] : f32 from vector<1xf32>
    %broadcast_in_dim3A_1336 = vector.broadcast %squeeze3A_1335 : f32 to vector<16xf32>
    tpu.vector_store_idx %arg5[%iota3A, %add3A_1333], %broadcast_in_dim3A_1336 masked %and3A_1325 : memref<16x128xf32, #tpu.memory_space<vmem>>[vector<16xi32>, vector<16xi32>], vector<16xf32>, vector<16xi1>
    %slice3A_1337 = vector.extract_strided_slice %get3A_2 {offsets = [9], sizes = [1], strides = [1]} : vector<16xi32> to vector<1xi32>
    %squeeze3A_1338 = vector.extract %slice3A_1337[0] : i32 from vector<1xi32>
    %broadcast_in_dim3A_1339 = vector.broadcast %squeeze3A_1338 : i32 to vector<16xi32>
    %sub3A_1340 = arith.subi %broadcast_in_dim3A_1339, %sub3A_38 : vector<16xi32>
    %slice3A_1341 = vector.extract_strided_slice %get3A_10 {offsets = [9], sizes = [1], strides = [1]} : vector<16xi32> to vector<1xi32>
    %squeeze3A_1342 = vector.extract %slice3A_1341[0] : i32 from vector<1xi32>
    %broadcast_in_dim3A_1343 = vector.broadcast %squeeze3A_1342 : i32 to vector<16xi32>
    %sub3A_1344 = arith.subi %broadcast_in_dim3A_1343, %sub3A_44 : vector<16xi32>
    %slice3A_1345 = vector.extract_strided_slice %get3A_18 {offsets = [9], sizes = [1], strides = [1]} : vector<16xi32> to vector<1xi32>
    %squeeze3A_1346 = vector.extract %slice3A_1345[0] : i32 from vector<1xi32>
    %broadcast_in_dim3A_1347 = vector.broadcast %squeeze3A_1346 : i32 to vector<16xi32>
    %sub3A_1348 = arith.subi %broadcast_in_dim3A_1347, %sub3A_51 : vector<16xi32>
    %bitcast3A_1349 = vector.bitcast %sub3A_1340 : vector<16xi32> to vector<16xi32>
    %le3A_1350 = arith.cmpi ule, %bitcast3A_1349, %broadcast_in_dim3A_565 : vector<16xi32>
    %bitcast3A_1351 = vector.bitcast %sub3A_1344 : vector<16xi32> to vector<16xi32>
    %le3A_1352 = arith.cmpi ule, %bitcast3A_1351, %broadcast_in_dim3A_565 : vector<16xi32>
    %and3A_1353 = arith.andi %le3A_1350, %le3A_1352 : vector<16xi1>
    %bitcast3A_1354 = vector.bitcast %sub3A_1348 : vector<16xi32> to vector<16xi32>
    %le3A_1355 = arith.cmpi ule, %bitcast3A_1354, %broadcast_in_dim3A_565 : vector<16xi32>
    %and3A_1356 = arith.andi %and3A_1353, %le3A_1355 : vector<16xi1>
    %mul3A_1357 = arith.constant 5 : i32
    %mul3A_1358 = vector.broadcast %mul3A_1357 : i32 to vector<16xi32>
    %mul3A_1359 = arith.muli %sub3A_1340, %mul3A_1358 : vector<16xi32>
    %add3A_1360 = arith.addi %mul3A_1359, %sub3A_1344 : vector<16xi32>
    %mul3A_1361 = arith.constant 5 : i32
    %mul3A_1362 = vector.broadcast %mul3A_1361 : i32 to vector<16xi32>
    %mul3A_1363 = arith.muli %add3A_1360, %mul3A_1362 : vector<16xi32>
    %add3A_1364 = arith.addi %mul3A_1363, %sub3A_1348 : vector<16xi32>
    %slice3A_1365 = vector.extract_strided_slice %bitcast3A_27 {offsets = [9], sizes = [1], strides = [1]} : vector<16xf32> to vector<1xf32>
    %squeeze3A_1366 = vector.extract %slice3A_1365[0] : f32 from vector<1xf32>
    %broadcast_in_dim3A_1367 = vector.broadcast %squeeze3A_1366 : f32 to vector<16xf32>
    tpu.vector_store_idx %arg5[%iota3A, %add3A_1364], %broadcast_in_dim3A_1367 masked %and3A_1356 : memref<16x128xf32, #tpu.memory_space<vmem>>[vector<16xi32>, vector<16xi32>], vector<16xf32>, vector<16xi1>
    %slice3A_1368 = vector.extract_strided_slice %get3A_2 {offsets = [10], sizes = [1], strides = [1]} : vector<16xi32> to vector<1xi32>
    %squeeze3A_1369 = vector.extract %slice3A_1368[0] : i32 from vector<1xi32>
    %broadcast_in_dim3A_1370 = vector.broadcast %squeeze3A_1369 : i32 to vector<16xi32>
    %sub3A_1371 = arith.subi %broadcast_in_dim3A_1370, %sub3A_38 : vector<16xi32>
    %slice3A_1372 = vector.extract_strided_slice %get3A_10 {offsets = [10], sizes = [1], strides = [1]} : vector<16xi32> to vector<1xi32>
    %squeeze3A_1373 = vector.extract %slice3A_1372[0] : i32 from vector<1xi32>
    %broadcast_in_dim3A_1374 = vector.broadcast %squeeze3A_1373 : i32 to vector<16xi32>
    %sub3A_1375 = arith.subi %broadcast_in_dim3A_1374, %sub3A_44 : vector<16xi32>
    %slice3A_1376 = vector.extract_strided_slice %get3A_18 {offsets = [10], sizes = [1], strides = [1]} : vector<16xi32> to vector<1xi32>
    %squeeze3A_1377 = vector.extract %slice3A_1376[0] : i32 from vector<1xi32>
    %broadcast_in_dim3A_1378 = vector.broadcast %squeeze3A_1377 : i32 to vector<16xi32>
    %sub3A_1379 = arith.subi %broadcast_in_dim3A_1378, %sub3A_51 : vector<16xi32>
    %bitcast3A_1380 = vector.bitcast %sub3A_1371 : vector<16xi32> to vector<16xi32>
    %le3A_1381 = arith.cmpi ule, %bitcast3A_1380, %broadcast_in_dim3A_565 : vector<16xi32>
    %bitcast3A_1382 = vector.bitcast %sub3A_1375 : vector<16xi32> to vector<16xi32>
    %le3A_1383 = arith.cmpi ule, %bitcast3A_1382, %broadcast_in_dim3A_565 : vector<16xi32>
    %and3A_1384 = arith.andi %le3A_1381, %le3A_1383 : vector<16xi1>
    %bitcast3A_1385 = vector.bitcast %sub3A_1379 : vector<16xi32> to vector<16xi32>
    %le3A_1386 = arith.cmpi ule, %bitcast3A_1385, %broadcast_in_dim3A_565 : vector<16xi32>
    %and3A_1387 = arith.andi %and3A_1384, %le3A_1386 : vector<16xi1>
    %mul3A_1388 = arith.constant 5 : i32
    %mul3A_1389 = vector.broadcast %mul3A_1388 : i32 to vector<16xi32>
    %mul3A_1390 = arith.muli %sub3A_1371, %mul3A_1389 : vector<16xi32>
    %add3A_1391 = arith.addi %mul3A_1390, %sub3A_1375 : vector<16xi32>
    %mul3A_1392 = arith.constant 5 : i32
    %mul3A_1393 = vector.broadcast %mul3A_1392 : i32 to vector<16xi32>
    %mul3A_1394 = arith.muli %add3A_1391, %mul3A_1393 : vector<16xi32>
    %add3A_1395 = arith.addi %mul3A_1394, %sub3A_1379 : vector<16xi32>
    %slice3A_1396 = vector.extract_strided_slice %bitcast3A_27 {offsets = [10], sizes = [1], strides = [1]} : vector<16xf32> to vector<1xf32>
    %squeeze3A_1397 = vector.extract %slice3A_1396[0] : f32 from vector<1xf32>
    %broadcast_in_dim3A_1398 = vector.broadcast %squeeze3A_1397 : f32 to vector<16xf32>
    tpu.vector_store_idx %arg5[%iota3A, %add3A_1395], %broadcast_in_dim3A_1398 masked %and3A_1387 : memref<16x128xf32, #tpu.memory_space<vmem>>[vector<16xi32>, vector<16xi32>], vector<16xf32>, vector<16xi1>
    %slice3A_1399 = vector.extract_strided_slice %get3A_2 {offsets = [11], sizes = [1], strides = [1]} : vector<16xi32> to vector<1xi32>
    %squeeze3A_1400 = vector.extract %slice3A_1399[0] : i32 from vector<1xi32>
    %broadcast_in_dim3A_1401 = vector.broadcast %squeeze3A_1400 : i32 to vector<16xi32>
    %sub3A_1402 = arith.subi %broadcast_in_dim3A_1401, %sub3A_38 : vector<16xi32>
    %slice3A_1403 = vector.extract_strided_slice %get3A_10 {offsets = [11], sizes = [1], strides = [1]} : vector<16xi32> to vector<1xi32>
    %squeeze3A_1404 = vector.extract %slice3A_1403[0] : i32 from vector<1xi32>
    %broadcast_in_dim3A_1405 = vector.broadcast %squeeze3A_1404 : i32 to vector<16xi32>
    %sub3A_1406 = arith.subi %broadcast_in_dim3A_1405, %sub3A_44 : vector<16xi32>
    %slice3A_1407 = vector.extract_strided_slice %get3A_18 {offsets = [11], sizes = [1], strides = [1]} : vector<16xi32> to vector<1xi32>
    %squeeze3A_1408 = vector.extract %slice3A_1407[0] : i32 from vector<1xi32>
    %broadcast_in_dim3A_1409 = vector.broadcast %squeeze3A_1408 : i32 to vector<16xi32>
    %sub3A_1410 = arith.subi %broadcast_in_dim3A_1409, %sub3A_51 : vector<16xi32>
    %bitcast3A_1411 = vector.bitcast %sub3A_1402 : vector<16xi32> to vector<16xi32>
    %le3A_1412 = arith.cmpi ule, %bitcast3A_1411, %broadcast_in_dim3A_565 : vector<16xi32>
    %bitcast3A_1413 = vector.bitcast %sub3A_1406 : vector<16xi32> to vector<16xi32>
    %le3A_1414 = arith.cmpi ule, %bitcast3A_1413, %broadcast_in_dim3A_565 : vector<16xi32>
    %and3A_1415 = arith.andi %le3A_1412, %le3A_1414 : vector<16xi1>
    %bitcast3A_1416 = vector.bitcast %sub3A_1410 : vector<16xi32> to vector<16xi32>
    %le3A_1417 = arith.cmpi ule, %bitcast3A_1416, %broadcast_in_dim3A_565 : vector<16xi32>
    %and3A_1418 = arith.andi %and3A_1415, %le3A_1417 : vector<16xi1>
    %mul3A_1419 = arith.constant 5 : i32
    %mul3A_1420 = vector.broadcast %mul3A_1419 : i32 to vector<16xi32>
    %mul3A_1421 = arith.muli %sub3A_1402, %mul3A_1420 : vector<16xi32>
    %add3A_1422 = arith.addi %mul3A_1421, %sub3A_1406 : vector<16xi32>
    %mul3A_1423 = arith.constant 5 : i32
    %mul3A_1424 = vector.broadcast %mul3A_1423 : i32 to vector<16xi32>
    %mul3A_1425 = arith.muli %add3A_1422, %mul3A_1424 : vector<16xi32>
    %add3A_1426 = arith.addi %mul3A_1425, %sub3A_1410 : vector<16xi32>
    %slice3A_1427 = vector.extract_strided_slice %bitcast3A_27 {offsets = [11], sizes = [1], strides = [1]} : vector<16xf32> to vector<1xf32>
    %squeeze3A_1428 = vector.extract %slice3A_1427[0] : f32 from vector<1xf32>
    %broadcast_in_dim3A_1429 = vector.broadcast %squeeze3A_1428 : f32 to vector<16xf32>
    tpu.vector_store_idx %arg5[%iota3A, %add3A_1426], %broadcast_in_dim3A_1429 masked %and3A_1418 : memref<16x128xf32, #tpu.memory_space<vmem>>[vector<16xi32>, vector<16xi32>], vector<16xf32>, vector<16xi1>
    %slice3A_1430 = vector.extract_strided_slice %get3A_2 {offsets = [12], sizes = [1], strides = [1]} : vector<16xi32> to vector<1xi32>
    %squeeze3A_1431 = vector.extract %slice3A_1430[0] : i32 from vector<1xi32>
    %broadcast_in_dim3A_1432 = vector.broadcast %squeeze3A_1431 : i32 to vector<16xi32>
    %sub3A_1433 = arith.subi %broadcast_in_dim3A_1432, %sub3A_38 : vector<16xi32>
    %slice3A_1434 = vector.extract_strided_slice %get3A_10 {offsets = [12], sizes = [1], strides = [1]} : vector<16xi32> to vector<1xi32>
    %squeeze3A_1435 = vector.extract %slice3A_1434[0] : i32 from vector<1xi32>
    %broadcast_in_dim3A_1436 = vector.broadcast %squeeze3A_1435 : i32 to vector<16xi32>
    %sub3A_1437 = arith.subi %broadcast_in_dim3A_1436, %sub3A_44 : vector<16xi32>
    %slice3A_1438 = vector.extract_strided_slice %get3A_18 {offsets = [12], sizes = [1], strides = [1]} : vector<16xi32> to vector<1xi32>
    %squeeze3A_1439 = vector.extract %slice3A_1438[0] : i32 from vector<1xi32>
    %broadcast_in_dim3A_1440 = vector.broadcast %squeeze3A_1439 : i32 to vector<16xi32>
    %sub3A_1441 = arith.subi %broadcast_in_dim3A_1440, %sub3A_51 : vector<16xi32>
    %bitcast3A_1442 = vector.bitcast %sub3A_1433 : vector<16xi32> to vector<16xi32>
    %le3A_1443 = arith.cmpi ule, %bitcast3A_1442, %broadcast_in_dim3A_565 : vector<16xi32>
    %bitcast3A_1444 = vector.bitcast %sub3A_1437 : vector<16xi32> to vector<16xi32>
    %le3A_1445 = arith.cmpi ule, %bitcast3A_1444, %broadcast_in_dim3A_565 : vector<16xi32>
    %and3A_1446 = arith.andi %le3A_1443, %le3A_1445 : vector<16xi1>
    %bitcast3A_1447 = vector.bitcast %sub3A_1441 : vector<16xi32> to vector<16xi32>
    %le3A_1448 = arith.cmpi ule, %bitcast3A_1447, %broadcast_in_dim3A_565 : vector<16xi32>
    %and3A_1449 = arith.andi %and3A_1446, %le3A_1448 : vector<16xi1>
    %mul3A_1450 = arith.constant 5 : i32
    %mul3A_1451 = vector.broadcast %mul3A_1450 : i32 to vector<16xi32>
    %mul3A_1452 = arith.muli %sub3A_1433, %mul3A_1451 : vector<16xi32>
    %add3A_1453 = arith.addi %mul3A_1452, %sub3A_1437 : vector<16xi32>
    %mul3A_1454 = arith.constant 5 : i32
    %mul3A_1455 = vector.broadcast %mul3A_1454 : i32 to vector<16xi32>
    %mul3A_1456 = arith.muli %add3A_1453, %mul3A_1455 : vector<16xi32>
    %add3A_1457 = arith.addi %mul3A_1456, %sub3A_1441 : vector<16xi32>
    %slice3A_1458 = vector.extract_strided_slice %bitcast3A_27 {offsets = [12], sizes = [1], strides = [1]} : vector<16xf32> to vector<1xf32>
    %squeeze3A_1459 = vector.extract %slice3A_1458[0] : f32 from vector<1xf32>
    %broadcast_in_dim3A_1460 = vector.broadcast %squeeze3A_1459 : f32 to vector<16xf32>
    tpu.vector_store_idx %arg5[%iota3A, %add3A_1457], %broadcast_in_dim3A_1460 masked %and3A_1449 : memref<16x128xf32, #tpu.memory_space<vmem>>[vector<16xi32>, vector<16xi32>], vector<16xf32>, vector<16xi1>
    %slice3A_1461 = vector.extract_strided_slice %get3A_2 {offsets = [13], sizes = [1], strides = [1]} : vector<16xi32> to vector<1xi32>
    %squeeze3A_1462 = vector.extract %slice3A_1461[0] : i32 from vector<1xi32>
    %broadcast_in_dim3A_1463 = vector.broadcast %squeeze3A_1462 : i32 to vector<16xi32>
    %sub3A_1464 = arith.subi %broadcast_in_dim3A_1463, %sub3A_38 : vector<16xi32>
    %slice3A_1465 = vector.extract_strided_slice %get3A_10 {offsets = [13], sizes = [1], strides = [1]} : vector<16xi32> to vector<1xi32>
    %squeeze3A_1466 = vector.extract %slice3A_1465[0] : i32 from vector<1xi32>
    %broadcast_in_dim3A_1467 = vector.broadcast %squeeze3A_1466 : i32 to vector<16xi32>
    %sub3A_1468 = arith.subi %broadcast_in_dim3A_1467, %sub3A_44 : vector<16xi32>
    %slice3A_1469 = vector.extract_strided_slice %get3A_18 {offsets = [13], sizes = [1], strides = [1]} : vector<16xi32> to vector<1xi32>
    %squeeze3A_1470 = vector.extract %slice3A_1469[0] : i32 from vector<1xi32>
    %broadcast_in_dim3A_1471 = vector.broadcast %squeeze3A_1470 : i32 to vector<16xi32>
    %sub3A_1472 = arith.subi %broadcast_in_dim3A_1471, %sub3A_51 : vector<16xi32>
    %bitcast3A_1473 = vector.bitcast %sub3A_1464 : vector<16xi32> to vector<16xi32>
    %le3A_1474 = arith.cmpi ule, %bitcast3A_1473, %broadcast_in_dim3A_565 : vector<16xi32>
    %bitcast3A_1475 = vector.bitcast %sub3A_1468 : vector<16xi32> to vector<16xi32>
    %le3A_1476 = arith.cmpi ule, %bitcast3A_1475, %broadcast_in_dim3A_565 : vector<16xi32>
    %and3A_1477 = arith.andi %le3A_1474, %le3A_1476 : vector<16xi1>
    %bitcast3A_1478 = vector.bitcast %sub3A_1472 : vector<16xi32> to vector<16xi32>
    %le3A_1479 = arith.cmpi ule, %bitcast3A_1478, %broadcast_in_dim3A_565 : vector<16xi32>
    %and3A_1480 = arith.andi %and3A_1477, %le3A_1479 : vector<16xi1>
    %mul3A_1481 = arith.constant 5 : i32
    %mul3A_1482 = vector.broadcast %mul3A_1481 : i32 to vector<16xi32>
    %mul3A_1483 = arith.muli %sub3A_1464, %mul3A_1482 : vector<16xi32>
    %add3A_1484 = arith.addi %mul3A_1483, %sub3A_1468 : vector<16xi32>
    %mul3A_1485 = arith.constant 5 : i32
    %mul3A_1486 = vector.broadcast %mul3A_1485 : i32 to vector<16xi32>
    %mul3A_1487 = arith.muli %add3A_1484, %mul3A_1486 : vector<16xi32>
    %add3A_1488 = arith.addi %mul3A_1487, %sub3A_1472 : vector<16xi32>
    %slice3A_1489 = vector.extract_strided_slice %bitcast3A_27 {offsets = [13], sizes = [1], strides = [1]} : vector<16xf32> to vector<1xf32>
    %squeeze3A_1490 = vector.extract %slice3A_1489[0] : f32 from vector<1xf32>
    %broadcast_in_dim3A_1491 = vector.broadcast %squeeze3A_1490 : f32 to vector<16xf32>
    tpu.vector_store_idx %arg5[%iota3A, %add3A_1488], %broadcast_in_dim3A_1491 masked %and3A_1480 : memref<16x128xf32, #tpu.memory_space<vmem>>[vector<16xi32>, vector<16xi32>], vector<16xf32>, vector<16xi1>
    %slice3A_1492 = vector.extract_strided_slice %get3A_2 {offsets = [14], sizes = [1], strides = [1]} : vector<16xi32> to vector<1xi32>
    %squeeze3A_1493 = vector.extract %slice3A_1492[0] : i32 from vector<1xi32>
    %broadcast_in_dim3A_1494 = vector.broadcast %squeeze3A_1493 : i32 to vector<16xi32>
    %sub3A_1495 = arith.subi %broadcast_in_dim3A_1494, %sub3A_38 : vector<16xi32>
    %slice3A_1496 = vector.extract_strided_slice %get3A_10 {offsets = [14], sizes = [1], strides = [1]} : vector<16xi32> to vector<1xi32>
    %squeeze3A_1497 = vector.extract %slice3A_1496[0] : i32 from vector<1xi32>
    %broadcast_in_dim3A_1498 = vector.broadcast %squeeze3A_1497 : i32 to vector<16xi32>
    %sub3A_1499 = arith.subi %broadcast_in_dim3A_1498, %sub3A_44 : vector<16xi32>
    %slice3A_1500 = vector.extract_strided_slice %get3A_18 {offsets = [14], sizes = [1], strides = [1]} : vector<16xi32> to vector<1xi32>
    %squeeze3A_1501 = vector.extract %slice3A_1500[0] : i32 from vector<1xi32>
    %broadcast_in_dim3A_1502 = vector.broadcast %squeeze3A_1501 : i32 to vector<16xi32>
    %sub3A_1503 = arith.subi %broadcast_in_dim3A_1502, %sub3A_51 : vector<16xi32>
    %bitcast3A_1504 = vector.bitcast %sub3A_1495 : vector<16xi32> to vector<16xi32>
    %le3A_1505 = arith.cmpi ule, %bitcast3A_1504, %broadcast_in_dim3A_565 : vector<16xi32>
    %bitcast3A_1506 = vector.bitcast %sub3A_1499 : vector<16xi32> to vector<16xi32>
    %le3A_1507 = arith.cmpi ule, %bitcast3A_1506, %broadcast_in_dim3A_565 : vector<16xi32>
    %and3A_1508 = arith.andi %le3A_1505, %le3A_1507 : vector<16xi1>
    %bitcast3A_1509 = vector.bitcast %sub3A_1503 : vector<16xi32> to vector<16xi32>
    %le3A_1510 = arith.cmpi ule, %bitcast3A_1509, %broadcast_in_dim3A_565 : vector<16xi32>
    %and3A_1511 = arith.andi %and3A_1508, %le3A_1510 : vector<16xi1>
    %mul3A_1512 = arith.constant 5 : i32
    %mul3A_1513 = vector.broadcast %mul3A_1512 : i32 to vector<16xi32>
    %mul3A_1514 = arith.muli %sub3A_1495, %mul3A_1513 : vector<16xi32>
    %add3A_1515 = arith.addi %mul3A_1514, %sub3A_1499 : vector<16xi32>
    %mul3A_1516 = arith.constant 5 : i32
    %mul3A_1517 = vector.broadcast %mul3A_1516 : i32 to vector<16xi32>
    %mul3A_1518 = arith.muli %add3A_1515, %mul3A_1517 : vector<16xi32>
    %add3A_1519 = arith.addi %mul3A_1518, %sub3A_1503 : vector<16xi32>
    %slice3A_1520 = vector.extract_strided_slice %bitcast3A_27 {offsets = [14], sizes = [1], strides = [1]} : vector<16xf32> to vector<1xf32>
    %squeeze3A_1521 = vector.extract %slice3A_1520[0] : f32 from vector<1xf32>
    %broadcast_in_dim3A_1522 = vector.broadcast %squeeze3A_1521 : f32 to vector<16xf32>
    tpu.vector_store_idx %arg5[%iota3A, %add3A_1519], %broadcast_in_dim3A_1522 masked %and3A_1511 : memref<16x128xf32, #tpu.memory_space<vmem>>[vector<16xi32>, vector<16xi32>], vector<16xf32>, vector<16xi1>
    %slice3A_1523 = vector.extract_strided_slice %get3A_2 {offsets = [15], sizes = [1], strides = [1]} : vector<16xi32> to vector<1xi32>
    %squeeze3A_1524 = vector.extract %slice3A_1523[0] : i32 from vector<1xi32>
    %broadcast_in_dim3A_1525 = vector.broadcast %squeeze3A_1524 : i32 to vector<16xi32>
    %sub3A_1526 = arith.subi %broadcast_in_dim3A_1525, %sub3A_38 : vector<16xi32>
    %slice3A_1527 = vector.extract_strided_slice %get3A_10 {offsets = [15], sizes = [1], strides = [1]} : vector<16xi32> to vector<1xi32>
    %squeeze3A_1528 = vector.extract %slice3A_1527[0] : i32 from vector<1xi32>
    %broadcast_in_dim3A_1529 = vector.broadcast %squeeze3A_1528 : i32 to vector<16xi32>
    %sub3A_1530 = arith.subi %broadcast_in_dim3A_1529, %sub3A_44 : vector<16xi32>
    %slice3A_1531 = vector.extract_strided_slice %get3A_18 {offsets = [15], sizes = [1], strides = [1]} : vector<16xi32> to vector<1xi32>
    %squeeze3A_1532 = vector.extract %slice3A_1531[0] : i32 from vector<1xi32>
    %broadcast_in_dim3A_1533 = vector.broadcast %squeeze3A_1532 : i32 to vector<16xi32>
    %sub3A_1534 = arith.subi %broadcast_in_dim3A_1533, %sub3A_51 : vector<16xi32>
    %bitcast3A_1535 = vector.bitcast %sub3A_1526 : vector<16xi32> to vector<16xi32>
    %le3A_1536 = arith.cmpi ule, %bitcast3A_1535, %broadcast_in_dim3A_565 : vector<16xi32>
    %bitcast3A_1537 = vector.bitcast %sub3A_1530 : vector<16xi32> to vector<16xi32>
    %le3A_1538 = arith.cmpi ule, %bitcast3A_1537, %broadcast_in_dim3A_565 : vector<16xi32>
    %and3A_1539 = arith.andi %le3A_1536, %le3A_1538 : vector<16xi1>
    %bitcast3A_1540 = vector.bitcast %sub3A_1534 : vector<16xi32> to vector<16xi32>
    %le3A_1541 = arith.cmpi ule, %bitcast3A_1540, %broadcast_in_dim3A_565 : vector<16xi32>
    %and3A_1542 = arith.andi %and3A_1539, %le3A_1541 : vector<16xi1>
    %mul3A_1543 = arith.constant 5 : i32
    %mul3A_1544 = vector.broadcast %mul3A_1543 : i32 to vector<16xi32>
    %mul3A_1545 = arith.muli %sub3A_1526, %mul3A_1544 : vector<16xi32>
    %add3A_1546 = arith.addi %mul3A_1545, %sub3A_1530 : vector<16xi32>
    %mul3A_1547 = arith.constant 5 : i32
    %mul3A_1548 = vector.broadcast %mul3A_1547 : i32 to vector<16xi32>
    %mul3A_1549 = arith.muli %add3A_1546, %mul3A_1548 : vector<16xi32>
    %add3A_1550 = arith.addi %mul3A_1549, %sub3A_1534 : vector<16xi32>
    %slice3A_1551 = vector.extract_strided_slice %bitcast3A_27 {offsets = [15], sizes = [1], strides = [1]} : vector<16xf32> to vector<1xf32>
    %squeeze3A_1552 = vector.extract %slice3A_1551[0] : f32 from vector<1xf32>
    %broadcast_in_dim3A_1553 = vector.broadcast %squeeze3A_1552 : f32 to vector<16xf32>
    tpu.vector_store_idx %arg5[%iota3A, %add3A_1550], %broadcast_in_dim3A_1553 masked %and3A_1542 : memref<16x128xf32, #tpu.memory_space<vmem>>[vector<16xi32>, vector<16xi32>], vector<16xf32>, vector<16xi1>
    %slice3A_1554 = vector.extract_strided_slice %get3A_4 {offsets = [0], sizes = [1], strides = [1]} : vector<16xi32> to vector<1xi32>
    %squeeze3A_1555 = vector.extract %slice3A_1554[0] : i32 from vector<1xi32>
    %broadcast_in_dim3A_1556 = vector.broadcast %squeeze3A_1555 : i32 to vector<16xi32>
    %sub3A_1557 = arith.subi %broadcast_in_dim3A_1556, %sub3A_38 : vector<16xi32>
    %slice3A_1558 = vector.extract_strided_slice %get3A_12 {offsets = [0], sizes = [1], strides = [1]} : vector<16xi32> to vector<1xi32>
    %squeeze3A_1559 = vector.extract %slice3A_1558[0] : i32 from vector<1xi32>
    %broadcast_in_dim3A_1560 = vector.broadcast %squeeze3A_1559 : i32 to vector<16xi32>
    %sub3A_1561 = arith.subi %broadcast_in_dim3A_1560, %sub3A_44 : vector<16xi32>
    %slice3A_1562 = vector.extract_strided_slice %get3A_20 {offsets = [0], sizes = [1], strides = [1]} : vector<16xi32> to vector<1xi32>
    %squeeze3A_1563 = vector.extract %slice3A_1562[0] : i32 from vector<1xi32>
    %broadcast_in_dim3A_1564 = vector.broadcast %squeeze3A_1563 : i32 to vector<16xi32>
    %sub3A_1565 = arith.subi %broadcast_in_dim3A_1564, %sub3A_51 : vector<16xi32>
    %bitcast3A_1566 = vector.bitcast %sub3A_1557 : vector<16xi32> to vector<16xi32>
    %le3A_1567 = arith.cmpi ule, %bitcast3A_1566, %broadcast_in_dim3A_565 : vector<16xi32>
    %bitcast3A_1568 = vector.bitcast %sub3A_1561 : vector<16xi32> to vector<16xi32>
    %le3A_1569 = arith.cmpi ule, %bitcast3A_1568, %broadcast_in_dim3A_565 : vector<16xi32>
    %and3A_1570 = arith.andi %le3A_1567, %le3A_1569 : vector<16xi1>
    %bitcast3A_1571 = vector.bitcast %sub3A_1565 : vector<16xi32> to vector<16xi32>
    %le3A_1572 = arith.cmpi ule, %bitcast3A_1571, %broadcast_in_dim3A_565 : vector<16xi32>
    %and3A_1573 = arith.andi %and3A_1570, %le3A_1572 : vector<16xi1>
    %mul3A_1574 = arith.constant 5 : i32
    %mul3A_1575 = vector.broadcast %mul3A_1574 : i32 to vector<16xi32>
    %mul3A_1576 = arith.muli %sub3A_1557, %mul3A_1575 : vector<16xi32>
    %add3A_1577 = arith.addi %mul3A_1576, %sub3A_1561 : vector<16xi32>
    %mul3A_1578 = arith.constant 5 : i32
    %mul3A_1579 = vector.broadcast %mul3A_1578 : i32 to vector<16xi32>
    %mul3A_1580 = arith.muli %add3A_1577, %mul3A_1579 : vector<16xi32>
    %add3A_1581 = arith.addi %mul3A_1580, %sub3A_1565 : vector<16xi32>
    %slice3A_1582 = vector.extract_strided_slice %bitcast3A_30 {offsets = [0], sizes = [1], strides = [1]} : vector<16xf32> to vector<1xf32>
    %squeeze3A_1583 = vector.extract %slice3A_1582[0] : f32 from vector<1xf32>
    %broadcast_in_dim3A_1584 = vector.broadcast %squeeze3A_1583 : f32 to vector<16xf32>
    tpu.vector_store_idx %arg5[%iota3A, %add3A_1581], %broadcast_in_dim3A_1584 masked %and3A_1573 : memref<16x128xf32, #tpu.memory_space<vmem>>[vector<16xi32>, vector<16xi32>], vector<16xf32>, vector<16xi1>
    %slice3A_1585 = vector.extract_strided_slice %get3A_4 {offsets = [1], sizes = [1], strides = [1]} : vector<16xi32> to vector<1xi32>
    %squeeze3A_1586 = vector.extract %slice3A_1585[0] : i32 from vector<1xi32>
    %broadcast_in_dim3A_1587 = vector.broadcast %squeeze3A_1586 : i32 to vector<16xi32>
    %sub3A_1588 = arith.subi %broadcast_in_dim3A_1587, %sub3A_38 : vector<16xi32>
    %slice3A_1589 = vector.extract_strided_slice %get3A_12 {offsets = [1], sizes = [1], strides = [1]} : vector<16xi32> to vector<1xi32>
    %squeeze3A_1590 = vector.extract %slice3A_1589[0] : i32 from vector<1xi32>
    %broadcast_in_dim3A_1591 = vector.broadcast %squeeze3A_1590 : i32 to vector<16xi32>
    %sub3A_1592 = arith.subi %broadcast_in_dim3A_1591, %sub3A_44 : vector<16xi32>
    %slice3A_1593 = vector.extract_strided_slice %get3A_20 {offsets = [1], sizes = [1], strides = [1]} : vector<16xi32> to vector<1xi32>
    %squeeze3A_1594 = vector.extract %slice3A_1593[0] : i32 from vector<1xi32>
    %broadcast_in_dim3A_1595 = vector.broadcast %squeeze3A_1594 : i32 to vector<16xi32>
    %sub3A_1596 = arith.subi %broadcast_in_dim3A_1595, %sub3A_51 : vector<16xi32>
    %bitcast3A_1597 = vector.bitcast %sub3A_1588 : vector<16xi32> to vector<16xi32>
    %le3A_1598 = arith.cmpi ule, %bitcast3A_1597, %broadcast_in_dim3A_565 : vector<16xi32>
    %bitcast3A_1599 = vector.bitcast %sub3A_1592 : vector<16xi32> to vector<16xi32>
    %le3A_1600 = arith.cmpi ule, %bitcast3A_1599, %broadcast_in_dim3A_565 : vector<16xi32>
    %and3A_1601 = arith.andi %le3A_1598, %le3A_1600 : vector<16xi1>
    %bitcast3A_1602 = vector.bitcast %sub3A_1596 : vector<16xi32> to vector<16xi32>
    %le3A_1603 = arith.cmpi ule, %bitcast3A_1602, %broadcast_in_dim3A_565 : vector<16xi32>
    %and3A_1604 = arith.andi %and3A_1601, %le3A_1603 : vector<16xi1>
    %mul3A_1605 = arith.constant 5 : i32
    %mul3A_1606 = vector.broadcast %mul3A_1605 : i32 to vector<16xi32>
    %mul3A_1607 = arith.muli %sub3A_1588, %mul3A_1606 : vector<16xi32>
    %add3A_1608 = arith.addi %mul3A_1607, %sub3A_1592 : vector<16xi32>
    %mul3A_1609 = arith.constant 5 : i32
    %mul3A_1610 = vector.broadcast %mul3A_1609 : i32 to vector<16xi32>
    %mul3A_1611 = arith.muli %add3A_1608, %mul3A_1610 : vector<16xi32>
    %add3A_1612 = arith.addi %mul3A_1611, %sub3A_1596 : vector<16xi32>
    %slice3A_1613 = vector.extract_strided_slice %bitcast3A_30 {offsets = [1], sizes = [1], strides = [1]} : vector<16xf32> to vector<1xf32>
    %squeeze3A_1614 = vector.extract %slice3A_1613[0] : f32 from vector<1xf32>
    %broadcast_in_dim3A_1615 = vector.broadcast %squeeze3A_1614 : f32 to vector<16xf32>
    tpu.vector_store_idx %arg5[%iota3A, %add3A_1612], %broadcast_in_dim3A_1615 masked %and3A_1604 : memref<16x128xf32, #tpu.memory_space<vmem>>[vector<16xi32>, vector<16xi32>], vector<16xf32>, vector<16xi1>
    %slice3A_1616 = vector.extract_strided_slice %get3A_4 {offsets = [2], sizes = [1], strides = [1]} : vector<16xi32> to vector<1xi32>
    %squeeze3A_1617 = vector.extract %slice3A_1616[0] : i32 from vector<1xi32>
    %broadcast_in_dim3A_1618 = vector.broadcast %squeeze3A_1617 : i32 to vector<16xi32>
    %sub3A_1619 = arith.subi %broadcast_in_dim3A_1618, %sub3A_38 : vector<16xi32>
    %slice3A_1620 = vector.extract_strided_slice %get3A_12 {offsets = [2], sizes = [1], strides = [1]} : vector<16xi32> to vector<1xi32>
    %squeeze3A_1621 = vector.extract %slice3A_1620[0] : i32 from vector<1xi32>
    %broadcast_in_dim3A_1622 = vector.broadcast %squeeze3A_1621 : i32 to vector<16xi32>
    %sub3A_1623 = arith.subi %broadcast_in_dim3A_1622, %sub3A_44 : vector<16xi32>
    %slice3A_1624 = vector.extract_strided_slice %get3A_20 {offsets = [2], sizes = [1], strides = [1]} : vector<16xi32> to vector<1xi32>
    %squeeze3A_1625 = vector.extract %slice3A_1624[0] : i32 from vector<1xi32>
    %broadcast_in_dim3A_1626 = vector.broadcast %squeeze3A_1625 : i32 to vector<16xi32>
    %sub3A_1627 = arith.subi %broadcast_in_dim3A_1626, %sub3A_51 : vector<16xi32>
    %bitcast3A_1628 = vector.bitcast %sub3A_1619 : vector<16xi32> to vector<16xi32>
    %le3A_1629 = arith.cmpi ule, %bitcast3A_1628, %broadcast_in_dim3A_565 : vector<16xi32>
    %bitcast3A_1630 = vector.bitcast %sub3A_1623 : vector<16xi32> to vector<16xi32>
    %le3A_1631 = arith.cmpi ule, %bitcast3A_1630, %broadcast_in_dim3A_565 : vector<16xi32>
    %and3A_1632 = arith.andi %le3A_1629, %le3A_1631 : vector<16xi1>
    %bitcast3A_1633 = vector.bitcast %sub3A_1627 : vector<16xi32> to vector<16xi32>
    %le3A_1634 = arith.cmpi ule, %bitcast3A_1633, %broadcast_in_dim3A_565 : vector<16xi32>
    %and3A_1635 = arith.andi %and3A_1632, %le3A_1634 : vector<16xi1>
    %mul3A_1636 = arith.constant 5 : i32
    %mul3A_1637 = vector.broadcast %mul3A_1636 : i32 to vector<16xi32>
    %mul3A_1638 = arith.muli %sub3A_1619, %mul3A_1637 : vector<16xi32>
    %add3A_1639 = arith.addi %mul3A_1638, %sub3A_1623 : vector<16xi32>
    %mul3A_1640 = arith.constant 5 : i32
    %mul3A_1641 = vector.broadcast %mul3A_1640 : i32 to vector<16xi32>
    %mul3A_1642 = arith.muli %add3A_1639, %mul3A_1641 : vector<16xi32>
    %add3A_1643 = arith.addi %mul3A_1642, %sub3A_1627 : vector<16xi32>
    %slice3A_1644 = vector.extract_strided_slice %bitcast3A_30 {offsets = [2], sizes = [1], strides = [1]} : vector<16xf32> to vector<1xf32>
    %squeeze3A_1645 = vector.extract %slice3A_1644[0] : f32 from vector<1xf32>
    %broadcast_in_dim3A_1646 = vector.broadcast %squeeze3A_1645 : f32 to vector<16xf32>
    tpu.vector_store_idx %arg5[%iota3A, %add3A_1643], %broadcast_in_dim3A_1646 masked %and3A_1635 : memref<16x128xf32, #tpu.memory_space<vmem>>[vector<16xi32>, vector<16xi32>], vector<16xf32>, vector<16xi1>
    %slice3A_1647 = vector.extract_strided_slice %get3A_4 {offsets = [3], sizes = [1], strides = [1]} : vector<16xi32> to vector<1xi32>
    %squeeze3A_1648 = vector.extract %slice3A_1647[0] : i32 from vector<1xi32>
    %broadcast_in_dim3A_1649 = vector.broadcast %squeeze3A_1648 : i32 to vector<16xi32>
    %sub3A_1650 = arith.subi %broadcast_in_dim3A_1649, %sub3A_38 : vector<16xi32>
    %slice3A_1651 = vector.extract_strided_slice %get3A_12 {offsets = [3], sizes = [1], strides = [1]} : vector<16xi32> to vector<1xi32>
    %squeeze3A_1652 = vector.extract %slice3A_1651[0] : i32 from vector<1xi32>
    %broadcast_in_dim3A_1653 = vector.broadcast %squeeze3A_1652 : i32 to vector<16xi32>
    %sub3A_1654 = arith.subi %broadcast_in_dim3A_1653, %sub3A_44 : vector<16xi32>
    %slice3A_1655 = vector.extract_strided_slice %get3A_20 {offsets = [3], sizes = [1], strides = [1]} : vector<16xi32> to vector<1xi32>
    %squeeze3A_1656 = vector.extract %slice3A_1655[0] : i32 from vector<1xi32>
    %broadcast_in_dim3A_1657 = vector.broadcast %squeeze3A_1656 : i32 to vector<16xi32>
    %sub3A_1658 = arith.subi %broadcast_in_dim3A_1657, %sub3A_51 : vector<16xi32>
    %bitcast3A_1659 = vector.bitcast %sub3A_1650 : vector<16xi32> to vector<16xi32>
    %le3A_1660 = arith.cmpi ule, %bitcast3A_1659, %broadcast_in_dim3A_565 : vector<16xi32>
    %bitcast3A_1661 = vector.bitcast %sub3A_1654 : vector<16xi32> to vector<16xi32>
    %le3A_1662 = arith.cmpi ule, %bitcast3A_1661, %broadcast_in_dim3A_565 : vector<16xi32>
    %and3A_1663 = arith.andi %le3A_1660, %le3A_1662 : vector<16xi1>
    %bitcast3A_1664 = vector.bitcast %sub3A_1658 : vector<16xi32> to vector<16xi32>
    %le3A_1665 = arith.cmpi ule, %bitcast3A_1664, %broadcast_in_dim3A_565 : vector<16xi32>
    %and3A_1666 = arith.andi %and3A_1663, %le3A_1665 : vector<16xi1>
    %mul3A_1667 = arith.constant 5 : i32
    %mul3A_1668 = vector.broadcast %mul3A_1667 : i32 to vector<16xi32>
    %mul3A_1669 = arith.muli %sub3A_1650, %mul3A_1668 : vector<16xi32>
    %add3A_1670 = arith.addi %mul3A_1669, %sub3A_1654 : vector<16xi32>
    %mul3A_1671 = arith.constant 5 : i32
    %mul3A_1672 = vector.broadcast %mul3A_1671 : i32 to vector<16xi32>
    %mul3A_1673 = arith.muli %add3A_1670, %mul3A_1672 : vector<16xi32>
    %add3A_1674 = arith.addi %mul3A_1673, %sub3A_1658 : vector<16xi32>
    %slice3A_1675 = vector.extract_strided_slice %bitcast3A_30 {offsets = [3], sizes = [1], strides = [1]} : vector<16xf32> to vector<1xf32>
    %squeeze3A_1676 = vector.extract %slice3A_1675[0] : f32 from vector<1xf32>
    %broadcast_in_dim3A_1677 = vector.broadcast %squeeze3A_1676 : f32 to vector<16xf32>
    tpu.vector_store_idx %arg5[%iota3A, %add3A_1674], %broadcast_in_dim3A_1677 masked %and3A_1666 : memref<16x128xf32, #tpu.memory_space<vmem>>[vector<16xi32>, vector<16xi32>], vector<16xf32>, vector<16xi1>
    %slice3A_1678 = vector.extract_strided_slice %get3A_4 {offsets = [4], sizes = [1], strides = [1]} : vector<16xi32> to vector<1xi32>
    %squeeze3A_1679 = vector.extract %slice3A_1678[0] : i32 from vector<1xi32>
    %broadcast_in_dim3A_1680 = vector.broadcast %squeeze3A_1679 : i32 to vector<16xi32>
    %sub3A_1681 = arith.subi %broadcast_in_dim3A_1680, %sub3A_38 : vector<16xi32>
    %slice3A_1682 = vector.extract_strided_slice %get3A_12 {offsets = [4], sizes = [1], strides = [1]} : vector<16xi32> to vector<1xi32>
    %squeeze3A_1683 = vector.extract %slice3A_1682[0] : i32 from vector<1xi32>
    %broadcast_in_dim3A_1684 = vector.broadcast %squeeze3A_1683 : i32 to vector<16xi32>
    %sub3A_1685 = arith.subi %broadcast_in_dim3A_1684, %sub3A_44 : vector<16xi32>
    %slice3A_1686 = vector.extract_strided_slice %get3A_20 {offsets = [4], sizes = [1], strides = [1]} : vector<16xi32> to vector<1xi32>
    %squeeze3A_1687 = vector.extract %slice3A_1686[0] : i32 from vector<1xi32>
    %broadcast_in_dim3A_1688 = vector.broadcast %squeeze3A_1687 : i32 to vector<16xi32>
    %sub3A_1689 = arith.subi %broadcast_in_dim3A_1688, %sub3A_51 : vector<16xi32>
    %bitcast3A_1690 = vector.bitcast %sub3A_1681 : vector<16xi32> to vector<16xi32>
    %le3A_1691 = arith.cmpi ule, %bitcast3A_1690, %broadcast_in_dim3A_565 : vector<16xi32>
    %bitcast3A_1692 = vector.bitcast %sub3A_1685 : vector<16xi32> to vector<16xi32>
    %le3A_1693 = arith.cmpi ule, %bitcast3A_1692, %broadcast_in_dim3A_565 : vector<16xi32>
    %and3A_1694 = arith.andi %le3A_1691, %le3A_1693 : vector<16xi1>
    %bitcast3A_1695 = vector.bitcast %sub3A_1689 : vector<16xi32> to vector<16xi32>
    %le3A_1696 = arith.cmpi ule, %bitcast3A_1695, %broadcast_in_dim3A_565 : vector<16xi32>
    %and3A_1697 = arith.andi %and3A_1694, %le3A_1696 : vector<16xi1>
    %mul3A_1698 = arith.constant 5 : i32
    %mul3A_1699 = vector.broadcast %mul3A_1698 : i32 to vector<16xi32>
    %mul3A_1700 = arith.muli %sub3A_1681, %mul3A_1699 : vector<16xi32>
    %add3A_1701 = arith.addi %mul3A_1700, %sub3A_1685 : vector<16xi32>
    %mul3A_1702 = arith.constant 5 : i32
    %mul3A_1703 = vector.broadcast %mul3A_1702 : i32 to vector<16xi32>
    %mul3A_1704 = arith.muli %add3A_1701, %mul3A_1703 : vector<16xi32>
    %add3A_1705 = arith.addi %mul3A_1704, %sub3A_1689 : vector<16xi32>
    %slice3A_1706 = vector.extract_strided_slice %bitcast3A_30 {offsets = [4], sizes = [1], strides = [1]} : vector<16xf32> to vector<1xf32>
    %squeeze3A_1707 = vector.extract %slice3A_1706[0] : f32 from vector<1xf32>
    %broadcast_in_dim3A_1708 = vector.broadcast %squeeze3A_1707 : f32 to vector<16xf32>
    tpu.vector_store_idx %arg5[%iota3A, %add3A_1705], %broadcast_in_dim3A_1708 masked %and3A_1697 : memref<16x128xf32, #tpu.memory_space<vmem>>[vector<16xi32>, vector<16xi32>], vector<16xf32>, vector<16xi1>
    %slice3A_1709 = vector.extract_strided_slice %get3A_4 {offsets = [5], sizes = [1], strides = [1]} : vector<16xi32> to vector<1xi32>
    %squeeze3A_1710 = vector.extract %slice3A_1709[0] : i32 from vector<1xi32>
    %broadcast_in_dim3A_1711 = vector.broadcast %squeeze3A_1710 : i32 to vector<16xi32>
    %sub3A_1712 = arith.subi %broadcast_in_dim3A_1711, %sub3A_38 : vector<16xi32>
    %slice3A_1713 = vector.extract_strided_slice %get3A_12 {offsets = [5], sizes = [1], strides = [1]} : vector<16xi32> to vector<1xi32>
    %squeeze3A_1714 = vector.extract %slice3A_1713[0] : i32 from vector<1xi32>
    %broadcast_in_dim3A_1715 = vector.broadcast %squeeze3A_1714 : i32 to vector<16xi32>
    %sub3A_1716 = arith.subi %broadcast_in_dim3A_1715, %sub3A_44 : vector<16xi32>
    %slice3A_1717 = vector.extract_strided_slice %get3A_20 {offsets = [5], sizes = [1], strides = [1]} : vector<16xi32> to vector<1xi32>
    %squeeze3A_1718 = vector.extract %slice3A_1717[0] : i32 from vector<1xi32>
    %broadcast_in_dim3A_1719 = vector.broadcast %squeeze3A_1718 : i32 to vector<16xi32>
    %sub3A_1720 = arith.subi %broadcast_in_dim3A_1719, %sub3A_51 : vector<16xi32>
    %bitcast3A_1721 = vector.bitcast %sub3A_1712 : vector<16xi32> to vector<16xi32>
    %le3A_1722 = arith.cmpi ule, %bitcast3A_1721, %broadcast_in_dim3A_565 : vector<16xi32>
    %bitcast3A_1723 = vector.bitcast %sub3A_1716 : vector<16xi32> to vector<16xi32>
    %le3A_1724 = arith.cmpi ule, %bitcast3A_1723, %broadcast_in_dim3A_565 : vector<16xi32>
    %and3A_1725 = arith.andi %le3A_1722, %le3A_1724 : vector<16xi1>
    %bitcast3A_1726 = vector.bitcast %sub3A_1720 : vector<16xi32> to vector<16xi32>
    %le3A_1727 = arith.cmpi ule, %bitcast3A_1726, %broadcast_in_dim3A_565 : vector<16xi32>
    %and3A_1728 = arith.andi %and3A_1725, %le3A_1727 : vector<16xi1>
    %mul3A_1729 = arith.constant 5 : i32
    %mul3A_1730 = vector.broadcast %mul3A_1729 : i32 to vector<16xi32>
    %mul3A_1731 = arith.muli %sub3A_1712, %mul3A_1730 : vector<16xi32>
    %add3A_1732 = arith.addi %mul3A_1731, %sub3A_1716 : vector<16xi32>
    %mul3A_1733 = arith.constant 5 : i32
    %mul3A_1734 = vector.broadcast %mul3A_1733 : i32 to vector<16xi32>
    %mul3A_1735 = arith.muli %add3A_1732, %mul3A_1734 : vector<16xi32>
    %add3A_1736 = arith.addi %mul3A_1735, %sub3A_1720 : vector<16xi32>
    %slice3A_1737 = vector.extract_strided_slice %bitcast3A_30 {offsets = [5], sizes = [1], strides = [1]} : vector<16xf32> to vector<1xf32>
    %squeeze3A_1738 = vector.extract %slice3A_1737[0] : f32 from vector<1xf32>
    %broadcast_in_dim3A_1739 = vector.broadcast %squeeze3A_1738 : f32 to vector<16xf32>
    tpu.vector_store_idx %arg5[%iota3A, %add3A_1736], %broadcast_in_dim3A_1739 masked %and3A_1728 : memref<16x128xf32, #tpu.memory_space<vmem>>[vector<16xi32>, vector<16xi32>], vector<16xf32>, vector<16xi1>
    %slice3A_1740 = vector.extract_strided_slice %get3A_4 {offsets = [6], sizes = [1], strides = [1]} : vector<16xi32> to vector<1xi32>
    %squeeze3A_1741 = vector.extract %slice3A_1740[0] : i32 from vector<1xi32>
    %broadcast_in_dim3A_1742 = vector.broadcast %squeeze3A_1741 : i32 to vector<16xi32>
    %sub3A_1743 = arith.subi %broadcast_in_dim3A_1742, %sub3A_38 : vector<16xi32>
    %slice3A_1744 = vector.extract_strided_slice %get3A_12 {offsets = [6], sizes = [1], strides = [1]} : vector<16xi32> to vector<1xi32>
    %squeeze3A_1745 = vector.extract %slice3A_1744[0] : i32 from vector<1xi32>
    %broadcast_in_dim3A_1746 = vector.broadcast %squeeze3A_1745 : i32 to vector<16xi32>
    %sub3A_1747 = arith.subi %broadcast_in_dim3A_1746, %sub3A_44 : vector<16xi32>
    %slice3A_1748 = vector.extract_strided_slice %get3A_20 {offsets = [6], sizes = [1], strides = [1]} : vector<16xi32> to vector<1xi32>
    %squeeze3A_1749 = vector.extract %slice3A_1748[0] : i32 from vector<1xi32>
    %broadcast_in_dim3A_1750 = vector.broadcast %squeeze3A_1749 : i32 to vector<16xi32>
    %sub3A_1751 = arith.subi %broadcast_in_dim3A_1750, %sub3A_51 : vector<16xi32>
    %bitcast3A_1752 = vector.bitcast %sub3A_1743 : vector<16xi32> to vector<16xi32>
    %le3A_1753 = arith.cmpi ule, %bitcast3A_1752, %broadcast_in_dim3A_565 : vector<16xi32>
    %bitcast3A_1754 = vector.bitcast %sub3A_1747 : vector<16xi32> to vector<16xi32>
    %le3A_1755 = arith.cmpi ule, %bitcast3A_1754, %broadcast_in_dim3A_565 : vector<16xi32>
    %and3A_1756 = arith.andi %le3A_1753, %le3A_1755 : vector<16xi1>
    %bitcast3A_1757 = vector.bitcast %sub3A_1751 : vector<16xi32> to vector<16xi32>
    %le3A_1758 = arith.cmpi ule, %bitcast3A_1757, %broadcast_in_dim3A_565 : vector<16xi32>
    %and3A_1759 = arith.andi %and3A_1756, %le3A_1758 : vector<16xi1>
    %mul3A_1760 = arith.constant 5 : i32
    %mul3A_1761 = vector.broadcast %mul3A_1760 : i32 to vector<16xi32>
    %mul3A_1762 = arith.muli %sub3A_1743, %mul3A_1761 : vector<16xi32>
    %add3A_1763 = arith.addi %mul3A_1762, %sub3A_1747 : vector<16xi32>
    %mul3A_1764 = arith.constant 5 : i32
    %mul3A_1765 = vector.broadcast %mul3A_1764 : i32 to vector<16xi32>
    %mul3A_1766 = arith.muli %add3A_1763, %mul3A_1765 : vector<16xi32>
    %add3A_1767 = arith.addi %mul3A_1766, %sub3A_1751 : vector<16xi32>
    %slice3A_1768 = vector.extract_strided_slice %bitcast3A_30 {offsets = [6], sizes = [1], strides = [1]} : vector<16xf32> to vector<1xf32>
    %squeeze3A_1769 = vector.extract %slice3A_1768[0] : f32 from vector<1xf32>
    %broadcast_in_dim3A_1770 = vector.broadcast %squeeze3A_1769 : f32 to vector<16xf32>
    tpu.vector_store_idx %arg5[%iota3A, %add3A_1767], %broadcast_in_dim3A_1770 masked %and3A_1759 : memref<16x128xf32, #tpu.memory_space<vmem>>[vector<16xi32>, vector<16xi32>], vector<16xf32>, vector<16xi1>
    %slice3A_1771 = vector.extract_strided_slice %get3A_4 {offsets = [7], sizes = [1], strides = [1]} : vector<16xi32> to vector<1xi32>
    %squeeze3A_1772 = vector.extract %slice3A_1771[0] : i32 from vector<1xi32>
    %broadcast_in_dim3A_1773 = vector.broadcast %squeeze3A_1772 : i32 to vector<16xi32>
    %sub3A_1774 = arith.subi %broadcast_in_dim3A_1773, %sub3A_38 : vector<16xi32>
    %slice3A_1775 = vector.extract_strided_slice %get3A_12 {offsets = [7], sizes = [1], strides = [1]} : vector<16xi32> to vector<1xi32>
    %squeeze3A_1776 = vector.extract %slice3A_1775[0] : i32 from vector<1xi32>
    %broadcast_in_dim3A_1777 = vector.broadcast %squeeze3A_1776 : i32 to vector<16xi32>
    %sub3A_1778 = arith.subi %broadcast_in_dim3A_1777, %sub3A_44 : vector<16xi32>
    %slice3A_1779 = vector.extract_strided_slice %get3A_20 {offsets = [7], sizes = [1], strides = [1]} : vector<16xi32> to vector<1xi32>
    %squeeze3A_1780 = vector.extract %slice3A_1779[0] : i32 from vector<1xi32>
    %broadcast_in_dim3A_1781 = vector.broadcast %squeeze3A_1780 : i32 to vector<16xi32>
    %sub3A_1782 = arith.subi %broadcast_in_dim3A_1781, %sub3A_51 : vector<16xi32>
    %bitcast3A_1783 = vector.bitcast %sub3A_1774 : vector<16xi32> to vector<16xi32>
    %le3A_1784 = arith.cmpi ule, %bitcast3A_1783, %broadcast_in_dim3A_565 : vector<16xi32>
    %bitcast3A_1785 = vector.bitcast %sub3A_1778 : vector<16xi32> to vector<16xi32>
    %le3A_1786 = arith.cmpi ule, %bitcast3A_1785, %broadcast_in_dim3A_565 : vector<16xi32>
    %and3A_1787 = arith.andi %le3A_1784, %le3A_1786 : vector<16xi1>
    %bitcast3A_1788 = vector.bitcast %sub3A_1782 : vector<16xi32> to vector<16xi32>
    %le3A_1789 = arith.cmpi ule, %bitcast3A_1788, %broadcast_in_dim3A_565 : vector<16xi32>
    %and3A_1790 = arith.andi %and3A_1787, %le3A_1789 : vector<16xi1>
    %mul3A_1791 = arith.constant 5 : i32
    %mul3A_1792 = vector.broadcast %mul3A_1791 : i32 to vector<16xi32>
    %mul3A_1793 = arith.muli %sub3A_1774, %mul3A_1792 : vector<16xi32>
    %add3A_1794 = arith.addi %mul3A_1793, %sub3A_1778 : vector<16xi32>
    %mul3A_1795 = arith.constant 5 : i32
    %mul3A_1796 = vector.broadcast %mul3A_1795 : i32 to vector<16xi32>
    %mul3A_1797 = arith.muli %add3A_1794, %mul3A_1796 : vector<16xi32>
    %add3A_1798 = arith.addi %mul3A_1797, %sub3A_1782 : vector<16xi32>
    %slice3A_1799 = vector.extract_strided_slice %bitcast3A_30 {offsets = [7], sizes = [1], strides = [1]} : vector<16xf32> to vector<1xf32>
    %squeeze3A_1800 = vector.extract %slice3A_1799[0] : f32 from vector<1xf32>
    %broadcast_in_dim3A_1801 = vector.broadcast %squeeze3A_1800 : f32 to vector<16xf32>
    tpu.vector_store_idx %arg5[%iota3A, %add3A_1798], %broadcast_in_dim3A_1801 masked %and3A_1790 : memref<16x128xf32, #tpu.memory_space<vmem>>[vector<16xi32>, vector<16xi32>], vector<16xf32>, vector<16xi1>
    %slice3A_1802 = vector.extract_strided_slice %get3A_4 {offsets = [8], sizes = [1], strides = [1]} : vector<16xi32> to vector<1xi32>
    %squeeze3A_1803 = vector.extract %slice3A_1802[0] : i32 from vector<1xi32>
    %broadcast_in_dim3A_1804 = vector.broadcast %squeeze3A_1803 : i32 to vector<16xi32>
    %sub3A_1805 = arith.subi %broadcast_in_dim3A_1804, %sub3A_38 : vector<16xi32>
    %slice3A_1806 = vector.extract_strided_slice %get3A_12 {offsets = [8], sizes = [1], strides = [1]} : vector<16xi32> to vector<1xi32>
    %squeeze3A_1807 = vector.extract %slice3A_1806[0] : i32 from vector<1xi32>
    %broadcast_in_dim3A_1808 = vector.broadcast %squeeze3A_1807 : i32 to vector<16xi32>
    %sub3A_1809 = arith.subi %broadcast_in_dim3A_1808, %sub3A_44 : vector<16xi32>
    %slice3A_1810 = vector.extract_strided_slice %get3A_20 {offsets = [8], sizes = [1], strides = [1]} : vector<16xi32> to vector<1xi32>
    %squeeze3A_1811 = vector.extract %slice3A_1810[0] : i32 from vector<1xi32>
    %broadcast_in_dim3A_1812 = vector.broadcast %squeeze3A_1811 : i32 to vector<16xi32>
    %sub3A_1813 = arith.subi %broadcast_in_dim3A_1812, %sub3A_51 : vector<16xi32>
    %bitcast3A_1814 = vector.bitcast %sub3A_1805 : vector<16xi32> to vector<16xi32>
    %le3A_1815 = arith.cmpi ule, %bitcast3A_1814, %broadcast_in_dim3A_565 : vector<16xi32>
    %bitcast3A_1816 = vector.bitcast %sub3A_1809 : vector<16xi32> to vector<16xi32>
    %le3A_1817 = arith.cmpi ule, %bitcast3A_1816, %broadcast_in_dim3A_565 : vector<16xi32>
    %and3A_1818 = arith.andi %le3A_1815, %le3A_1817 : vector<16xi1>
    %bitcast3A_1819 = vector.bitcast %sub3A_1813 : vector<16xi32> to vector<16xi32>
    %le3A_1820 = arith.cmpi ule, %bitcast3A_1819, %broadcast_in_dim3A_565 : vector<16xi32>
    %and3A_1821 = arith.andi %and3A_1818, %le3A_1820 : vector<16xi1>
    %mul3A_1822 = arith.constant 5 : i32
    %mul3A_1823 = vector.broadcast %mul3A_1822 : i32 to vector<16xi32>
    %mul3A_1824 = arith.muli %sub3A_1805, %mul3A_1823 : vector<16xi32>
    %add3A_1825 = arith.addi %mul3A_1824, %sub3A_1809 : vector<16xi32>
    %mul3A_1826 = arith.constant 5 : i32
    %mul3A_1827 = vector.broadcast %mul3A_1826 : i32 to vector<16xi32>
    %mul3A_1828 = arith.muli %add3A_1825, %mul3A_1827 : vector<16xi32>
    %add3A_1829 = arith.addi %mul3A_1828, %sub3A_1813 : vector<16xi32>
    %slice3A_1830 = vector.extract_strided_slice %bitcast3A_30 {offsets = [8], sizes = [1], strides = [1]} : vector<16xf32> to vector<1xf32>
    %squeeze3A_1831 = vector.extract %slice3A_1830[0] : f32 from vector<1xf32>
    %broadcast_in_dim3A_1832 = vector.broadcast %squeeze3A_1831 : f32 to vector<16xf32>
    tpu.vector_store_idx %arg5[%iota3A, %add3A_1829], %broadcast_in_dim3A_1832 masked %and3A_1821 : memref<16x128xf32, #tpu.memory_space<vmem>>[vector<16xi32>, vector<16xi32>], vector<16xf32>, vector<16xi1>
    %slice3A_1833 = vector.extract_strided_slice %get3A_4 {offsets = [9], sizes = [1], strides = [1]} : vector<16xi32> to vector<1xi32>
    %squeeze3A_1834 = vector.extract %slice3A_1833[0] : i32 from vector<1xi32>
    %broadcast_in_dim3A_1835 = vector.broadcast %squeeze3A_1834 : i32 to vector<16xi32>
    %sub3A_1836 = arith.subi %broadcast_in_dim3A_1835, %sub3A_38 : vector<16xi32>
    %slice3A_1837 = vector.extract_strided_slice %get3A_12 {offsets = [9], sizes = [1], strides = [1]} : vector<16xi32> to vector<1xi32>
    %squeeze3A_1838 = vector.extract %slice3A_1837[0] : i32 from vector<1xi32>
    %broadcast_in_dim3A_1839 = vector.broadcast %squeeze3A_1838 : i32 to vector<16xi32>
    %sub3A_1840 = arith.subi %broadcast_in_dim3A_1839, %sub3A_44 : vector<16xi32>
    %slice3A_1841 = vector.extract_strided_slice %get3A_20 {offsets = [9], sizes = [1], strides = [1]} : vector<16xi32> to vector<1xi32>
    %squeeze3A_1842 = vector.extract %slice3A_1841[0] : i32 from vector<1xi32>
    %broadcast_in_dim3A_1843 = vector.broadcast %squeeze3A_1842 : i32 to vector<16xi32>
    %sub3A_1844 = arith.subi %broadcast_in_dim3A_1843, %sub3A_51 : vector<16xi32>
    %bitcast3A_1845 = vector.bitcast %sub3A_1836 : vector<16xi32> to vector<16xi32>
    %le3A_1846 = arith.cmpi ule, %bitcast3A_1845, %broadcast_in_dim3A_565 : vector<16xi32>
    %bitcast3A_1847 = vector.bitcast %sub3A_1840 : vector<16xi32> to vector<16xi32>
    %le3A_1848 = arith.cmpi ule, %bitcast3A_1847, %broadcast_in_dim3A_565 : vector<16xi32>
    %and3A_1849 = arith.andi %le3A_1846, %le3A_1848 : vector<16xi1>
    %bitcast3A_1850 = vector.bitcast %sub3A_1844 : vector<16xi32> to vector<16xi32>
    %le3A_1851 = arith.cmpi ule, %bitcast3A_1850, %broadcast_in_dim3A_565 : vector<16xi32>
    %and3A_1852 = arith.andi %and3A_1849, %le3A_1851 : vector<16xi1>
    %mul3A_1853 = arith.constant 5 : i32
    %mul3A_1854 = vector.broadcast %mul3A_1853 : i32 to vector<16xi32>
    %mul3A_1855 = arith.muli %sub3A_1836, %mul3A_1854 : vector<16xi32>
    %add3A_1856 = arith.addi %mul3A_1855, %sub3A_1840 : vector<16xi32>
    %mul3A_1857 = arith.constant 5 : i32
    %mul3A_1858 = vector.broadcast %mul3A_1857 : i32 to vector<16xi32>
    %mul3A_1859 = arith.muli %add3A_1856, %mul3A_1858 : vector<16xi32>
    %add3A_1860 = arith.addi %mul3A_1859, %sub3A_1844 : vector<16xi32>
    %slice3A_1861 = vector.extract_strided_slice %bitcast3A_30 {offsets = [9], sizes = [1], strides = [1]} : vector<16xf32> to vector<1xf32>
    %squeeze3A_1862 = vector.extract %slice3A_1861[0] : f32 from vector<1xf32>
    %broadcast_in_dim3A_1863 = vector.broadcast %squeeze3A_1862 : f32 to vector<16xf32>
    tpu.vector_store_idx %arg5[%iota3A, %add3A_1860], %broadcast_in_dim3A_1863 masked %and3A_1852 : memref<16x128xf32, #tpu.memory_space<vmem>>[vector<16xi32>, vector<16xi32>], vector<16xf32>, vector<16xi1>
    %slice3A_1864 = vector.extract_strided_slice %get3A_4 {offsets = [10], sizes = [1], strides = [1]} : vector<16xi32> to vector<1xi32>
    %squeeze3A_1865 = vector.extract %slice3A_1864[0] : i32 from vector<1xi32>
    %broadcast_in_dim3A_1866 = vector.broadcast %squeeze3A_1865 : i32 to vector<16xi32>
    %sub3A_1867 = arith.subi %broadcast_in_dim3A_1866, %sub3A_38 : vector<16xi32>
    %slice3A_1868 = vector.extract_strided_slice %get3A_12 {offsets = [10], sizes = [1], strides = [1]} : vector<16xi32> to vector<1xi32>
    %squeeze3A_1869 = vector.extract %slice3A_1868[0] : i32 from vector<1xi32>
    %broadcast_in_dim3A_1870 = vector.broadcast %squeeze3A_1869 : i32 to vector<16xi32>
    %sub3A_1871 = arith.subi %broadcast_in_dim3A_1870, %sub3A_44 : vector<16xi32>
    %slice3A_1872 = vector.extract_strided_slice %get3A_20 {offsets = [10], sizes = [1], strides = [1]} : vector<16xi32> to vector<1xi32>
    %squeeze3A_1873 = vector.extract %slice3A_1872[0] : i32 from vector<1xi32>
    %broadcast_in_dim3A_1874 = vector.broadcast %squeeze3A_1873 : i32 to vector<16xi32>
    %sub3A_1875 = arith.subi %broadcast_in_dim3A_1874, %sub3A_51 : vector<16xi32>
    %bitcast3A_1876 = vector.bitcast %sub3A_1867 : vector<16xi32> to vector<16xi32>
    %le3A_1877 = arith.cmpi ule, %bitcast3A_1876, %broadcast_in_dim3A_565 : vector<16xi32>
    %bitcast3A_1878 = vector.bitcast %sub3A_1871 : vector<16xi32> to vector<16xi32>
    %le3A_1879 = arith.cmpi ule, %bitcast3A_1878, %broadcast_in_dim3A_565 : vector<16xi32>
    %and3A_1880 = arith.andi %le3A_1877, %le3A_1879 : vector<16xi1>
    %bitcast3A_1881 = vector.bitcast %sub3A_1875 : vector<16xi32> to vector<16xi32>
    %le3A_1882 = arith.cmpi ule, %bitcast3A_1881, %broadcast_in_dim3A_565 : vector<16xi32>
    %and3A_1883 = arith.andi %and3A_1880, %le3A_1882 : vector<16xi1>
    %mul3A_1884 = arith.constant 5 : i32
    %mul3A_1885 = vector.broadcast %mul3A_1884 : i32 to vector<16xi32>
    %mul3A_1886 = arith.muli %sub3A_1867, %mul3A_1885 : vector<16xi32>
    %add3A_1887 = arith.addi %mul3A_1886, %sub3A_1871 : vector<16xi32>
    %mul3A_1888 = arith.constant 5 : i32
    %mul3A_1889 = vector.broadcast %mul3A_1888 : i32 to vector<16xi32>
    %mul3A_1890 = arith.muli %add3A_1887, %mul3A_1889 : vector<16xi32>
    %add3A_1891 = arith.addi %mul3A_1890, %sub3A_1875 : vector<16xi32>
    %slice3A_1892 = vector.extract_strided_slice %bitcast3A_30 {offsets = [10], sizes = [1], strides = [1]} : vector<16xf32> to vector<1xf32>
    %squeeze3A_1893 = vector.extract %slice3A_1892[0] : f32 from vector<1xf32>
    %broadcast_in_dim3A_1894 = vector.broadcast %squeeze3A_1893 : f32 to vector<16xf32>
    tpu.vector_store_idx %arg5[%iota3A, %add3A_1891], %broadcast_in_dim3A_1894 masked %and3A_1883 : memref<16x128xf32, #tpu.memory_space<vmem>>[vector<16xi32>, vector<16xi32>], vector<16xf32>, vector<16xi1>
    %slice3A_1895 = vector.extract_strided_slice %get3A_4 {offsets = [11], sizes = [1], strides = [1]} : vector<16xi32> to vector<1xi32>
    %squeeze3A_1896 = vector.extract %slice3A_1895[0] : i32 from vector<1xi32>
    %broadcast_in_dim3A_1897 = vector.broadcast %squeeze3A_1896 : i32 to vector<16xi32>
    %sub3A_1898 = arith.subi %broadcast_in_dim3A_1897, %sub3A_38 : vector<16xi32>
    %slice3A_1899 = vector.extract_strided_slice %get3A_12 {offsets = [11], sizes = [1], strides = [1]} : vector<16xi32> to vector<1xi32>
    %squeeze3A_1900 = vector.extract %slice3A_1899[0] : i32 from vector<1xi32>
    %broadcast_in_dim3A_1901 = vector.broadcast %squeeze3A_1900 : i32 to vector<16xi32>
    %sub3A_1902 = arith.subi %broadcast_in_dim3A_1901, %sub3A_44 : vector<16xi32>
    %slice3A_1903 = vector.extract_strided_slice %get3A_20 {offsets = [11], sizes = [1], strides = [1]} : vector<16xi32> to vector<1xi32>
    %squeeze3A_1904 = vector.extract %slice3A_1903[0] : i32 from vector<1xi32>
    %broadcast_in_dim3A_1905 = vector.broadcast %squeeze3A_1904 : i32 to vector<16xi32>
    %sub3A_1906 = arith.subi %broadcast_in_dim3A_1905, %sub3A_51 : vector<16xi32>
    %bitcast3A_1907 = vector.bitcast %sub3A_1898 : vector<16xi32> to vector<16xi32>
    %le3A_1908 = arith.cmpi ule, %bitcast3A_1907, %broadcast_in_dim3A_565 : vector<16xi32>
    %bitcast3A_1909 = vector.bitcast %sub3A_1902 : vector<16xi32> to vector<16xi32>
    %le3A_1910 = arith.cmpi ule, %bitcast3A_1909, %broadcast_in_dim3A_565 : vector<16xi32>
    %and3A_1911 = arith.andi %le3A_1908, %le3A_1910 : vector<16xi1>
    %bitcast3A_1912 = vector.bitcast %sub3A_1906 : vector<16xi32> to vector<16xi32>
    %le3A_1913 = arith.cmpi ule, %bitcast3A_1912, %broadcast_in_dim3A_565 : vector<16xi32>
    %and3A_1914 = arith.andi %and3A_1911, %le3A_1913 : vector<16xi1>
    %mul3A_1915 = arith.constant 5 : i32
    %mul3A_1916 = vector.broadcast %mul3A_1915 : i32 to vector<16xi32>
    %mul3A_1917 = arith.muli %sub3A_1898, %mul3A_1916 : vector<16xi32>
    %add3A_1918 = arith.addi %mul3A_1917, %sub3A_1902 : vector<16xi32>
    %mul3A_1919 = arith.constant 5 : i32
    %mul3A_1920 = vector.broadcast %mul3A_1919 : i32 to vector<16xi32>
    %mul3A_1921 = arith.muli %add3A_1918, %mul3A_1920 : vector<16xi32>
    %add3A_1922 = arith.addi %mul3A_1921, %sub3A_1906 : vector<16xi32>
    %slice3A_1923 = vector.extract_strided_slice %bitcast3A_30 {offsets = [11], sizes = [1], strides = [1]} : vector<16xf32> to vector<1xf32>
    %squeeze3A_1924 = vector.extract %slice3A_1923[0] : f32 from vector<1xf32>
    %broadcast_in_dim3A_1925 = vector.broadcast %squeeze3A_1924 : f32 to vector<16xf32>
    tpu.vector_store_idx %arg5[%iota3A, %add3A_1922], %broadcast_in_dim3A_1925 masked %and3A_1914 : memref<16x128xf32, #tpu.memory_space<vmem>>[vector<16xi32>, vector<16xi32>], vector<16xf32>, vector<16xi1>
    %slice3A_1926 = vector.extract_strided_slice %get3A_4 {offsets = [12], sizes = [1], strides = [1]} : vector<16xi32> to vector<1xi32>
    %squeeze3A_1927 = vector.extract %slice3A_1926[0] : i32 from vector<1xi32>
    %broadcast_in_dim3A_1928 = vector.broadcast %squeeze3A_1927 : i32 to vector<16xi32>
    %sub3A_1929 = arith.subi %broadcast_in_dim3A_1928, %sub3A_38 : vector<16xi32>
    %slice3A_1930 = vector.extract_strided_slice %get3A_12 {offsets = [12], sizes = [1], strides = [1]} : vector<16xi32> to vector<1xi32>
    %squeeze3A_1931 = vector.extract %slice3A_1930[0] : i32 from vector<1xi32>
    %broadcast_in_dim3A_1932 = vector.broadcast %squeeze3A_1931 : i32 to vector<16xi32>
    %sub3A_1933 = arith.subi %broadcast_in_dim3A_1932, %sub3A_44 : vector<16xi32>
    %slice3A_1934 = vector.extract_strided_slice %get3A_20 {offsets = [12], sizes = [1], strides = [1]} : vector<16xi32> to vector<1xi32>
    %squeeze3A_1935 = vector.extract %slice3A_1934[0] : i32 from vector<1xi32>
    %broadcast_in_dim3A_1936 = vector.broadcast %squeeze3A_1935 : i32 to vector<16xi32>
    %sub3A_1937 = arith.subi %broadcast_in_dim3A_1936, %sub3A_51 : vector<16xi32>
    %bitcast3A_1938 = vector.bitcast %sub3A_1929 : vector<16xi32> to vector<16xi32>
    %le3A_1939 = arith.cmpi ule, %bitcast3A_1938, %broadcast_in_dim3A_565 : vector<16xi32>
    %bitcast3A_1940 = vector.bitcast %sub3A_1933 : vector<16xi32> to vector<16xi32>
    %le3A_1941 = arith.cmpi ule, %bitcast3A_1940, %broadcast_in_dim3A_565 : vector<16xi32>
    %and3A_1942 = arith.andi %le3A_1939, %le3A_1941 : vector<16xi1>
    %bitcast3A_1943 = vector.bitcast %sub3A_1937 : vector<16xi32> to vector<16xi32>
    %le3A_1944 = arith.cmpi ule, %bitcast3A_1943, %broadcast_in_dim3A_565 : vector<16xi32>
    %and3A_1945 = arith.andi %and3A_1942, %le3A_1944 : vector<16xi1>
    %mul3A_1946 = arith.constant 5 : i32
    %mul3A_1947 = vector.broadcast %mul3A_1946 : i32 to vector<16xi32>
    %mul3A_1948 = arith.muli %sub3A_1929, %mul3A_1947 : vector<16xi32>
    %add3A_1949 = arith.addi %mul3A_1948, %sub3A_1933 : vector<16xi32>
    %mul3A_1950 = arith.constant 5 : i32
    %mul3A_1951 = vector.broadcast %mul3A_1950 : i32 to vector<16xi32>
    %mul3A_1952 = arith.muli %add3A_1949, %mul3A_1951 : vector<16xi32>
    %add3A_1953 = arith.addi %mul3A_1952, %sub3A_1937 : vector<16xi32>
    %slice3A_1954 = vector.extract_strided_slice %bitcast3A_30 {offsets = [12], sizes = [1], strides = [1]} : vector<16xf32> to vector<1xf32>
    %squeeze3A_1955 = vector.extract %slice3A_1954[0] : f32 from vector<1xf32>
    %broadcast_in_dim3A_1956 = vector.broadcast %squeeze3A_1955 : f32 to vector<16xf32>
    tpu.vector_store_idx %arg5[%iota3A, %add3A_1953], %broadcast_in_dim3A_1956 masked %and3A_1945 : memref<16x128xf32, #tpu.memory_space<vmem>>[vector<16xi32>, vector<16xi32>], vector<16xf32>, vector<16xi1>
    %slice3A_1957 = vector.extract_strided_slice %get3A_4 {offsets = [13], sizes = [1], strides = [1]} : vector<16xi32> to vector<1xi32>
    %squeeze3A_1958 = vector.extract %slice3A_1957[0] : i32 from vector<1xi32>
    %broadcast_in_dim3A_1959 = vector.broadcast %squeeze3A_1958 : i32 to vector<16xi32>
    %sub3A_1960 = arith.subi %broadcast_in_dim3A_1959, %sub3A_38 : vector<16xi32>
    %slice3A_1961 = vector.extract_strided_slice %get3A_12 {offsets = [13], sizes = [1], strides = [1]} : vector<16xi32> to vector<1xi32>
    %squeeze3A_1962 = vector.extract %slice3A_1961[0] : i32 from vector<1xi32>
    %broadcast_in_dim3A_1963 = vector.broadcast %squeeze3A_1962 : i32 to vector<16xi32>
    %sub3A_1964 = arith.subi %broadcast_in_dim3A_1963, %sub3A_44 : vector<16xi32>
    %slice3A_1965 = vector.extract_strided_slice %get3A_20 {offsets = [13], sizes = [1], strides = [1]} : vector<16xi32> to vector<1xi32>
    %squeeze3A_1966 = vector.extract %slice3A_1965[0] : i32 from vector<1xi32>
    %broadcast_in_dim3A_1967 = vector.broadcast %squeeze3A_1966 : i32 to vector<16xi32>
    %sub3A_1968 = arith.subi %broadcast_in_dim3A_1967, %sub3A_51 : vector<16xi32>
    %bitcast3A_1969 = vector.bitcast %sub3A_1960 : vector<16xi32> to vector<16xi32>
    %le3A_1970 = arith.cmpi ule, %bitcast3A_1969, %broadcast_in_dim3A_565 : vector<16xi32>
    %bitcast3A_1971 = vector.bitcast %sub3A_1964 : vector<16xi32> to vector<16xi32>
    %le3A_1972 = arith.cmpi ule, %bitcast3A_1971, %broadcast_in_dim3A_565 : vector<16xi32>
    %and3A_1973 = arith.andi %le3A_1970, %le3A_1972 : vector<16xi1>
    %bitcast3A_1974 = vector.bitcast %sub3A_1968 : vector<16xi32> to vector<16xi32>
    %le3A_1975 = arith.cmpi ule, %bitcast3A_1974, %broadcast_in_dim3A_565 : vector<16xi32>
    %and3A_1976 = arith.andi %and3A_1973, %le3A_1975 : vector<16xi1>
    %mul3A_1977 = arith.constant 5 : i32
    %mul3A_1978 = vector.broadcast %mul3A_1977 : i32 to vector<16xi32>
    %mul3A_1979 = arith.muli %sub3A_1960, %mul3A_1978 : vector<16xi32>
    %add3A_1980 = arith.addi %mul3A_1979, %sub3A_1964 : vector<16xi32>
    %mul3A_1981 = arith.constant 5 : i32
    %mul3A_1982 = vector.broadcast %mul3A_1981 : i32 to vector<16xi32>
    %mul3A_1983 = arith.muli %add3A_1980, %mul3A_1982 : vector<16xi32>
    %add3A_1984 = arith.addi %mul3A_1983, %sub3A_1968 : vector<16xi32>
    %slice3A_1985 = vector.extract_strided_slice %bitcast3A_30 {offsets = [13], sizes = [1], strides = [1]} : vector<16xf32> to vector<1xf32>
    %squeeze3A_1986 = vector.extract %slice3A_1985[0] : f32 from vector<1xf32>
    %broadcast_in_dim3A_1987 = vector.broadcast %squeeze3A_1986 : f32 to vector<16xf32>
    tpu.vector_store_idx %arg5[%iota3A, %add3A_1984], %broadcast_in_dim3A_1987 masked %and3A_1976 : memref<16x128xf32, #tpu.memory_space<vmem>>[vector<16xi32>, vector<16xi32>], vector<16xf32>, vector<16xi1>
    %slice3A_1988 = vector.extract_strided_slice %get3A_4 {offsets = [14], sizes = [1], strides = [1]} : vector<16xi32> to vector<1xi32>
    %squeeze3A_1989 = vector.extract %slice3A_1988[0] : i32 from vector<1xi32>
    %broadcast_in_dim3A_1990 = vector.broadcast %squeeze3A_1989 : i32 to vector<16xi32>
    %sub3A_1991 = arith.subi %broadcast_in_dim3A_1990, %sub3A_38 : vector<16xi32>
    %slice3A_1992 = vector.extract_strided_slice %get3A_12 {offsets = [14], sizes = [1], strides = [1]} : vector<16xi32> to vector<1xi32>
    %squeeze3A_1993 = vector.extract %slice3A_1992[0] : i32 from vector<1xi32>
    %broadcast_in_dim3A_1994 = vector.broadcast %squeeze3A_1993 : i32 to vector<16xi32>
    %sub3A_1995 = arith.subi %broadcast_in_dim3A_1994, %sub3A_44 : vector<16xi32>
    %slice3A_1996 = vector.extract_strided_slice %get3A_20 {offsets = [14], sizes = [1], strides = [1]} : vector<16xi32> to vector<1xi32>
    %squeeze3A_1997 = vector.extract %slice3A_1996[0] : i32 from vector<1xi32>
    %broadcast_in_dim3A_1998 = vector.broadcast %squeeze3A_1997 : i32 to vector<16xi32>
    %sub3A_1999 = arith.subi %broadcast_in_dim3A_1998, %sub3A_51 : vector<16xi32>
    %bitcast3A_2000 = vector.bitcast %sub3A_1991 : vector<16xi32> to vector<16xi32>
    %le3A_2001 = arith.cmpi ule, %bitcast3A_2000, %broadcast_in_dim3A_565 : vector<16xi32>
    %bitcast3A_2002 = vector.bitcast %sub3A_1995 : vector<16xi32> to vector<16xi32>
    %le3A_2003 = arith.cmpi ule, %bitcast3A_2002, %broadcast_in_dim3A_565 : vector<16xi32>
    %and3A_2004 = arith.andi %le3A_2001, %le3A_2003 : vector<16xi1>
    %bitcast3A_2005 = vector.bitcast %sub3A_1999 : vector<16xi32> to vector<16xi32>
    %le3A_2006 = arith.cmpi ule, %bitcast3A_2005, %broadcast_in_dim3A_565 : vector<16xi32>
    %and3A_2007 = arith.andi %and3A_2004, %le3A_2006 : vector<16xi1>
    %mul3A_2008 = arith.constant 5 : i32
    %mul3A_2009 = vector.broadcast %mul3A_2008 : i32 to vector<16xi32>
    %mul3A_2010 = arith.muli %sub3A_1991, %mul3A_2009 : vector<16xi32>
    %add3A_2011 = arith.addi %mul3A_2010, %sub3A_1995 : vector<16xi32>
    %mul3A_2012 = arith.constant 5 : i32
    %mul3A_2013 = vector.broadcast %mul3A_2012 : i32 to vector<16xi32>
    %mul3A_2014 = arith.muli %add3A_2011, %mul3A_2013 : vector<16xi32>
    %add3A_2015 = arith.addi %mul3A_2014, %sub3A_1999 : vector<16xi32>
    %slice3A_2016 = vector.extract_strided_slice %bitcast3A_30 {offsets = [14], sizes = [1], strides = [1]} : vector<16xf32> to vector<1xf32>
    %squeeze3A_2017 = vector.extract %slice3A_2016[0] : f32 from vector<1xf32>
    %broadcast_in_dim3A_2018 = vector.broadcast %squeeze3A_2017 : f32 to vector<16xf32>
    tpu.vector_store_idx %arg5[%iota3A, %add3A_2015], %broadcast_in_dim3A_2018 masked %and3A_2007 : memref<16x128xf32, #tpu.memory_space<vmem>>[vector<16xi32>, vector<16xi32>], vector<16xf32>, vector<16xi1>
    %slice3A_2019 = vector.extract_strided_slice %get3A_4 {offsets = [15], sizes = [1], strides = [1]} : vector<16xi32> to vector<1xi32>
    %squeeze3A_2020 = vector.extract %slice3A_2019[0] : i32 from vector<1xi32>
    %broadcast_in_dim3A_2021 = vector.broadcast %squeeze3A_2020 : i32 to vector<16xi32>
    %sub3A_2022 = arith.subi %broadcast_in_dim3A_2021, %sub3A_38 : vector<16xi32>
    %slice3A_2023 = vector.extract_strided_slice %get3A_12 {offsets = [15], sizes = [1], strides = [1]} : vector<16xi32> to vector<1xi32>
    %squeeze3A_2024 = vector.extract %slice3A_2023[0] : i32 from vector<1xi32>
    %broadcast_in_dim3A_2025 = vector.broadcast %squeeze3A_2024 : i32 to vector<16xi32>
    %sub3A_2026 = arith.subi %broadcast_in_dim3A_2025, %sub3A_44 : vector<16xi32>
    %slice3A_2027 = vector.extract_strided_slice %get3A_20 {offsets = [15], sizes = [1], strides = [1]} : vector<16xi32> to vector<1xi32>
    %squeeze3A_2028 = vector.extract %slice3A_2027[0] : i32 from vector<1xi32>
    %broadcast_in_dim3A_2029 = vector.broadcast %squeeze3A_2028 : i32 to vector<16xi32>
    %sub3A_2030 = arith.subi %broadcast_in_dim3A_2029, %sub3A_51 : vector<16xi32>
    %bitcast3A_2031 = vector.bitcast %sub3A_2022 : vector<16xi32> to vector<16xi32>
    %le3A_2032 = arith.cmpi ule, %bitcast3A_2031, %broadcast_in_dim3A_565 : vector<16xi32>
    %bitcast3A_2033 = vector.bitcast %sub3A_2026 : vector<16xi32> to vector<16xi32>
    %le3A_2034 = arith.cmpi ule, %bitcast3A_2033, %broadcast_in_dim3A_565 : vector<16xi32>
    %and3A_2035 = arith.andi %le3A_2032, %le3A_2034 : vector<16xi1>
    %bitcast3A_2036 = vector.bitcast %sub3A_2030 : vector<16xi32> to vector<16xi32>
    %le3A_2037 = arith.cmpi ule, %bitcast3A_2036, %broadcast_in_dim3A_565 : vector<16xi32>
    %and3A_2038 = arith.andi %and3A_2035, %le3A_2037 : vector<16xi1>
    %mul3A_2039 = arith.constant 5 : i32
    %mul3A_2040 = vector.broadcast %mul3A_2039 : i32 to vector<16xi32>
    %mul3A_2041 = arith.muli %sub3A_2022, %mul3A_2040 : vector<16xi32>
    %add3A_2042 = arith.addi %mul3A_2041, %sub3A_2026 : vector<16xi32>
    %mul3A_2043 = arith.constant 5 : i32
    %mul3A_2044 = vector.broadcast %mul3A_2043 : i32 to vector<16xi32>
    %mul3A_2045 = arith.muli %add3A_2042, %mul3A_2044 : vector<16xi32>
    %add3A_2046 = arith.addi %mul3A_2045, %sub3A_2030 : vector<16xi32>
    %slice3A_2047 = vector.extract_strided_slice %bitcast3A_30 {offsets = [15], sizes = [1], strides = [1]} : vector<16xf32> to vector<1xf32>
    %squeeze3A_2048 = vector.extract %slice3A_2047[0] : f32 from vector<1xf32>
    %broadcast_in_dim3A_2049 = vector.broadcast %squeeze3A_2048 : f32 to vector<16xf32>
    tpu.vector_store_idx %arg5[%iota3A, %add3A_2046], %broadcast_in_dim3A_2049 masked %and3A_2038 : memref<16x128xf32, #tpu.memory_space<vmem>>[vector<16xi32>, vector<16xi32>], vector<16xf32>, vector<16xi1>
    %slice3A_2050 = vector.extract_strided_slice %get3A_6 {offsets = [0], sizes = [1], strides = [1]} : vector<16xi32> to vector<1xi32>
    %squeeze3A_2051 = vector.extract %slice3A_2050[0] : i32 from vector<1xi32>
    %broadcast_in_dim3A_2052 = vector.broadcast %squeeze3A_2051 : i32 to vector<16xi32>
    %sub3A_2053 = arith.subi %broadcast_in_dim3A_2052, %sub3A_38 : vector<16xi32>
    %slice3A_2054 = vector.extract_strided_slice %get3A_14 {offsets = [0], sizes = [1], strides = [1]} : vector<16xi32> to vector<1xi32>
    %squeeze3A_2055 = vector.extract %slice3A_2054[0] : i32 from vector<1xi32>
    %broadcast_in_dim3A_2056 = vector.broadcast %squeeze3A_2055 : i32 to vector<16xi32>
    %sub3A_2057 = arith.subi %broadcast_in_dim3A_2056, %sub3A_44 : vector<16xi32>
    %slice3A_2058 = vector.extract_strided_slice %get3A_22 {offsets = [0], sizes = [1], strides = [1]} : vector<16xi32> to vector<1xi32>
    %squeeze3A_2059 = vector.extract %slice3A_2058[0] : i32 from vector<1xi32>
    %broadcast_in_dim3A_2060 = vector.broadcast %squeeze3A_2059 : i32 to vector<16xi32>
    %sub3A_2061 = arith.subi %broadcast_in_dim3A_2060, %sub3A_51 : vector<16xi32>
    %bitcast3A_2062 = vector.bitcast %sub3A_2053 : vector<16xi32> to vector<16xi32>
    %le3A_2063 = arith.cmpi ule, %bitcast3A_2062, %broadcast_in_dim3A_565 : vector<16xi32>
    %bitcast3A_2064 = vector.bitcast %sub3A_2057 : vector<16xi32> to vector<16xi32>
    %le3A_2065 = arith.cmpi ule, %bitcast3A_2064, %broadcast_in_dim3A_565 : vector<16xi32>
    %and3A_2066 = arith.andi %le3A_2063, %le3A_2065 : vector<16xi1>
    %bitcast3A_2067 = vector.bitcast %sub3A_2061 : vector<16xi32> to vector<16xi32>
    %le3A_2068 = arith.cmpi ule, %bitcast3A_2067, %broadcast_in_dim3A_565 : vector<16xi32>
    %and3A_2069 = arith.andi %and3A_2066, %le3A_2068 : vector<16xi1>
    %mul3A_2070 = arith.constant 5 : i32
    %mul3A_2071 = vector.broadcast %mul3A_2070 : i32 to vector<16xi32>
    %mul3A_2072 = arith.muli %sub3A_2053, %mul3A_2071 : vector<16xi32>
    %add3A_2073 = arith.addi %mul3A_2072, %sub3A_2057 : vector<16xi32>
    %mul3A_2074 = arith.constant 5 : i32
    %mul3A_2075 = vector.broadcast %mul3A_2074 : i32 to vector<16xi32>
    %mul3A_2076 = arith.muli %add3A_2073, %mul3A_2075 : vector<16xi32>
    %add3A_2077 = arith.addi %mul3A_2076, %sub3A_2061 : vector<16xi32>
    %slice3A_2078 = vector.extract_strided_slice %bitcast3A_33 {offsets = [0], sizes = [1], strides = [1]} : vector<16xf32> to vector<1xf32>
    %squeeze3A_2079 = vector.extract %slice3A_2078[0] : f32 from vector<1xf32>
    %broadcast_in_dim3A_2080 = vector.broadcast %squeeze3A_2079 : f32 to vector<16xf32>
    tpu.vector_store_idx %arg5[%iota3A, %add3A_2077], %broadcast_in_dim3A_2080 masked %and3A_2069 : memref<16x128xf32, #tpu.memory_space<vmem>>[vector<16xi32>, vector<16xi32>], vector<16xf32>, vector<16xi1>
    %slice3A_2081 = vector.extract_strided_slice %get3A_6 {offsets = [1], sizes = [1], strides = [1]} : vector<16xi32> to vector<1xi32>
    %squeeze3A_2082 = vector.extract %slice3A_2081[0] : i32 from vector<1xi32>
    %broadcast_in_dim3A_2083 = vector.broadcast %squeeze3A_2082 : i32 to vector<16xi32>
    %sub3A_2084 = arith.subi %broadcast_in_dim3A_2083, %sub3A_38 : vector<16xi32>
    %slice3A_2085 = vector.extract_strided_slice %get3A_14 {offsets = [1], sizes = [1], strides = [1]} : vector<16xi32> to vector<1xi32>
    %squeeze3A_2086 = vector.extract %slice3A_2085[0] : i32 from vector<1xi32>
    %broadcast_in_dim3A_2087 = vector.broadcast %squeeze3A_2086 : i32 to vector<16xi32>
    %sub3A_2088 = arith.subi %broadcast_in_dim3A_2087, %sub3A_44 : vector<16xi32>
    %slice3A_2089 = vector.extract_strided_slice %get3A_22 {offsets = [1], sizes = [1], strides = [1]} : vector<16xi32> to vector<1xi32>
    %squeeze3A_2090 = vector.extract %slice3A_2089[0] : i32 from vector<1xi32>
    %broadcast_in_dim3A_2091 = vector.broadcast %squeeze3A_2090 : i32 to vector<16xi32>
    %sub3A_2092 = arith.subi %broadcast_in_dim3A_2091, %sub3A_51 : vector<16xi32>
    %bitcast3A_2093 = vector.bitcast %sub3A_2084 : vector<16xi32> to vector<16xi32>
    %le3A_2094 = arith.cmpi ule, %bitcast3A_2093, %broadcast_in_dim3A_565 : vector<16xi32>
    %bitcast3A_2095 = vector.bitcast %sub3A_2088 : vector<16xi32> to vector<16xi32>
    %le3A_2096 = arith.cmpi ule, %bitcast3A_2095, %broadcast_in_dim3A_565 : vector<16xi32>
    %and3A_2097 = arith.andi %le3A_2094, %le3A_2096 : vector<16xi1>
    %bitcast3A_2098 = vector.bitcast %sub3A_2092 : vector<16xi32> to vector<16xi32>
    %le3A_2099 = arith.cmpi ule, %bitcast3A_2098, %broadcast_in_dim3A_565 : vector<16xi32>
    %and3A_2100 = arith.andi %and3A_2097, %le3A_2099 : vector<16xi1>
    %mul3A_2101 = arith.constant 5 : i32
    %mul3A_2102 = vector.broadcast %mul3A_2101 : i32 to vector<16xi32>
    %mul3A_2103 = arith.muli %sub3A_2084, %mul3A_2102 : vector<16xi32>
    %add3A_2104 = arith.addi %mul3A_2103, %sub3A_2088 : vector<16xi32>
    %mul3A_2105 = arith.constant 5 : i32
    %mul3A_2106 = vector.broadcast %mul3A_2105 : i32 to vector<16xi32>
    %mul3A_2107 = arith.muli %add3A_2104, %mul3A_2106 : vector<16xi32>
    %add3A_2108 = arith.addi %mul3A_2107, %sub3A_2092 : vector<16xi32>
    %slice3A_2109 = vector.extract_strided_slice %bitcast3A_33 {offsets = [1], sizes = [1], strides = [1]} : vector<16xf32> to vector<1xf32>
    %squeeze3A_2110 = vector.extract %slice3A_2109[0] : f32 from vector<1xf32>
    %broadcast_in_dim3A_2111 = vector.broadcast %squeeze3A_2110 : f32 to vector<16xf32>
    tpu.vector_store_idx %arg5[%iota3A, %add3A_2108], %broadcast_in_dim3A_2111 masked %and3A_2100 : memref<16x128xf32, #tpu.memory_space<vmem>>[vector<16xi32>, vector<16xi32>], vector<16xf32>, vector<16xi1>
    %slice3A_2112 = vector.extract_strided_slice %get3A_6 {offsets = [2], sizes = [1], strides = [1]} : vector<16xi32> to vector<1xi32>
    %squeeze3A_2113 = vector.extract %slice3A_2112[0] : i32 from vector<1xi32>
    %broadcast_in_dim3A_2114 = vector.broadcast %squeeze3A_2113 : i32 to vector<16xi32>
    %sub3A_2115 = arith.subi %broadcast_in_dim3A_2114, %sub3A_38 : vector<16xi32>
    %slice3A_2116 = vector.extract_strided_slice %get3A_14 {offsets = [2], sizes = [1], strides = [1]} : vector<16xi32> to vector<1xi32>
    %squeeze3A_2117 = vector.extract %slice3A_2116[0] : i32 from vector<1xi32>
    %broadcast_in_dim3A_2118 = vector.broadcast %squeeze3A_2117 : i32 to vector<16xi32>
    %sub3A_2119 = arith.subi %broadcast_in_dim3A_2118, %sub3A_44 : vector<16xi32>
    %slice3A_2120 = vector.extract_strided_slice %get3A_22 {offsets = [2], sizes = [1], strides = [1]} : vector<16xi32> to vector<1xi32>
    %squeeze3A_2121 = vector.extract %slice3A_2120[0] : i32 from vector<1xi32>
    %broadcast_in_dim3A_2122 = vector.broadcast %squeeze3A_2121 : i32 to vector<16xi32>
    %sub3A_2123 = arith.subi %broadcast_in_dim3A_2122, %sub3A_51 : vector<16xi32>
    %bitcast3A_2124 = vector.bitcast %sub3A_2115 : vector<16xi32> to vector<16xi32>
    %le3A_2125 = arith.cmpi ule, %bitcast3A_2124, %broadcast_in_dim3A_565 : vector<16xi32>
    %bitcast3A_2126 = vector.bitcast %sub3A_2119 : vector<16xi32> to vector<16xi32>
    %le3A_2127 = arith.cmpi ule, %bitcast3A_2126, %broadcast_in_dim3A_565 : vector<16xi32>
    %and3A_2128 = arith.andi %le3A_2125, %le3A_2127 : vector<16xi1>
    %bitcast3A_2129 = vector.bitcast %sub3A_2123 : vector<16xi32> to vector<16xi32>
    %le3A_2130 = arith.cmpi ule, %bitcast3A_2129, %broadcast_in_dim3A_565 : vector<16xi32>
    %and3A_2131 = arith.andi %and3A_2128, %le3A_2130 : vector<16xi1>
    %mul3A_2132 = arith.constant 5 : i32
    %mul3A_2133 = vector.broadcast %mul3A_2132 : i32 to vector<16xi32>
    %mul3A_2134 = arith.muli %sub3A_2115, %mul3A_2133 : vector<16xi32>
    %add3A_2135 = arith.addi %mul3A_2134, %sub3A_2119 : vector<16xi32>
    %mul3A_2136 = arith.constant 5 : i32
    %mul3A_2137 = vector.broadcast %mul3A_2136 : i32 to vector<16xi32>
    %mul3A_2138 = arith.muli %add3A_2135, %mul3A_2137 : vector<16xi32>
    %add3A_2139 = arith.addi %mul3A_2138, %sub3A_2123 : vector<16xi32>
    %slice3A_2140 = vector.extract_strided_slice %bitcast3A_33 {offsets = [2], sizes = [1], strides = [1]} : vector<16xf32> to vector<1xf32>
    %squeeze3A_2141 = vector.extract %slice3A_2140[0] : f32 from vector<1xf32>
    %broadcast_in_dim3A_2142 = vector.broadcast %squeeze3A_2141 : f32 to vector<16xf32>
    tpu.vector_store_idx %arg5[%iota3A, %add3A_2139], %broadcast_in_dim3A_2142 masked %and3A_2131 : memref<16x128xf32, #tpu.memory_space<vmem>>[vector<16xi32>, vector<16xi32>], vector<16xf32>, vector<16xi1>
    %slice3A_2143 = vector.extract_strided_slice %get3A_6 {offsets = [3], sizes = [1], strides = [1]} : vector<16xi32> to vector<1xi32>
    %squeeze3A_2144 = vector.extract %slice3A_2143[0] : i32 from vector<1xi32>
    %broadcast_in_dim3A_2145 = vector.broadcast %squeeze3A_2144 : i32 to vector<16xi32>
    %sub3A_2146 = arith.subi %broadcast_in_dim3A_2145, %sub3A_38 : vector<16xi32>
    %slice3A_2147 = vector.extract_strided_slice %get3A_14 {offsets = [3], sizes = [1], strides = [1]} : vector<16xi32> to vector<1xi32>
    %squeeze3A_2148 = vector.extract %slice3A_2147[0] : i32 from vector<1xi32>
    %broadcast_in_dim3A_2149 = vector.broadcast %squeeze3A_2148 : i32 to vector<16xi32>
    %sub3A_2150 = arith.subi %broadcast_in_dim3A_2149, %sub3A_44 : vector<16xi32>
    %slice3A_2151 = vector.extract_strided_slice %get3A_22 {offsets = [3], sizes = [1], strides = [1]} : vector<16xi32> to vector<1xi32>
    %squeeze3A_2152 = vector.extract %slice3A_2151[0] : i32 from vector<1xi32>
    %broadcast_in_dim3A_2153 = vector.broadcast %squeeze3A_2152 : i32 to vector<16xi32>
    %sub3A_2154 = arith.subi %broadcast_in_dim3A_2153, %sub3A_51 : vector<16xi32>
    %bitcast3A_2155 = vector.bitcast %sub3A_2146 : vector<16xi32> to vector<16xi32>
    %le3A_2156 = arith.cmpi ule, %bitcast3A_2155, %broadcast_in_dim3A_565 : vector<16xi32>
    %bitcast3A_2157 = vector.bitcast %sub3A_2150 : vector<16xi32> to vector<16xi32>
    %le3A_2158 = arith.cmpi ule, %bitcast3A_2157, %broadcast_in_dim3A_565 : vector<16xi32>
    %and3A_2159 = arith.andi %le3A_2156, %le3A_2158 : vector<16xi1>
    %bitcast3A_2160 = vector.bitcast %sub3A_2154 : vector<16xi32> to vector<16xi32>
    %le3A_2161 = arith.cmpi ule, %bitcast3A_2160, %broadcast_in_dim3A_565 : vector<16xi32>
    %and3A_2162 = arith.andi %and3A_2159, %le3A_2161 : vector<16xi1>
    %mul3A_2163 = arith.constant 5 : i32
    %mul3A_2164 = vector.broadcast %mul3A_2163 : i32 to vector<16xi32>
    %mul3A_2165 = arith.muli %sub3A_2146, %mul3A_2164 : vector<16xi32>
    %add3A_2166 = arith.addi %mul3A_2165, %sub3A_2150 : vector<16xi32>
    %mul3A_2167 = arith.constant 5 : i32
    %mul3A_2168 = vector.broadcast %mul3A_2167 : i32 to vector<16xi32>
    %mul3A_2169 = arith.muli %add3A_2166, %mul3A_2168 : vector<16xi32>
    %add3A_2170 = arith.addi %mul3A_2169, %sub3A_2154 : vector<16xi32>
    %slice3A_2171 = vector.extract_strided_slice %bitcast3A_33 {offsets = [3], sizes = [1], strides = [1]} : vector<16xf32> to vector<1xf32>
    %squeeze3A_2172 = vector.extract %slice3A_2171[0] : f32 from vector<1xf32>
    %broadcast_in_dim3A_2173 = vector.broadcast %squeeze3A_2172 : f32 to vector<16xf32>
    tpu.vector_store_idx %arg5[%iota3A, %add3A_2170], %broadcast_in_dim3A_2173 masked %and3A_2162 : memref<16x128xf32, #tpu.memory_space<vmem>>[vector<16xi32>, vector<16xi32>], vector<16xf32>, vector<16xi1>
    %slice3A_2174 = vector.extract_strided_slice %get3A_6 {offsets = [4], sizes = [1], strides = [1]} : vector<16xi32> to vector<1xi32>
    %squeeze3A_2175 = vector.extract %slice3A_2174[0] : i32 from vector<1xi32>
    %broadcast_in_dim3A_2176 = vector.broadcast %squeeze3A_2175 : i32 to vector<16xi32>
    %sub3A_2177 = arith.subi %broadcast_in_dim3A_2176, %sub3A_38 : vector<16xi32>
    %slice3A_2178 = vector.extract_strided_slice %get3A_14 {offsets = [4], sizes = [1], strides = [1]} : vector<16xi32> to vector<1xi32>
    %squeeze3A_2179 = vector.extract %slice3A_2178[0] : i32 from vector<1xi32>
    %broadcast_in_dim3A_2180 = vector.broadcast %squeeze3A_2179 : i32 to vector<16xi32>
    %sub3A_2181 = arith.subi %broadcast_in_dim3A_2180, %sub3A_44 : vector<16xi32>
    %slice3A_2182 = vector.extract_strided_slice %get3A_22 {offsets = [4], sizes = [1], strides = [1]} : vector<16xi32> to vector<1xi32>
    %squeeze3A_2183 = vector.extract %slice3A_2182[0] : i32 from vector<1xi32>
    %broadcast_in_dim3A_2184 = vector.broadcast %squeeze3A_2183 : i32 to vector<16xi32>
    %sub3A_2185 = arith.subi %broadcast_in_dim3A_2184, %sub3A_51 : vector<16xi32>
    %bitcast3A_2186 = vector.bitcast %sub3A_2177 : vector<16xi32> to vector<16xi32>
    %le3A_2187 = arith.cmpi ule, %bitcast3A_2186, %broadcast_in_dim3A_565 : vector<16xi32>
    %bitcast3A_2188 = vector.bitcast %sub3A_2181 : vector<16xi32> to vector<16xi32>
    %le3A_2189 = arith.cmpi ule, %bitcast3A_2188, %broadcast_in_dim3A_565 : vector<16xi32>
    %and3A_2190 = arith.andi %le3A_2187, %le3A_2189 : vector<16xi1>
    %bitcast3A_2191 = vector.bitcast %sub3A_2185 : vector<16xi32> to vector<16xi32>
    %le3A_2192 = arith.cmpi ule, %bitcast3A_2191, %broadcast_in_dim3A_565 : vector<16xi32>
    %and3A_2193 = arith.andi %and3A_2190, %le3A_2192 : vector<16xi1>
    %mul3A_2194 = arith.constant 5 : i32
    %mul3A_2195 = vector.broadcast %mul3A_2194 : i32 to vector<16xi32>
    %mul3A_2196 = arith.muli %sub3A_2177, %mul3A_2195 : vector<16xi32>
    %add3A_2197 = arith.addi %mul3A_2196, %sub3A_2181 : vector<16xi32>
    %mul3A_2198 = arith.constant 5 : i32
    %mul3A_2199 = vector.broadcast %mul3A_2198 : i32 to vector<16xi32>
    %mul3A_2200 = arith.muli %add3A_2197, %mul3A_2199 : vector<16xi32>
    %add3A_2201 = arith.addi %mul3A_2200, %sub3A_2185 : vector<16xi32>
    %slice3A_2202 = vector.extract_strided_slice %bitcast3A_33 {offsets = [4], sizes = [1], strides = [1]} : vector<16xf32> to vector<1xf32>
    %squeeze3A_2203 = vector.extract %slice3A_2202[0] : f32 from vector<1xf32>
    %broadcast_in_dim3A_2204 = vector.broadcast %squeeze3A_2203 : f32 to vector<16xf32>
    tpu.vector_store_idx %arg5[%iota3A, %add3A_2201], %broadcast_in_dim3A_2204 masked %and3A_2193 : memref<16x128xf32, #tpu.memory_space<vmem>>[vector<16xi32>, vector<16xi32>], vector<16xf32>, vector<16xi1>
    %slice3A_2205 = vector.extract_strided_slice %get3A_6 {offsets = [5], sizes = [1], strides = [1]} : vector<16xi32> to vector<1xi32>
    %squeeze3A_2206 = vector.extract %slice3A_2205[0] : i32 from vector<1xi32>
    %broadcast_in_dim3A_2207 = vector.broadcast %squeeze3A_2206 : i32 to vector<16xi32>
    %sub3A_2208 = arith.subi %broadcast_in_dim3A_2207, %sub3A_38 : vector<16xi32>
    %slice3A_2209 = vector.extract_strided_slice %get3A_14 {offsets = [5], sizes = [1], strides = [1]} : vector<16xi32> to vector<1xi32>
    %squeeze3A_2210 = vector.extract %slice3A_2209[0] : i32 from vector<1xi32>
    %broadcast_in_dim3A_2211 = vector.broadcast %squeeze3A_2210 : i32 to vector<16xi32>
    %sub3A_2212 = arith.subi %broadcast_in_dim3A_2211, %sub3A_44 : vector<16xi32>
    %slice3A_2213 = vector.extract_strided_slice %get3A_22 {offsets = [5], sizes = [1], strides = [1]} : vector<16xi32> to vector<1xi32>
    %squeeze3A_2214 = vector.extract %slice3A_2213[0] : i32 from vector<1xi32>
    %broadcast_in_dim3A_2215 = vector.broadcast %squeeze3A_2214 : i32 to vector<16xi32>
    %sub3A_2216 = arith.subi %broadcast_in_dim3A_2215, %sub3A_51 : vector<16xi32>
    %bitcast3A_2217 = vector.bitcast %sub3A_2208 : vector<16xi32> to vector<16xi32>
    %le3A_2218 = arith.cmpi ule, %bitcast3A_2217, %broadcast_in_dim3A_565 : vector<16xi32>
    %bitcast3A_2219 = vector.bitcast %sub3A_2212 : vector<16xi32> to vector<16xi32>
    %le3A_2220 = arith.cmpi ule, %bitcast3A_2219, %broadcast_in_dim3A_565 : vector<16xi32>
    %and3A_2221 = arith.andi %le3A_2218, %le3A_2220 : vector<16xi1>
    %bitcast3A_2222 = vector.bitcast %sub3A_2216 : vector<16xi32> to vector<16xi32>
    %le3A_2223 = arith.cmpi ule, %bitcast3A_2222, %broadcast_in_dim3A_565 : vector<16xi32>
    %and3A_2224 = arith.andi %and3A_2221, %le3A_2223 : vector<16xi1>
    %mul3A_2225 = arith.constant 5 : i32
    %mul3A_2226 = vector.broadcast %mul3A_2225 : i32 to vector<16xi32>
    %mul3A_2227 = arith.muli %sub3A_2208, %mul3A_2226 : vector<16xi32>
    %add3A_2228 = arith.addi %mul3A_2227, %sub3A_2212 : vector<16xi32>
    %mul3A_2229 = arith.constant 5 : i32
    %mul3A_2230 = vector.broadcast %mul3A_2229 : i32 to vector<16xi32>
    %mul3A_2231 = arith.muli %add3A_2228, %mul3A_2230 : vector<16xi32>
    %add3A_2232 = arith.addi %mul3A_2231, %sub3A_2216 : vector<16xi32>
    %slice3A_2233 = vector.extract_strided_slice %bitcast3A_33 {offsets = [5], sizes = [1], strides = [1]} : vector<16xf32> to vector<1xf32>
    %squeeze3A_2234 = vector.extract %slice3A_2233[0] : f32 from vector<1xf32>
    %broadcast_in_dim3A_2235 = vector.broadcast %squeeze3A_2234 : f32 to vector<16xf32>
    tpu.vector_store_idx %arg5[%iota3A, %add3A_2232], %broadcast_in_dim3A_2235 masked %and3A_2224 : memref<16x128xf32, #tpu.memory_space<vmem>>[vector<16xi32>, vector<16xi32>], vector<16xf32>, vector<16xi1>
    %slice3A_2236 = vector.extract_strided_slice %get3A_6 {offsets = [6], sizes = [1], strides = [1]} : vector<16xi32> to vector<1xi32>
    %squeeze3A_2237 = vector.extract %slice3A_2236[0] : i32 from vector<1xi32>
    %broadcast_in_dim3A_2238 = vector.broadcast %squeeze3A_2237 : i32 to vector<16xi32>
    %sub3A_2239 = arith.subi %broadcast_in_dim3A_2238, %sub3A_38 : vector<16xi32>
    %slice3A_2240 = vector.extract_strided_slice %get3A_14 {offsets = [6], sizes = [1], strides = [1]} : vector<16xi32> to vector<1xi32>
    %squeeze3A_2241 = vector.extract %slice3A_2240[0] : i32 from vector<1xi32>
    %broadcast_in_dim3A_2242 = vector.broadcast %squeeze3A_2241 : i32 to vector<16xi32>
    %sub3A_2243 = arith.subi %broadcast_in_dim3A_2242, %sub3A_44 : vector<16xi32>
    %slice3A_2244 = vector.extract_strided_slice %get3A_22 {offsets = [6], sizes = [1], strides = [1]} : vector<16xi32> to vector<1xi32>
    %squeeze3A_2245 = vector.extract %slice3A_2244[0] : i32 from vector<1xi32>
    %broadcast_in_dim3A_2246 = vector.broadcast %squeeze3A_2245 : i32 to vector<16xi32>
    %sub3A_2247 = arith.subi %broadcast_in_dim3A_2246, %sub3A_51 : vector<16xi32>
    %bitcast3A_2248 = vector.bitcast %sub3A_2239 : vector<16xi32> to vector<16xi32>
    %le3A_2249 = arith.cmpi ule, %bitcast3A_2248, %broadcast_in_dim3A_565 : vector<16xi32>
    %bitcast3A_2250 = vector.bitcast %sub3A_2243 : vector<16xi32> to vector<16xi32>
    %le3A_2251 = arith.cmpi ule, %bitcast3A_2250, %broadcast_in_dim3A_565 : vector<16xi32>
    %and3A_2252 = arith.andi %le3A_2249, %le3A_2251 : vector<16xi1>
    %bitcast3A_2253 = vector.bitcast %sub3A_2247 : vector<16xi32> to vector<16xi32>
    %le3A_2254 = arith.cmpi ule, %bitcast3A_2253, %broadcast_in_dim3A_565 : vector<16xi32>
    %and3A_2255 = arith.andi %and3A_2252, %le3A_2254 : vector<16xi1>
    %mul3A_2256 = arith.constant 5 : i32
    %mul3A_2257 = vector.broadcast %mul3A_2256 : i32 to vector<16xi32>
    %mul3A_2258 = arith.muli %sub3A_2239, %mul3A_2257 : vector<16xi32>
    %add3A_2259 = arith.addi %mul3A_2258, %sub3A_2243 : vector<16xi32>
    %mul3A_2260 = arith.constant 5 : i32
    %mul3A_2261 = vector.broadcast %mul3A_2260 : i32 to vector<16xi32>
    %mul3A_2262 = arith.muli %add3A_2259, %mul3A_2261 : vector<16xi32>
    %add3A_2263 = arith.addi %mul3A_2262, %sub3A_2247 : vector<16xi32>
    %slice3A_2264 = vector.extract_strided_slice %bitcast3A_33 {offsets = [6], sizes = [1], strides = [1]} : vector<16xf32> to vector<1xf32>
    %squeeze3A_2265 = vector.extract %slice3A_2264[0] : f32 from vector<1xf32>
    %broadcast_in_dim3A_2266 = vector.broadcast %squeeze3A_2265 : f32 to vector<16xf32>
    tpu.vector_store_idx %arg5[%iota3A, %add3A_2263], %broadcast_in_dim3A_2266 masked %and3A_2255 : memref<16x128xf32, #tpu.memory_space<vmem>>[vector<16xi32>, vector<16xi32>], vector<16xf32>, vector<16xi1>
    %slice3A_2267 = vector.extract_strided_slice %get3A_6 {offsets = [7], sizes = [1], strides = [1]} : vector<16xi32> to vector<1xi32>
    %squeeze3A_2268 = vector.extract %slice3A_2267[0] : i32 from vector<1xi32>
    %broadcast_in_dim3A_2269 = vector.broadcast %squeeze3A_2268 : i32 to vector<16xi32>
    %sub3A_2270 = arith.subi %broadcast_in_dim3A_2269, %sub3A_38 : vector<16xi32>
    %slice3A_2271 = vector.extract_strided_slice %get3A_14 {offsets = [7], sizes = [1], strides = [1]} : vector<16xi32> to vector<1xi32>
    %squeeze3A_2272 = vector.extract %slice3A_2271[0] : i32 from vector<1xi32>
    %broadcast_in_dim3A_2273 = vector.broadcast %squeeze3A_2272 : i32 to vector<16xi32>
    %sub3A_2274 = arith.subi %broadcast_in_dim3A_2273, %sub3A_44 : vector<16xi32>
    %slice3A_2275 = vector.extract_strided_slice %get3A_22 {offsets = [7], sizes = [1], strides = [1]} : vector<16xi32> to vector<1xi32>
    %squeeze3A_2276 = vector.extract %slice3A_2275[0] : i32 from vector<1xi32>
    %broadcast_in_dim3A_2277 = vector.broadcast %squeeze3A_2276 : i32 to vector<16xi32>
    %sub3A_2278 = arith.subi %broadcast_in_dim3A_2277, %sub3A_51 : vector<16xi32>
    %bitcast3A_2279 = vector.bitcast %sub3A_2270 : vector<16xi32> to vector<16xi32>
    %le3A_2280 = arith.cmpi ule, %bitcast3A_2279, %broadcast_in_dim3A_565 : vector<16xi32>
    %bitcast3A_2281 = vector.bitcast %sub3A_2274 : vector<16xi32> to vector<16xi32>
    %le3A_2282 = arith.cmpi ule, %bitcast3A_2281, %broadcast_in_dim3A_565 : vector<16xi32>
    %and3A_2283 = arith.andi %le3A_2280, %le3A_2282 : vector<16xi1>
    %bitcast3A_2284 = vector.bitcast %sub3A_2278 : vector<16xi32> to vector<16xi32>
    %le3A_2285 = arith.cmpi ule, %bitcast3A_2284, %broadcast_in_dim3A_565 : vector<16xi32>
    %and3A_2286 = arith.andi %and3A_2283, %le3A_2285 : vector<16xi1>
    %mul3A_2287 = arith.constant 5 : i32
    %mul3A_2288 = vector.broadcast %mul3A_2287 : i32 to vector<16xi32>
    %mul3A_2289 = arith.muli %sub3A_2270, %mul3A_2288 : vector<16xi32>
    %add3A_2290 = arith.addi %mul3A_2289, %sub3A_2274 : vector<16xi32>
    %mul3A_2291 = arith.constant 5 : i32
    %mul3A_2292 = vector.broadcast %mul3A_2291 : i32 to vector<16xi32>
    %mul3A_2293 = arith.muli %add3A_2290, %mul3A_2292 : vector<16xi32>
    %add3A_2294 = arith.addi %mul3A_2293, %sub3A_2278 : vector<16xi32>
    %slice3A_2295 = vector.extract_strided_slice %bitcast3A_33 {offsets = [7], sizes = [1], strides = [1]} : vector<16xf32> to vector<1xf32>
    %squeeze3A_2296 = vector.extract %slice3A_2295[0] : f32 from vector<1xf32>
    %broadcast_in_dim3A_2297 = vector.broadcast %squeeze3A_2296 : f32 to vector<16xf32>
    tpu.vector_store_idx %arg5[%iota3A, %add3A_2294], %broadcast_in_dim3A_2297 masked %and3A_2286 : memref<16x128xf32, #tpu.memory_space<vmem>>[vector<16xi32>, vector<16xi32>], vector<16xf32>, vector<16xi1>
    %slice3A_2298 = vector.extract_strided_slice %get3A_6 {offsets = [8], sizes = [1], strides = [1]} : vector<16xi32> to vector<1xi32>
    %squeeze3A_2299 = vector.extract %slice3A_2298[0] : i32 from vector<1xi32>
    %broadcast_in_dim3A_2300 = vector.broadcast %squeeze3A_2299 : i32 to vector<16xi32>
    %sub3A_2301 = arith.subi %broadcast_in_dim3A_2300, %sub3A_38 : vector<16xi32>
    %slice3A_2302 = vector.extract_strided_slice %get3A_14 {offsets = [8], sizes = [1], strides = [1]} : vector<16xi32> to vector<1xi32>
    %squeeze3A_2303 = vector.extract %slice3A_2302[0] : i32 from vector<1xi32>
    %broadcast_in_dim3A_2304 = vector.broadcast %squeeze3A_2303 : i32 to vector<16xi32>
    %sub3A_2305 = arith.subi %broadcast_in_dim3A_2304, %sub3A_44 : vector<16xi32>
    %slice3A_2306 = vector.extract_strided_slice %get3A_22 {offsets = [8], sizes = [1], strides = [1]} : vector<16xi32> to vector<1xi32>
    %squeeze3A_2307 = vector.extract %slice3A_2306[0] : i32 from vector<1xi32>
    %broadcast_in_dim3A_2308 = vector.broadcast %squeeze3A_2307 : i32 to vector<16xi32>
    %sub3A_2309 = arith.subi %broadcast_in_dim3A_2308, %sub3A_51 : vector<16xi32>
    %bitcast3A_2310 = vector.bitcast %sub3A_2301 : vector<16xi32> to vector<16xi32>
    %le3A_2311 = arith.cmpi ule, %bitcast3A_2310, %broadcast_in_dim3A_565 : vector<16xi32>
    %bitcast3A_2312 = vector.bitcast %sub3A_2305 : vector<16xi32> to vector<16xi32>
    %le3A_2313 = arith.cmpi ule, %bitcast3A_2312, %broadcast_in_dim3A_565 : vector<16xi32>
    %and3A_2314 = arith.andi %le3A_2311, %le3A_2313 : vector<16xi1>
    %bitcast3A_2315 = vector.bitcast %sub3A_2309 : vector<16xi32> to vector<16xi32>
    %le3A_2316 = arith.cmpi ule, %bitcast3A_2315, %broadcast_in_dim3A_565 : vector<16xi32>
    %and3A_2317 = arith.andi %and3A_2314, %le3A_2316 : vector<16xi1>
    %mul3A_2318 = arith.constant 5 : i32
    %mul3A_2319 = vector.broadcast %mul3A_2318 : i32 to vector<16xi32>
    %mul3A_2320 = arith.muli %sub3A_2301, %mul3A_2319 : vector<16xi32>
    %add3A_2321 = arith.addi %mul3A_2320, %sub3A_2305 : vector<16xi32>
    %mul3A_2322 = arith.constant 5 : i32
    %mul3A_2323 = vector.broadcast %mul3A_2322 : i32 to vector<16xi32>
    %mul3A_2324 = arith.muli %add3A_2321, %mul3A_2323 : vector<16xi32>
    %add3A_2325 = arith.addi %mul3A_2324, %sub3A_2309 : vector<16xi32>
    %slice3A_2326 = vector.extract_strided_slice %bitcast3A_33 {offsets = [8], sizes = [1], strides = [1]} : vector<16xf32> to vector<1xf32>
    %squeeze3A_2327 = vector.extract %slice3A_2326[0] : f32 from vector<1xf32>
    %broadcast_in_dim3A_2328 = vector.broadcast %squeeze3A_2327 : f32 to vector<16xf32>
    tpu.vector_store_idx %arg5[%iota3A, %add3A_2325], %broadcast_in_dim3A_2328 masked %and3A_2317 : memref<16x128xf32, #tpu.memory_space<vmem>>[vector<16xi32>, vector<16xi32>], vector<16xf32>, vector<16xi1>
    %slice3A_2329 = vector.extract_strided_slice %get3A_6 {offsets = [9], sizes = [1], strides = [1]} : vector<16xi32> to vector<1xi32>
    %squeeze3A_2330 = vector.extract %slice3A_2329[0] : i32 from vector<1xi32>
    %broadcast_in_dim3A_2331 = vector.broadcast %squeeze3A_2330 : i32 to vector<16xi32>
    %sub3A_2332 = arith.subi %broadcast_in_dim3A_2331, %sub3A_38 : vector<16xi32>
    %slice3A_2333 = vector.extract_strided_slice %get3A_14 {offsets = [9], sizes = [1], strides = [1]} : vector<16xi32> to vector<1xi32>
    %squeeze3A_2334 = vector.extract %slice3A_2333[0] : i32 from vector<1xi32>
    %broadcast_in_dim3A_2335 = vector.broadcast %squeeze3A_2334 : i32 to vector<16xi32>
    %sub3A_2336 = arith.subi %broadcast_in_dim3A_2335, %sub3A_44 : vector<16xi32>
    %slice3A_2337 = vector.extract_strided_slice %get3A_22 {offsets = [9], sizes = [1], strides = [1]} : vector<16xi32> to vector<1xi32>
    %squeeze3A_2338 = vector.extract %slice3A_2337[0] : i32 from vector<1xi32>
    %broadcast_in_dim3A_2339 = vector.broadcast %squeeze3A_2338 : i32 to vector<16xi32>
    %sub3A_2340 = arith.subi %broadcast_in_dim3A_2339, %sub3A_51 : vector<16xi32>
    %bitcast3A_2341 = vector.bitcast %sub3A_2332 : vector<16xi32> to vector<16xi32>
    %le3A_2342 = arith.cmpi ule, %bitcast3A_2341, %broadcast_in_dim3A_565 : vector<16xi32>
    %bitcast3A_2343 = vector.bitcast %sub3A_2336 : vector<16xi32> to vector<16xi32>
    %le3A_2344 = arith.cmpi ule, %bitcast3A_2343, %broadcast_in_dim3A_565 : vector<16xi32>
    %and3A_2345 = arith.andi %le3A_2342, %le3A_2344 : vector<16xi1>
    %bitcast3A_2346 = vector.bitcast %sub3A_2340 : vector<16xi32> to vector<16xi32>
    %le3A_2347 = arith.cmpi ule, %bitcast3A_2346, %broadcast_in_dim3A_565 : vector<16xi32>
    %and3A_2348 = arith.andi %and3A_2345, %le3A_2347 : vector<16xi1>
    %mul3A_2349 = arith.constant 5 : i32
    %mul3A_2350 = vector.broadcast %mul3A_2349 : i32 to vector<16xi32>
    %mul3A_2351 = arith.muli %sub3A_2332, %mul3A_2350 : vector<16xi32>
    %add3A_2352 = arith.addi %mul3A_2351, %sub3A_2336 : vector<16xi32>
    %mul3A_2353 = arith.constant 5 : i32
    %mul3A_2354 = vector.broadcast %mul3A_2353 : i32 to vector<16xi32>
    %mul3A_2355 = arith.muli %add3A_2352, %mul3A_2354 : vector<16xi32>
    %add3A_2356 = arith.addi %mul3A_2355, %sub3A_2340 : vector<16xi32>
    %slice3A_2357 = vector.extract_strided_slice %bitcast3A_33 {offsets = [9], sizes = [1], strides = [1]} : vector<16xf32> to vector<1xf32>
    %squeeze3A_2358 = vector.extract %slice3A_2357[0] : f32 from vector<1xf32>
    %broadcast_in_dim3A_2359 = vector.broadcast %squeeze3A_2358 : f32 to vector<16xf32>
    tpu.vector_store_idx %arg5[%iota3A, %add3A_2356], %broadcast_in_dim3A_2359 masked %and3A_2348 : memref<16x128xf32, #tpu.memory_space<vmem>>[vector<16xi32>, vector<16xi32>], vector<16xf32>, vector<16xi1>
    %slice3A_2360 = vector.extract_strided_slice %get3A_6 {offsets = [10], sizes = [1], strides = [1]} : vector<16xi32> to vector<1xi32>
    %squeeze3A_2361 = vector.extract %slice3A_2360[0] : i32 from vector<1xi32>
    %broadcast_in_dim3A_2362 = vector.broadcast %squeeze3A_2361 : i32 to vector<16xi32>
    %sub3A_2363 = arith.subi %broadcast_in_dim3A_2362, %sub3A_38 : vector<16xi32>
    %slice3A_2364 = vector.extract_strided_slice %get3A_14 {offsets = [10], sizes = [1], strides = [1]} : vector<16xi32> to vector<1xi32>
    %squeeze3A_2365 = vector.extract %slice3A_2364[0] : i32 from vector<1xi32>
    %broadcast_in_dim3A_2366 = vector.broadcast %squeeze3A_2365 : i32 to vector<16xi32>
    %sub3A_2367 = arith.subi %broadcast_in_dim3A_2366, %sub3A_44 : vector<16xi32>
    %slice3A_2368 = vector.extract_strided_slice %get3A_22 {offsets = [10], sizes = [1], strides = [1]} : vector<16xi32> to vector<1xi32>
    %squeeze3A_2369 = vector.extract %slice3A_2368[0] : i32 from vector<1xi32>
    %broadcast_in_dim3A_2370 = vector.broadcast %squeeze3A_2369 : i32 to vector<16xi32>
    %sub3A_2371 = arith.subi %broadcast_in_dim3A_2370, %sub3A_51 : vector<16xi32>
    %bitcast3A_2372 = vector.bitcast %sub3A_2363 : vector<16xi32> to vector<16xi32>
    %le3A_2373 = arith.cmpi ule, %bitcast3A_2372, %broadcast_in_dim3A_565 : vector<16xi32>
    %bitcast3A_2374 = vector.bitcast %sub3A_2367 : vector<16xi32> to vector<16xi32>
    %le3A_2375 = arith.cmpi ule, %bitcast3A_2374, %broadcast_in_dim3A_565 : vector<16xi32>
    %and3A_2376 = arith.andi %le3A_2373, %le3A_2375 : vector<16xi1>
    %bitcast3A_2377 = vector.bitcast %sub3A_2371 : vector<16xi32> to vector<16xi32>
    %le3A_2378 = arith.cmpi ule, %bitcast3A_2377, %broadcast_in_dim3A_565 : vector<16xi32>
    %and3A_2379 = arith.andi %and3A_2376, %le3A_2378 : vector<16xi1>
    %mul3A_2380 = arith.constant 5 : i32
    %mul3A_2381 = vector.broadcast %mul3A_2380 : i32 to vector<16xi32>
    %mul3A_2382 = arith.muli %sub3A_2363, %mul3A_2381 : vector<16xi32>
    %add3A_2383 = arith.addi %mul3A_2382, %sub3A_2367 : vector<16xi32>
    %mul3A_2384 = arith.constant 5 : i32
    %mul3A_2385 = vector.broadcast %mul3A_2384 : i32 to vector<16xi32>
    %mul3A_2386 = arith.muli %add3A_2383, %mul3A_2385 : vector<16xi32>
    %add3A_2387 = arith.addi %mul3A_2386, %sub3A_2371 : vector<16xi32>
    %slice3A_2388 = vector.extract_strided_slice %bitcast3A_33 {offsets = [10], sizes = [1], strides = [1]} : vector<16xf32> to vector<1xf32>
    %squeeze3A_2389 = vector.extract %slice3A_2388[0] : f32 from vector<1xf32>
    %broadcast_in_dim3A_2390 = vector.broadcast %squeeze3A_2389 : f32 to vector<16xf32>
    tpu.vector_store_idx %arg5[%iota3A, %add3A_2387], %broadcast_in_dim3A_2390 masked %and3A_2379 : memref<16x128xf32, #tpu.memory_space<vmem>>[vector<16xi32>, vector<16xi32>], vector<16xf32>, vector<16xi1>
    %slice3A_2391 = vector.extract_strided_slice %get3A_6 {offsets = [11], sizes = [1], strides = [1]} : vector<16xi32> to vector<1xi32>
    %squeeze3A_2392 = vector.extract %slice3A_2391[0] : i32 from vector<1xi32>
    %broadcast_in_dim3A_2393 = vector.broadcast %squeeze3A_2392 : i32 to vector<16xi32>
    %sub3A_2394 = arith.subi %broadcast_in_dim3A_2393, %sub3A_38 : vector<16xi32>
    %slice3A_2395 = vector.extract_strided_slice %get3A_14 {offsets = [11], sizes = [1], strides = [1]} : vector<16xi32> to vector<1xi32>
    %squeeze3A_2396 = vector.extract %slice3A_2395[0] : i32 from vector<1xi32>
    %broadcast_in_dim3A_2397 = vector.broadcast %squeeze3A_2396 : i32 to vector<16xi32>
    %sub3A_2398 = arith.subi %broadcast_in_dim3A_2397, %sub3A_44 : vector<16xi32>
    %slice3A_2399 = vector.extract_strided_slice %get3A_22 {offsets = [11], sizes = [1], strides = [1]} : vector<16xi32> to vector<1xi32>
    %squeeze3A_2400 = vector.extract %slice3A_2399[0] : i32 from vector<1xi32>
    %broadcast_in_dim3A_2401 = vector.broadcast %squeeze3A_2400 : i32 to vector<16xi32>
    %sub3A_2402 = arith.subi %broadcast_in_dim3A_2401, %sub3A_51 : vector<16xi32>
    %bitcast3A_2403 = vector.bitcast %sub3A_2394 : vector<16xi32> to vector<16xi32>
    %le3A_2404 = arith.cmpi ule, %bitcast3A_2403, %broadcast_in_dim3A_565 : vector<16xi32>
    %bitcast3A_2405 = vector.bitcast %sub3A_2398 : vector<16xi32> to vector<16xi32>
    %le3A_2406 = arith.cmpi ule, %bitcast3A_2405, %broadcast_in_dim3A_565 : vector<16xi32>
    %and3A_2407 = arith.andi %le3A_2404, %le3A_2406 : vector<16xi1>
    %bitcast3A_2408 = vector.bitcast %sub3A_2402 : vector<16xi32> to vector<16xi32>
    %le3A_2409 = arith.cmpi ule, %bitcast3A_2408, %broadcast_in_dim3A_565 : vector<16xi32>
    %and3A_2410 = arith.andi %and3A_2407, %le3A_2409 : vector<16xi1>
    %mul3A_2411 = arith.constant 5 : i32
    %mul3A_2412 = vector.broadcast %mul3A_2411 : i32 to vector<16xi32>
    %mul3A_2413 = arith.muli %sub3A_2394, %mul3A_2412 : vector<16xi32>
    %add3A_2414 = arith.addi %mul3A_2413, %sub3A_2398 : vector<16xi32>
    %mul3A_2415 = arith.constant 5 : i32
    %mul3A_2416 = vector.broadcast %mul3A_2415 : i32 to vector<16xi32>
    %mul3A_2417 = arith.muli %add3A_2414, %mul3A_2416 : vector<16xi32>
    %add3A_2418 = arith.addi %mul3A_2417, %sub3A_2402 : vector<16xi32>
    %slice3A_2419 = vector.extract_strided_slice %bitcast3A_33 {offsets = [11], sizes = [1], strides = [1]} : vector<16xf32> to vector<1xf32>
    %squeeze3A_2420 = vector.extract %slice3A_2419[0] : f32 from vector<1xf32>
    %broadcast_in_dim3A_2421 = vector.broadcast %squeeze3A_2420 : f32 to vector<16xf32>
    tpu.vector_store_idx %arg5[%iota3A, %add3A_2418], %broadcast_in_dim3A_2421 masked %and3A_2410 : memref<16x128xf32, #tpu.memory_space<vmem>>[vector<16xi32>, vector<16xi32>], vector<16xf32>, vector<16xi1>
    %slice3A_2422 = vector.extract_strided_slice %get3A_6 {offsets = [12], sizes = [1], strides = [1]} : vector<16xi32> to vector<1xi32>
    %squeeze3A_2423 = vector.extract %slice3A_2422[0] : i32 from vector<1xi32>
    %broadcast_in_dim3A_2424 = vector.broadcast %squeeze3A_2423 : i32 to vector<16xi32>
    %sub3A_2425 = arith.subi %broadcast_in_dim3A_2424, %sub3A_38 : vector<16xi32>
    %slice3A_2426 = vector.extract_strided_slice %get3A_14 {offsets = [12], sizes = [1], strides = [1]} : vector<16xi32> to vector<1xi32>
    %squeeze3A_2427 = vector.extract %slice3A_2426[0] : i32 from vector<1xi32>
    %broadcast_in_dim3A_2428 = vector.broadcast %squeeze3A_2427 : i32 to vector<16xi32>
    %sub3A_2429 = arith.subi %broadcast_in_dim3A_2428, %sub3A_44 : vector<16xi32>
    %slice3A_2430 = vector.extract_strided_slice %get3A_22 {offsets = [12], sizes = [1], strides = [1]} : vector<16xi32> to vector<1xi32>
    %squeeze3A_2431 = vector.extract %slice3A_2430[0] : i32 from vector<1xi32>
    %broadcast_in_dim3A_2432 = vector.broadcast %squeeze3A_2431 : i32 to vector<16xi32>
    %sub3A_2433 = arith.subi %broadcast_in_dim3A_2432, %sub3A_51 : vector<16xi32>
    %bitcast3A_2434 = vector.bitcast %sub3A_2425 : vector<16xi32> to vector<16xi32>
    %le3A_2435 = arith.cmpi ule, %bitcast3A_2434, %broadcast_in_dim3A_565 : vector<16xi32>
    %bitcast3A_2436 = vector.bitcast %sub3A_2429 : vector<16xi32> to vector<16xi32>
    %le3A_2437 = arith.cmpi ule, %bitcast3A_2436, %broadcast_in_dim3A_565 : vector<16xi32>
    %and3A_2438 = arith.andi %le3A_2435, %le3A_2437 : vector<16xi1>
    %bitcast3A_2439 = vector.bitcast %sub3A_2433 : vector<16xi32> to vector<16xi32>
    %le3A_2440 = arith.cmpi ule, %bitcast3A_2439, %broadcast_in_dim3A_565 : vector<16xi32>
    %and3A_2441 = arith.andi %and3A_2438, %le3A_2440 : vector<16xi1>
    %mul3A_2442 = arith.constant 5 : i32
    %mul3A_2443 = vector.broadcast %mul3A_2442 : i32 to vector<16xi32>
    %mul3A_2444 = arith.muli %sub3A_2425, %mul3A_2443 : vector<16xi32>
    %add3A_2445 = arith.addi %mul3A_2444, %sub3A_2429 : vector<16xi32>
    %mul3A_2446 = arith.constant 5 : i32
    %mul3A_2447 = vector.broadcast %mul3A_2446 : i32 to vector<16xi32>
    %mul3A_2448 = arith.muli %add3A_2445, %mul3A_2447 : vector<16xi32>
    %add3A_2449 = arith.addi %mul3A_2448, %sub3A_2433 : vector<16xi32>
    %slice3A_2450 = vector.extract_strided_slice %bitcast3A_33 {offsets = [12], sizes = [1], strides = [1]} : vector<16xf32> to vector<1xf32>
    %squeeze3A_2451 = vector.extract %slice3A_2450[0] : f32 from vector<1xf32>
    %broadcast_in_dim3A_2452 = vector.broadcast %squeeze3A_2451 : f32 to vector<16xf32>
    tpu.vector_store_idx %arg5[%iota3A, %add3A_2449], %broadcast_in_dim3A_2452 masked %and3A_2441 : memref<16x128xf32, #tpu.memory_space<vmem>>[vector<16xi32>, vector<16xi32>], vector<16xf32>, vector<16xi1>
    %slice3A_2453 = vector.extract_strided_slice %get3A_6 {offsets = [13], sizes = [1], strides = [1]} : vector<16xi32> to vector<1xi32>
    %squeeze3A_2454 = vector.extract %slice3A_2453[0] : i32 from vector<1xi32>
    %broadcast_in_dim3A_2455 = vector.broadcast %squeeze3A_2454 : i32 to vector<16xi32>
    %sub3A_2456 = arith.subi %broadcast_in_dim3A_2455, %sub3A_38 : vector<16xi32>
    %slice3A_2457 = vector.extract_strided_slice %get3A_14 {offsets = [13], sizes = [1], strides = [1]} : vector<16xi32> to vector<1xi32>
    %squeeze3A_2458 = vector.extract %slice3A_2457[0] : i32 from vector<1xi32>
    %broadcast_in_dim3A_2459 = vector.broadcast %squeeze3A_2458 : i32 to vector<16xi32>
    %sub3A_2460 = arith.subi %broadcast_in_dim3A_2459, %sub3A_44 : vector<16xi32>
    %slice3A_2461 = vector.extract_strided_slice %get3A_22 {offsets = [13], sizes = [1], strides = [1]} : vector<16xi32> to vector<1xi32>
    %squeeze3A_2462 = vector.extract %slice3A_2461[0] : i32 from vector<1xi32>
    %broadcast_in_dim3A_2463 = vector.broadcast %squeeze3A_2462 : i32 to vector<16xi32>
    %sub3A_2464 = arith.subi %broadcast_in_dim3A_2463, %sub3A_51 : vector<16xi32>
    %bitcast3A_2465 = vector.bitcast %sub3A_2456 : vector<16xi32> to vector<16xi32>
    %le3A_2466 = arith.cmpi ule, %bitcast3A_2465, %broadcast_in_dim3A_565 : vector<16xi32>
    %bitcast3A_2467 = vector.bitcast %sub3A_2460 : vector<16xi32> to vector<16xi32>
    %le3A_2468 = arith.cmpi ule, %bitcast3A_2467, %broadcast_in_dim3A_565 : vector<16xi32>
    %and3A_2469 = arith.andi %le3A_2466, %le3A_2468 : vector<16xi1>
    %bitcast3A_2470 = vector.bitcast %sub3A_2464 : vector<16xi32> to vector<16xi32>
    %le3A_2471 = arith.cmpi ule, %bitcast3A_2470, %broadcast_in_dim3A_565 : vector<16xi32>
    %and3A_2472 = arith.andi %and3A_2469, %le3A_2471 : vector<16xi1>
    %mul3A_2473 = arith.constant 5 : i32
    %mul3A_2474 = vector.broadcast %mul3A_2473 : i32 to vector<16xi32>
    %mul3A_2475 = arith.muli %sub3A_2456, %mul3A_2474 : vector<16xi32>
    %add3A_2476 = arith.addi %mul3A_2475, %sub3A_2460 : vector<16xi32>
    %mul3A_2477 = arith.constant 5 : i32
    %mul3A_2478 = vector.broadcast %mul3A_2477 : i32 to vector<16xi32>
    %mul3A_2479 = arith.muli %add3A_2476, %mul3A_2478 : vector<16xi32>
    %add3A_2480 = arith.addi %mul3A_2479, %sub3A_2464 : vector<16xi32>
    %slice3A_2481 = vector.extract_strided_slice %bitcast3A_33 {offsets = [13], sizes = [1], strides = [1]} : vector<16xf32> to vector<1xf32>
    %squeeze3A_2482 = vector.extract %slice3A_2481[0] : f32 from vector<1xf32>
    %broadcast_in_dim3A_2483 = vector.broadcast %squeeze3A_2482 : f32 to vector<16xf32>
    tpu.vector_store_idx %arg5[%iota3A, %add3A_2480], %broadcast_in_dim3A_2483 masked %and3A_2472 : memref<16x128xf32, #tpu.memory_space<vmem>>[vector<16xi32>, vector<16xi32>], vector<16xf32>, vector<16xi1>
    %slice3A_2484 = vector.extract_strided_slice %get3A_6 {offsets = [14], sizes = [1], strides = [1]} : vector<16xi32> to vector<1xi32>
    %squeeze3A_2485 = vector.extract %slice3A_2484[0] : i32 from vector<1xi32>
    %broadcast_in_dim3A_2486 = vector.broadcast %squeeze3A_2485 : i32 to vector<16xi32>
    %sub3A_2487 = arith.subi %broadcast_in_dim3A_2486, %sub3A_38 : vector<16xi32>
    %slice3A_2488 = vector.extract_strided_slice %get3A_14 {offsets = [14], sizes = [1], strides = [1]} : vector<16xi32> to vector<1xi32>
    %squeeze3A_2489 = vector.extract %slice3A_2488[0] : i32 from vector<1xi32>
    %broadcast_in_dim3A_2490 = vector.broadcast %squeeze3A_2489 : i32 to vector<16xi32>
    %sub3A_2491 = arith.subi %broadcast_in_dim3A_2490, %sub3A_44 : vector<16xi32>
    %slice3A_2492 = vector.extract_strided_slice %get3A_22 {offsets = [14], sizes = [1], strides = [1]} : vector<16xi32> to vector<1xi32>
    %squeeze3A_2493 = vector.extract %slice3A_2492[0] : i32 from vector<1xi32>
    %broadcast_in_dim3A_2494 = vector.broadcast %squeeze3A_2493 : i32 to vector<16xi32>
    %sub3A_2495 = arith.subi %broadcast_in_dim3A_2494, %sub3A_51 : vector<16xi32>
    %bitcast3A_2496 = vector.bitcast %sub3A_2487 : vector<16xi32> to vector<16xi32>
    %le3A_2497 = arith.cmpi ule, %bitcast3A_2496, %broadcast_in_dim3A_565 : vector<16xi32>
    %bitcast3A_2498 = vector.bitcast %sub3A_2491 : vector<16xi32> to vector<16xi32>
    %le3A_2499 = arith.cmpi ule, %bitcast3A_2498, %broadcast_in_dim3A_565 : vector<16xi32>
    %and3A_2500 = arith.andi %le3A_2497, %le3A_2499 : vector<16xi1>
    %bitcast3A_2501 = vector.bitcast %sub3A_2495 : vector<16xi32> to vector<16xi32>
    %le3A_2502 = arith.cmpi ule, %bitcast3A_2501, %broadcast_in_dim3A_565 : vector<16xi32>
    %and3A_2503 = arith.andi %and3A_2500, %le3A_2502 : vector<16xi1>
    %mul3A_2504 = arith.constant 5 : i32
    %mul3A_2505 = vector.broadcast %mul3A_2504 : i32 to vector<16xi32>
    %mul3A_2506 = arith.muli %sub3A_2487, %mul3A_2505 : vector<16xi32>
    %add3A_2507 = arith.addi %mul3A_2506, %sub3A_2491 : vector<16xi32>
    %mul3A_2508 = arith.constant 5 : i32
    %mul3A_2509 = vector.broadcast %mul3A_2508 : i32 to vector<16xi32>
    %mul3A_2510 = arith.muli %add3A_2507, %mul3A_2509 : vector<16xi32>
    %add3A_2511 = arith.addi %mul3A_2510, %sub3A_2495 : vector<16xi32>
    %slice3A_2512 = vector.extract_strided_slice %bitcast3A_33 {offsets = [14], sizes = [1], strides = [1]} : vector<16xf32> to vector<1xf32>
    %squeeze3A_2513 = vector.extract %slice3A_2512[0] : f32 from vector<1xf32>
    %broadcast_in_dim3A_2514 = vector.broadcast %squeeze3A_2513 : f32 to vector<16xf32>
    tpu.vector_store_idx %arg5[%iota3A, %add3A_2511], %broadcast_in_dim3A_2514 masked %and3A_2503 : memref<16x128xf32, #tpu.memory_space<vmem>>[vector<16xi32>, vector<16xi32>], vector<16xf32>, vector<16xi1>
    %mul3A_2515 = arith.constant 32 : i32
    %mul3A_2516 = arith.muli %arg1, %mul3A_2515 : i32
    %add3A_2517 = arith.addi %mul3A_2516, %mul3A_34 : i32
    "tpu.region"() ({
      %run_scoped3A = tpu.sem_alloc : memref<!tpu.dma_semaphore, #tpu.memory_space<semaphore_mem>>
      %dma_start3A = arith.constant 0 : i32
      %dma_start3A_2518 = tpu.memref_slice %arg3[%add3A_2517, %dma_start3A] : memref<512x128xf32, #tpu.memory_space<hbm>> -> memref<16x128xf32, #tpu.memory_space<hbm>>
      %dma_start3A_2519 = arith.constant 0 : i32
      %dma_start3A_2520 = tpu.memref_slice %arg3[%add3A_2517, %dma_start3A_2519] : memref<512x128xf32, #tpu.memory_space<hbm>> -> memref<16x128xf32, #tpu.memory_space<hbm>>
      tpu.enqueue_dma source(%arg5 : memref<16x128xf32, #tpu.memory_space<vmem>>) target(%dma_start3A_2520 : memref<16x128xf32, #tpu.memory_space<hbm>>) target_semaphore(%run_scoped3A : memref<!tpu.dma_semaphore, #tpu.memory_space<semaphore_mem>>)
      %dma_wait3A = arith.constant 0 : i32
      %dma_wait3A_2521 = tpu.memref_slice %arg3[%add3A_2517, %dma_wait3A] : memref<512x128xf32, #tpu.memory_space<hbm>> -> memref<16x128xf32, #tpu.memory_space<hbm>>
      %dma_wait3A_2522 = arith.constant 0 : i32
      %dma_wait3A_2523 = tpu.memref_slice %arg3[%add3A_2517, %dma_wait3A_2522] : memref<512x128xf32, #tpu.memory_space<hbm>> -> memref<16x128xf32, #tpu.memory_space<hbm>>
      tpu.wait_dma2 semaphore(%run_scoped3A : memref<!tpu.dma_semaphore, #tpu.memory_space<semaphore_mem>>) src(%arg5 : memref<16x128xf32, #tpu.memory_space<vmem>>) dst(%dma_wait3A_2523 : memref<16x128xf32, #tpu.memory_space<hbm>>)
      tpu.yield
    }) : () -> ()
    return
  }
}

</mosaic_0001>

<sc_bundles>
// kernel: kernel.3.cloned.1.call-start
scs
__scs_entry_jumppad:
0x0: {  	(pc) =	sbr.rel $0x88, $3  }
0x1: {  	(tag) =	ssettag $0x0;
	lr =	simm.s32 $0x1  }
0x2: {  	[smem:$0x3F9E] =	sst lr;
	_ =	strace $0xD0000000  }
0x3: {  	_ = 	snop  }
0x4: {  	_ = 	snop  }
0x5: {  	_ = 	snop  }
0x6: {  	_ = 	snop  }
0x7: {  	_ = 	snop  }
__scs_overlays_trampoline_lowered:
0x8: {  	[smem:$0x3FAD] =	sst s0  }
0x9: {  	[smem:$0x3FAE] =	sst s1  }
0xa: {  	[smem:$0x3FAF] =	sst s2  }
0xb: {  	[smem:$0x3FB0] =	sst s3  }
0xc: {  	[smem:$0x3FB1] =	sst s4  }
0xd: {  	[smem:$0x3FB2] =	sst s5  }
0xe: {  	[smem:$0x3FB3] =	sst s6  }
0xf: {  	[smem:$0x3FB4] =	sst s7  }
0x10: {  	[smem:$0x3FB5] =	sst s8  }
0x11: {  	[smem:$0x3FB6] =	sst s9;
	s0 =	simm.s32 @!p0 $0x0  }
0x12: {  	s1 =	sld [smem:$0x3F9C];
	s0 =	simm.s32 @p0 $0x1  }
0x13: {  	[smem:$0x3FB7] =	sst s0;
	s0 =	simm.s32 @!p1 $0x0  }
0x14: {  	s2 =	sld [smem:$0x3F9B];
	s0 =	simm.s32 @p1 $0x1  }
0x15: {  	[smem:$0x3FB8] =	sst s0;
	s0 =	simm.s32 @!p2 $0x0  }
0x16: {  	s3 =	sld [smem:$0x3FDB];
	s0 =	simm.s32 @p2 $0x1  }
0x17: {  	s4 =	simm.s32 $0x1BF5;
	[smem:$0x3FBA] =	sst s0  }
0x18: {  	s0 =	sld [smem:$0x3F9D];
	_ =	swait.ge [sflag:s4], $0x0  }
0x19: {  	s7 =	sld [smem:$0x3F9E]  }
0x1a: {  	s8 =	sadd.s32 $0xFFFFE003, lr  }
0x1b: {  	s9 =	sadd.s32 $0xFFFFFEF7, lr;
	s5 =	simm.s32 $0xFFFFFFFF;
	p2 =	slt.u32 s8, $0xFFFFF086  }
0x1c: {  	p1 =	slt.u32 s9, $0xF7A;
	s5 =	simm.s32 @!p2 $0x0  }
0x1d: {  	s5 =	simm.s32 @p1 $0x1;
	p0 =	seq.s32 s7, s2  }
0x1e: {  	s7 =	smul.u32 @!p0 $0xF7A, s2;
	p2 =	seq.s32 @!p0 s5, $0x0  }
0x1f: {  	s9 =	smul.u32 $0xF7A, s1;
	s8 =	simm.s32 @!p0 $0x1BF5;
	p2 =	por !p2, p0  }
0x20: {  	[sflag:s8] =	ssyncset.s32 @!p0 $0xFFFFF086;
	s6 =	sadd.s32 @!p0 s3, s7;
	s7 =	simm.s32 @!p0 $0x108  }
0x21: {  	s3 =	sadd.s32 s3, s9;
	s6 =	sadd.s32 @!p0 $0x88, s6;
	s7 =	simm.s32 @p2 $0x1082  }
0x22: {  	[simem:s7], [sflag:s8] =	dma.local @!p0 [hbm:s6], $0xF7A  }
0x23: {  	s9 =	sor.u32 $0xD0000000, s2;
	s6 =	simm.s32 $0x108;
	_ =	swait.ge @!p0 [sflag:s8], $0x0  }
0x24: {  	s3 =	sadd.s32 $0x88, s3;
	s6 =	simm.s32 @!p1 $0x1082;
	[sflag:s4] =	ssyncset.s32 $0xFFFFF086  }
0x25: {  	[simem:s6], [sflag:s4] =	dma.local [hbm:s3], $0xF7A  }
0x26: {  	[smem:$0x3F9E] =	sst s1;
	(tag) =	ssettag s2;
	_ =	strace s9  }
0x27: {  	s1 =	sld [smem:$0x3FAE]  }
0x28: {  	s2 =	sld [smem:$0x3FAF]  }
0x29: {  	s4 =	sld [smem:$0x3FB1]  }
0x2a: {  	p0 =	seq.s32 s5, $0x0;
	s5 =	sld [smem:$0x3FB2]  }
0x2b: {  	s6 =	sld [smem:$0x3FB3]  }
0x2c: {  	s7 =	sld [smem:$0x3FB4]  }
0x2d: {  	s3 =	simm.s32 $0x108;
	s8 =	sld [smem:$0x3FB5]  }
0x2e: {  	s3 =	simm.s32 @!p0 $0x1082;
	s9 =	sld [smem:$0x3FB6]  }
0x2f: {  	lr =	sadd.s32 s0, s3;
	s0 =	sld [smem:$0x3FAD]  }
0x30: {  	s3 =	sld [smem:$0x3FB0]  }
0x31: {  	[smem:$0x3FB9] =	sst s10  }
0x32: {  	s10 =	sld [smem:$0x3FB7];
	_ =	sdelay $0x3  }
0x33: {  	p0 =	seq.s32 s10, $0x1;
	s10 =	sld [smem:$0x3FB9];
	_ =	sdelay $0x3  }
0x34: {  	[smem:$0x3FB9] =	sst s10  }
0x35: {  	s10 =	sld [smem:$0x3FB8];
	_ =	sdelay $0x3  }
0x36: {  	p1 =	seq.s32 s10, $0x1;
	s10 =	sld [smem:$0x3FB9];
	_ =	sdelay $0x3  }
0x37: {  	[smem:$0x3FB9] =	sst s10  }
0x38: {  	s10 =	sld [smem:$0x3FBA]  }
0x39: {  	_ = 	snop;
	(pc) =	sbr.ind lr, $3  }
0x3a: {  	_ = 	snop  }
0x3b: {  	_ = 	snop  }
0x3c: {  	p2 =	seq.s32 s10, $0x1;
	s10 =	sld [smem:$0x3FB9]  }
0x3d: {  	_ =	shalt  }
0x3e: {  	_ =	shalt  }
0x3f: {  	_ =	shalt  }
0x40: {  	_ =	shalt  }
0x41: {  	_ =	shalt  }
0x42: {  	_ =	shalt  }
0x43: {  	_ =	shalt  }
0x44: {  	_ =	shalt  }
0x45: {  	_ =	shalt  }
0x46: {  	_ =	shalt  }
0x47: {  	_ =	shalt  }
0x48: {  	_ =	shalt  }
0x49: {  	_ =	shalt  }
0x4a: {  	_ =	shalt  }
0x4b: {  	_ =	shalt  }
0x4c: {  	_ =	shalt  }
0x4d: {  	_ =	shalt  }
0x4e: {  	_ =	shalt  }
0x4f: {  	_ =	shalt  }
0x50: {  	_ =	shalt  }
0x51: {  	_ =	shalt  }
0x52: {  	_ =	shalt  }
0x53: {  	_ =	shalt  }
0x54: {  	_ =	shalt  }
0x55: {  	_ =	shalt  }
0x56: {  	_ =	shalt  }
0x57: {  	_ =	shalt  }
0x58: {  	_ =	shalt  }
0x59: {  	_ =	shalt  }
0x5a: {  	_ =	shalt  }
0x5b: {  	_ =	shalt  }
0x5c: {  	_ =	shalt  }
0x5d: {  	_ =	shalt  }
0x5e: {  	_ =	shalt  }
0x5f: {  	_ =	shalt  }
0x60: {  	_ =	shalt  }
0x61: {  	_ =	shalt  }
0x62: {  	_ =	shalt  }
0x63: {  	_ =	shalt  }
0x64: {  	_ =	shalt  }
0x65: {  	_ =	shalt  }
0x66: {  	_ =	shalt  }
0x67: {  	_ =	shalt  }
0x68: {  	_ =	shalt  }
0x69: {  	_ =	shalt  }
0x6a: {  	_ =	shalt  }
0x6b: {  	_ =	shalt  }
0x6c: {  	_ =	shalt  }
0x6d: {  	_ =	shalt  }
0x6e: {  	_ =	shalt  }
0x6f: {  	_ =	shalt  }
0x70: {  	_ =	shalt  }
0x71: {  	_ =	shalt  }
0x72: {  	_ =	shalt  }
0x73: {  	_ =	shalt  }
0x74: {  	_ =	shalt  }
0x75: {  	_ =	shalt  }
0x76: {  	_ =	shalt  }
0x77: {  	_ =	shalt  }
0x78: {  	_ =	shalt  }
0x79: {  	_ =	shalt  }
0x7a: {  	_ =	shalt  }
0x7b: {  	_ =	shalt  }
0x7c: {  	_ =	shalt  }
0x7d: {  	_ =	shalt  }
0x7e: {  	_ =	shalt  }
0x7f: {  	_ =	shalt  }
0x80: {  	_ =	shalt  }
0x81: {  	_ =	shalt  }
0x82: {  	_ =	shalt  }
0x83: {  	_ =	shalt  }
0x84: {  	_ =	shalt  }
0x85: {  	_ =	shalt  }
0x86: {  	_ =	shalt  }
0x87: {  	_ =	shalt  }
.Lfunc_end0:
.L_simem_size_0:
called_computation_lowered:
.L_overlay_start_0:
0x88: {  	s2 =	sld [smem:$0x3FD9]  }
0x89: {  	s3 =	sld [smem:$0x3FFE];
	_ =	sdelay $0x1  }
0x8a: {  	s1 =	srdreg.scid  }
0x8b: {  	s0 =	sand.u32 $0x1, s1  }
0x8c: {  	s17 =	sshll.u32 s0, $0xA;
	s2 =	sadd.s32 s3, s2  }
0x8d: {  	s2 =	sadd.s32 s2, s17  }
0x8e: {  	[smem:$0x3FC5] =	sst s2  }
0x8f: {  	_ = 	snop  }
0x90: {  	s2 =	sld [smem:$0x3FD0];
	(tm) =	ssettm $0x1  }
0x91: {  	s18 =	sld [smem:$0x3FFB];
	_ =	sdelay $0x3  }
0x92: {  	_ =	strace s18  }
0x93: {  	s3 =	sld [smem:$0x3FFC];
	_ =	sdelay $0x3  }
0x94: {  	_ =	strace s3  }
0x95: {  	s3 =	sld [smem:$0x3FFD];
	_ =	sdelay $0x3  }
0x96: {  	_ =	strace s3  }
0x97: {  	_ =	strace $0x8FFFFFFF  }
0x98: {  	s19 =	sld [smem:$0x3FDB];
	_ =	sdelay $0x1  }
0x99: {  	s4 =	simm.s32 $_scs_section_size  }
0x9a: {  	s5 =	simm.s32 $_size__tile_overlayer_lowered;
	s6 =	simm.s32 $_tile_overlayer_lowered  }
0x9b: {  	s22 =	simm.s32 $0x1BFF;
	s21 =	sshll.u32 s6, $0x1;
	s3 =	sadd.s32 s4, s19  }
0x9c: {  	s7 =	simm.s32 $0x0;
	s20 =	sshll.u32 s5, $0x1;
	s5 =	sadd.s32 s21, s3  }
0x9d: {  	[timem:s7], [sflag:s22] =	dma.local [hbm:s5], s20  }
0x9e: {  	_ =	swait.ge [sflag:s22], s20  }
0x9f: {  	s4 =	ssub.s32 $0x0, s20;
	[sflag:s22] =	ssyncset.done $0x0  }
0xa0: {  	[sflag:s22] =	ssyncadd.s32 s4;
	_ =	sdelay $0x1  }
0xa1: {  	s23 =	simm.s32 $0x1B8B  }
0xa2: {  	_ =	swait.ge [sflag:s23], $0x1  }
0xa3: {  	[sflag:s23] =	ssyncset.done $0x0  }
0xa4: {  	s25 =	simm.s32 $0x1B8E;
	s24 =	sld [smem:$0x3FFE];
	[sflag:s23] =	ssyncadd.s32 $0xFFFFFFFF  }
0xa5: {  	s26 =	simm.s32 $execute0_lowered;
	[smem:$0x3FD2] =	sst s25  }
0xa6: {  	s5 =	sshll.u32 s26, $0x1;
	_ =	strace $0x80000046;
	[dreg:$0x1] =	wrdreg $0xFFFFFFFF  }
0xa7: {  	s28 =	simm.s32 $_size_execute0_lowered;
	s3 =	sadd.s32 s3, s5;
	[dreg:$0x0] =	wrdreg $0x0  }
0xa8: {  	s5 =	sshll.u32 s28, $0x1;
	[dreg:$0x2] =	wrdreg s3  }
0xa9: {  	[dreg:$0x3] =	wrdreg s5  }
0xaa: {  	[dreg:$0x4] =	wrdreg $0xC0  }
0xab: {  	_ =	task [dreg:s7], $0x5FFFF  }
0xac: {  	[dreg:$0x1] =	wrdreg $0xFFFFFFFF  }
0xad: {  	[dreg:$0x0] =	wrdreg $0x60  }
0xae: {  	[dreg:$0x2] =	wrdreg s24  }
0xaf: {  	[dreg:$0x3] =	wrdreg s2  }
0xb0: {  	[dreg:$0x4] =	wrdreg $0x9  }
0xb1: {  	_ =	task.clear_ibuf [dreg:s7], $0x5FFFF;
	_ =	strace $0x90000046  }
0xb2: {  	s29 =	simm.s32 $0x9;
	_ =	strace $0x80000048  }
0xb3: {  	_ =	swait.ge [sflag:s29], $0x1  }
0xb4: {  	[sflag:s29] =	ssyncadd.s32 $0xFFFFFFFF  }
0xb5: {  	_ =	strace $0x90000048  }
0xb6: {  	_ =	sfence  }
0xb7: {  	s30 =	sld [smem:$0x0];
	_ =	sdelay $0x2  }
0xb8: {  	s31 =	sshll.u32 s1, $0xD;
	s1 =	sshrl.u32 s1, $0x2  }
0xb9: {  	s3 =	sand.u32 $0x4000, s31;
	s1 =	sadd.s32 s1, s30  }
0xba: {  	s0 =	sor.u32 s3, s0;
	s1 =	sshll.u32 s1, $0x11  }
0xbb: {  	s0 =	sor.u32 s1, s0  }
0xbc: {  	s0 =	sadd.s32 $0x8F2B, s0  }
0xbd: {  	[sflag:s0] =	ssyncadd.remote.s32 $0x1  }
0xbe: {  	_ =	sfence.sel $0xFFFF  }
0xbf: {  	[dreg:$0x0] =	wrdreg $0xFFFFFFFF;
	(pc) =	sbr.abs _section_cstart, $3  }
0xc0: {  	[dreg:$0x1] =	wrdreg $0xFFFFFFFF  }
0xc1: {  	_ =	task.clear_ibuf [dreg:s7], $0x2FFFF;
	_ =	strace $0x9FFFFFFF  }
0xc2: {  	(tm) =	ssettm $0x7FFFFFFF  }
0xc3: {  	_ =	shalt  }
tec
execute0_lowered:
.L_overlay_start_1:
0x0: {  	(tag) =	ssettag $0x1  }
0x1: {  	s3 =	rddreg [dreg:$0x0]  }
0x2: {  	s5 =	rddreg [dreg:$0x1]  }
0x3: {  	s0 =	rddreg [dreg:$0x2];
	s2 =	simm.s32 $0x0;
	s1 =	stileid.u32  }
0x4: {  	s6 =	srdreg.scid;
	s9 =	simm.s32 $0x1;
	s10 =	simm.s32 $0x100  }
0x5: {  	[smem:$0x7FF] =	sst s2;
	s4 =	sshll.u32 s1, $0x4;
	s6 =	sand.u32 $0x1, s6  }
0x6: {  	s7 =	sshll.u32 s1, $0x5;
	s31 =	sshll.u32 s1, $0x9;
	s4 =	sand.u32 $0x70, s4  }
0x7: {  	s28 =	ssub.s32 $0x2, s6;
	s7 =	sand.u32 $0x100, s7;
	_ =	strace $0x80000047  }
0x8: {  	s30 =	sshll.u32 s6, $0x8;
	s3 =	sadd.s32 s4, s3;
	s8 =	sshrl.u32 s28, $0x1  }
0x9: {  	s4 =	sshll.u32 s6, $0x4;
	s5 =	sadd.s32 s5, s30;
	s3 =	sadd.s32 s7, s3  }
0xa: {  	v1 =	vlaneseq.u32;
	s29 =	ssub.s32 s28, s8;
	s5 =	sadd.s32 s31, s5;
	s7 =	simm.s32 $0x80  }
0xb: {  	v0 =	vimm.f32 $0.0e+00;
	v61 =	vmul.u32 $0x80, v1;
	s8 =	simm.s32 $0x400;
	s3 =	sadd.s32 $0xA00, s3;
	s6 =	smax.u32 s29, $0x1  }
.LBB2_1:
0xc: {  	[tilespmem:s2], [sflag:$0x1] =	stream.strided.gather [hbm4b:s3+s7], $0x100, s8, s7, $0x38;
	[tilespmem:$0x900] =	vst v63  }
0xd: {  	_ =	swait.ge [sflag:s9], $0x100  }
0xe: {  	[sflag:s9] =	ssyncset.done $0x0  }
0xf: {  	[sflag:s9] =	ssyncadd.s32 $0xFFFFFF00  }
0x10: {  	v8 =	vld [tilespmem:$0x0]  }
0x11: {  	v6 =	vld [tilespmem:$0x40]  }
0x12: {  	v5 =	vld [tilespmem:$0x80]  }
0x13: {  	v2 =	vld [tilespmem:s4+$0x0]  }
0x14: {  	v3 =	vld [tilespmem:s4+$0x40]  }
0x15: {  	v37 =	vimm.s32 $0x0;
	v38 =	vimm.s32 $0x0  }
0x16: {  	v41 =	vimm.s32 $0x0;
	v42 =	vimm.s32 $0x0;
	v43 =	vimm.s32 $0x0  }
0x17: {  	v46 =	vimm.s32 $0x0;
	v47 =	vimm.s32 $0x0;
	v48 =	vimm.s32 $0x0  }
0x18: {  	v4 =	vld [tilespmem:s4+$0x80];
	v9 =	vbroadcast v8, $0x0;
	v10 =	vbroadcast v6, $0x0;
	v15 =	vadd.s32 $0xFFFFFFFE, v2  }
0x19: {  	v14 =	vadd.s32 $0xFFFFFFFE, v3;
	v2 =	vbroadcast v5, $0x0;
	v3 =	vbroadcast v6, $0x1  }
0x1a: {  	v51 =	vimm.s32 $0x0;
	v36 =	vbroadcast v5, $0x1;
	v39 =	vbroadcast v6, $0x3  }
0x1b: {  	v52 =	vimm.s32 $0x0;
	v40 =	vbroadcast v5, $0x4;
	v44 =	vbroadcast v6, $0x6  }
0x1c: {  	v53 =	vimm.s32 $0x0;
	v45 =	vbroadcast v5, $0x7;
	v49 =	vbroadcast v6, $0x9  }
0x1d: {  	v7 =	vadd.s32 $0xFFFFFFFE, v4;
	v50 =	vbroadcast v5, $0xA;
	v56 =	vbroadcast v6, $0xC  }
0x1e: {  	v11 =	vbroadcast v5, $0xE;
	v16 =	vsub.s32 v9, v15;
	v13 =	vsub.s32 v10, v14  }
0x1f: {  	v1 =	vsub.s32 v2, v7;
	v2 =	vbroadcast v8, $0x1;
	v18 =	vsub.s32 v3, v14  }
0x20: {  	v12 =	vsub.s32 v36, v7;
	v3 =	vbroadcast v6, $0x2;
	v22 =	vsub.s32 v39, v14  }
0x21: {  	v20 =	vsub.s32 v40, v7;
	v31 =	vsub.s32 v44, v14;
	v30 =	vsub.s32 v45, v7  }
0x22: {  	v60 =	vsub.s32 v49, v14;
	v59 =	vsub.s32 v50, v7;
	v58 =	vsub.s32 v56, v14  }
0x23: {  	v49 =	vimm.s32 $0x0;
	v50 =	vimm.s32 $0x0;
	v11 =	vsub.s32 v11, v7  }
0x24: {  	vm0 =	vlt.u32 v16, $0x5;
	vm1 =	vlt.u32 v13, $0x5;
	vm14 =	vlt.u32 v1, $0x5  }
0x25: {  	vm3 =	vlt.u32 v18, $0x5;
	vm15 =	vlt.u32 v12, $0x5;
	vm10 =	vlt.u32 v22, $0x5  }
0x26: {  	vm0 =	vmand vm0, vm1;
	v21 =	vsub.s32 v2, v15;
	v2 =	vbroadcast v8, $0x2  }
0x27: {  	v23 =	vsub.s32 v3, v14;
	v3 =	vbroadcast v8, $0x3;
	vm2 =	vlt.u32 v21, $0x5  }
0x28: {  	vm0 =	vmand vm0, vm14;
	vm7 =	vlt.u32 v23, $0x5;
	vm2 =	vmand vm2, vm3  }
0x29: {  	v4 =	vsel vm0, $0xFFFFFFFF, v37;
	v26 =	vsub.s32 v2, v15;
	v2 =	vbroadcast v5, $0x2  }
0x2a: {  	v24 =	vsub.s32 v3, v15;
	v3 =	vbroadcast v6, $0x4;
	vm5 =	vmand vm2, vm15  }
0x2b: {  	vm6 =	vlt.u32 v26, $0x5;
	vm9 =	vlt.u32 v24, $0x5;
	vm15 =	vlt.u32 v20, $0x5  }
0x2c: {  	[tilespmem:$0x1FAB0] =	vst v4;
	v4 =	vsel vm5, $0xFFFFFFFF, v38;
	v19 =	vsub.s32 v2, v7;
	vm0 =	vmand vm6, vm7  }
0x2d: {  	v2 =	vbroadcast v5, $0x3;
	vm11 =	vmand vm9, vm10;
	v27 =	vsub.s32 v3, v14  }
0x2e: {  	v3 =	vbroadcast v6, $0x5;
	vm8 =	vlt.u32 v19, $0x5;
	vm14 =	vlt.u32 v27, $0x5  }
0x2f: {  	v17 =	vsub.s32 v2, v7;
	v2 =	vbroadcast v8, $0x4;
	vm0 =	vmand vm0, vm8  }
0x30: {  	v32 =	vsub.s32 v3, v14;
	v3 =	vbroadcast v8, $0x6;
	v9 =	vsel vm0, $0xFFFFFFFF, v41  }
0x31: {  	vm12 =	vlt.u32 v17, $0x5;
	vm8 =	vlt.u32 v32, $0x5;
	v29 =	vsub.s32 v2, v15  }
0x32: {  	v2 =	vbroadcast v8, $0x5;
	vm0 =	vmand vm11, vm12;
	v33 =	vsub.s32 v3, v15  }
0x33: {  	vm11 =	vlt.u32 v31, $0x5;
	v3 =	vbroadcast v6, $0x7;
	vm13 =	vlt.u32 v29, $0x5  }
0x34: {  	[tilespmem:$0x1FAC0] =	vst v4;
	v4 =	vsel vm0, $0xFFFFFFFF, v42;
	vm10 =	vlt.u32 v33, $0x5;
	v42 =	vbroadcast v5, $0xC  }
0x35: {  	vm2 =	vmand vm13, vm14;
	v34 =	vsub.s32 v2, v15;
	v2 =	vbroadcast v5, $0x5  }
0x36: {  	vm12 =	vmand vm10, vm11;
	v36 =	vsub.s32 v3, v14;
	v3 =	vbroadcast v6, $0x8  }
0x37: {  	vm6 =	vmand vm2, vm15;
	vm7 =	vlt.u32 v34, $0x5;
	vm15 =	vlt.u32 v36, $0x5  }
0x38: {  	[tilespmem:$0x1FAF0] =	vst v4;
	v4 =	vsel vm6, $0xFFFFFFFF, v43;
	v28 =	vsub.s32 v2, v7;
	v2 =	vbroadcast v5, $0x6  }
0x39: {  	vm0 =	vmand vm7, vm8;
	vm6 =	vlt.u32 v30, $0x5;
	v39 =	vsub.s32 v3, v14  }
0x3a: {  	v3 =	vbroadcast v8, $0x9;
	vm9 =	vlt.u32 v28, $0x5;
	v25 =	vsub.s32 v2, v7  }
0x3b: {  	v2 =	vbroadcast v8, $0x7;
	vm0 =	vmand vm0, vm9;
	vm9 =	vlt.u32 v39, $0x5  }
0x3c: {  	[tilespmem:$0x1FAE0] =	vst v9;
	v40 =	vsub.s32 v3, v15;
	v3 =	vbroadcast v6, $0xA;
	v9 =	vsel vm0, $0xFFFFFFFF, v46  }
0x3d: {  	vm13 =	vlt.u32 v25, $0x5;
	vm11 =	vlt.u32 v40, $0x5;
	v46 =	vbroadcast v8, $0xE  }
0x3e: {  	v38 =	vsub.s32 v2, v15;
	v2 =	vbroadcast v8, $0x8;
	vm0 =	vmand vm12, vm13  }
0x3f: {  	vm12 =	vlt.u32 v60, $0x5;
	v62 =	vsub.s32 v3, v14;
	v3 =	vbroadcast v6, $0xB  }
0x40: {  	[tilespmem:$0x1FB00] =	vst v4;
	vm14 =	vlt.u32 v38, $0x5;
	v4 =	vsel vm0, $0xFFFFFFFF, v47;
	vm13 =	vmand vm11, vm12  }
0x41: {  	vm12 =	vlt.u32 v58, $0x5;
	v47 =	vbroadcast v6, $0xE;
	vm2 =	vmand vm14, vm15  }
0x42: {  	v41 =	vsub.s32 v2, v15;
	v2 =	vbroadcast v5, $0x8;
	v55 =	vsub.s32 v3, v14  }
0x43: {  	v3 =	vbroadcast v8, $0xC;
	vm7 =	vmand vm2, vm6;
	vm8 =	vlt.u32 v41, $0x5  }
0x44: {  	[tilespmem:$0x1FB30] =	vst v4;
	vm6 =	vlt.u32 v62, $0x5;
	v4 =	vsel vm7, $0xFFFFFFFF, v48;
	v37 =	vsub.s32 v2, v7  }
0x45: {  	vm0 =	vmand vm8, vm9;
	v2 =	vbroadcast v5, $0x9;
	vm7 =	vlt.u32 v59, $0x5  }
0x46: {  	v57 =	vsub.s32 v3, v15;
	v3 =	vbroadcast v6, $0xD;
	v48 =	vimm.s32 $0x0  }
0x47: {  	v6 =	vbroadcast v6, $0xF;
	vm10 =	vlt.u32 v37, $0x5;
	vm11 =	vlt.u32 v57, $0x5  }
0x48: {  	[tilespmem:$0x1F430] =	vst v57;
	v57 =	vimm.s32 $0x0;
	v35 =	vsub.s32 v2, v7;
	v2 =	vbroadcast v8, $0xA  }
0x49: {  	[tilespmem:$0x1FB20] =	vst v9;
	vm0 =	vmand vm0, vm10;
	vm10 =	vlt.u32 v55, $0x5;
	vm1 =	vmand vm11, vm12  }
0x4a: {  	[tilespmem:$0x1F420] =	vst v55;
	vm11 =	vlt.u32 v11, $0x5;
	v55 =	vsub.s32 v6, v14;
	v9 =	vsel vm0, $0xFFFFFFFF, v51  }
0x4b: {  	vm14 =	vlt.u32 v35, $0x5;
	v44 =	vsub.s32 v2, v15;
	v2 =	vbroadcast v8, $0xB  }
0x4c: {  	v51 =	vsub.s32 v47, v14;
	vm0 =	vmand vm13, vm14;
	vm15 =	vlt.u32 v44, $0x5  }
0x4d: {  	vm2 =	vmand vm15, vm6;
	v54 =	vsub.s32 v2, v15;
	v2 =	vbroadcast v5, $0xB  }
0x4e: {  	[tilespmem:$0x1FB50] =	vst v4;
	v47 =	vimm.s32 $0x0;
	v4 =	vsel vm0, $0xFFFFFFFF, v52;
	vm8 =	vmand vm2, vm7  }
0x4f: {  	[tilespmem:$0x1FB70] =	vst v4;
	vm9 =	vlt.u32 v54, $0x5;
	v4 =	vsel vm8, $0xFFFFFFFF, v53;
	v63 =	vsub.s32 v2, v7  }
0x50: {  	vm0 =	vmand vm9, vm10;
	v2 =	vbroadcast v8, $0xD;
	vm10 =	vlt.u32 v51, $0x5  }
0x51: {  	v8 =	vbroadcast v8, $0xF;
	[tilespmem:$0x1FB90] =	vst v4;
	vm4 =	vlt.u32 v63, $0x5;
	v4 =	vsub.s32 v42, v7  }
0x52: {  	v42 =	vsub.s32 v46, v15;
	v46 =	vimm.s32 $0x0;
	v43 =	vsub.s32 v2, v15  }
0x53: {  	[tilespmem:$0x1F460] =	vst v58;
	v2 =	vsub.s32 v3, v14;
	v3 =	vbroadcast v5, $0xD;
	vm15 =	vlt.u32 v4, $0x5  }
0x54: {  	[tilespmem:$0x1F480] =	vst v51;
	vm0 =	vmand vm0, vm4;
	vm9 =	vlt.u32 v42, $0x5;
	v53 =	vsub.s32 v8, v15  }
0x55: {  	v5 =	vbroadcast v5, $0xF;
	[tilespmem:$0x1F470] =	vst v2;
	vm13 =	vlt.u32 v43, $0x5;
	vm14 =	vlt.u32 v2, $0x5;
	v2 =	vld [tilespmem:$0x10]  }
0x56: {  	[tilespmem:$0x1F4A0] =	vst v4;
	v4 =	vsel vm0, $0xFFFFFFFF, v48;
	vm7 =	vmand vm1, vm15;
	vm0 =	vmand vm9, vm10  }
0x57: {  	[tilespmem:$0x1F410] =	vst v54;
	vm12 =	vlt.u32 v53, $0x5;
	vm2 =	vmand vm13, vm14;
	v45 =	vsub.s32 v3, v7;
	v3 =	vld [tilespmem:$0x50]  }
0x58: {  	[tilespmem:$0x1FBA0] =	vst v4;
	v4 =	vsel vm7, $0xFFFFFFFF, v49;
	vm13 =	vlt.u32 v55, $0x5;
	v58 =	vsub.s32 v5, v7  }
0x59: {  	[tilespmem:$0x1F440] =	vst v43;
	vm0 =	vmand vm0, vm11;
	vm5 =	vlt.u32 v45, $0x5;
	vm10 =	vlt.u32 v58, $0x5  }
0x5a: {  	[tilespmem:$0x1F490] =	vst v53;
	vm8 =	vmand vm2, vm5;
	v52 =	vbroadcast v2, $0x0;
	v43 =	vbroadcast v2, $0x1  }
0x5b: {  	[tilespmem:$0x1FBB0] =	vst v4;
	v4 =	vsel vm8, $0xFFFFFFFF, v50;
	v51 =	vbroadcast v2, $0x2;
	v53 =	vbroadcast v2, $0x3  }
0x5c: {  	[tilespmem:$0x1F4D0] =	vst v45;
	vm8 =	vmand vm12, vm13;
	v54 =	vbroadcast v3, $0x0;
	v45 =	vbroadcast v3, $0x1  }
0x5d: {  	[tilespmem:$0x1FB60] =	vst v9;
	v9 =	vsub.s32 v52, v15;
	v48 =	vsub.s32 v43, v15;
	v52 =	vbroadcast v3, $0x2  }
0x5e: {  	[tilespmem:$0x1FBD0] =	vst v4;
	v4 =	vld [tilespmem:$0x90];
	v43 =	vsub.s32 v53, v15;
	v8 =	vsub.s32 v54, v14;
	vm14 =	vlt.u32 v9, $0x5  }
0x5f: {  	[tilespmem:$0x1F4E0] =	vst v55;
	v49 =	vsub.s32 v45, v14;
	vm13 =	vlt.u32 v48, $0x5;
	v54 =	vbroadcast v3, $0x3  }
0x60: {  	v45 =	vsub.s32 v51, v15;
	[tilespmem:$0x1F530] =	vst v43;
	v51 =	vimm.s32 $0x0;
	vm15 =	vlt.u32 v8, $0x5  }
0x61: {  	[tilespmem:$0x1F4F0] =	vst v8;
	v8 =	vsel vm0, $0xFFFFFFFF, v57;
	vm0 =	vmand vm8, vm10;
	vm8 =	vlt.u32 v45, $0x5  }
0x62: {  	[tilespmem:$0x1F510] =	vst v45;
	vm10 =	vlt.u32 v43, $0x5;
	v43 =	vimm.s32 $0x0;
	v45 =	vimm.s32 $0x0  }
0x63: {  	v56 =	vbroadcast v4, $0x0;
	[tilespmem:$0x1FBE0] =	vst v8;
	vm9 =	vmand vm14, vm15;
	v8 =	vsel vm0, $0xFFFFFFFF, v46  }
0x64: {  	[tilespmem:$0x1F520] =	vst v58;
	v50 =	vbroadcast v4, $0x1;
	vm14 =	vlt.u32 v49, $0x5;
	v57 =	vbroadcast v4, $0x2  }
0x65: {  	[tilespmem:$0x1F500] =	vst v49;
	v58 =	vbroadcast v4, $0x3;
	v46 =	vimm.s32 $0x0;
	v49 =	vbroadcast v2, $0x4  }
0x66: {  	[tilespmem:$0x1F450] =	vst v42;
	vm0 =	vmand vm13, vm14;
	v42 =	vsub.s32 v56, v7;
	v55 =	vsub.s32 v50, v7  }
0x67: {  	[tilespmem:$0x1F4C0] =	vst v48;
	v56 =	vsub.s32 v54, v14;
	v48 =	vsub.s32 v58, v7;
	v50 =	vbroadcast v3, $0x4  }
0x68: {  	v53 =	vsub.s32 v49, v15;
	v58 =	vbroadcast v2, $0x6;
	[tilespmem:$0x1F550] =	vst v42;
	vm11 =	vlt.u32 v42, $0x5  }
0x69: {  	[tilespmem:$0x1F560] =	vst v55;
	vm15 =	vlt.u32 v55, $0x5;
	v55 =	vbroadcast v4, $0x4;
	vm7 =	vlt.u32 v53, $0x5  }
0x6a: {  	[tilespmem:$0x1F540] =	vst v53;
	v53 =	vbroadcast v4, $0x5;
	v42 =	vbroadcast v3, $0x7;
	vm12 =	vmand vm9, vm11  }
0x6b: {  	[tilespmem:$0x1F580] =	vst v56;
	vm11 =	vlt.u32 v56, $0x5;
	vm0 =	vmand vm0, vm15;
	vm15 =	vlt.u32 v48, $0x5  }
0x6c: {  	[tilespmem:$0x1F5E0] =	vst v48;
	v54 =	vsub.s32 v50, v14;
	v56 =	vbroadcast v2, $0x5;
	v48 =	vbroadcast v3, $0x6  }
0x6d: {  	[tilespmem:$0x1FC00] =	vst v8;
	v8 =	vsel vm12, $0xFFFFFFFF, v47;
	vm13 =	vmand vm10, vm11;
	v47 =	vsub.s32 v57, v7  }
0x6e: {  	v57 =	vbroadcast v3, $0x5;
	v49 =	vsub.s32 v55, v7;
	v55 =	vimm.s32 $0x0  }
0x6f: {  	[tilespmem:$0x1FC10] =	vst v8;
	v8 =	vsub.s32 v52, v14;
	vm14 =	vlt.u32 v47, $0x5;
	vm6 =	vmand vm13, vm15  }
0x70: {  	[tilespmem:$0x1F5B0] =	vst v47;
	v52 =	vimm.s32 $0x0;
	v50 =	vsub.s32 v56, v15;
	v56 =	vsub.s32 v53, v7  }
0x71: {  	v47 =	vsub.s32 v42, v14;
	v42 =	vimm.s32 $0x0;
	[tilespmem:$0x1F570] =	vst v8;
	vm9 =	vlt.u32 v8, $0x5  }
0x72: {  	v8 =	vsel vm0, $0xFFFFFFFF, v46;
	[tilespmem:$0x1F5A0] =	vst v50;
	vm10 =	vlt.u32 v50, $0x5;
	v50 =	vbroadcast v3, $0x8  }
0x73: {  	[tilespmem:$0x1F590] =	vst v54;
	vm12 =	vmand vm8, vm9;
	vm8 =	vlt.u32 v54, $0x5;
	v54 =	vbroadcast v4, $0x6  }
0x74: {  	[tilespmem:$0x1F5F0] =	vst v49;
	vm9 =	vlt.u32 v49, $0x5;
	v49 =	vbroadcast v2, $0x8;
	vm0 =	vmand vm12, vm14  }
0x75: {  	[tilespmem:$0x1FC30] =	vst v8;
	v8 =	vsel vm0, $0xFFFFFFFF, v51;
	vm0 =	vmand vm7, vm8;
	v51 =	vsub.s32 v58, v15  }
0x76: {  	v58 =	vbroadcast v2, $0x7;
	[tilespmem:$0x1FC50] =	vst v8;
	v8 =	vsel vm6, $0xFFFFFFFF, v52;
	v52 =	vsub.s32 v48, v14  }
0x77: {  	[tilespmem:$0x1F5C0] =	vst v51;
	vm12 =	vlt.u32 v51, $0x5;
	vm0 =	vmand vm0, vm9;
	vm6 =	vlt.u32 v56, $0x5  }
0x78: {  	v48 =	vbroadcast v4, $0x7;
	v51 =	vbroadcast v2, $0x9;
	[tilespmem:$0x1FC70] =	vst v8;
	v8 =	vsub.s32 v57, v14  }
0x79: {  	[tilespmem:$0x1F640] =	vst v56;
	vm13 =	vlt.u32 v52, $0x5;
	v57 =	vsub.s32 v54, v7;
	v46 =	vsub.s32 v58, v15  }
0x7a: {  	[tilespmem:$0x1F610] =	vst v52;
	v52 =	vbroadcast v3, $0x9;
	v54 =	vsub.s32 v49, v15;
	v58 =	vbroadcast v4, $0x9  }
0x7b: {  	v49 =	vimm.s32 $0x0;
	[tilespmem:$0x1F600] =	vst v8;
	vm11 =	vlt.u32 v8, $0x5;
	v8 =	vsel vm0, $0xFFFFFFFF, v55  }
0x7c: {  	[tilespmem:$0x1F620] =	vst v47;
	vm15 =	vmand vm12, vm13;
	vm7 =	vlt.u32 v57, $0x5;
	vm9 =	vlt.u32 v46, $0x5  }
0x7d: {  	[tilespmem:$0x1F670] =	vst v57;
	v53 =	vsub.s32 v48, v7;
	v55 =	vsub.s32 v51, v15;
	v57 =	vbroadcast v4, $0x8  }
0x7e: {  	[tilespmem:$0x1F5D0] =	vst v46;
	vm12 =	vlt.u32 v54, $0x5;
	v46 =	vbroadcast v2, $0xA;
	v48 =	vimm.s32 $0x0  }
0x7f: {  	[tilespmem:$0x1F630] =	vst v54;
	v54 =	vbroadcast v3, $0xB;
	vm14 =	vmand vm10, vm11;
	vm8 =	vmand vm15, vm7  }
0x80: {  	[tilespmem:$0x1FC80] =	vst v8;
	vm10 =	vlt.u32 v47, $0x5;
	v56 =	vsub.s32 v52, v14;
	v47 =	vbroadcast v3, $0xA  }
0x81: {  	[tilespmem:$0x1F680] =	vst v53;
	vm11 =	vlt.u32 v53, $0x5;
	v52 =	vbroadcast v4, $0xA;
	v53 =	vbroadcast v2, $0xB  }
0x82: {  	[tilespmem:$0x1F650] =	vst v55;
	vm0 =	vmand vm14, vm6;
	vm14 =	vlt.u32 v55, $0x5;
	vm15 =	vlt.u32 v56, $0x5  }
0x83: {  	[tilespmem:$0x1F6A0] =	vst v56;
	v55 =	vbroadcast v2, $0xC;
	v56 =	vbroadcast v3, $0xC;
	v8 =	vsel vm0, $0xFFFFFFFF, v43  }
0x84: {  	vm0 =	vmand vm9, vm10;
	vm9 =	vmand vm14, vm15;
	v43 =	vsub.s32 v57, v7  }
0x85: {  	v51 =	vsub.s32 v47, v14;
	v57 =	vsub.s32 v52, v7;
	[tilespmem:$0x1FCA0] =	vst v8;
	v8 =	vsel vm8, $0xFFFFFFFF, v45  }
0x86: {  	vm0 =	vmand vm0, vm11;
	[tilespmem:$0x1F6D0] =	vst v43;
	v45 =	vsub.s32 v58, v7;
	vm10 =	vlt.u32 v43, $0x5  }
0x87: {  	[tilespmem:$0x1F6B0] =	vst v51;
	vm14 =	vlt.u32 v51, $0x5;
	v58 =	vsub.s32 v53, v15;
	v47 =	vsub.s32 v55, v15  }
0x88: {  	[tilespmem:$0x1F710] =	vst v57;
	vm15 =	vlt.u32 v57, $0x5;
	v51 =	vimm.s32 $0x0;
	v55 =	vbroadcast v3, $0xD  }
0x89: {  	v6 =	vld [tilespmem:$0x20];
	v57 =	vimm.s32 $0x0;
	[tilespmem:$0x1FCB0] =	vst v8;
	v8 =	vsub.s32 v50, v14;
	vm11 =	vlt.u32 v45, $0x5  }
0x8a: {  	[tilespmem:$0x1F700] =	vst v45;
	v50 =	vsub.s32 v46, v15;
	v45 =	vbroadcast v4, $0xD;
	v46 =	vbroadcast v2, $0xE  }
0x8b: {  	[tilespmem:$0x1F690] =	vst v8;
	vm13 =	vlt.u32 v8, $0x5;
	v8 =	vsel vm0, $0xFFFFFFFF, v42;
	v43 =	vsub.s32 v55, v14  }
0x8c: {  	vm8 =	vmand vm12, vm13;
	vm12 =	vmand vm9, vm11;
	vm13 =	vlt.u32 v50, $0x5  }
0x8d: {  	[tilespmem:$0x1F660] =	vst v50;
	v50 =	vbroadcast v4, $0xC;
	vm6 =	vlt.u32 v43, $0x5;
	v5 =	vsub.s32 v45, v7  }
0x8e: {  	[tilespmem:$0x1F740] =	vst v43;
	v43 =	vbroadcast v6, $0x2;
	vm0 =	vmand vm8, vm10;
	vm8 =	vlt.u32 v58, $0x5  }
0x8f: {  	[tilespmem:$0x1F6E0] =	vst v47;
	vm10 =	vlt.u32 v47, $0x5;
	v47 =	vbroadcast v3, $0xE;
	vm7 =	vlt.u32 v5, $0x5  }
0x90: {  	[tilespmem:$0x1FCD0] =	vst v8;
	v3 =	vbroadcast v3, $0xF;
	v8 =	vsel vm0, $0xFFFFFFFF, v48;
	vm0 =	vmand vm13, vm14  }
0x91: {  	v48 =	vsub.s32 v56, v14;
	v53 =	vsub.s32 v50, v7;
	v56 =	vimm.s32 $0x0  }
0x92: {  	v50 =	vbroadcast v4, $0xE;
	[tilespmem:$0x1FCE0] =	vst v8;
	v8 =	vsel vm12, $0xFFFFFFFF, v49;
	v49 =	vbroadcast v4, $0xB  }
0x93: {  	[tilespmem:$0x1F730] =	vst v48;
	vm11 =	vlt.u32 v48, $0x5;
	vm0 =	vmand vm0, vm15;
	vm15 =	vlt.u32 v53, $0x5  }
0x94: {  	[tilespmem:$0x1F790] =	vst v53;
	v48 =	vsub.s32 v46, v15;
	v53 =	vbroadcast v6, $0x0;
	v46 =	vimm.s32 $0x0  }
0x95: {  	[tilespmem:$0x1FCF0] =	vst v8;
	v8 =	vsub.s32 v54, v14;
	vm13 =	vmand vm10, vm11;
	v54 =	vbroadcast v2, $0xD  }
0x96: {  	v2 =	vbroadcast v2, $0xF;
	[tilespmem:$0x1F720] =	vst v8;
	vm9 =	vlt.u32 v8, $0x5;
	v8 =	vsel vm0, $0xFFFFFFFF, v51  }
0x97: {  	[tilespmem:$0x1F4B0] =	vst v9;
	v52 =	vsub.s32 v49, v7;
	vm4 =	vmand vm13, vm15;
	v49 =	vsub.s32 v47, v14  }
0x98: {  	[tilespmem:$0x1F6C0] =	vst v58;
	v51 =	vimm.s32 $0x0;
	v9 =	vsub.s32 v53, v15;
	v47 =	vimm.s32 $0x0  }
0x99: {  	[tilespmem:$0x1FD10] =	vst v8;
	vm12 =	vmand vm8, vm9;
	vm14 =	vlt.u32 v52, $0x5;
	v58 =	vsub.s32 v54, v15  }
0x9a: {  	[tilespmem:$0x1F760] =	vst v52;
	vm8 =	vlt.u32 v48, $0x5;
	vm9 =	vlt.u32 v49, $0x5;
	vm0 =	vmand vm12, vm14  }
0x9b: {  	v52 =	vsub.s32 v50, v7;
	v54 =	vimm.s32 $0x0;
	[tilespmem:$0x1F6F0] =	vst v58;
	v8 =	vsel vm0, $0xFFFFFFFF, v56  }
0x9c: {  	v55 =	vsub.s32 v2, v15;
	vm5 =	vlt.u32 v58, $0x5;
	[tilespmem:$0x1FD30] =	vst v8;
	v8 =	vsel vm4, $0xFFFFFFFF, v57  }
0x9d: {  	vm13 =	vlt.u32 v9, $0x5;
	vm10 =	vlt.u32 v52, $0x5;
	vm0 =	vmand vm5, vm6;
	[tilespmem:$0x1FD50] =	vst v8  }
0x9e: {  	v56 =	vsub.s32 v3, v14;
	v3 =	vbroadcast v4, $0xF;
	vm0 =	vmand vm0, vm7;
	[tilespmem:$0x1F7A0] =	vst v5  }
0x9f: {  	vm11 =	vlt.u32 v55, $0x5;
	vm12 =	vlt.u32 v56, $0x5;
	[tilespmem:$0x1F750] =	vst v48;
	v5 =	vsel vm0, $0xFFFFFFFF, v51;
	v8 =	vld [tilespmem:$0x60]  }
0xa0: {  	vm0 =	vmand vm8, vm9;
	[tilespmem:$0x1F7F0] =	vst v52;
	v58 =	vsub.s32 v3, v7;
	v48 =	vimm.s32 $0x0  }
0xa1: {  	[tilespmem:$0x1F780] =	vst v9;
	v52 =	vsub.s32 v43, v15;
	vm0 =	vmand vm0, vm10;
	vm6 =	vlt.u32 v58, $0x5  }
0xa2: {  	[tilespmem:$0x1FD60] =	vst v5;
	v5 =	vld [tilespmem:$0xA0];
	v10 =	vsel vm0, $0xFFFFFFFF, v54;
	vm0 =	vmand vm11, vm12;
	v54 =	vbroadcast v6, $0x3  }
0xa3: {  	[tilespmem:$0x1F800] =	vst v52;
	vm11 =	vlt.u32 v52, $0x5;
	v52 =	vbroadcast v6, $0x6;
	vm0 =	vmand vm0, vm6  }
0xa4: {  	[tilespmem:$0x1F820] =	vst v58;
	v9 =	vsel vm0, $0xFFFFFFFF, v47;
	v58 =	vsub.s32 v54, v15;
	v2 =	vbroadcast v8, $0x0  }
0xa5: {  	[tilespmem:$0x1F7B0] =	vst v49;
	v47 =	vimm.s32 $0x0;
	v3 =	vbroadcast v8, $0x1;
	v49 =	vbroadcast v8, $0x2  }
0xa6: {  	[tilespmem:$0x1F770] =	vst v55;
	v54 =	vimm.s32 $0x0;
	v55 =	vbroadcast v8, $0x3;
	v57 =	vsub.s32 v2, v14  }
0xa7: {  	v2 =	vbroadcast v5, $0x0;
	v51 =	vsub.s32 v3, v14;
	v53 =	vsub.s32 v49, v14  }
0xa8: {  	v3 =	vbroadcast v5, $0x2;
	v45 =	vsub.s32 v55, v14;
	v55 =	vimm.s32 $0x0  }
0xa9: {  	vm14 =	vlt.u32 v57, $0x5;
	vm10 =	vlt.u32 v51, $0x5;
	vm12 =	vlt.u32 v53, $0x5  }
0xaa: {  	[tilespmem:$0x1F850] =	vst v53;
	v53 =	vbroadcast v8, $0x6;
	vm15 =	vmand vm13, vm14;
	v42 =	vsub.s32 v2, v7  }
0xab: {  	v2 =	vbroadcast v6, $0x1;
	vm13 =	vmand vm11, vm12;
	vm7 =	vlt.u32 v42, $0x5  }
0xac: {  	[tilespmem:$0x1F7D0] =	vst v57;
	v57 =	vsub.s32 v3, v7;
	v3 =	vbroadcast v8, $0x4;
	vm8 =	vmand vm15, vm7  }
0xad: {  	v50 =	vsub.s32 v2, v15;
	v2 =	vbroadcast v5, $0x1;
	vm15 =	vlt.u32 v57, $0x5  }
0xae: {  	[tilespmem:$0x1FDA0] =	vst v9;
	v49 =	vsub.s32 v3, v14;
	v3 =	vbroadcast v5, $0x4;
	v9 =	vsel vm8, $0xFFFFFFFF, v48  }
0xaf: {  	[tilespmem:$0x1F810] =	vst v58;
	vm9 =	vlt.u32 v50, $0x5;
	vm8 =	vlt.u32 v58, $0x5;
	v58 =	vsub.s32 v52, v15  }
0xb0: {  	[tilespmem:$0x1F7C0] =	vst v56;
	vm0 =	vmand vm9, vm10;
	v56 =	vsub.s32 v2, v7;
	v2 =	vbroadcast v6, $0x4  }
0xb1: {  	[tilespmem:$0x1F840] =	vst v51;
	vm9 =	vlt.u32 v45, $0x5;
	vm10 =	vmand vm13, vm15;
	vm13 =	vlt.u32 v49, $0x5  }
0xb2: {  	[tilespmem:$0x1FDC0] =	vst v9;
	v51 =	vsub.s32 v3, v7;
	v3 =	vbroadcast v8, $0x5;
	v9 =	vsub.s32 v53, v14  }
0xb3: {  	[tilespmem:$0x1F8D0] =	vst v49;
	v49 =	vimm.s32 $0x0;
	vm14 =	vlt.u32 v56, $0x5;
	vm11 =	vmand vm8, vm9  }
0xb4: {  	vm15 =	vlt.u32 v51, $0x5;
	vm9 =	vlt.u32 v58, $0x5;
	vm0 =	vmand vm0, vm14  }
0xb5: {  	[tilespmem:$0x1F8B0] =	vst v57;
	v48 =	vsub.s32 v2, v15;
	v2 =	vbroadcast v5, $0x3;
	v57 =	vsub.s32 v3, v14  }
0xb6: {  	v3 =	vbroadcast v5, $0x6;
	v4 =	vsel vm0, $0xFFFFFFFF, v46;
	[tilespmem:$0x1F870] =	vst v48;
	vm12 =	vlt.u32 v48, $0x5  }
0xb7: {  	vm8 =	vlt.u32 v57, $0x5;
	v48 =	vimm.s32 $0x0;
	[tilespmem:$0x1FDD0] =	vst v4;
	v4 =	vsel vm10, $0xFFFFFFFF, v47  }
0xb8: {  	[tilespmem:$0x1F7E0] =	vst v50;
	vm1 =	vmand vm12, vm13;
	v50 =	vsub.s32 v2, v7;
	v2 =	vbroadcast v6, $0x5  }
0xb9: {  	[tilespmem:$0x1FD80] =	vst v10;
	vm10 =	vlt.u32 v9, $0x5;
	v46 =	vsub.s32 v3, v7;
	v3 =	vbroadcast v8, $0x7  }
0xba: {  	v47 =	vbroadcast v6, $0x8;
	[tilespmem:$0x1F8C0] =	vst v50;
	vm14 =	vlt.u32 v50, $0x5;
	vm6 =	vmand vm1, vm15  }
0xbb: {  	[tilespmem:$0x1F940] =	vst v46;
	vm13 =	vlt.u32 v46, $0x5;
	v50 =	vbroadcast v8, $0x8;
	v46 =	vimm.s32 $0x0  }
0xbc: {  	[tilespmem:$0x1F880] =	vst v56;
	vm0 =	vmand vm11, vm14;
	v56 =	vsub.s32 v2, v15;
	v2 =	vbroadcast v5, $0x5  }
0xbd: {  	[tilespmem:$0x1F900] =	vst v51;
	vm11 =	vmand vm9, vm10;
	v51 =	vsub.s32 v3, v14;
	v52 =	vsub.s32 v47, v15  }
0xbe: {  	[tilespmem:$0x1F860] =	vst v45;
	v3 =	vbroadcast v5, $0x8;
	v47 =	vimm.s32 $0x0;
	v10 =	vsel vm0, $0xFFFFFFFF, v54  }
0xbf: {  	[tilespmem:$0x1F8A0] =	vst v58;
	vm7 =	vlt.u32 v56, $0x5;
	vm14 =	vmand vm11, vm13;
	v53 =	vsub.s32 v50, v14  }
0xc0: {  	v54 =	vbroadcast v6, $0x9;
	[tilespmem:$0x1FE10] =	vst v10;
	v10 =	vsel vm6, $0xFFFFFFFF, v55;
	vm0 =	vmand vm7, vm8  }
0xc1: {  	[tilespmem:$0x1F8F0] =	vst v9;
	v45 =	vsub.s32 v2, v7;
	v2 =	vbroadcast v6, $0x7;
	v55 =	vbroadcast v8, $0x9  }
0xc2: {  	[tilespmem:$0x1F8E0] =	vst v57;
	vm6 =	vlt.u32 v51, $0x5;
	vm7 =	vlt.u32 v52, $0x5;
	vm8 =	vlt.u32 v53, $0x5  }
0xc3: {  	[tilespmem:$0x1F910] =	vst v52;
	v57 =	vsub.s32 v3, v7;
	v3 =	vbroadcast v8, $0xA;
	v52 =	vbroadcast v6, $0xC  }
0xc4: {  	[tilespmem:$0x1F960] =	vst v53;
	v53 =	vbroadcast v8, $0xC;
	vm12 =	vlt.u32 v45, $0x5;
	vm9 =	vmand vm7, vm8  }
0xc5: {  	[tilespmem:$0x1FDF0] =	vst v4;
	v58 =	vsub.s32 v54, v15;
	vm11 =	vlt.u32 v57, $0x5;
	v54 =	vimm.s32 $0x0  }
0xc6: {  	[tilespmem:$0x1FE30] =	vst v10;
	vm0 =	vmand vm0, vm12;
	v10 =	vsub.s32 v2, v15;
	v2 =	vbroadcast v5, $0x7  }
0xc7: {  	[tilespmem:$0x1F920] =	vst v58;
	vm12 =	vlt.u32 v58, $0x5;
	v9 =	vsel vm0, $0xFFFFFFFF, v48;
	vm15 =	vlt.u32 v10, $0x5  }
0xc8: {  	v58 =	vsub.s32 v52, v15;
	[tilespmem:$0x1FE40] =	vst v9;
	v9 =	vsel vm14, $0xFFFFFFFF, v49;
	vm0 =	vmand vm15, vm6  }
0xc9: {  	[tilespmem:$0x1F890] =	vst v56;
	v56 =	vsub.s32 v2, v7;
	v2 =	vbroadcast v6, $0xA;
	vm14 =	vmand vm9, vm11  }
0xca: {  	v49 =	vsub.s32 v3, v14;
	v3 =	vbroadcast v5, $0xA;
	[tilespmem:$0x1FE60] =	vst v9;
	v9 =	vsub.s32 v55, v14  }
0xcb: {  	[tilespmem:$0x1F950] =	vst v51;
	vm10 =	vlt.u32 v56, $0x5;
	vm7 =	vlt.u32 v49, $0x5;
	v55 =	vimm.s32 $0x0  }
0xcc: {  	[tilespmem:$0x1F9E0] =	vst v49;
	v49 =	vimm.s32 $0x0;
	vm13 =	vlt.u32 v9, $0x5;
	vm0 =	vmand vm0, vm10  }
0xcd: {  	[tilespmem:$0x1F9B0] =	vst v58;
	v48 =	vsub.s32 v2, v15;
	v2 =	vbroadcast v5, $0x9;
	v51 =	vsub.s32 v3, v7  }
0xce: {  	[tilespmem:$0x1F970] =	vst v9;
	v3 =	vbroadcast v8, $0xB;
	v9 =	vsub.s32 v53, v14;
	v4 =	vsel vm0, $0xFFFFFFFF, v46  }
0xcf: {  	vm15 =	vmand vm12, vm13;
	[tilespmem:$0x1F980] =	vst v48;
	vm6 =	vlt.u32 v48, $0x5;
	vm9 =	vlt.u32 v51, $0x5  }
0xd0: {  	[tilespmem:$0x1FA20] =	vst v51;
	vm13 =	vlt.u32 v58, $0x5;
	v48 =	vbroadcast v6, $0xE;
	v51 =	vbroadcast v8, $0xE  }
0xd1: {  	v58 =	vbroadcast v5, $0xE;
	[tilespmem:$0x1FE80] =	vst v4;
	v4 =	vsel vm14, $0xFFFFFFFF, v47;
	vm1 =	vmand vm6, vm7  }
0xd2: {  	[tilespmem:$0x1F9C0] =	vst v57;
	v50 =	vsub.s32 v2, v7;
	v2 =	vbroadcast v6, $0xB;
	v57 =	vsub.s32 v3, v14  }
0xd3: {  	v3 =	vbroadcast v5, $0xC;
	vm14 =	vlt.u32 v9, $0x5;
	vm8 =	vlt.u32 v50, $0x5  }
0xd4: {  	[tilespmem:$0x1F9D0] =	vst v50;
	vm10 =	vmand vm1, vm9;
	vm12 =	vlt.u32 v57, $0x5;
	v50 =	vimm.s32 $0x0  }
0xd5: {  	[tilespmem:$0x1F9F0] =	vst v57;
	v53 =	vsub.s32 v48, v15;
	v57 =	vbroadcast v5, $0xD;
	vm0 =	vmand vm15, vm8  }
0xd6: {  	[tilespmem:$0x1F990] =	vst v56;
	v56 =	vsub.s32 v2, v15;
	v2 =	vbroadcast v5, $0xB;
	vm15 =	vmand vm13, vm14  }
0xd7: {  	[tilespmem:$0x1F830] =	vst v42;
	v47 =	vsub.s32 v3, v7;
	v3 =	vbroadcast v8, $0xD;
	v5 =	vbroadcast v5, $0xF  }
0xd8: {  	[tilespmem:$0x1F930] =	vst v45;
	v42 =	vsel vm0, $0xFFFFFFFF, v54;
	vm11 =	vlt.u32 v56, $0x5;
	vm7 =	vlt.u32 v47, $0x5  }
0xd9: {  	[tilespmem:$0x1F9A0] =	vst v56;
	v54 =	vsub.s32 v51, v14;
	v56 =	vbroadcast v8, $0xF;
	v45 =	vsub.s32 v57, v7  }
0xda: {  	v51 =	vimm.s32 $0x0;
	[tilespmem:$0x1FEB0] =	vst v42;
	v42 =	vsel vm10, $0xFFFFFFFF, v55;
	vm0 =	vmand vm11, vm12  }
0xdb: {  	[tilespmem:$0x1FEA0] =	vst v4;
	v4 =	vld [tilespmem:$0xB0];
	v46 =	vsub.s32 v2, v7;
	v2 =	vbroadcast v6, $0xD;
	vm8 =	vmand vm15, vm7  }
0xdc: {  	v52 =	vsub.s32 v3, v14;
	v55 =	vbroadcast v6, $0xF;
	vm11 =	vlt.u32 v53, $0x5  }
0xdd: {  	[tilespmem:$0x1FA70] =	vst v54;
	vm12 =	vlt.u32 v54, $0x5;
	vm14 =	vlt.u32 v45, $0x5;
	v54 =	vimm.s32 $0x0  }
0xde: {  	[tilespmem:$0x1FA00] =	vst v9;
	vm6 =	vlt.u32 v46, $0x5;
	vm10 =	vlt.u32 v52, $0x5;
	vm13 =	vmand vm11, vm12  }
0xdf: {  	v3 =	vld [tilespmem:$0x70];
	[tilespmem:$0x1FA40] =	vst v46;
	v57 =	vsub.s32 v56, v14;
	vm0 =	vmand vm0, vm6;
	v46 =	vsub.s32 v2, v15  }
0xe0: {  	[tilespmem:$0x1FA60] =	vst v52;
	v52 =	vbroadcast v4, $0x0;
	v6 =	vbroadcast v4, $0x4;
	v9 =	vsel vm0, $0xFFFFFFFF, v49  }
0xe1: {  	v2 =	vld [tilespmem:$0x30];
	vm9 =	vlt.u32 v46, $0x5;
	v49 =	vsub.s32 v55, v15;
	[tilespmem:$0x1FEF0] =	vst v9;
	v9 =	vsel vm8, $0xFFFFFFFF, v50  }
0xe2: {  	[tilespmem:$0x1FA30] =	vst v53;
	vm0 =	vmand vm9, vm10;
	vm8 =	vlt.u32 v49, $0x5;
	vm9 =	vlt.u32 v57, $0x5  }
0xe3: {  	v50 =	vimm.s32 $0x0;
	v55 =	vsub.s32 v52, v7;
	[tilespmem:$0x1FF10] =	vst v9;
	v9 =	vsub.s32 v58, v7  }
0xe4: {  	[tilespmem:$0x1FA50] =	vst v47;
	v47 =	vbroadcast v3, $0x0;
	vm0 =	vmand vm0, vm14;
	vm11 =	vmand vm8, vm9  }
0xe5: {  	v58 =	vbroadcast v3, $0x1;
	[tilespmem:$0x1FA90] =	vst v9;
	vm15 =	vlt.u32 v9, $0x5;
	v9 =	vsel vm0, $0xFFFFFFFF, v50  }
0xe6: {  	[tilespmem:$0x1FA10] =	vst v46;
	v46 =	vbroadcast v2, $0x0;
	vm10 =	vmand vm13, vm15;
	v53 =	vbroadcast v2, $0x1  }
0xe7: {  	[tilespmem:$0x1FA80] =	vst v45;
	v56 =	vsub.s32 v47, v14;
	v45 =	vbroadcast v2, $0x2;
	v47 =	vbroadcast v3, $0x2  }
0xe8: {  	[tilespmem:$0x1FAD0] =	vst v55;
	vm15 =	vlt.u32 v55, $0x5;
	v55 =	vimm.s32 $0x0;
	v8 =	vbroadcast v2, $0x8  }
0xe9: {  	[tilespmem:$0x1FF20] =	vst v9;
	v9 =	vsel vm10, $0xFFFFFFFF, v51;
	vm13 =	vlt.u32 v56, $0x5;
	v50 =	vsub.s32 v46, v15  }
0xea: {  	v46 =	vsub.s32 v5, v7;
	v43 =	vsub.s32 v47, v14;
	v47 =	vbroadcast v4, $0x2  }
0xeb: {  	[tilespmem:$0x1FF40] =	vst v9;
	v48 =	vsub.s32 v53, v15;
	v9 =	vbroadcast v2, $0x6;
	v5 =	vbroadcast v4, $0x9  }
0xec: {  	vm12 =	vlt.u32 v50, $0x5;
	vm14 =	vlt.u32 v46, $0x5;
	vm7 =	vlt.u32 v48, $0x5  }
0xed: {  	[tilespmem:$0x1FED0] =	vst v42;
	vm10 =	vlt.u32 v43, $0x5;
	vm1 =	vmand vm12, vm13;
	vm0 =	vmand vm11, vm14  }
0xee: {  	[tilespmem:$0x1FB40] =	vst v43;
	v43 =	vbroadcast v3, $0x3;
	v42 =	vsel vm0, $0xFFFFFFFF, v54;
	vm6 =	vmand vm1, vm15  }
0xef: {  	v54 =	vsub.s32 v58, v14;
	v58 =	vsub.s32 v45, v15;
	v45 =	vbroadcast v4, $0x1  }
0xf0: {  	[tilespmem:$0x1FF60] =	vst v42;
	v42 =	vsel vm6, $0xFFFFFFFF, v55;
	vm8 =	vlt.u32 v54, $0x5;
	vm9 =	vlt.u32 v58, $0x5  }
0xf1: {  	[tilespmem:$0x1FB10] =	vst v58;
	v58 =	vsub.s32 v47, v7;
	v47 =	vbroadcast v3, $0x4;
	v55 =	vbroadcast v4, $0x3  }
0xf2: {  	vm0 =	vmand vm7, vm8;
	vm11 =	vmand vm9, vm10;
	v53 =	vsub.s32 v45, v7  }
0xf3: {  	[tilespmem:$0x1FF80] =	vst v42;
	v42 =	vbroadcast v2, $0x3;
	v45 =	vbroadcast v2, $0x4;
	vm6 =	vlt.u32 v58, $0x5  }
0xf4: {  	[tilespmem:$0x1FB80] =	vst v58;
	v58 =	vsub.s32 v43, v14;
	vm15 =	vlt.u32 v53, $0x5;
	v52 =	vsub.s32 v47, v14  }
0xf5: {  	v47 =	vbroadcast v2, $0x5;
	vm8 =	vlt.u32 v58, $0x5;
	vm14 =	vmand vm0, vm15  }
0xf6: {  	vm15 =	vmand vm11, vm6;
	v51 =	vsub.s32 v42, v15;
	v43 =	vsub.s32 v45, v15  }
0xf7: {  	[tilespmem:$0x1FBF0] =	vst v52;
	v45 =	vbroadcast v3, $0x5;
	vm10 =	vlt.u32 v52, $0x5;
	v52 =	vsub.s32 v55, v7  }
0xf8: {  	v42 =	vsub.s32 v6, v7;
	v6 =	vbroadcast v3, $0x9;
	vm7 =	vlt.u32 v51, $0x5  }
0xf9: {  	vm9 =	vlt.u32 v43, $0x5;
	v47 =	vsub.s32 v47, v15;
	vm13 =	vlt.u32 v52, $0x5  }
0xfa: {  	[tilespmem:$0x1FBC0] =	vst v43;
	v43 =	vbroadcast v4, $0x6;
	vm0 =	vmand vm7, vm8;
	vm11 =	vmand vm9, vm10  }
0xfb: {  	[tilespmem:$0x1FC40] =	vst v42;
	v55 =	vsub.s32 v45, v14;
	v45 =	vbroadcast v3, $0x6;
	vm8 =	vlt.u32 v42, $0x5  }
0xfc: {  	[tilespmem:$0x1FC20] =	vst v47;
	vm9 =	vlt.u32 v47, $0x5;
	v47 =	vsub.s32 v9, v15;
	v42 =	vbroadcast v4, $0x5  }
0xfd: {  	v9 =	vbroadcast v3, $0x8;
	vm10 =	vlt.u32 v55, $0x5;
	vm12 =	vmand vm0, vm13  }
0xfe: {  	vm13 =	vmand vm11, vm8;
	[tilespmem:$0x1FC90] =	vst v47;
	vm4 =	vlt.u32 v47, $0x5;
	v47 =	vsub.s32 v43, v7  }
0xff: {  	[tilespmem:$0x1FC60] =	vst v55;
	v43 =	vbroadcast v3, $0x7;
	vm11 =	vmand vm9, vm10;
	v55 =	vsub.s32 v45, v14  }
0x100: {  	v45 =	vbroadcast v2, $0x7;
	[tilespmem:$0x1FD20] =	vst v47;
	vm7 =	vlt.u32 v47, $0x5;
	v47 =	vbroadcast v4, $0x7  }
0x101: {  	[tilespmem:$0x1FCC0] =	vst v55;
	vm5 =	vlt.u32 v55, $0x5;
	v55 =	vsub.s32 v42, v7;
	v43 =	vsub.s32 v43, v14  }
0x102: {  	v42 =	vsub.s32 v8, v15;
	v8 =	vsub.s32 v9, v14;
	v9 =	vbroadcast v4, $0x8  }
0x103: {  	vm1 =	vmand vm4, vm5;
	vm6 =	vlt.u32 v55, $0x5;
	v45 =	vsub.s32 v45, v15  }
0x104: {  	[tilespmem:$0x1FD70] =	vst v42;
	vm8 =	vlt.u32 v42, $0x5;
	vm9 =	vlt.u32 v8, $0x5;
	v42 =	vsub.s32 v47, v7  }
0x105: {  	[tilespmem:$0x1FDB0] =	vst v8;
	v47 =	vbroadcast v2, $0x9;
	v8 =	vbroadcast v2, $0xB;
	vm10 =	vmand vm11, vm6  }
0x106: {  	[tilespmem:$0x1FD40] =	vst v43;
	vm11 =	vmand vm1, vm7;
	vm6 =	vlt.u32 v45, $0x5;
	vm7 =	vlt.u32 v43, $0x5  }
0x107: {  	[tilespmem:$0x1FD00] =	vst v45;
	vm1 =	vmand vm8, vm9;
	v45 =	vsub.s32 v9, v7;
	v43 =	vbroadcast v2, $0xA  }
0x108: {  	v9 =	vbroadcast v3, $0xA;
	vm0 =	vmand vm6, vm7;
	vm6 =	vlt.u32 v42, $0x5  }
0x109: {  	[tilespmem:$0x1FE00] =	vst v45;
	vm3 =	vlt.u32 v45, $0x5;
	v47 =	vsub.s32 v47, v15;
	v45 =	vsub.s32 v6, v14  }
0x10a: {  	[tilespmem:$0x1FD90] =	vst v42;
	v6 =	vbroadcast v4, $0xA;
	vm8 =	vmand vm0, vm6;
	vm9 =	vmand vm1, vm3  }
0x10b: {  	[tilespmem:$0x1FDE0] =	vst v47;
	v43 =	vsub.s32 v43, v15;
	v42 =	vsub.s32 v9, v14;
	v9 =	vbroadcast v3, $0xB  }
0x10c: {  	[tilespmem:$0x1FE20] =	vst v45;
	vm7 =	vlt.u32 v47, $0x5;
	vm6 =	vlt.u32 v45, $0x5;
	v45 =	vsub.s32 v5, v7  }
0x10d: {  	v47 =	vbroadcast v3, $0xC;
	[tilespmem:$0x1FE50] =	vst v43;
	vm2 =	vlt.u32 v43, $0x5;
	vm3 =	vlt.u32 v42, $0x5  }
0x10e: {  	[tilespmem:$0x1FE90] =	vst v42;
	vm4 =	vmand vm7, vm6;
	v42 =	vsub.s32 v6, v7;
	v43 =	vsub.s32 v8, v15  }
0x10f: {  	vm7 =	vlt.u32 v45, $0x5;
	vm5 =	vmand vm2, vm3;
	v8 =	vsub.s32 v9, v14  }
0x110: {  	[tilespmem:$0x1FE70] =	vst v45;
	v9 =	vbroadcast v2, $0xC;
	vm3 =	vlt.u32 v42, $0x5;
	vm0 =	vlt.u32 v43, $0x5  }
0x111: {  	[tilespmem:$0x1FEE0] =	vst v42;
	vm6 =	vmand vm4, vm7;
	v45 =	vsub.s32 v47, v14;
	v47 =	vbroadcast v4, $0xB  }
0x112: {  	[tilespmem:$0x1FEC0] =	vst v43;
	v42 =	vbroadcast v4, $0xC;
	vm7 =	vmand vm5, vm3;
	vm5 =	vlt.u32 v45, $0x5  }
0x113: {  	[tilespmem:$0x1FF70] =	vst v45;
	v45 =	vbroadcast v2, $0xD;
	v2 =	vbroadcast v2, $0xE;
	v43 =	vsub.s32 v9, v15  }
0x114: {  	[tilespmem:$0x1FF30] =	vst v43;
	vm4 =	vlt.u32 v43, $0x5;
	v43 =	vsub.s32 v47, v7;
	v47 =	vsub.s32 v42, v7  }
0x115: {  	v42 =	vbroadcast v3, $0xD;
	v3 =	vbroadcast v3, $0xE;
	vm2 =	vlt.u32 v43, $0x5  }
0x116: {  	[tilespmem:$0x1FF50] =	vst v43;
	v43 =	vsub.s32 v45, v15;
	v45 =	vsub.s32 v2, v15;
	v2 =	vbroadcast v4, $0xD  }
0x117: {  	vm3 =	vlt.u32 v47, $0x5;
	v6 =	vsub.s32 v42, v14  }
0x118: {  	[tilespmem:$0x1FFD0] =	vst v47;
	v47 =	vsub.s32 v3, v14;
	v14 =	vsub.s32 v2, v7;
	v2 =	vmul.u32 $0x5, v16;
	_ =	sdelay $0x1  }
0x119: {  	v2 =	vadd.s32 v13, v2  }
0x11a: {  	v2 =	vmul.u32 $0x5, v2;
	_ =	sdelay $0x1  }
0x11b: {  	v42 =	vadd.s32 v1, v2;
	v1 =	vld [tilespmem:$0x1F410]  }
0x11c: {  	v3 =	vbroadcast v4, $0xE;
	_ =	sdelay $0x1  }
0x11d: {  	v15 =	vsub.s32 v3, v7;
	v3 =	vmul.u32 $0x5, v21;
	v21 =	vmul.u32 $0x5, v26  }
0x11e: {  	vm1 =	vlt.u32 v8, $0x5  }
0x11f: {  	vm0 =	vmand vm0, vm1;
	v4 =	vadd.s32 v23, v21;
	v21 =	vmul.u32 $0x5, v1;
	v1 =	vld [tilespmem:$0x1F420]  }
0x120: {  	vm1 =	vmand vm4, vm5;
	vm4 =	vmand vm0, vm2;
	v3 =	vadd.s32 v18, v3  }
0x121: {  	vm5 =	vmand vm1, vm3;
	v26 =	vmul.u32 $0x5, v24;
	v3 =	vmul.u32 $0x5, v3  }
0x122: {  	vm3 =	vlt.u32 v43, $0x5;
	vm2 =	vlt.u32 v45, $0x5;
	vm0 =	vlt.u32 v47, $0x5  }
0x123: {  	[tilespmem:$0x1FF90] =	vst v43;
	v2 =	vmul.u32 $0x5, v29;
	v43 =	vadd.s32 v12, v3;
	v3 =	vadd.s32 v22, v26  }
0x124: {  	vm2 =	vmand vm2, vm0;
	v3 =	vmul.u32 $0x5, v3;
	v22 =	vadd.s32 v1, v21;
	v1 =	vld [tilespmem:$0x1F430]  }
0x125: {  	vm0 =	vlt.u32 v14, $0x5;
	v4 =	vmul.u32 $0x5, v4;
	v2 =	vadd.s32 v27, v2  }
0x126: {  	[tilespmem:$0x1FFE0] =	vst v14;
	v14 =	vmul.u32 $0x5, v2;
	v2 =	vadd.s32 v17, v3;
	v3 =	vmul.u32 $0x5, v38;
	_ =	sdelay $0x1  }
0x127: {  	[tilespmem:$0x1FFA0] =	vst v45;
	v45 =	vadd.s32 v19, v4;
	v3 =	vadd.s32 v36, v3  }
0x128: {  	v19 =	vmul.u32 $0x5, v40;
	v3 =	vmul.u32 $0x5, v3;
	v23 =	vmul.u32 $0x5, v1;
	v1 =	vld [tilespmem:$0x1F440];
	_ =	sdelay $0x1  }
0x129: {  	v40 =	vadd.s32 v30, v3;
	v3 =	vadd.s32 v60, v19  }
0x12a: {  	v3 =	vmul.u32 $0x5, v3;
	_ =	sdelay $0x1  }
0x12b: {  	v35 =	vadd.s32 v35, v3;
	v3 =	vmul.u32 $0x5, v1;
	v1 =	vld [tilespmem:$0x1F450];
	_ =	sdelay $0x2  }
0x12c: {  	v9 =	vmul.u32 $0x5, v34;
	vm1 =	vlt.u32 v6, $0x5  }
0x12d: {  	vm1 =	vmand vm3, vm1;
	vm3 =	vlt.u32 v15, $0x5  }
0x12e: {  	[tilespmem:$0x1FFF0] =	vst v15;
	v13 =	vadd.s32 v32, v9;
	v15 =	vmul.u32 $0x5, v33;
	v24 =	vmul.u32 $0x5, v1;
	v1 =	vld [tilespmem:$0x1F460]  }
0x12f: {  	v4 =	vmul.u32 $0x5, v13  }
0x130: {  	v17 =	vadd.s32 v31, v15  }
0x131: {  	[tilespmem:$0x1FFC0] =	vst v47;
	v16 =	vmul.u32 $0x5, v41;
	v47 =	vadd.s32 v28, v4;
	v4 =	vmul.u32 $0x5, v17;
	_ =	sdelay $0x1  }
0x132: {  	v18 =	vadd.s32 v39, v16;
	v39 =	vadd.s32 v25, v4;
	v25 =	vadd.s32 v1, v23;
	v1 =	vld [tilespmem:$0x1F470];
	_ =	sdelay $0x4  }
0x133: {  	v3 =	vadd.s32 v1, v3;
	v1 =	vld [tilespmem:$0x1F480];
	_ =	sdelay $0x4  }
0x134: {  	v26 =	vadd.s32 v1, v24;
	v1 =	vld [tilespmem:$0x1F490];
	_ =	sdelay $0x2  }
0x135: {  	v41 =	vadd.s32 v20, v14;
	v20 =	vmul.u32 $0x5, v44;
	_ =	sdelay $0x1  }
0x136: {  	v4 =	vadd.s32 v62, v20;
	v27 =	vmul.u32 $0x5, v1;
	v1 =	vld [tilespmem:$0x1F4A0]  }
0x137: {  	v5 =	vmul.u32 $0x5, v18;
	v4 =	vmul.u32 $0x5, v4;
	_ =	sdelay $0x1  }
0x138: {  	v44 =	vadd.s32 v37, v5;
	v37 =	vadd.s32 v59, v4;
	v4 =	vmul.u32 $0x5, v25;
	_ =	sdelay $0x1  }
0x139: {  	v34 =	vadd.s32 v1, v4;
	v1 =	vld [tilespmem:$0x1F4B0];
	_ =	sdelay $0x4  }
0x13a: {  	v28 =	vmul.u32 $0x5, v1;
	v1 =	vld [tilespmem:$0x1F4C0];
	_ =	sdelay $0x4  }
0x13b: {  	v29 =	vmul.u32 $0x5, v1;
	v1 =	vld [tilespmem:$0x1F4D0];
	_ =	sdelay $0x2  }
0x13c: {  	v3 =	vmul.u32 $0x5, v3;
	_ =	sdelay $0x1  }
0x13d: {  	v32 =	vadd.s32 v1, v3;
	v1 =	vld [tilespmem:$0x1F4E0];
	_ =	sdelay $0x4  }
0x13e: {  	v3 =	vadd.s32 v1, v27;
	v1 =	vld [tilespmem:$0x1F4F0];
	_ =	sdelay $0x4  }
0x13f: {  	v4 =	vadd.s32 v1, v28;
	v1 =	vld [tilespmem:$0x1F500];
	_ =	sdelay $0x4  }
0x140: {  	v59 =	vadd.s32 v1, v29;
	v1 =	vld [tilespmem:$0x1F510];
	_ =	sdelay $0x4  }
0x141: {  	v60 =	vmul.u32 $0x5, v1;
	v1 =	vld [tilespmem:$0x1F520];
	_ =	sdelay $0x2  }
0x142: {  	v3 =	vmul.u32 $0x5, v3;
	_ =	sdelay $0x1  }
0x143: {  	v31 =	vadd.s32 v1, v3;
	v1 =	vld [tilespmem:$0x1F530];
	_ =	sdelay $0x4  }
0x144: {  	v3 =	vmul.u32 $0x5, v1;
	v1 =	vld [tilespmem:$0x1F540];
	_ =	sdelay $0x4  }
0x145: {  	v62 =	vmul.u32 $0x5, v1;
	v1 =	vld [tilespmem:$0x1F550];
	_ =	sdelay $0x2  }
0x146: {  	v4 =	vmul.u32 $0x5, v4  }
0x147: {  	v5 =	vmul.u32 $0x5, v22  }
0x148: {  	v29 =	vadd.s32 v1, v4;
	v1 =	vld [tilespmem:$0x1F560]  }
0x149: {  	v38 =	vadd.s32 v63, v5;
	v5 =	vmul.u32 $0x5, v26;
	_ =	sdelay $0x1  }
0x14a: {  	v36 =	vadd.s32 v11, v5;
	v5 =	vmul.u32 $0x5, v59;
	_ =	sdelay $0x1  }
0x14b: {  	v33 =	vadd.s32 v1, v5;
	v1 =	vld [tilespmem:$0x1F570];
	_ =	sdelay $0x4  }
0x14c: {  	v63 =	vadd.s32 v1, v60;
	v1 =	vld [tilespmem:$0x1F580];
	_ =	sdelay $0x4  }
0x14d: {  	v3 =	vadd.s32 v1, v3;
	v1 =	vld [tilespmem:$0x1F590];
	_ =	sdelay $0x4  }
0x14e: {  	[tilespmem:$0x1FF00] =	vst v8;
	v8 =	vadd.s32 v1, v62;
	v1 =	vld [tilespmem:$0x1F5A0];
	_ =	sdelay $0x4  }
0x14f: {  	v9 =	vmul.u32 $0x5, v1;
	v1 =	vld [tilespmem:$0x1F5B0];
	_ =	sdelay $0x2  }
0x150: {  	v4 =	vmul.u32 $0x5, v63;
	_ =	sdelay $0x1  }
0x151: {  	v28 =	vadd.s32 v1, v4;
	v1 =	vld [tilespmem:$0x1F5C0];
	_ =	sdelay $0x4  }
0x152: {  	v11 =	vmul.u32 $0x5, v1;
	v1 =	vld [tilespmem:$0x1F5D0];
	_ =	sdelay $0x4  }
0x153: {  	v12 =	vmul.u32 $0x5, v1;
	v1 =	vld [tilespmem:$0x1F5E0];
	_ =	sdelay $0x2  }
0x154: {  	v3 =	vmul.u32 $0x5, v3;
	_ =	sdelay $0x1  }
0x155: {  	v27 =	vadd.s32 v1, v3;
	v1 =	vld [tilespmem:$0x1F5F0];
	_ =	sdelay $0x2  }
0x156: {  	v5 =	vmul.u32 $0x5, v8;
	_ =	sdelay $0x1  }
0x157: {  	v30 =	vadd.s32 v1, v5;
	v1 =	vld [tilespmem:$0x1F600];
	_ =	sdelay $0x4  }
0x158: {  	v3 =	vadd.s32 v1, v9;
	v1 =	vld [tilespmem:$0x1F610];
	_ =	sdelay $0x4  }
0x159: {  	v4 =	vadd.s32 v1, v11;
	v1 =	vld [tilespmem:$0x1F620];
	_ =	sdelay $0x4  }
0x15a: {  	v13 =	vadd.s32 v1, v12;
	v1 =	vld [tilespmem:$0x1F630];
	_ =	sdelay $0x4  }
0x15b: {  	v14 =	vmul.u32 $0x5, v1;
	v1 =	vld [tilespmem:$0x1F640];
	_ =	sdelay $0x2  }
0x15c: {  	v3 =	vmul.u32 $0x5, v3;
	_ =	sdelay $0x1  }
0x15d: {  	v23 =	vadd.s32 v1, v3;
	v1 =	vld [tilespmem:$0x1F650];
	_ =	sdelay $0x4  }
0x15e: {  	v3 =	vmul.u32 $0x5, v1;
	v1 =	vld [tilespmem:$0x1F660];
	_ =	sdelay $0x4  }
0x15f: {  	v15 =	vmul.u32 $0x5, v1;
	v1 =	vld [tilespmem:$0x1F670];
	_ =	sdelay $0x2  }
0x160: {  	v4 =	vmul.u32 $0x5, v4;
	_ =	sdelay $0x1  }
0x161: {  	v25 =	vadd.s32 v1, v4;
	v1 =	vld [tilespmem:$0x1F680];
	_ =	sdelay $0x2  }
0x162: {  	v5 =	vmul.u32 $0x5, v13;
	_ =	sdelay $0x1  }
0x163: {  	v26 =	vadd.s32 v1, v5;
	v1 =	vld [tilespmem:$0x1F690];
	_ =	sdelay $0x4  }
0x164: {  	v16 =	vadd.s32 v1, v14;
	v1 =	vld [tilespmem:$0x1F6A0];
	_ =	sdelay $0x4  }
0x165: {  	v3 =	vadd.s32 v1, v3;
	v1 =	vld [tilespmem:$0x1F6B0];
	_ =	sdelay $0x4  }
0x166: {  	v17 =	vadd.s32 v1, v15;
	v1 =	vld [tilespmem:$0x1F6C0];
	_ =	sdelay $0x4  }
0x167: {  	v18 =	vmul.u32 $0x5, v1;
	v1 =	vld [tilespmem:$0x1F6D0];
	_ =	sdelay $0x2  }
0x168: {  	v4 =	vmul.u32 $0x5, v16;
	_ =	sdelay $0x1  }
0x169: {  	v21 =	vadd.s32 v1, v4;
	v1 =	vld [tilespmem:$0x1F6E0];
	_ =	sdelay $0x4  }
0x16a: {  	v19 =	vmul.u32 $0x5, v1;
	v1 =	vld [tilespmem:$0x1F6F0];
	_ =	sdelay $0x4  }
0x16b: {  	v59 =	vmul.u32 $0x5, v1;
	v1 =	vld [tilespmem:$0x1F700];
	_ =	sdelay $0x2  }
0x16c: {  	v3 =	vmul.u32 $0x5, v3;
	_ =	sdelay $0x1  }
0x16d: {  	v22 =	vadd.s32 v1, v3;
	v1 =	vld [tilespmem:$0x1F710];
	_ =	sdelay $0x2  }
0x16e: {  	v5 =	vmul.u32 $0x5, v17;
	_ =	sdelay $0x1  }
0x16f: {  	v24 =	vadd.s32 v1, v5;
	v1 =	vld [tilespmem:$0x1F720];
	_ =	sdelay $0x4  }
0x170: {  	v3 =	vadd.s32 v1, v18;
	v1 =	vld [tilespmem:$0x1F730];
	_ =	sdelay $0x4  }
0x171: {  	v4 =	vadd.s32 v1, v19;
	v1 =	vld [tilespmem:$0x1F740];
	_ =	sdelay $0x4  }
0x172: {  	v60 =	vadd.s32 v1, v59;
	v1 =	vld [tilespmem:$0x1F750];
	_ =	sdelay $0x4  }
0x173: {  	v62 =	vmul.u32 $0x5, v1;
	v1 =	vld [tilespmem:$0x1F760];
	_ =	sdelay $0x2  }
0x174: {  	v3 =	vmul.u32 $0x5, v3;
	_ =	sdelay $0x1  }
0x175: {  	v19 =	vadd.s32 v1, v3;
	v1 =	vld [tilespmem:$0x1F770];
	_ =	sdelay $0x4  }
0x176: {  	v3 =	vmul.u32 $0x5, v1;
	v1 =	vld [tilespmem:$0x1F780];
	_ =	sdelay $0x4  }
0x177: {  	v63 =	vmul.u32 $0x5, v1;
	v1 =	vld [tilespmem:$0x1F790];
	_ =	sdelay $0x2  }
0x178: {  	v4 =	vmul.u32 $0x5, v4;
	_ =	sdelay $0x1  }
0x179: {  	v17 =	vadd.s32 v1, v4;
	v1 =	vld [tilespmem:$0x1F7A0];
	_ =	sdelay $0x2  }
0x17a: {  	v5 =	vmul.u32 $0x5, v60;
	_ =	sdelay $0x1  }
0x17b: {  	v18 =	vadd.s32 v1, v5;
	v1 =	vld [tilespmem:$0x1F7B0];
	_ =	sdelay $0x4  }
0x17c: {  	v8 =	vadd.s32 v1, v62;
	v1 =	vld [tilespmem:$0x1F7C0];
	_ =	sdelay $0x4  }
0x17d: {  	v3 =	vadd.s32 v1, v3;
	v1 =	vld [tilespmem:$0x1F7D0];
	_ =	sdelay $0x4  }
0x17e: {  	v9 =	vadd.s32 v1, v63;
	v1 =	vld [tilespmem:$0x1F7E0];
	_ =	sdelay $0x4  }
0x17f: {  	v11 =	vmul.u32 $0x5, v1;
	v1 =	vld [tilespmem:$0x1F7F0];
	_ =	sdelay $0x2  }
0x180: {  	v4 =	vmul.u32 $0x5, v8;
	_ =	sdelay $0x1  }
0x181: {  	v14 =	vadd.s32 v1, v4;
	v1 =	vld [tilespmem:$0x1F800];
	_ =	sdelay $0x4  }
0x182: {  	v13 =	vmul.u32 $0x5, v1;
	v1 =	vld [tilespmem:$0x1F810];
	_ =	sdelay $0x4  }
0x183: {  	v59 =	vmul.u32 $0x5, v1;
	v1 =	vld [tilespmem:$0x1F820];
	_ =	sdelay $0x2  }
0x184: {  	v3 =	vmul.u32 $0x5, v3;
	_ =	sdelay $0x1  }
0x185: {  	v16 =	vadd.s32 v1, v3;
	v1 =	vld [tilespmem:$0x1F830];
	_ =	sdelay $0x2  }
0x186: {  	v5 =	vmul.u32 $0x5, v9;
	_ =	sdelay $0x1  }
0x187: {  	v20 =	vadd.s32 v1, v5;
	v1 =	vld [tilespmem:$0x1F840];
	_ =	sdelay $0x4  }
0x188: {  	v3 =	vadd.s32 v1, v11;
	v1 =	vld [tilespmem:$0x1F850];
	_ =	sdelay $0x4  }
0x189: {  	v4 =	vadd.s32 v1, v13;
	v1 =	vld [tilespmem:$0x1F860];
	_ =	sdelay $0x4  }
0x18a: {  	v60 =	vadd.s32 v1, v59;
	v1 =	vld [tilespmem:$0x1F870];
	_ =	sdelay $0x4  }
0x18b: {  	v62 =	vmul.u32 $0x5, v1;
	v1 =	vld [tilespmem:$0x1F880]  }
0x18c: {  	[tilespmem:$0x100] =	vst v0  }
0x18d: {  	[tilespmem:$0x110] =	vst v0  }
0x18e: {  	[tilespmem:$0x120] =	vst v0;
	v3 =	vmul.u32 $0x5, v3  }
0x18f: {  	[tilespmem:$0x130] =	vst v0  }
0x190: {  	[tilespmem:$0x140] =	vst v0;
	v13 =	vadd.s32 v1, v3;
	v1 =	vld [tilespmem:$0x1F890]  }
0x191: {  	[tilespmem:$0x150] =	vst v0  }
0x192: {  	[tilespmem:$0x160] =	vst v0  }
0x193: {  	[tilespmem:$0x170] =	vst v0  }
0x194: {  	[tilespmem:$0x180] =	vst v0  }
0x195: {  	[tilespmem:$0x190] =	vst v0;
	v3 =	vmul.u32 $0x5, v1;
	v1 =	vld [tilespmem:$0x1F8A0]  }
0x196: {  	[tilespmem:$0x1A0] =	vst v0  }
0x197: {  	[tilespmem:$0x1B0] =	vst v0  }
0x198: {  	[tilespmem:$0x1C0] =	vst v0  }
0x199: {  	[tilespmem:$0x1D0] =	vst v0  }
0x19a: {  	[tilespmem:$0x1E0] =	vst v0;
	v63 =	vmul.u32 $0x5, v1;
	v1 =	vld [tilespmem:$0x1F8B0]  }
0x19b: {  	[tilespmem:$0x1F0] =	vst v0  }
0x19c: {  	[tilespmem:$0x200] =	vst v0  }
0x19d: {  	[tilespmem:$0x210] =	vst v0;
	v4 =	vmul.u32 $0x5, v4  }
0x19e: {  	[tilespmem:$0x220] =	vst v0  }
0x19f: {  	[tilespmem:$0x230] =	vst v0;
	v12 =	vadd.s32 v1, v4;
	v1 =	vld [tilespmem:$0x1F8C0]  }
0x1a0: {  	[tilespmem:$0x240] =	vst v0  }
0x1a1: {  	[tilespmem:$0x250] =	vst v0  }
0x1a2: {  	[tilespmem:$0x260] =	vst v0;
	v5 =	vmul.u32 $0x5, v60  }
0x1a3: {  	[tilespmem:$0x270] =	vst v0  }
0x1a4: {  	[tilespmem:$0x280] =	vst v0;
	v15 =	vadd.s32 v1, v5;
	v1 =	vld [tilespmem:$0x1F8D0]  }
0x1a5: {  	[tilespmem:$0x290] =	vst v0  }
0x1a6: {  	[tilespmem:$0x2A0] =	vst v0  }
0x1a7: {  	[tilespmem:$0x2B0] =	vst v0  }
0x1a8: {  	[tilespmem:$0x2C0] =	vst v0  }
0x1a9: {  	[tilespmem:$0x2D0] =	vst v0;
	v9 =	vadd.s32 v1, v62;
	v1 =	vld [tilespmem:$0x1F8E0]  }
0x1aa: {  	[tilespmem:$0x2E0] =	vst v0  }
0x1ab: {  	[tilespmem:$0x2F0] =	vst v0  }
0x1ac: {  	[tilespmem:$0x300] =	vst v0  }
0x1ad: {  	[tilespmem:$0x310] =	vst v0  }
0x1ae: {  	[tilespmem:$0x320] =	vst v0;
	v3 =	vadd.s32 v1, v3;
	v1 =	vld [tilespmem:$0x1F8F0]  }
0x1af: {  	[tilespmem:$0x330] =	vst v0  }
0x1b0: {  	[tilespmem:$0x340] =	vst v0  }
0x1b1: {  	[tilespmem:$0x350] =	vst v0  }
0x1b2: {  	[tilespmem:$0x360] =	vst v0  }
0x1b3: {  	[tilespmem:$0x370] =	vst v0;
	v11 =	vadd.s32 v1, v63;
	v1 =	vld [tilespmem:$0x1F900]  }
0x1b4: {  	[tilespmem:$0x380] =	vst v0  }
0x1b5: {  	[tilespmem:$0x390] =	vst v0  }
0x1b6: {  	[tilespmem:$0x3A0] =	vst v0;
	v4 =	vmul.u32 $0x5, v9  }
0x1b7: {  	[tilespmem:$0x3B0] =	vst v0  }
0x1b8: {  	[tilespmem:$0x3C0] =	vst v0;
	v59 =	vmul.u32 $0x5, v10;
	v10 =	vadd.s32 v1, v4;
	v1 =	vld [tilespmem:$0x1F910]  }
0x1b9: {  	[tilespmem:$0x3D0] =	vst v0  }
0x1ba: {  	[tilespmem:$0x3E0] =	vst v0  }
0x1bb: {  	[tilespmem:$0x3F0] =	vst v0  }
0x1bc: {  	[tilespmem:$0x400] =	vst v0  }
0x1bd: {  	[tilespmem:$0x410] =	vst v0;
	v60 =	vmul.u32 $0x5, v1;
	v1 =	vld [tilespmem:$0x1F920]  }
0x1be: {  	[tilespmem:$0x420] =	vst v0  }
0x1bf: {  	[tilespmem:$0x430] =	vst v0  }
0x1c0: {  	[tilespmem:$0x440] =	vst v0  }
0x1c1: {  	[tilespmem:$0x450] =	vst v0  }
0x1c2: {  	[tilespmem:$0x460] =	vst v0;
	v62 =	vmul.u32 $0x5, v1;
	v1 =	vld [tilespmem:$0x1F930]  }
0x1c3: {  	[tilespmem:$0x470] =	vst v0  }
0x1c4: {  	[tilespmem:$0x480] =	vst v0  }
0x1c5: {  	[tilespmem:$0x490] =	vst v0;
	v3 =	vmul.u32 $0x5, v3  }
0x1c6: {  	[tilespmem:$0x4A0] =	vst v0  }
0x1c7: {  	[tilespmem:$0x4B0] =	vst v0;
	v9 =	vadd.s32 v1, v3;
	v1 =	vld [tilespmem:$0x1F940]  }
0x1c8: {  	[tilespmem:$0x4C0] =	vst v0  }
0x1c9: {  	[tilespmem:$0x4D0] =	vst v0  }
0x1ca: {  	[tilespmem:$0x4E0] =	vst v0;
	v5 =	vmul.u32 $0x5, v11  }
0x1cb: {  	[tilespmem:$0x4F0] =	vst v0  }
0x1cc: {  	[tilespmem:$0x500] =	vst v0;
	v11 =	vadd.s32 v1, v5;
	v1 =	vld [tilespmem:$0x1F950]  }
0x1cd: {  	[tilespmem:$0x510] =	vst v0  }
0x1ce: {  	[tilespmem:$0x520] =	vst v0  }
0x1cf: {  	[tilespmem:$0x530] =	vst v0  }
0x1d0: {  	[tilespmem:$0x540] =	vst v0  }
0x1d1: {  	[tilespmem:$0x550] =	vst v0;
	v3 =	vadd.s32 v1, v59;
	v1 =	vld [tilespmem:$0x1F960]  }
0x1d2: {  	[tilespmem:$0x560] =	vst v0  }
0x1d3: {  	[tilespmem:$0x570] =	vst v0  }
0x1d4: {  	[tilespmem:$0x580] =	vst v0  }
0x1d5: {  	[tilespmem:$0x590] =	vst v0  }
0x1d6: {  	[tilespmem:$0x5A0] =	vst v0;
	v4 =	vadd.s32 v1, v60;
	v1 =	vld [tilespmem:$0x1F970]  }
0x1d7: {  	[tilespmem:$0x5B0] =	vst v0  }
0x1d8: {  	[tilespmem:$0x5C0] =	vst v0;
	v8 =	vld [tilespmem:$0x1F990]  }
0x1d9: {  	[tilespmem:$0x5D0] =	vst v0  }
0x1da: {  	[tilespmem:$0x5E0] =	vst v0;
	v60 =	vld [tilespmem:$0x1F9C0]  }
0x1db: {  	[tilespmem:$0x5F0] =	vst v0;
	v3 =	vmul.u32 $0x5, v3;
	v63 =	vadd.s32 v1, v62;
	v62 =	vld [tilespmem:$0x1F9D0]  }
0x1dc: {  	[tilespmem:$0x600] =	vst v0  }
0x1dd: {  	[tilespmem:$0x610] =	vst v0;
	v8 =	vadd.s32 v8, v3;
	v3 =	vld [tilespmem:$0x1F9A0];
	v4 =	vmul.u32 $0x5, v4  }
0x1de: {  	[tilespmem:$0x620] =	vst v0;
	v59 =	vld [tilespmem:$0x1F9B0];
	v7 =	vmul.u32 $0x5, v63  }
0x1df: {  	[tilespmem:$0x1FFB0] =	vst v6;
	v6 =	vadd.s32 v60, v4;
	v60 =	vld [tilespmem:$0x1F9F0]  }
0x1e0: {  	[tilespmem:$0x630] =	vst v0;
	v7 =	vadd.s32 v62, v7;
	v62 =	vld [tilespmem:$0x1FA00]  }
0x1e1: {  	[tilespmem:$0x640] =	vst v0  }
0x1e2: {  	[tilespmem:$0x650] =	vst v0;
	v3 =	vmul.u32 $0x5, v3  }
0x1e3: {  	[tilespmem:$0x660] =	vst v0;
	v1 =	vld [tilespmem:$0x1F980];
	v63 =	vmul.u32 $0x5, v59  }
0x1e4: {  	[tilespmem:$0x670] =	vst v0;
	v59 =	vld [tilespmem:$0x1F9E0];
	v3 =	vadd.s32 v60, v3  }
0x1e5: {  	[tilespmem:$0x680] =	vst v0;
	v4 =	vadd.s32 v62, v63;
	v63 =	vmul.u32 $0x5, v3;
	v3 =	vld [tilespmem:$0x1FA10]  }
0x1e6: {  	[tilespmem:$0x690] =	vst v0  }
0x1e7: {  	[tilespmem:$0x6A0] =	vst v0  }
0x1e8: {  	[tilespmem:$0x6B0] =	vst v0;
	v1 =	vmul.u32 $0x5, v1  }
0x1e9: {  	[tilespmem:$0x6C0] =	vst v0  }
0x1ea: {  	[tilespmem:$0x6D0] =	vst v0;
	v1 =	vadd.s32 v59, v1;
	v59 =	vmul.u32 $0x5, v3;
	v3 =	vld [tilespmem:$0x1FA20]  }
0x1eb: {  	[tilespmem:$0x6E0] =	vst v0  }
0x1ec: {  	[tilespmem:$0x6F0] =	vst v0  }
0x1ed: {  	[tilespmem:$0x700] =	vst v0;
	v1 =	vmul.u32 $0x5, v1  }
0x1ee: {  	[tilespmem:$0x710] =	vst v0  }
0x1ef: {  	[tilespmem:$0x720] =	vst v0;
	v5 =	vadd.s32 v3, v1;
	v3 =	vld [tilespmem:$0x1FA40]  }
0x1f0: {  	[tilespmem:$0x730] =	vst v0  }
0x1f1: {  	[tilespmem:$0x740] =	vst v0  }
0x1f2: {  	[tilespmem:$0x750] =	vst v0  }
0x1f3: {  	[tilespmem:$0x760] =	vst v0  }
0x1f4: {  	[tilespmem:$0x770] =	vst v0;
	v63 =	vadd.s32 v3, v63;
	v3 =	vld [tilespmem:$0x1FA50]  }
0x1f5: {  	[tilespmem:$0x780] =	vst v0  }
0x1f6: {  	[tilespmem:$0x790] =	vst v0  }
0x1f7: {  	[tilespmem:$0x7A0] =	vst v0;
	v4 =	vmul.u32 $0x5, v4  }
0x1f8: {  	[tilespmem:$0x7B0] =	vst v0  }
0x1f9: {  	[tilespmem:$0x7C0] =	vst v0;
	v4 =	vadd.s32 v3, v4;
	v3 =	vld [tilespmem:$0x1FA60]  }
0x1fa: {  	[tilespmem:$0x7D0] =	vst v0  }
0x1fb: {  	[tilespmem:$0x7E0] =	vst v0  }
0x1fc: {  	[tilespmem:$0x7F0] =	vst v0;
	v1 =	vld [tilespmem:$0x1FA30]  }
0x1fd: {  	[tilespmem:$0x800] =	vst v0  }
0x1fe: {  	[tilespmem:$0x810] =	vst v0;
	v62 =	vadd.s32 v3, v59;
	v3 =	vld [tilespmem:$0x1FA70]  }
0x1ff: {  	[tilespmem:$0x820] =	vst v0  }
0x200: {  	[tilespmem:$0x830] =	vst v0  }
0x201: {  	[tilespmem:$0x840] =	vst v0;
	v1 =	vmul.u32 $0x5, v1  }
0x202: {  	[tilespmem:$0x850] =	vst v0  }
0x203: {  	[tilespmem:$0x860] =	vst v0;
	v1 =	vadd.s32 v3, v1;
	v3 =	vld [tilespmem:$0x1FA80]  }
0x204: {  	[tilespmem:$0x870] =	vst v0;
	v49 =	vmul.u32 $0x5, v49  }
0x205: {  	[tilespmem:$0x880] =	vst v0  }
0x206: {  	[tilespmem:$0x890] =	vst v0;
	v49 =	vadd.s32 v57, v49;
	v57 =	vmul.u32 $0x5, v62  }
0x207: {  	[tilespmem:$0x8A0] =	vst v0  }
0x208: {  	[tilespmem:$0x8B0] =	vst v0;
	v57 =	vadd.s32 v3, v57;
	v3 =	vld [tilespmem:$0x1FA90]  }
0x209: {  	[tilespmem:$0x8C0] =	vst v0  }
0x20a: {  	[tilespmem:$0x8D0] =	vst v0;
	v60 =	vmul.u32 $0x5, v50;
	v59 =	vld [tilespmem:$0xC0];
	v62 =	vadd.s32 v61, v42;
	v42 =	vmul.u32 $0x5, v49  }
0x20b: {  	[tilespmem:$0x8E0] =	vst v0;
	v49 =	vadd.s32 v61, v43;
	v43 =	vld [tilespmem:$0xE0];
	v1 =	vmul.u32 $0x5, v1  }
0x20c: {  	[tilespmem:$0x8F0] =	vst v0;
	v42 =	vadd.s32 v46, v42;
	v46 =	vadd.s32 v56, v60;
	v56 =	vadd.s32 v61, v2;
	v2 =	vld [tilespmem:$0xF0]  }
0x20d: {  	v50 =	vadd.s32 v3, v1;
	v1 =	vadd.s32 v61, v45;
	v45 =	vld [tilespmem:$0xD0];
	[tilespmem:$0x1FAA0] =	vst v4  }
0x20e: {  	v4 =	vld [tilespmem:$0x1FAB0];
	_ =	sdelay $0x4  }
0x20f: {  	vm0 =	vmand vm1, vm0;
	vm1 =	vmand vm2, vm3;
	vm2 =	vnez.u8 v4;
	_ =	sdelay $0x3  }
0x210: {  	v60 =	vbroadcast v59, $0x0  }
0x211: {  	v4 =	vld [tilespmem:$0x1FAA0]  }
0x212: {  	[tilespmem:v62+s10+$0x0] =	vst.idx.msk vm2, v60;
	v62 =	vld [tilespmem:$0x1FAC0];
	_ =	sdelay $0x4  }
0x213: {  	vm2 =	vnez.u8 v62  }
0x214: {  	v62 =	vld [tilespmem:$0x1FAE0];
	_ =	sdelay $0x2  }
0x215: {  	v3 =	vadd.s32 v61, v41;
	v41 =	vmul.u32 $0x5, v46;
	v46 =	vbroadcast v59, $0x1;
	_ =	sdelay $0x1  }
0x216: {  	[tilespmem:v49+s10+$0x0] =	vst.idx.msk vm2, v46;
	vm2 =	vnez.u8 v62;
	_ =	sdelay $0x3  }
0x217: {  	v48 =	vmul.u32 $0x5, v48;
	v60 =	vbroadcast v59, $0x2;
	_ =	sdelay $0x1  }
0x218: {  	[tilespmem:v1+s10+$0x0] =	vst.idx.msk vm2, v60;
	v1 =	vadd.s32 v54, v48;
	v54 =	vld [tilespmem:$0x1FAF0];
	_ =	sdelay $0x4  }
0x219: {  	vm2 =	vnez.u8 v54  }
0x21a: {  	v62 =	vld [tilespmem:$0x1FB00];
	_ =	sdelay $0x2  }
0x21b: {  	v46 =	vbroadcast v59, $0x3;
	_ =	sdelay $0x1  }
0x21c: {  	[tilespmem:v56+s10+$0x0] =	vst.idx.msk vm2, v46;
	vm2 =	vnez.u8 v62  }
0x21d: {  	v56 =	vld [tilespmem:$0x1FB20];
	_ =	sdelay $0x2  }
0x21e: {  	v48 =	vbroadcast v59, $0x4;
	_ =	sdelay $0x1  }
0x21f: {  	v49 =	vld [tilespmem:$0x1FAD0];
	[tilespmem:v3+s10+$0x0] =	vst.idx.msk vm2, v48;
	vm2 =	vnez.u8 v56  }
0x220: {  	v47 =	vadd.s32 v61, v47;
	v62 =	vld [tilespmem:$0x1FB30];
	_ =	sdelay $0x2  }
0x221: {  	v60 =	vbroadcast v59, $0x5;
	_ =	sdelay $0x1  }
0x222: {  	v41 =	vadd.s32 v49, v41;
	v49 =	vld [tilespmem:$0x1FB10];
	v1 =	vmul.u32 $0x5, v1;
	[tilespmem:v47+s10+$0x0] =	vst.idx.msk vm2, v60;
	vm2 =	vnez.u8 v62  }
0x223: {  	v39 =	vadd.s32 v61, v39;
	v56 =	vld [tilespmem:$0x1FB50]  }
0x224: {  	v3 =	vadd.s32 v61, v35;
	v35 =	vadd.s32 v53, v1;
	v53 =	vld [tilespmem:$0x1FB40];
	_ =	sdelay $0x1  }
0x225: {  	v54 =	vbroadcast v59, $0x6  }
0x226: {  	v48 =	vmul.u32 $0x5, v49  }
0x227: {  	[tilespmem:v39+s10+$0x0] =	vst.idx.msk vm2, v54;
	vm2 =	vnez.u8 v56  }
0x228: {  	v40 =	vadd.s32 v61, v40;
	v39 =	vadd.s32 v53, v48;
	v48 =	vld [tilespmem:$0x1FB60];
	_ =	sdelay $0x2  }
0x229: {  	v60 =	vbroadcast v59, $0x7;
	_ =	sdelay $0x1  }
0x22a: {  	[tilespmem:v40+s10+$0x0] =	vst.idx.msk vm2, v60;
	vm2 =	vnez.u8 v48  }
0x22b: {  	v44 =	vadd.s32 v61, v44;
	v53 =	vld [tilespmem:$0x1FB70];
	_ =	sdelay $0x2  }
0x22c: {  	v54 =	vbroadcast v59, $0x8;
	_ =	sdelay $0x1  }
0x22d: {  	[tilespmem:v44+s10+$0x0] =	vst.idx.msk vm2, v54;
	vm2 =	vnez.u8 v53  }
0x22e: {  	v56 =	vld [tilespmem:$0x1FB90];
	_ =	sdelay $0x2  }
0x22f: {  	v62 =	vbroadcast v59, $0x9;
	_ =	sdelay $0x1  }
0x230: {  	[tilespmem:v3+s10+$0x0] =	vst.idx.msk vm2, v62;
	vm2 =	vnez.u8 v56  }
0x231: {  	v1 =	vadd.s32 v61, v37;
	v62 =	vld [tilespmem:$0x1FBA0];
	_ =	sdelay $0x2  }
0x232: {  	v49 =	vmul.u32 $0x5, v51;
	v51 =	vbroadcast v59, $0xA;
	_ =	sdelay $0x1  }
0x233: {  	[tilespmem:v1+s10+$0x0] =	vst.idx.msk vm2, v51;
	vm2 =	vnez.u8 v62  }
0x234: {  	v38 =	vadd.s32 v61, v38;
	v47 =	vld [tilespmem:$0x1FBB0];
	_ =	sdelay $0x2  }
0x235: {  	v54 =	vbroadcast v59, $0xB  }
0x236: {  	v3 =	vld [tilespmem:$0x1FB80]  }
0x237: {  	[tilespmem:v38+s10+$0x0] =	vst.idx.msk vm2, v54;
	vm2 =	vnez.u8 v47  }
0x238: {  	v34 =	vadd.s32 v61, v34;
	v51 =	vld [tilespmem:$0x1FBD0]  }
0x239: {  	v60 =	vmul.u32 $0x5, v39  }
0x23a: {  	v40 =	vadd.s32 v61, v32  }
0x23b: {  	v32 =	vadd.s32 v3, v60;
	v60 =	vbroadcast v59, $0xC;
	v1 =	vadd.s32 v58, v49  }
0x23c: {  	v1 =	vmul.u32 $0x5, v1  }
0x23d: {  	[tilespmem:v34+s10+$0x0] =	vst.idx.msk vm2, v60;
	vm2 =	vnez.u8 v51  }
0x23e: {  	v44 =	vadd.s32 v61, v29;
	v29 =	vadd.s32 v52, v1;
	v52 =	vld [tilespmem:$0x1FBE0];
	_ =	sdelay $0x2  }
0x23f: {  	v46 =	vbroadcast v59, $0xD;
	_ =	sdelay $0x1  }
0x240: {  	[tilespmem:v40+s10+$0x0] =	vst.idx.msk vm2, v46;
	vm2 =	vnez.u8 v52  }
0x241: {  	v3 =	vadd.s32 v61, v36;
	v54 =	vld [tilespmem:$0x1FC00];
	_ =	sdelay $0x2  }
0x242: {  	v49 =	vbroadcast v59, $0xE;
	_ =	sdelay $0x1  }
0x243: {  	[tilespmem:v3+s10+$0x0] =	vst.idx.msk vm2, v49;
	vm2 =	vnez.u8 v54  }
0x244: {  	v31 =	vadd.s32 v61, v31;
	v58 =	vld [tilespmem:$0x1FC10];
	_ =	sdelay $0x2  }
0x245: {  	v1 =	vbroadcast v59, $0xF;
	_ =	sdelay $0x1  }
0x246: {  	[tilespmem:v31+s10+$0x0] =	vst.idx.msk vm2, v1;
	vm2 =	vnez.u8 v58  }
0x247: {  	v62 =	vld [tilespmem:$0x1FC30];
	_ =	sdelay $0x2  }
0x248: {  	v53 =	vbroadcast v45, $0x0;
	_ =	sdelay $0x1  }
0x249: {  	[tilespmem:v44+s10+$0x0] =	vst.idx.msk vm2, v53;
	vm2 =	vnez.u8 v62  }
0x24a: {  	v33 =	vadd.s32 v61, v33;
	v40 =	vld [tilespmem:$0x1FC50];
	_ =	sdelay $0x2  }
0x24b: {  	v56 =	vbroadcast v45, $0x1;
	_ =	sdelay $0x1  }
0x24c: {  	[tilespmem:v33+s10+$0x0] =	vst.idx.msk vm2, v56;
	vm2 =	vnez.u8 v40  }
0x24d: {  	v28 =	vadd.s32 v61, v28;
	v47 =	vld [tilespmem:$0x1FC70];
	_ =	sdelay $0x2  }
0x24e: {  	v60 =	vbroadcast v45, $0x2;
	_ =	sdelay $0x1  }
0x24f: {  	[tilespmem:v28+s10+$0x0] =	vst.idx.msk vm2, v60;
	vm2 =	vnez.u8 v47  }
0x250: {  	v27 =	vadd.s32 v61, v27;
	v51 =	vld [tilespmem:$0x1FC80];
	_ =	sdelay $0x2  }
0x251: {  	v39 =	vbroadcast v45, $0x3;
	_ =	sdelay $0x1  }
0x252: {  	[tilespmem:v27+s10+$0x0] =	vst.idx.msk vm2, v39;
	vm2 =	vnez.u8 v51  }
0x253: {  	v54 =	vld [tilespmem:$0x1FCA0];
	v1 =	vadd.s32 v61, v30;
	_ =	sdelay $0x2  }
0x254: {  	v46 =	vbroadcast v45, $0x4;
	_ =	sdelay $0x1  }
0x255: {  	[tilespmem:v1+s10+$0x0] =	vst.idx.msk vm2, v46;
	vm2 =	vnez.u8 v54  }
0x256: {  	v23 =	vadd.s32 v61, v23;
	v58 =	vld [tilespmem:$0x1FCB0];
	_ =	sdelay $0x2  }
0x257: {  	v49 =	vbroadcast v45, $0x5;
	_ =	sdelay $0x1  }
0x258: {  	[tilespmem:v23+s10+$0x0] =	vst.idx.msk vm2, v49;
	vm2 =	vnez.u8 v58  }
0x259: {  	v25 =	vadd.s32 v61, v25;
	v62 =	vld [tilespmem:$0x1FCD0];
	_ =	sdelay $0x1  }
0x25a: {  	v48 =	vld [tilespmem:$0x1FBC0]  }
0x25b: {  	v53 =	vbroadcast v45, $0x6  }
0x25c: {  	v3 =	vld [tilespmem:$0x1FBF0]  }
0x25d: {  	[tilespmem:v25+s10+$0x0] =	vst.idx.msk vm2, v53;
	vm2 =	vnez.u8 v62  }
0x25e: {  	v26 =	vadd.s32 v61, v26;
	v33 =	vld [tilespmem:$0x1FCE0]  }
0x25f: {  	v38 =	vld [tilespmem:$0x1FC40];
	v34 =	vmul.u32 $0x5, v48;
	_ =	sdelay $0x1  }
0x260: {  	v3 =	vadd.s32 v3, v34;
	v56 =	vbroadcast v45, $0x7  }
0x261: {  	v3 =	vmul.u32 $0x5, v3  }
0x262: {  	v59 =	vld [tilespmem:$0x1FC20];
	[tilespmem:v26+s10+$0x0] =	vst.idx.msk vm2, v56;
	vm2 =	vnez.u8 v33  }
0x263: {  	v21 =	vadd.s32 v61, v21;
	v3 =	vadd.s32 v38, v3;
	v38 =	vld [tilespmem:$0x1FCF0]  }
0x264: {  	v44 =	vld [tilespmem:$0x1FC60];
	_ =	sdelay $0x1  }
0x265: {  	v60 =	vbroadcast v45, $0x8  }
0x266: {  	v31 =	vmul.u32 $0x5, v59  }
0x267: {  	[tilespmem:v21+s10+$0x0] =	vst.idx.msk vm2, v60;
	vm2 =	vnez.u8 v38  }
0x268: {  	v28 =	vadd.s32 v44, v31;
	v44 =	vld [tilespmem:$0x1FD10];
	v1 =	vadd.s32 v61, v22;
	_ =	sdelay $0x2  }
0x269: {  	v31 =	vbroadcast v45, $0x9  }
0x26a: {  	v48 =	vmul.u32 $0x5, v28  }
0x26b: {  	[tilespmem:v1+s10+$0x0] =	vst.idx.msk vm2, v31;
	vm2 =	vnez.u8 v44  }
0x26c: {  	v24 =	vadd.s32 v61, v24;
	v23 =	vadd.s32 v55, v48;
	v48 =	vld [tilespmem:$0x1FD30]  }
0x26d: {  	v52 =	vld [tilespmem:$0x1FC90];
	_ =	sdelay $0x1  }
0x26e: {  	v36 =	vbroadcast v45, $0xA;
	_ =	sdelay $0x1  }
0x26f: {  	[tilespmem:v24+s10+$0x0] =	vst.idx.msk vm2, v36;
	vm2 =	vnez.u8 v48  }
0x270: {  	v19 =	vadd.s32 v61, v19;
	v22 =	vmul.u32 $0x5, v52;
	v52 =	vld [tilespmem:$0x1FD50];
	_ =	sdelay $0x2  }
0x271: {  	v37 =	vbroadcast v45, $0xB;
	_ =	sdelay $0x1  }
0x272: {  	[tilespmem:v19+s10+$0x0] =	vst.idx.msk vm2, v37;
	vm2 =	vnez.u8 v52  }
0x273: {  	v17 =	vadd.s32 v61, v17;
	v54 =	vld [tilespmem:$0x1FD60];
	_ =	sdelay $0x2  }
0x274: {  	v40 =	vbroadcast v45, $0xC;
	_ =	sdelay $0x1  }
0x275: {  	[tilespmem:v17+s10+$0x0] =	vst.idx.msk vm2, v40;
	vm2 =	vnez.u8 v54  }
0x276: {  	v18 =	vadd.s32 v61, v18;
	v58 =	vld [tilespmem:$0x1FD80];
	_ =	sdelay $0x2  }
0x277: {  	v47 =	vbroadcast v45, $0xD;
	_ =	sdelay $0x1  }
0x278: {  	[tilespmem:v18+s10+$0x0] =	vst.idx.msk vm2, v47;
	vm2 =	vnez.u8 v58  }
0x279: {  	v60 =	vld [tilespmem:$0x1FDA0];
	v1 =	vadd.s32 v61, v14;
	_ =	sdelay $0x2  }
0x27a: {  	v51 =	vbroadcast v45, $0xE;
	_ =	sdelay $0x1  }
0x27b: {  	[tilespmem:v1+s10+$0x0] =	vst.idx.msk vm2, v51;
	vm2 =	vnez.u8 v60  }
0x27c: {  	v16 =	vadd.s32 v61, v16;
	v24 =	vld [tilespmem:$0x1FDC0];
	_ =	sdelay $0x2  }
0x27d: {  	v53 =	vbroadcast v45, $0xF;
	_ =	sdelay $0x1  }
0x27e: {  	[tilespmem:v16+s10+$0x0] =	vst.idx.msk vm2, v53;
	vm2 =	vnez.u8 v24  }
0x27f: {  	v20 =	vadd.s32 v61, v20;
	v26 =	vld [tilespmem:$0x1FDD0];
	_ =	sdelay $0x2  }
0x280: {  	v55 =	vbroadcast v43, $0x0  }
0x281: {  	v59 =	vld [tilespmem:$0x1FCC0]  }
0x282: {  	[tilespmem:v20+s10+$0x0] =	vst.idx.msk vm2, v55;
	vm2 =	vnez.u8 v26  }
0x283: {  	v13 =	vadd.s32 v61, v13;
	v30 =	vld [tilespmem:$0x1FDF0]  }
0x284: {  	v46 =	vld [tilespmem:$0x1FD20]  }
0x285: {  	v56 =	vld [tilespmem:$0x1FD70]  }
0x286: {  	v22 =	vadd.s32 v59, v22;
	v59 =	vbroadcast v43, $0x1  }
0x287: {  	v34 =	vmul.u32 $0x5, v22;
	v62 =	vld [tilespmem:$0x1FDB0]  }
0x288: {  	[tilespmem:v13+s10+$0x0] =	vst.idx.msk vm2, v59;
	vm2 =	vnez.u8 v30  }
0x289: {  	v12 =	vadd.s32 v61, v12;
	v21 =	vadd.s32 v46, v34;
	v34 =	vld [tilespmem:$0x1FE10]  }
0x28a: {  	v22 =	vmul.u32 $0x5, v56;
	_ =	sdelay $0x1  }
0x28b: {  	v16 =	vadd.s32 v62, v22;
	v22 =	vbroadcast v43, $0x2;
	_ =	sdelay $0x1  }
0x28c: {  	[tilespmem:v12+s10+$0x0] =	vst.idx.msk vm2, v22;
	vm2 =	vnez.u8 v34  }
0x28d: {  	v15 =	vadd.s32 v61, v15;
	v38 =	vld [tilespmem:$0x1FE30];
	_ =	sdelay $0x2  }
0x28e: {  	v25 =	vbroadcast v43, $0x3;
	_ =	sdelay $0x1  }
0x28f: {  	[tilespmem:v15+s10+$0x0] =	vst.idx.msk vm2, v25;
	vm2 =	vnez.u8 v38  }
0x290: {  	v10 =	vadd.s32 v61, v10;
	v44 =	vld [tilespmem:$0x1FE40];
	_ =	sdelay $0x2  }
0x291: {  	v27 =	vbroadcast v43, $0x4;
	_ =	sdelay $0x1  }
0x292: {  	[tilespmem:v10+s10+$0x0] =	vst.idx.msk vm2, v27;
	vm2 =	vnez.u8 v44  }
0x293: {  	v9 =	vadd.s32 v61, v9;
	v47 =	vld [tilespmem:$0x1FE60];
	_ =	sdelay $0x2  }
0x294: {  	v33 =	vbroadcast v43, $0x5;
	_ =	sdelay $0x1  }
0x295: {  	[tilespmem:v9+s10+$0x0] =	vst.idx.msk vm2, v33;
	vm2 =	vnez.u8 v47  }
0x296: {  	v11 =	vadd.s32 v61, v11;
	v52 =	vld [tilespmem:$0x1FE80];
	_ =	sdelay $0x2  }
0x297: {  	v37 =	vbroadcast v43, $0x6  }
0x298: {  	v39 =	vld [tilespmem:$0x1FD00]  }
0x299: {  	[tilespmem:v11+s10+$0x0] =	vst.idx.msk vm2, v37;
	vm2 =	vnez.u8 v52  }
0x29a: {  	v8 =	vadd.s32 v61, v8;
	v55 =	vld [tilespmem:$0x1FEA0];
	_ =	sdelay $0x2  }
0x29b: {  	v14 =	vmul.u32 $0x5, v39;
	v39 =	vbroadcast v43, $0x7;
	_ =	sdelay $0x1  }
0x29c: {  	[tilespmem:v8+s10+$0x0] =	vst.idx.msk vm2, v39;
	vm2 =	vnez.u8 v55  }
0x29d: {  	v6 =	vadd.s32 v61, v6;
	v58 =	vld [tilespmem:$0x1FEB0];
	_ =	sdelay $0x2  }
0x29e: {  	v45 =	vbroadcast v43, $0x8  }
0x29f: {  	v49 =	vld [tilespmem:$0x1FD40]  }
0x2a0: {  	[tilespmem:v6+s10+$0x0] =	vst.idx.msk vm2, v45;
	vm2 =	vnez.u8 v58  }
0x2a1: {  	v7 =	vadd.s32 v61, v7;
	v51 =	vadd.s32 v61, v63;
	v63 =	vld [tilespmem:$0x1FED0];
	_ =	sdelay $0x2  }
0x2a2: {  	v14 =	vadd.s32 v49, v14;
	v49 =	vbroadcast v43, $0x9;
	_ =	sdelay $0x1  }
0x2a3: {  	v28 =	vld [tilespmem:$0x1FDE0];
	[tilespmem:v7+s10+$0x0] =	vst.idx.msk vm2, v49;
	vm2 =	vnez.u8 v63  }
0x2a4: {  	v5 =	vadd.s32 v61, v5;
	v24 =	vld [tilespmem:$0x1FEF0]  }
0x2a5: {  	v1 =	vld [tilespmem:$0x1FD90];
	_ =	sdelay $0x1  }
0x2a6: {  	v54 =	vbroadcast v43, $0xA  }
0x2a7: {  	v14 =	vmul.u32 $0x5, v14  }
0x2a8: {  	[tilespmem:v5+s10+$0x0] =	vst.idx.msk vm2, v54;
	vm2 =	vnez.u8 v24  }
0x2a9: {  	v1 =	vadd.s32 v1, v14;
	v14 =	vmul.u32 $0x5, v28;
	v28 =	vld [tilespmem:$0x1FF10];
	_ =	sdelay $0x2  }
0x2aa: {  	v56 =	vbroadcast v43, $0xB;
	_ =	sdelay $0x1  }
0x2ab: {  	[tilespmem:v51+s10+$0x0] =	vst.idx.msk vm2, v56;
	vm2 =	vnez.u8 v28  }
0x2ac: {  	v4 =	vadd.s32 v61, v4;
	v33 =	vld [tilespmem:$0x1FF20];
	_ =	sdelay $0x2  }
0x2ad: {  	v59 =	vbroadcast v43, $0xC;
	_ =	sdelay $0x1  }
0x2ae: {  	[tilespmem:v4+s10+$0x0] =	vst.idx.msk vm2, v59;
	vm2 =	vnez.u8 v33  }
0x2af: {  	v57 =	vadd.s32 v61, v57;
	v37 =	vld [tilespmem:$0x1FF40];
	_ =	sdelay $0x2  }
0x2b0: {  	v20 =	vbroadcast v43, $0xD;
	_ =	sdelay $0x1  }
0x2b1: {  	[tilespmem:v57+s10+$0x0] =	vst.idx.msk vm2, v20;
	vm2 =	vnez.u8 v37  }
0x2b2: {  	v60 =	vadd.s32 v61, v50;
	v27 =	vadd.s32 v61, v41;
	v41 =	vld [tilespmem:$0x1FF60]  }
0x2b3: {  	v46 =	vld [tilespmem:$0x1FE50]  }
0x2b4: {  	v31 =	vld [tilespmem:$0x1FE00]  }
0x2b5: {  	v36 =	vld [tilespmem:$0x1FE20];
	v26 =	vbroadcast v43, $0xE  }
0x2b6: {  	v48 =	vld [tilespmem:$0x1FE70]  }
0x2b7: {  	v50 =	vld [tilespmem:$0x1FFA0];
	[tilespmem:v60+s10+$0x0] =	vst.idx.msk vm2, v26;
	vm2 =	vnez.u8 v41  }
0x2b8: {  	v22 =	vadd.s32 v61, v42;
	v44 =	vld [tilespmem:$0x1FF80]  }
0x2b9: {  	v53 =	vld [tilespmem:$0x1FE90]  }
0x2ba: {  	v62 =	vld [tilespmem:$0x1FEC0]  }
0x2bb: {  	v3 =	vadd.s32 v61, v3;
	v14 =	vadd.s32 v36, v14;
	v36 =	vld [tilespmem:$0x1FF30];
	v30 =	vbroadcast v43, $0xF  }
0x2bc: {  	v17 =	vmul.u32 $0x5, v50;
	v1 =	vadd.s32 v61, v1;
	v16 =	vmul.u32 $0x5, v16;
	v25 =	vld [tilespmem:$0x1FF00]  }
0x2bd: {  	v19 =	vld [tilespmem:$0x1FEE0];
	v40 =	vmul.u32 $0x5, v14;
	v14 =	vmul.u32 $0x5, v46;
	[tilespmem:v22+s10+$0x0] =	vst.idx.msk vm2, v30;
	vm2 =	vnez.u8 v44  }
0x2be: {  	v46 =	vadd.s32 v61, v23;
	v43 =	vbroadcast v2, $0x2;
	v12 =	vadd.s32 v31, v16;
	v42 =	vld [tilespmem:$0x1FF70]  }
0x2bf: {  	v31 =	vadd.s32 v61, v35;
	v38 =	vld [tilespmem:$0x1FF50];
	v8 =	vadd.s32 v53, v14;
	v14 =	vmul.u32 $0x5, v62  }
0x2c0: {  	v34 =	vbroadcast v2, $0x0;
	v35 =	vadd.s32 v61, v32;
	v16 =	vmul.u32 $0x5, v36;
	v47 =	vld [tilespmem:$0x1FF90]  }
0x2c1: {  	v11 =	vadd.s32 v48, v40;
	v40 =	vadd.s32 v61, v29;
	v53 =	vld [tilespmem:$0x1FFC0];
	v6 =	vadd.s32 v25, v14  }
0x2c2: {  	v12 =	vadd.s32 v61, v12;
	v39 =	vbroadcast v2, $0x1;
	v6 =	vmul.u32 $0x5, v6;
	v51 =	vld [tilespmem:$0x1FFB0]  }
0x2c3: {  	v48 =	vbroadcast v2, $0x4;
	v55 =	vadd.s32 v61, v11;
	v8 =	vmul.u32 $0x5, v8;
	[tilespmem:v27+s10+$0x0] =	vst.idx.msk vm2, v34  }
0x2c4: {  	v45 =	vbroadcast v2, $0x3;
	v6 =	vadd.s32 v38, v6;
	v49 =	vadd.s32 v61, v21;
	v57 =	vld [tilespmem:$0x1FFD0];
	[tilespmem:v31+s10+$0x0] =	vst.idx.msk vm14, v39  }
0x2c5: {  	v58 =	vld [tilespmem:$0x1FFE0];
	v6 =	vadd.s32 v61, v6;
	v4 =	vadd.s32 v42, v16;
	v16 =	vmul.u32 $0x5, v47;
	[tilespmem:v35+s10+$0x0] =	vst.idx.msk vm15, v43  }
0x2c6: {  	v52 =	vbroadcast v2, $0x5;
	v5 =	vadd.s32 v19, v8;
	v8 =	vadd.s32 v53, v17;
	v60 =	vld [tilespmem:$0x1FFF0];
	[tilespmem:v40+s10+$0x0] =	vst.idx.msk vm12, v45  }
0x2c7: {  	v54 =	vbroadcast v2, $0x6;
	v4 =	vmul.u32 $0x5, v4;
	v9 =	vadd.s32 v51, v16;
	[tilespmem:v3+s10+$0x0] =	vst.idx.msk vm13, v48  }
0x2c8: {  	v5 =	vadd.s32 v61, v5;
	v9 =	vmul.u32 $0x5, v9;
	v3 =	vbroadcast v2, $0x7;
	[tilespmem:v46+s10+$0x0] =	vst.idx.msk vm10, v52  }
0x2c9: {  	v8 =	vmul.u32 $0x5, v8;
	v56 =	vbroadcast v2, $0x8;
	v4 =	vadd.s32 v57, v4;
	[tilespmem:v49+s10+$0x0] =	vst.idx.msk vm11, v54  }
0x2ca: {  	[tilespmem:v1+s10+$0x0] =	vst.idx.msk vm8, v3;
	v1 =	vbroadcast v2, $0x9;
	v3 =	vadd.s32 v61, v4;
	v4 =	vadd.s32 v58, v9  }
0x2cb: {  	v59 =	vbroadcast v2, $0xA;
	v8 =	vadd.s32 v60, v8;
	[tilespmem:v12+s10+$0x0] =	vst.idx.msk vm9, v56;
	v4 =	vadd.s32 v61, v4  }
0x2cc: {  	v62 =	vadd.s32 v61, v8;
	[tilespmem:v55+s10+$0x0] =	vst.idx.msk vm6, v1;
	v1 =	vbroadcast v2, $0xB  }
0x2cd: {  	v63 =	vbroadcast v2, $0xC;
	[tilespmem:v5+s10+$0x0] =	vst.idx.msk vm7, v59  }
0x2ce: {  	[tilespmem:v6+s10+$0x0] =	vst.idx.msk vm4, v1;
	v1 =	vbroadcast v2, $0xD  }
0x2cf: {  	v2 =	vbroadcast v2, $0xE;
	[tilespmem:v3+s10+$0x0] =	vst.idx.msk vm5, v63  }
0x2d0: {  	p0 =	sne.s32 s6, $0x1;
	[tilespmem:v4+s10+$0x0] =	vst.idx.msk vm0, v1  }
.Ltmp0:
0x2d1: {  	[tilespmem:v62+s10+$0x0] =	vst.idx.msk vm1, v2;
	(pc) =	sbr.rel @p0 .LBB2_1-.Ltmp0, $4  }
0x2d2: {  	[hbm4b:s5+s2] =	stream.linear.scatter [tilespmem:s10], [sflag:$0x1], $0x800, $0x38;
	[tilespmem:$0x900] =	vst v63  }
0x2d3: {  	_ =	swait.ge [sflag:s9], $0x800  }
0x2d4: {  	[sflag:s9] =	ssyncset.done $0x0  }
0x2d5: {  	s6 =	sadd.s32 $0xFFFFFFFF, s6;
	[sflag:s9] =	ssyncadd.s32 $0xFFFFF800  }
0x2d6: {  	_ =	sfence.sel $0x180000  }
0x2d7: {  	[bflag:$0x0] =	sbarrier.arrive $0xFFFF  }
0x2d8: {  	p0 =	sne.s32 s1, $0x0;
	_ =	strace $0x90000047  }
0x2d9: {  	s0 =	sadd.s32 @!p0 $0x100000, s0;
	[bflag:$0x2] =	sbarrier.arrive $0xFFFF  }
0x2da: {  	[sflag:s0] =	ssyncadd.tile.s32 @!p0 $0x1;
	_ =	shalt  }
.Lfunc_end2:
_tile_overlayer_lowered:
.L_overlay_start_2:
0x2db: {  	(tag) =	ssettag $0x2  }
0x2dc: {  	s0 =	rddreg [dreg:$0x0];
	s2 =	stileid.u32  }
0x2dd: {  	s1 =	rddreg [dreg:$0x1];
	p0 =	sne.s32 s2, $0x0  }
0x2de: {  	s3 =	rddreg [dreg:$0x2];
	[bflag:$0x3] =	sbarrier.arrive $0xFFFF;
	s2 =	simm.s32 @!p0 $0x1C01  }
0x2df: {  	[timem:s3], [sflag:s2] =	dma.local @!p0 [hbm:s0], s1  }
0x2e0: {  	s0 =	simm.s32 @!p0 $0x1  }
0x2e1: {  	_ =	swait.ge @!p0 [sflag:s0], s1  }
0x2e2: {  	s1 =	ssub.s32 @!p0 $0x0, s1;
	[sflag:s0] =	ssyncset.done @!p0 $0x0  }
0x2e3: {  	[sflag:s0] =	ssyncadd.s32 @!p0 s1  }
0x2e4: {  	[bflag:$0x3] =	sbarrier.arrive $0xFFFF  }
0x2e5: {  	_ =	shalt  }

</sc_bundles>
